<compile_context>
chip_gen: v7x
topology: tpu7x:2x2x1
jax: 0.10.2.dev20260603
libtpu: 0.0.44.dev20260713+nightly
codegen_flags: <defaults>
</compile_context>

<pallas_src>
import functools

import jax
import jax.numpy as jnp
from jax import lax
from jax.experimental import pallas as pl
from jax.experimental.pallas import tpu as pltpu
from jax.experimental.pallas import tpu_sc as plsc

_N_FIELDS = 26
_EMBED_DIM = 64
_N_PAIRS = (_N_FIELDS * (_N_FIELDS - 1)) // 2
_LANES = 16


def _first_order_sc(sf_t, w_flat):
    B = sf_t.shape[1]
    info = plsc.get_sparse_core_info()
    nw = info.num_cores * info.num_subcores
    bpw = B // nw
    mesh = plsc.VectorSubcoreMesh(core_axis_name="c", subcore_axis_name="s")

    @functools.partial(
        pl.kernel,
        mesh=mesh,
        out_type=jax.ShapeDtypeStruct((B,), jnp.float32),
        scratch_types=[
            pltpu.VMEM((_N_FIELDS, bpw), jnp.int32),
            pltpu.VMEM((_N_FIELDS, bpw), jnp.float32),
            pltpu.VMEM((bpw,), jnp.float32),
            pltpu.SemaphoreType.DMA,
        ],
    )
    def fo(sf_hbm, w_hbm, out_hbm, idx_v, vals_v, acc_v, sem):
        wid = lax.axis_index("s") * info.num_cores + lax.axis_index("c")
        base = wid * bpw
        pltpu.sync_copy(sf_hbm.at[:, pl.ds(base, bpw)], idx_v)
        cops = [
            pltpu.async_copy(w_hbm.at[idx_v.at[f]], vals_v.at[f], sem)
            for f in range(_N_FIELDS)
        ]
        for c in cops:
            c.wait()
        for c in range(bpw // _LANES):
            s = pl.ds(c * _LANES, _LANES)
            acc = vals_v[0, s]
            for f in range(1, _N_FIELDS):
                acc = acc + vals_v[f, s]
            acc_v[s] = acc
        pltpu.sync_copy(acc_v, out_hbm.at[pl.ds(base, bpw)])

    return fo(sf_t, w_flat)


_PAIRS = [
    (i, j) for i in range(_N_FIELDS) for j in range(i + 1, _N_FIELDS)
]


def _second_order_body2d(in_ref, out_ref):
    d = _EMBED_DIM
    fields = [in_ref[:, i * d : (i + 1) * d] for i in range(_N_FIELDS)]
    for p, (i, j) in enumerate(_PAIRS):
        out_ref[:, p * d : (p + 1) * d] = fields[i] * fields[j]


def _second_order_tc2d(embed_stack, tb):
    B = embed_stack.shape[0]
    in2 = embed_stack.reshape(B, _N_FIELDS * _EMBED_DIM)
    out2 = pl.pallas_call(
        _second_order_body2d,
        grid=(B // tb,),
        in_specs=[pl.BlockSpec((tb, _N_FIELDS * _EMBED_DIM), lambda b: (b, 0))],
        out_specs=pl.BlockSpec((tb, _N_PAIRS * _EMBED_DIM), lambda b: (b, 0)),
        out_shape=jax.ShapeDtypeStruct((B, _N_PAIRS * _EMBED_DIM), jnp.float32),
        compiler_params=pltpu.CompilerParams(
            dimension_semantics=("parallel",)
        ),
    )(in2)
    return out2.reshape(B, _N_PAIRS, _EMBED_DIM)


@jax.jit
def kernel(embed_stack, sparse_feat, w):
    B = embed_stack.shape[0]
    sf_t = sparse_feat.T
    w_flat = w.reshape(-1)
    first = _first_order_sc(sf_t, w_flat).reshape(B, 1)
    second = _second_order_tc2d(embed_stack, 128)
    return (first, second)

# --- scband reference (transcript-rebuilt; emitter-appended) ---
"""Pipeline reference for scband-fm-88201448391483 (READ-ONLY COPY).

The authoritative reference and input builder live on the scoring server;
editing this copy changes nothing except your own understanding.
"""

import jax, jax.numpy as jnp
import numpy as np

FEAT_LEN = 100000
N_FIELDS = 26
EMBED_DIM = 64
BATCH = 4096


def setup_inputs(seed: int = 0) -> dict:
    key = jax.random.key(seed)
    k1, k2, k3 = jax.random.split(key, 3)
    # embed_stack stands in for the python list `embed_list` of N_FIELDS tensors [B, D],
    # stacked along axis=1 -> [B, N_FIELDS, D]
    embed_stack = jax.random.normal(k1, (BATCH, N_FIELDS, EMBED_DIM), dtype=jnp.float32)
    sparse_feat = jax.random.randint(k2, (BATCH, N_FIELDS), 0, FEAT_LEN, dtype=jnp.int32)
    # learned first-order weight table, shape (feat_len, 1)
    w = jax.random.normal(k3, (FEAT_LEN, 1), dtype=jnp.float32) * 0.05
    return {"embed_stack": embed_stack, "sparse_feat": sparse_feat, "w": w}


def reference(embed_stack, sparse_feat, w):
    # first order: tf.nn.embedding_lookup(w, sparse_feat) -> [B, N_FIELDS, 1]; sum over fields -> [B, 1]
    first_order = jnp.sum(jnp.take(w, sparse_feat, axis=0), axis=1)
    # second order: pairwise elementwise products embed_list[i] * embed_list[j] for i < j,
    # in row-major (i, j) order matching the original nested python loop,
    # then stacked to [B, n_pairs, D] (the tf.transpose([1,0,2]) of [n_pairs, B, D])
    i_idx, j_idx = jnp.triu_indices(N_FIELDS, k=1)
    second_order = embed_stack[:, i_idx, :] * embed_stack[:, j_idx, :]
    return (first_order, second_order)

if __name__ == "__main__":
    import jax
    _d = setup_inputs()
    print(jax.jit(kernel)(*tuple(_d.values())))

</pallas_src>

<mosaic_0001>
#map = affine_map<(d0, d1) -> (0, 0)>
#map1 = affine_map<(d0, d1) -> (0)>
module attributes {stable_mosaic.version = 14 : i64} {
  func.func @fo(%arg0: i32, %arg1: i32, %arg2: memref<26x4096xi32, #tpu.memory_space<hbm>>, %arg3: memref<100000xf32, #tpu.memory_space<hbm>>, %arg4: memref<4096xf32, #tpu.memory_space<hbm>>, %arg5: memref<26x128xi32, #tpu.memory_space<vmem>>, %arg6: memref<26x128xf32, #tpu.memory_space<vmem>>, %arg7: memref<128xf32, #tpu.memory_space<vmem>>, %arg8: memref<!tpu.dma_semaphore, #tpu.memory_space<semaphore_mem>>) attributes {dimension_semantics = [#tpu.dimension_semantics<core_parallel>, #tpu.dimension_semantics<subcore_parallel>], iteration_bounds = array<i64: 2, 16>, scalar_prefetch = 0 : i64, scratch_operands = 4 : i64, tpu.core_type = #tpu.core_type<sc_vector_subcore>, window_params = [{transform_indices = #map}, {transform_indices = #map1}, {transform_indices = #map1}]} {
    %mul3A = arith.constant 2 : i32
    %mul3A_0 = arith.muli %arg1, %mul3A : i32
    %add3A = arith.addi %mul3A_0, %arg0 : i32
    %mul3A_1 = arith.constant 128 : i32
    %mul3A_2 = arith.muli %add3A, %mul3A_1 : i32
    "tpu.region"() ({
      %run_scoped3A = tpu.sem_alloc : memref<!tpu.dma_semaphore, #tpu.memory_space<semaphore_mem>>
      %dma_start3A_1791 = arith.constant 0 : i32
      %dma_start3A_1792 = tpu.memref_slice %arg2[%dma_start3A_1791, %mul3A_2] : memref<26x4096xi32, #tpu.memory_space<hbm>> -> memref<26x128xi32, #tpu.memory_space<hbm>>
      %dma_start3A_1793 = arith.constant 0 : i32
      %dma_start3A_1794 = tpu.memref_slice %arg2[%dma_start3A_1793, %mul3A_2] : memref<26x4096xi32, #tpu.memory_space<hbm>> -> memref<26x128xi32, #tpu.memory_space<hbm>>
      tpu.enqueue_dma source(%dma_start3A_1794 : memref<26x128xi32, #tpu.memory_space<hbm>>) target(%arg5 : memref<26x128xi32, #tpu.memory_space<vmem>>) target_semaphore(%run_scoped3A : memref<!tpu.dma_semaphore, #tpu.memory_space<semaphore_mem>>)
      %dma_wait3A_1795 = arith.constant 0 : i32
      %dma_wait3A_1796 = tpu.memref_slice %arg2[%dma_wait3A_1795, %mul3A_2] : memref<26x4096xi32, #tpu.memory_space<hbm>> -> memref<26x128xi32, #tpu.memory_space<hbm>>
      %dma_wait3A_1797 = arith.constant 0 : i32
      %dma_wait3A_1798 = tpu.memref_slice %arg2[%dma_wait3A_1797, %mul3A_2] : memref<26x4096xi32, #tpu.memory_space<hbm>> -> memref<26x128xi32, #tpu.memory_space<hbm>>
      tpu.wait_dma2 semaphore(%run_scoped3A : memref<!tpu.dma_semaphore, #tpu.memory_space<semaphore_mem>>) src(%dma_wait3A_1798 : memref<26x128xi32, #tpu.memory_space<hbm>>) dst(%arg5 : memref<26x128xi32, #tpu.memory_space<vmem>>)
      tpu.yield
    }) : () -> ()
    %dma_start3A = arith.constant 0 : i32
    %dma_start3A_3 = arith.constant 0 : i32
    %dma_start3A_4 = arith.constant 0 : i32
    %dma_start3A_5 = tpu.memref_slice %arg6[%dma_start3A_3, %dma_start3A_4] : memref<26x128xf32, #tpu.memory_space<vmem>> -> memref<1x128xf32, #tpu.memory_space<vmem>>
    %dma_start3A_6 = tpu.memref_squeeze %dma_start3A_5 : memref<1x128xf32, #tpu.memory_space<vmem>> -> memref<128xf32, #tpu.memory_space<vmem>>
    %dma_start3A_7 = arith.constant 0 : i32
    %dma_start3A_8 = tpu.memref_slice %arg5[%dma_start3A, %dma_start3A_7] : memref<26x128xi32, #tpu.memory_space<vmem>> -> memref<1x128xi32, #tpu.memory_space<vmem>>
    %dma_start3A_9 = tpu.memref_squeeze %dma_start3A_8 : memref<1x128xi32, #tpu.memory_space<vmem>> -> memref<128xi32, #tpu.memory_space<vmem>>
    %dma_start3A_10 = arith.constant 0 : i32
    %dma_start3A_11 = tpu.memref_slice %arg3[%dma_start3A_10] : memref<100000xf32, #tpu.memory_space<hbm>> -> memref<100000xf32, #tpu.memory_space<hbm>>
    tpu.enqueue_indirect_dma source(%dma_start3A_11 : memref<100000xf32, #tpu.memory_space<hbm>>) target(%dma_start3A_6 : memref<128xf32, #tpu.memory_space<vmem>>) offsets(%dma_start3A_9 : memref<128xi32, #tpu.memory_space<vmem>>) semaphore(%arg8 : memref<!tpu.dma_semaphore, #tpu.memory_space<semaphore_mem>>)
    %dma_start3A_12 = arith.constant 1 : i32
    %dma_start3A_13 = arith.constant 1 : i32
    %dma_start3A_14 = arith.constant 0 : i32
    %dma_start3A_15 = tpu.memref_slice %arg6[%dma_start3A_13, %dma_start3A_14] : memref<26x128xf32, #tpu.memory_space<vmem>> -> memref<1x128xf32, #tpu.memory_space<vmem>>
    %dma_start3A_16 = tpu.memref_squeeze %dma_start3A_15 : memref<1x128xf32, #tpu.memory_space<vmem>> -> memref<128xf32, #tpu.memory_space<vmem>>
    %dma_start3A_17 = arith.constant 0 : i32
    %dma_start3A_18 = tpu.memref_slice %arg5[%dma_start3A_12, %dma_start3A_17] : memref<26x128xi32, #tpu.memory_space<vmem>> -> memref<1x128xi32, #tpu.memory_space<vmem>>
    %dma_start3A_19 = tpu.memref_squeeze %dma_start3A_18 : memref<1x128xi32, #tpu.memory_space<vmem>> -> memref<128xi32, #tpu.memory_space<vmem>>
    %dma_start3A_20 = arith.constant 0 : i32
    %dma_start3A_21 = tpu.memref_slice %arg3[%dma_start3A_20] : memref<100000xf32, #tpu.memory_space<hbm>> -> memref<100000xf32, #tpu.memory_space<hbm>>
    tpu.enqueue_indirect_dma source(%dma_start3A_21 : memref<100000xf32, #tpu.memory_space<hbm>>) target(%dma_start3A_16 : memref<128xf32, #tpu.memory_space<vmem>>) offsets(%dma_start3A_19 : memref<128xi32, #tpu.memory_space<vmem>>) semaphore(%arg8 : memref<!tpu.dma_semaphore, #tpu.memory_space<semaphore_mem>>)
    %dma_start3A_22 = arith.constant 2 : i32
    %dma_start3A_23 = arith.constant 2 : i32
    %dma_start3A_24 = arith.constant 0 : i32
    %dma_start3A_25 = tpu.memref_slice %arg6[%dma_start3A_23, %dma_start3A_24] : memref<26x128xf32, #tpu.memory_space<vmem>> -> memref<1x128xf32, #tpu.memory_space<vmem>>
    %dma_start3A_26 = tpu.memref_squeeze %dma_start3A_25 : memref<1x128xf32, #tpu.memory_space<vmem>> -> memref<128xf32, #tpu.memory_space<vmem>>
    %dma_start3A_27 = arith.constant 0 : i32
    %dma_start3A_28 = tpu.memref_slice %arg5[%dma_start3A_22, %dma_start3A_27] : memref<26x128xi32, #tpu.memory_space<vmem>> -> memref<1x128xi32, #tpu.memory_space<vmem>>
    %dma_start3A_29 = tpu.memref_squeeze %dma_start3A_28 : memref<1x128xi32, #tpu.memory_space<vmem>> -> memref<128xi32, #tpu.memory_space<vmem>>
    %dma_start3A_30 = arith.constant 0 : i32
    %dma_start3A_31 = tpu.memref_slice %arg3[%dma_start3A_30] : memref<100000xf32, #tpu.memory_space<hbm>> -> memref<100000xf32, #tpu.memory_space<hbm>>
    tpu.enqueue_indirect_dma source(%dma_start3A_31 : memref<100000xf32, #tpu.memory_space<hbm>>) target(%dma_start3A_26 : memref<128xf32, #tpu.memory_space<vmem>>) offsets(%dma_start3A_29 : memref<128xi32, #tpu.memory_space<vmem>>) semaphore(%arg8 : memref<!tpu.dma_semaphore, #tpu.memory_space<semaphore_mem>>)
    %dma_start3A_32 = arith.constant 3 : i32
    %dma_start3A_33 = arith.constant 3 : i32
    %dma_start3A_34 = arith.constant 0 : i32
    %dma_start3A_35 = tpu.memref_slice %arg6[%dma_start3A_33, %dma_start3A_34] : memref<26x128xf32, #tpu.memory_space<vmem>> -> memref<1x128xf32, #tpu.memory_space<vmem>>
    %dma_start3A_36 = tpu.memref_squeeze %dma_start3A_35 : memref<1x128xf32, #tpu.memory_space<vmem>> -> memref<128xf32, #tpu.memory_space<vmem>>
    %dma_start3A_37 = arith.constant 0 : i32
    %dma_start3A_38 = tpu.memref_slice %arg5[%dma_start3A_32, %dma_start3A_37] : memref<26x128xi32, #tpu.memory_space<vmem>> -> memref<1x128xi32, #tpu.memory_space<vmem>>
    %dma_start3A_39 = tpu.memref_squeeze %dma_start3A_38 : memref<1x128xi32, #tpu.memory_space<vmem>> -> memref<128xi32, #tpu.memory_space<vmem>>
    %dma_start3A_40 = arith.constant 0 : i32
    %dma_start3A_41 = tpu.memref_slice %arg3[%dma_start3A_40] : memref<100000xf32, #tpu.memory_space<hbm>> -> memref<100000xf32, #tpu.memory_space<hbm>>
    tpu.enqueue_indirect_dma source(%dma_start3A_41 : memref<100000xf32, #tpu.memory_space<hbm>>) target(%dma_start3A_36 : memref<128xf32, #tpu.memory_space<vmem>>) offsets(%dma_start3A_39 : memref<128xi32, #tpu.memory_space<vmem>>) semaphore(%arg8 : memref<!tpu.dma_semaphore, #tpu.memory_space<semaphore_mem>>)
    %dma_start3A_42 = arith.constant 4 : i32
    %dma_start3A_43 = arith.constant 4 : i32
    %dma_start3A_44 = arith.constant 0 : i32
    %dma_start3A_45 = tpu.memref_slice %arg6[%dma_start3A_43, %dma_start3A_44] : memref<26x128xf32, #tpu.memory_space<vmem>> -> memref<1x128xf32, #tpu.memory_space<vmem>>
    %dma_start3A_46 = tpu.memref_squeeze %dma_start3A_45 : memref<1x128xf32, #tpu.memory_space<vmem>> -> memref<128xf32, #tpu.memory_space<vmem>>
    %dma_start3A_47 = arith.constant 0 : i32
    %dma_start3A_48 = tpu.memref_slice %arg5[%dma_start3A_42, %dma_start3A_47] : memref<26x128xi32, #tpu.memory_space<vmem>> -> memref<1x128xi32, #tpu.memory_space<vmem>>
    %dma_start3A_49 = tpu.memref_squeeze %dma_start3A_48 : memref<1x128xi32, #tpu.memory_space<vmem>> -> memref<128xi32, #tpu.memory_space<vmem>>
    %dma_start3A_50 = arith.constant 0 : i32
    %dma_start3A_51 = tpu.memref_slice %arg3[%dma_start3A_50] : memref<100000xf32, #tpu.memory_space<hbm>> -> memref<100000xf32, #tpu.memory_space<hbm>>
    tpu.enqueue_indirect_dma source(%dma_start3A_51 : memref<100000xf32, #tpu.memory_space<hbm>>) target(%dma_start3A_46 : memref<128xf32, #tpu.memory_space<vmem>>) offsets(%dma_start3A_49 : memref<128xi32, #tpu.memory_space<vmem>>) semaphore(%arg8 : memref<!tpu.dma_semaphore, #tpu.memory_space<semaphore_mem>>)
    %dma_start3A_52 = arith.constant 5 : i32
    %dma_start3A_53 = arith.constant 5 : i32
    %dma_start3A_54 = arith.constant 0 : i32
    %dma_start3A_55 = tpu.memref_slice %arg6[%dma_start3A_53, %dma_start3A_54] : memref<26x128xf32, #tpu.memory_space<vmem>> -> memref<1x128xf32, #tpu.memory_space<vmem>>
    %dma_start3A_56 = tpu.memref_squeeze %dma_start3A_55 : memref<1x128xf32, #tpu.memory_space<vmem>> -> memref<128xf32, #tpu.memory_space<vmem>>
    %dma_start3A_57 = arith.constant 0 : i32
    %dma_start3A_58 = tpu.memref_slice %arg5[%dma_start3A_52, %dma_start3A_57] : memref<26x128xi32, #tpu.memory_space<vmem>> -> memref<1x128xi32, #tpu.memory_space<vmem>>
    %dma_start3A_59 = tpu.memref_squeeze %dma_start3A_58 : memref<1x128xi32, #tpu.memory_space<vmem>> -> memref<128xi32, #tpu.memory_space<vmem>>
    %dma_start3A_60 = arith.constant 0 : i32
    %dma_start3A_61 = tpu.memref_slice %arg3[%dma_start3A_60] : memref<100000xf32, #tpu.memory_space<hbm>> -> memref<100000xf32, #tpu.memory_space<hbm>>
    tpu.enqueue_indirect_dma source(%dma_start3A_61 : memref<100000xf32, #tpu.memory_space<hbm>>) target(%dma_start3A_56 : memref<128xf32, #tpu.memory_space<vmem>>) offsets(%dma_start3A_59 : memref<128xi32, #tpu.memory_space<vmem>>) semaphore(%arg8 : memref<!tpu.dma_semaphore, #tpu.memory_space<semaphore_mem>>)
    %dma_start3A_62 = arith.constant 6 : i32
    %dma_start3A_63 = arith.constant 6 : i32
    %dma_start3A_64 = arith.constant 0 : i32
    %dma_start3A_65 = tpu.memref_slice %arg6[%dma_start3A_63, %dma_start3A_64] : memref<26x128xf32, #tpu.memory_space<vmem>> -> memref<1x128xf32, #tpu.memory_space<vmem>>
    %dma_start3A_66 = tpu.memref_squeeze %dma_start3A_65 : memref<1x128xf32, #tpu.memory_space<vmem>> -> memref<128xf32, #tpu.memory_space<vmem>>
    %dma_start3A_67 = arith.constant 0 : i32
    %dma_start3A_68 = tpu.memref_slice %arg5[%dma_start3A_62, %dma_start3A_67] : memref<26x128xi32, #tpu.memory_space<vmem>> -> memref<1x128xi32, #tpu.memory_space<vmem>>
    %dma_start3A_69 = tpu.memref_squeeze %dma_start3A_68 : memref<1x128xi32, #tpu.memory_space<vmem>> -> memref<128xi32, #tpu.memory_space<vmem>>
    %dma_start3A_70 = arith.constant 0 : i32
    %dma_start3A_71 = tpu.memref_slice %arg3[%dma_start3A_70] : memref<100000xf32, #tpu.memory_space<hbm>> -> memref<100000xf32, #tpu.memory_space<hbm>>
    tpu.enqueue_indirect_dma source(%dma_start3A_71 : memref<100000xf32, #tpu.memory_space<hbm>>) target(%dma_start3A_66 : memref<128xf32, #tpu.memory_space<vmem>>) offsets(%dma_start3A_69 : memref<128xi32, #tpu.memory_space<vmem>>) semaphore(%arg8 : memref<!tpu.dma_semaphore, #tpu.memory_space<semaphore_mem>>)
    %dma_start3A_72 = arith.constant 7 : i32
    %dma_start3A_73 = arith.constant 7 : i32
    %dma_start3A_74 = arith.constant 0 : i32
    %dma_start3A_75 = tpu.memref_slice %arg6[%dma_start3A_73, %dma_start3A_74] : memref<26x128xf32, #tpu.memory_space<vmem>> -> memref<1x128xf32, #tpu.memory_space<vmem>>
    %dma_start3A_76 = tpu.memref_squeeze %dma_start3A_75 : memref<1x128xf32, #tpu.memory_space<vmem>> -> memref<128xf32, #tpu.memory_space<vmem>>
    %dma_start3A_77 = arith.constant 0 : i32
    %dma_start3A_78 = tpu.memref_slice %arg5[%dma_start3A_72, %dma_start3A_77] : memref<26x128xi32, #tpu.memory_space<vmem>> -> memref<1x128xi32, #tpu.memory_space<vmem>>
    %dma_start3A_79 = tpu.memref_squeeze %dma_start3A_78 : memref<1x128xi32, #tpu.memory_space<vmem>> -> memref<128xi32, #tpu.memory_space<vmem>>
    %dma_start3A_80 = arith.constant 0 : i32
    %dma_start3A_81 = tpu.memref_slice %arg3[%dma_start3A_80] : memref<100000xf32, #tpu.memory_space<hbm>> -> memref<100000xf32, #tpu.memory_space<hbm>>
    tpu.enqueue_indirect_dma source(%dma_start3A_81 : memref<100000xf32, #tpu.memory_space<hbm>>) target(%dma_start3A_76 : memref<128xf32, #tpu.memory_space<vmem>>) offsets(%dma_start3A_79 : memref<128xi32, #tpu.memory_space<vmem>>) semaphore(%arg8 : memref<!tpu.dma_semaphore, #tpu.memory_space<semaphore_mem>>)
    %dma_start3A_82 = arith.constant 8 : i32
    %dma_start3A_83 = arith.constant 8 : i32
    %dma_start3A_84 = arith.constant 0 : i32
    %dma_start3A_85 = tpu.memref_slice %arg6[%dma_start3A_83, %dma_start3A_84] : memref<26x128xf32, #tpu.memory_space<vmem>> -> memref<1x128xf32, #tpu.memory_space<vmem>>
    %dma_start3A_86 = tpu.memref_squeeze %dma_start3A_85 : memref<1x128xf32, #tpu.memory_space<vmem>> -> memref<128xf32, #tpu.memory_space<vmem>>
    %dma_start3A_87 = arith.constant 0 : i32
    %dma_start3A_88 = tpu.memref_slice %arg5[%dma_start3A_82, %dma_start3A_87] : memref<26x128xi32, #tpu.memory_space<vmem>> -> memref<1x128xi32, #tpu.memory_space<vmem>>
    %dma_start3A_89 = tpu.memref_squeeze %dma_start3A_88 : memref<1x128xi32, #tpu.memory_space<vmem>> -> memref<128xi32, #tpu.memory_space<vmem>>
    %dma_start3A_90 = arith.constant 0 : i32
    %dma_start3A_91 = tpu.memref_slice %arg3[%dma_start3A_90] : memref<100000xf32, #tpu.memory_space<hbm>> -> memref<100000xf32, #tpu.memory_space<hbm>>
    tpu.enqueue_indirect_dma source(%dma_start3A_91 : memref<100000xf32, #tpu.memory_space<hbm>>) target(%dma_start3A_86 : memref<128xf32, #tpu.memory_space<vmem>>) offsets(%dma_start3A_89 : memref<128xi32, #tpu.memory_space<vmem>>) semaphore(%arg8 : memref<!tpu.dma_semaphore, #tpu.memory_space<semaphore_mem>>)
    %dma_start3A_92 = arith.constant 9 : i32
    %dma_start3A_93 = arith.constant 9 : i32
    %dma_start3A_94 = arith.constant 0 : i32
    %dma_start3A_95 = tpu.memref_slice %arg6[%dma_start3A_93, %dma_start3A_94] : memref<26x128xf32, #tpu.memory_space<vmem>> -> memref<1x128xf32, #tpu.memory_space<vmem>>
    %dma_start3A_96 = tpu.memref_squeeze %dma_start3A_95 : memref<1x128xf32, #tpu.memory_space<vmem>> -> memref<128xf32, #tpu.memory_space<vmem>>
    %dma_start3A_97 = arith.constant 0 : i32
    %dma_start3A_98 = tpu.memref_slice %arg5[%dma_start3A_92, %dma_start3A_97] : memref<26x128xi32, #tpu.memory_space<vmem>> -> memref<1x128xi32, #tpu.memory_space<vmem>>
    %dma_start3A_99 = tpu.memref_squeeze %dma_start3A_98 : memref<1x128xi32, #tpu.memory_space<vmem>> -> memref<128xi32, #tpu.memory_space<vmem>>
    %dma_start3A_100 = arith.constant 0 : i32
    %dma_start3A_101 = tpu.memref_slice %arg3[%dma_start3A_100] : memref<100000xf32, #tpu.memory_space<hbm>> -> memref<100000xf32, #tpu.memory_space<hbm>>
    tpu.enqueue_indirect_dma source(%dma_start3A_101 : memref<100000xf32, #tpu.memory_space<hbm>>) target(%dma_start3A_96 : memref<128xf32, #tpu.memory_space<vmem>>) offsets(%dma_start3A_99 : memref<128xi32, #tpu.memory_space<vmem>>) semaphore(%arg8 : memref<!tpu.dma_semaphore, #tpu.memory_space<semaphore_mem>>)
    %dma_start3A_102 = arith.constant 10 : i32
    %dma_start3A_103 = arith.constant 10 : i32
    %dma_start3A_104 = arith.constant 0 : i32
    %dma_start3A_105 = tpu.memref_slice %arg6[%dma_start3A_103, %dma_start3A_104] : memref<26x128xf32, #tpu.memory_space<vmem>> -> memref<1x128xf32, #tpu.memory_space<vmem>>
    %dma_start3A_106 = tpu.memref_squeeze %dma_start3A_105 : memref<1x128xf32, #tpu.memory_space<vmem>> -> memref<128xf32, #tpu.memory_space<vmem>>
    %dma_start3A_107 = arith.constant 0 : i32
    %dma_start3A_108 = tpu.memref_slice %arg5[%dma_start3A_102, %dma_start3A_107] : memref<26x128xi32, #tpu.memory_space<vmem>> -> memref<1x128xi32, #tpu.memory_space<vmem>>
    %dma_start3A_109 = tpu.memref_squeeze %dma_start3A_108 : memref<1x128xi32, #tpu.memory_space<vmem>> -> memref<128xi32, #tpu.memory_space<vmem>>
    %dma_start3A_110 = arith.constant 0 : i32
    %dma_start3A_111 = tpu.memref_slice %arg3[%dma_start3A_110] : memref<100000xf32, #tpu.memory_space<hbm>> -> memref<100000xf32, #tpu.memory_space<hbm>>
    tpu.enqueue_indirect_dma source(%dma_start3A_111 : memref<100000xf32, #tpu.memory_space<hbm>>) target(%dma_start3A_106 : memref<128xf32, #tpu.memory_space<vmem>>) offsets(%dma_start3A_109 : memref<128xi32, #tpu.memory_space<vmem>>) semaphore(%arg8 : memref<!tpu.dma_semaphore, #tpu.memory_space<semaphore_mem>>)
    %dma_start3A_112 = arith.constant 11 : i32
    %dma_start3A_113 = arith.constant 11 : i32
    %dma_start3A_114 = arith.constant 0 : i32
    %dma_start3A_115 = tpu.memref_slice %arg6[%dma_start3A_113, %dma_start3A_114] : memref<26x128xf32, #tpu.memory_space<vmem>> -> memref<1x128xf32, #tpu.memory_space<vmem>>
    %dma_start3A_116 = tpu.memref_squeeze %dma_start3A_115 : memref<1x128xf32, #tpu.memory_space<vmem>> -> memref<128xf32, #tpu.memory_space<vmem>>
    %dma_start3A_117 = arith.constant 0 : i32
    %dma_start3A_118 = tpu.memref_slice %arg5[%dma_start3A_112, %dma_start3A_117] : memref<26x128xi32, #tpu.memory_space<vmem>> -> memref<1x128xi32, #tpu.memory_space<vmem>>
    %dma_start3A_119 = tpu.memref_squeeze %dma_start3A_118 : memref<1x128xi32, #tpu.memory_space<vmem>> -> memref<128xi32, #tpu.memory_space<vmem>>
    %dma_start3A_120 = arith.constant 0 : i32
    %dma_start3A_121 = tpu.memref_slice %arg3[%dma_start3A_120] : memref<100000xf32, #tpu.memory_space<hbm>> -> memref<100000xf32, #tpu.memory_space<hbm>>
    tpu.enqueue_indirect_dma source(%dma_start3A_121 : memref<100000xf32, #tpu.memory_space<hbm>>) target(%dma_start3A_116 : memref<128xf32, #tpu.memory_space<vmem>>) offsets(%dma_start3A_119 : memref<128xi32, #tpu.memory_space<vmem>>) semaphore(%arg8 : memref<!tpu.dma_semaphore, #tpu.memory_space<semaphore_mem>>)
    %dma_start3A_122 = arith.constant 12 : i32
    %dma_start3A_123 = arith.constant 12 : i32
    %dma_start3A_124 = arith.constant 0 : i32
    %dma_start3A_125 = tpu.memref_slice %arg6[%dma_start3A_123, %dma_start3A_124] : memref<26x128xf32, #tpu.memory_space<vmem>> -> memref<1x128xf32, #tpu.memory_space<vmem>>
    %dma_start3A_126 = tpu.memref_squeeze %dma_start3A_125 : memref<1x128xf32, #tpu.memory_space<vmem>> -> memref<128xf32, #tpu.memory_space<vmem>>
    %dma_start3A_127 = arith.constant 0 : i32
    %dma_start3A_128 = tpu.memref_slice %arg5[%dma_start3A_122, %dma_start3A_127] : memref<26x128xi32, #tpu.memory_space<vmem>> -> memref<1x128xi32, #tpu.memory_space<vmem>>
    %dma_start3A_129 = tpu.memref_squeeze %dma_start3A_128 : memref<1x128xi32, #tpu.memory_space<vmem>> -> memref<128xi32, #tpu.memory_space<vmem>>
    %dma_start3A_130 = arith.constant 0 : i32
    %dma_start3A_131 = tpu.memref_slice %arg3[%dma_start3A_130] : memref<100000xf32, #tpu.memory_space<hbm>> -> memref<100000xf32, #tpu.memory_space<hbm>>
    tpu.enqueue_indirect_dma source(%dma_start3A_131 : memref<100000xf32, #tpu.memory_space<hbm>>) target(%dma_start3A_126 : memref<128xf32, #tpu.memory_space<vmem>>) offsets(%dma_start3A_129 : memref<128xi32, #tpu.memory_space<vmem>>) semaphore(%arg8 : memref<!tpu.dma_semaphore, #tpu.memory_space<semaphore_mem>>)
    %dma_start3A_132 = arith.constant 13 : i32
    %dma_start3A_133 = arith.constant 13 : i32
    %dma_start3A_134 = arith.constant 0 : i32
    %dma_start3A_135 = tpu.memref_slice %arg6[%dma_start3A_133, %dma_start3A_134] : memref<26x128xf32, #tpu.memory_space<vmem>> -> memref<1x128xf32, #tpu.memory_space<vmem>>
    %dma_start3A_136 = tpu.memref_squeeze %dma_start3A_135 : memref<1x128xf32, #tpu.memory_space<vmem>> -> memref<128xf32, #tpu.memory_space<vmem>>
    %dma_start3A_137 = arith.constant 0 : i32
    %dma_start3A_138 = tpu.memref_slice %arg5[%dma_start3A_132, %dma_start3A_137] : memref<26x128xi32, #tpu.memory_space<vmem>> -> memref<1x128xi32, #tpu.memory_space<vmem>>
    %dma_start3A_139 = tpu.memref_squeeze %dma_start3A_138 : memref<1x128xi32, #tpu.memory_space<vmem>> -> memref<128xi32, #tpu.memory_space<vmem>>
    %dma_start3A_140 = arith.constant 0 : i32
    %dma_start3A_141 = tpu.memref_slice %arg3[%dma_start3A_140] : memref<100000xf32, #tpu.memory_space<hbm>> -> memref<100000xf32, #tpu.memory_space<hbm>>
    tpu.enqueue_indirect_dma source(%dma_start3A_141 : memref<100000xf32, #tpu.memory_space<hbm>>) target(%dma_start3A_136 : memref<128xf32, #tpu.memory_space<vmem>>) offsets(%dma_start3A_139 : memref<128xi32, #tpu.memory_space<vmem>>) semaphore(%arg8 : memref<!tpu.dma_semaphore, #tpu.memory_space<semaphore_mem>>)
    %dma_start3A_142 = arith.constant 14 : i32
    %dma_start3A_143 = arith.constant 14 : i32
    %dma_start3A_144 = arith.constant 0 : i32
    %dma_start3A_145 = tpu.memref_slice %arg6[%dma_start3A_143, %dma_start3A_144] : memref<26x128xf32, #tpu.memory_space<vmem>> -> memref<1x128xf32, #tpu.memory_space<vmem>>
    %dma_start3A_146 = tpu.memref_squeeze %dma_start3A_145 : memref<1x128xf32, #tpu.memory_space<vmem>> -> memref<128xf32, #tpu.memory_space<vmem>>
    %dma_start3A_147 = arith.constant 0 : i32
    %dma_start3A_148 = tpu.memref_slice %arg5[%dma_start3A_142, %dma_start3A_147] : memref<26x128xi32, #tpu.memory_space<vmem>> -> memref<1x128xi32, #tpu.memory_space<vmem>>
    %dma_start3A_149 = tpu.memref_squeeze %dma_start3A_148 : memref<1x128xi32, #tpu.memory_space<vmem>> -> memref<128xi32, #tpu.memory_space<vmem>>
    %dma_start3A_150 = arith.constant 0 : i32
    %dma_start3A_151 = tpu.memref_slice %arg3[%dma_start3A_150] : memref<100000xf32, #tpu.memory_space<hbm>> -> memref<100000xf32, #tpu.memory_space<hbm>>
    tpu.enqueue_indirect_dma source(%dma_start3A_151 : memref<100000xf32, #tpu.memory_space<hbm>>) target(%dma_start3A_146 : memref<128xf32, #tpu.memory_space<vmem>>) offsets(%dma_start3A_149 : memref<128xi32, #tpu.memory_space<vmem>>) semaphore(%arg8 : memref<!tpu.dma_semaphore, #tpu.memory_space<semaphore_mem>>)
    %dma_start3A_152 = arith.constant 15 : i32
    %dma_start3A_153 = arith.constant 15 : i32
    %dma_start3A_154 = arith.constant 0 : i32
    %dma_start3A_155 = tpu.memref_slice %arg6[%dma_start3A_153, %dma_start3A_154] : memref<26x128xf32, #tpu.memory_space<vmem>> -> memref<1x128xf32, #tpu.memory_space<vmem>>
    %dma_start3A_156 = tpu.memref_squeeze %dma_start3A_155 : memref<1x128xf32, #tpu.memory_space<vmem>> -> memref<128xf32, #tpu.memory_space<vmem>>
    %dma_start3A_157 = arith.constant 0 : i32
    %dma_start3A_158 = tpu.memref_slice %arg5[%dma_start3A_152, %dma_start3A_157] : memref<26x128xi32, #tpu.memory_space<vmem>> -> memref<1x128xi32, #tpu.memory_space<vmem>>
    %dma_start3A_159 = tpu.memref_squeeze %dma_start3A_158 : memref<1x128xi32, #tpu.memory_space<vmem>> -> memref<128xi32, #tpu.memory_space<vmem>>
    %dma_start3A_160 = arith.constant 0 : i32
    %dma_start3A_161 = tpu.memref_slice %arg3[%dma_start3A_160] : memref<100000xf32, #tpu.memory_space<hbm>> -> memref<100000xf32, #tpu.memory_space<hbm>>
    tpu.enqueue_indirect_dma source(%dma_start3A_161 : memref<100000xf32, #tpu.memory_space<hbm>>) target(%dma_start3A_156 : memref<128xf32, #tpu.memory_space<vmem>>) offsets(%dma_start3A_159 : memref<128xi32, #tpu.memory_space<vmem>>) semaphore(%arg8 : memref<!tpu.dma_semaphore, #tpu.memory_space<semaphore_mem>>)
    %dma_start3A_162 = arith.constant 16 : i32
    %dma_start3A_163 = arith.constant 16 : i32
    %dma_start3A_164 = arith.constant 0 : i32
    %dma_start3A_165 = tpu.memref_slice %arg6[%dma_start3A_163, %dma_start3A_164] : memref<26x128xf32, #tpu.memory_space<vmem>> -> memref<1x128xf32, #tpu.memory_space<vmem>>
    %dma_start3A_166 = tpu.memref_squeeze %dma_start3A_165 : memref<1x128xf32, #tpu.memory_space<vmem>> -> memref<128xf32, #tpu.memory_space<vmem>>
    %dma_start3A_167 = arith.constant 0 : i32
    %dma_start3A_168 = tpu.memref_slice %arg5[%dma_start3A_162, %dma_start3A_167] : memref<26x128xi32, #tpu.memory_space<vmem>> -> memref<1x128xi32, #tpu.memory_space<vmem>>
    %dma_start3A_169 = tpu.memref_squeeze %dma_start3A_168 : memref<1x128xi32, #tpu.memory_space<vmem>> -> memref<128xi32, #tpu.memory_space<vmem>>
    %dma_start3A_170 = arith.constant 0 : i32
    %dma_start3A_171 = tpu.memref_slice %arg3[%dma_start3A_170] : memref<100000xf32, #tpu.memory_space<hbm>> -> memref<100000xf32, #tpu.memory_space<hbm>>
    tpu.enqueue_indirect_dma source(%dma_start3A_171 : memref<100000xf32, #tpu.memory_space<hbm>>) target(%dma_start3A_166 : memref<128xf32, #tpu.memory_space<vmem>>) offsets(%dma_start3A_169 : memref<128xi32, #tpu.memory_space<vmem>>) semaphore(%arg8 : memref<!tpu.dma_semaphore, #tpu.memory_space<semaphore_mem>>)
    %dma_start3A_172 = arith.constant 17 : i32
    %dma_start3A_173 = arith.constant 17 : i32
    %dma_start3A_174 = arith.constant 0 : i32
    %dma_start3A_175 = tpu.memref_slice %arg6[%dma_start3A_173, %dma_start3A_174] : memref<26x128xf32, #tpu.memory_space<vmem>> -> memref<1x128xf32, #tpu.memory_space<vmem>>
    %dma_start3A_176 = tpu.memref_squeeze %dma_start3A_175 : memref<1x128xf32, #tpu.memory_space<vmem>> -> memref<128xf32, #tpu.memory_space<vmem>>
    %dma_start3A_177 = arith.constant 0 : i32
    %dma_start3A_178 = tpu.memref_slice %arg5[%dma_start3A_172, %dma_start3A_177] : memref<26x128xi32, #tpu.memory_space<vmem>> -> memref<1x128xi32, #tpu.memory_space<vmem>>
    %dma_start3A_179 = tpu.memref_squeeze %dma_start3A_178 : memref<1x128xi32, #tpu.memory_space<vmem>> -> memref<128xi32, #tpu.memory_space<vmem>>
    %dma_start3A_180 = arith.constant 0 : i32
    %dma_start3A_181 = tpu.memref_slice %arg3[%dma_start3A_180] : memref<100000xf32, #tpu.memory_space<hbm>> -> memref<100000xf32, #tpu.memory_space<hbm>>
    tpu.enqueue_indirect_dma source(%dma_start3A_181 : memref<100000xf32, #tpu.memory_space<hbm>>) target(%dma_start3A_176 : memref<128xf32, #tpu.memory_space<vmem>>) offsets(%dma_start3A_179 : memref<128xi32, #tpu.memory_space<vmem>>) semaphore(%arg8 : memref<!tpu.dma_semaphore, #tpu.memory_space<semaphore_mem>>)
    %dma_start3A_182 = arith.constant 18 : i32
    %dma_start3A_183 = arith.constant 18 : i32
    %dma_start3A_184 = arith.constant 0 : i32
    %dma_start3A_185 = tpu.memref_slice %arg6[%dma_start3A_183, %dma_start3A_184] : memref<26x128xf32, #tpu.memory_space<vmem>> -> memref<1x128xf32, #tpu.memory_space<vmem>>
    %dma_start3A_186 = tpu.memref_squeeze %dma_start3A_185 : memref<1x128xf32, #tpu.memory_space<vmem>> -> memref<128xf32, #tpu.memory_space<vmem>>
    %dma_start3A_187 = arith.constant 0 : i32
    %dma_start3A_188 = tpu.memref_slice %arg5[%dma_start3A_182, %dma_start3A_187] : memref<26x128xi32, #tpu.memory_space<vmem>> -> memref<1x128xi32, #tpu.memory_space<vmem>>
    %dma_start3A_189 = tpu.memref_squeeze %dma_start3A_188 : memref<1x128xi32, #tpu.memory_space<vmem>> -> memref<128xi32, #tpu.memory_space<vmem>>
    %dma_start3A_190 = arith.constant 0 : i32
    %dma_start3A_191 = tpu.memref_slice %arg3[%dma_start3A_190] : memref<100000xf32, #tpu.memory_space<hbm>> -> memref<100000xf32, #tpu.memory_space<hbm>>
    tpu.enqueue_indirect_dma source(%dma_start3A_191 : memref<100000xf32, #tpu.memory_space<hbm>>) target(%dma_start3A_186 : memref<128xf32, #tpu.memory_space<vmem>>) offsets(%dma_start3A_189 : memref<128xi32, #tpu.memory_space<vmem>>) semaphore(%arg8 : memref<!tpu.dma_semaphore, #tpu.memory_space<semaphore_mem>>)
    %dma_start3A_192 = arith.constant 19 : i32
    %dma_start3A_193 = arith.constant 19 : i32
    %dma_start3A_194 = arith.constant 0 : i32
    %dma_start3A_195 = tpu.memref_slice %arg6[%dma_start3A_193, %dma_start3A_194] : memref<26x128xf32, #tpu.memory_space<vmem>> -> memref<1x128xf32, #tpu.memory_space<vmem>>
    %dma_start3A_196 = tpu.memref_squeeze %dma_start3A_195 : memref<1x128xf32, #tpu.memory_space<vmem>> -> memref<128xf32, #tpu.memory_space<vmem>>
    %dma_start3A_197 = arith.constant 0 : i32
    %dma_start3A_198 = tpu.memref_slice %arg5[%dma_start3A_192, %dma_start3A_197] : memref<26x128xi32, #tpu.memory_space<vmem>> -> memref<1x128xi32, #tpu.memory_space<vmem>>
    %dma_start3A_199 = tpu.memref_squeeze %dma_start3A_198 : memref<1x128xi32, #tpu.memory_space<vmem>> -> memref<128xi32, #tpu.memory_space<vmem>>
    %dma_start3A_200 = arith.constant 0 : i32
    %dma_start3A_201 = tpu.memref_slice %arg3[%dma_start3A_200] : memref<100000xf32, #tpu.memory_space<hbm>> -> memref<100000xf32, #tpu.memory_space<hbm>>
    tpu.enqueue_indirect_dma source(%dma_start3A_201 : memref<100000xf32, #tpu.memory_space<hbm>>) target(%dma_start3A_196 : memref<128xf32, #tpu.memory_space<vmem>>) offsets(%dma_start3A_199 : memref<128xi32, #tpu.memory_space<vmem>>) semaphore(%arg8 : memref<!tpu.dma_semaphore, #tpu.memory_space<semaphore_mem>>)
    %dma_start3A_202 = arith.constant 20 : i32
    %dma_start3A_203 = arith.constant 20 : i32
    %dma_start3A_204 = arith.constant 0 : i32
    %dma_start3A_205 = tpu.memref_slice %arg6[%dma_start3A_203, %dma_start3A_204] : memref<26x128xf32, #tpu.memory_space<vmem>> -> memref<1x128xf32, #tpu.memory_space<vmem>>
    %dma_start3A_206 = tpu.memref_squeeze %dma_start3A_205 : memref<1x128xf32, #tpu.memory_space<vmem>> -> memref<128xf32, #tpu.memory_space<vmem>>
    %dma_start3A_207 = arith.constant 0 : i32
    %dma_start3A_208 = tpu.memref_slice %arg5[%dma_start3A_202, %dma_start3A_207] : memref<26x128xi32, #tpu.memory_space<vmem>> -> memref<1x128xi32, #tpu.memory_space<vmem>>
    %dma_start3A_209 = tpu.memref_squeeze %dma_start3A_208 : memref<1x128xi32, #tpu.memory_space<vmem>> -> memref<128xi32, #tpu.memory_space<vmem>>
    %dma_start3A_210 = arith.constant 0 : i32
    %dma_start3A_211 = tpu.memref_slice %arg3[%dma_start3A_210] : memref<100000xf32, #tpu.memory_space<hbm>> -> memref<100000xf32, #tpu.memory_space<hbm>>
    tpu.enqueue_indirect_dma source(%dma_start3A_211 : memref<100000xf32, #tpu.memory_space<hbm>>) target(%dma_start3A_206 : memref<128xf32, #tpu.memory_space<vmem>>) offsets(%dma_start3A_209 : memref<128xi32, #tpu.memory_space<vmem>>) semaphore(%arg8 : memref<!tpu.dma_semaphore, #tpu.memory_space<semaphore_mem>>)
    %dma_start3A_212 = arith.constant 21 : i32
    %dma_start3A_213 = arith.constant 21 : i32
    %dma_start3A_214 = arith.constant 0 : i32
    %dma_start3A_215 = tpu.memref_slice %arg6[%dma_start3A_213, %dma_start3A_214] : memref<26x128xf32, #tpu.memory_space<vmem>> -> memref<1x128xf32, #tpu.memory_space<vmem>>
    %dma_start3A_216 = tpu.memref_squeeze %dma_start3A_215 : memref<1x128xf32, #tpu.memory_space<vmem>> -> memref<128xf32, #tpu.memory_space<vmem>>
    %dma_start3A_217 = arith.constant 0 : i32
    %dma_start3A_218 = tpu.memref_slice %arg5[%dma_start3A_212, %dma_start3A_217] : memref<26x128xi32, #tpu.memory_space<vmem>> -> memref<1x128xi32, #tpu.memory_space<vmem>>
    %dma_start3A_219 = tpu.memref_squeeze %dma_start3A_218 : memref<1x128xi32, #tpu.memory_space<vmem>> -> memref<128xi32, #tpu.memory_space<vmem>>
    %dma_start3A_220 = arith.constant 0 : i32
    %dma_start3A_221 = tpu.memref_slice %arg3[%dma_start3A_220] : memref<100000xf32, #tpu.memory_space<hbm>> -> memref<100000xf32, #tpu.memory_space<hbm>>
    tpu.enqueue_indirect_dma source(%dma_start3A_221 : memref<100000xf32, #tpu.memory_space<hbm>>) target(%dma_start3A_216 : memref<128xf32, #tpu.memory_space<vmem>>) offsets(%dma_start3A_219 : memref<128xi32, #tpu.memory_space<vmem>>) semaphore(%arg8 : memref<!tpu.dma_semaphore, #tpu.memory_space<semaphore_mem>>)
    %dma_start3A_222 = arith.constant 22 : i32
    %dma_start3A_223 = arith.constant 22 : i32
    %dma_start3A_224 = arith.constant 0 : i32
    %dma_start3A_225 = tpu.memref_slice %arg6[%dma_start3A_223, %dma_start3A_224] : memref<26x128xf32, #tpu.memory_space<vmem>> -> memref<1x128xf32, #tpu.memory_space<vmem>>
    %dma_start3A_226 = tpu.memref_squeeze %dma_start3A_225 : memref<1x128xf32, #tpu.memory_space<vmem>> -> memref<128xf32, #tpu.memory_space<vmem>>
    %dma_start3A_227 = arith.constant 0 : i32
    %dma_start3A_228 = tpu.memref_slice %arg5[%dma_start3A_222, %dma_start3A_227] : memref<26x128xi32, #tpu.memory_space<vmem>> -> memref<1x128xi32, #tpu.memory_space<vmem>>
    %dma_start3A_229 = tpu.memref_squeeze %dma_start3A_228 : memref<1x128xi32, #tpu.memory_space<vmem>> -> memref<128xi32, #tpu.memory_space<vmem>>
    %dma_start3A_230 = arith.constant 0 : i32
    %dma_start3A_231 = tpu.memref_slice %arg3[%dma_start3A_230] : memref<100000xf32, #tpu.memory_space<hbm>> -> memref<100000xf32, #tpu.memory_space<hbm>>
    tpu.enqueue_indirect_dma source(%dma_start3A_231 : memref<100000xf32, #tpu.memory_space<hbm>>) target(%dma_start3A_226 : memref<128xf32, #tpu.memory_space<vmem>>) offsets(%dma_start3A_229 : memref<128xi32, #tpu.memory_space<vmem>>) semaphore(%arg8 : memref<!tpu.dma_semaphore, #tpu.memory_space<semaphore_mem>>)
    %dma_start3A_232 = arith.constant 23 : i32
    %dma_start3A_233 = arith.constant 23 : i32
    %dma_start3A_234 = arith.constant 0 : i32
    %dma_start3A_235 = tpu.memref_slice %arg6[%dma_start3A_233, %dma_start3A_234] : memref<26x128xf32, #tpu.memory_space<vmem>> -> memref<1x128xf32, #tpu.memory_space<vmem>>
    %dma_start3A_236 = tpu.memref_squeeze %dma_start3A_235 : memref<1x128xf32, #tpu.memory_space<vmem>> -> memref<128xf32, #tpu.memory_space<vmem>>
    %dma_start3A_237 = arith.constant 0 : i32
    %dma_start3A_238 = tpu.memref_slice %arg5[%dma_start3A_232, %dma_start3A_237] : memref<26x128xi32, #tpu.memory_space<vmem>> -> memref<1x128xi32, #tpu.memory_space<vmem>>
    %dma_start3A_239 = tpu.memref_squeeze %dma_start3A_238 : memref<1x128xi32, #tpu.memory_space<vmem>> -> memref<128xi32, #tpu.memory_space<vmem>>
    %dma_start3A_240 = arith.constant 0 : i32
    %dma_start3A_241 = tpu.memref_slice %arg3[%dma_start3A_240] : memref<100000xf32, #tpu.memory_space<hbm>> -> memref<100000xf32, #tpu.memory_space<hbm>>
    tpu.enqueue_indirect_dma source(%dma_start3A_241 : memref<100000xf32, #tpu.memory_space<hbm>>) target(%dma_start3A_236 : memref<128xf32, #tpu.memory_space<vmem>>) offsets(%dma_start3A_239 : memref<128xi32, #tpu.memory_space<vmem>>) semaphore(%arg8 : memref<!tpu.dma_semaphore, #tpu.memory_space<semaphore_mem>>)
    %dma_start3A_242 = arith.constant 24 : i32
    %dma_start3A_243 = arith.constant 24 : i32
    %dma_start3A_244 = arith.constant 0 : i32
    %dma_start3A_245 = tpu.memref_slice %arg6[%dma_start3A_243, %dma_start3A_244] : memref<26x128xf32, #tpu.memory_space<vmem>> -> memref<1x128xf32, #tpu.memory_space<vmem>>
    %dma_start3A_246 = tpu.memref_squeeze %dma_start3A_245 : memref<1x128xf32, #tpu.memory_space<vmem>> -> memref<128xf32, #tpu.memory_space<vmem>>
    %dma_start3A_247 = arith.constant 0 : i32
    %dma_start3A_248 = tpu.memref_slice %arg5[%dma_start3A_242, %dma_start3A_247] : memref<26x128xi32, #tpu.memory_space<vmem>> -> memref<1x128xi32, #tpu.memory_space<vmem>>
    %dma_start3A_249 = tpu.memref_squeeze %dma_start3A_248 : memref<1x128xi32, #tpu.memory_space<vmem>> -> memref<128xi32, #tpu.memory_space<vmem>>
    %dma_start3A_250 = arith.constant 0 : i32
    %dma_start3A_251 = tpu.memref_slice %arg3[%dma_start3A_250] : memref<100000xf32, #tpu.memory_space<hbm>> -> memref<100000xf32, #tpu.memory_space<hbm>>
    tpu.enqueue_indirect_dma source(%dma_start3A_251 : memref<100000xf32, #tpu.memory_space<hbm>>) target(%dma_start3A_246 : memref<128xf32, #tpu.memory_space<vmem>>) offsets(%dma_start3A_249 : memref<128xi32, #tpu.memory_space<vmem>>) semaphore(%arg8 : memref<!tpu.dma_semaphore, #tpu.memory_space<semaphore_mem>>)
    %dma_start3A_252 = arith.constant 25 : i32
    %dma_start3A_253 = arith.constant 25 : i32
    %dma_start3A_254 = arith.constant 0 : i32
    %dma_start3A_255 = tpu.memref_slice %arg6[%dma_start3A_253, %dma_start3A_254] : memref<26x128xf32, #tpu.memory_space<vmem>> -> memref<1x128xf32, #tpu.memory_space<vmem>>
    %dma_start3A_256 = tpu.memref_squeeze %dma_start3A_255 : memref<1x128xf32, #tpu.memory_space<vmem>> -> memref<128xf32, #tpu.memory_space<vmem>>
    %dma_start3A_257 = arith.constant 0 : i32
    %dma_start3A_258 = tpu.memref_slice %arg5[%dma_start3A_252, %dma_start3A_257] : memref<26x128xi32, #tpu.memory_space<vmem>> -> memref<1x128xi32, #tpu.memory_space<vmem>>
    %dma_start3A_259 = tpu.memref_squeeze %dma_start3A_258 : memref<1x128xi32, #tpu.memory_space<vmem>> -> memref<128xi32, #tpu.memory_space<vmem>>
    %dma_start3A_260 = arith.constant 0 : i32
    %dma_start3A_261 = tpu.memref_slice %arg3[%dma_start3A_260] : memref<100000xf32, #tpu.memory_space<hbm>> -> memref<100000xf32, #tpu.memory_space<hbm>>
    tpu.enqueue_indirect_dma source(%dma_start3A_261 : memref<100000xf32, #tpu.memory_space<hbm>>) target(%dma_start3A_256 : memref<128xf32, #tpu.memory_space<vmem>>) offsets(%dma_start3A_259 : memref<128xi32, #tpu.memory_space<vmem>>) semaphore(%arg8 : memref<!tpu.dma_semaphore, #tpu.memory_space<semaphore_mem>>)
    %dma_wait3A = arith.constant 0 : i32
    %dma_wait3A_262 = arith.constant 0 : i32
    %dma_wait3A_263 = arith.constant 0 : i32
    %dma_wait3A_264 = tpu.memref_slice %arg6[%dma_wait3A_262, %dma_wait3A_263] : memref<26x128xf32, #tpu.memory_space<vmem>> -> memref<1x128xf32, #tpu.memory_space<vmem>>
    %dma_wait3A_265 = tpu.memref_squeeze %dma_wait3A_264 : memref<1x128xf32, #tpu.memory_space<vmem>> -> memref<128xf32, #tpu.memory_space<vmem>>
    %dma_wait3A_266 = arith.constant 0 : i32
    %dma_wait3A_267 = tpu.memref_slice %arg5[%dma_wait3A, %dma_wait3A_266] : memref<26x128xi32, #tpu.memory_space<vmem>> -> memref<1x128xi32, #tpu.memory_space<vmem>>
    %dma_wait3A_268 = tpu.memref_squeeze %dma_wait3A_267 : memref<1x128xi32, #tpu.memory_space<vmem>> -> memref<128xi32, #tpu.memory_space<vmem>>
    %dma_wait3A_269 = arith.constant 0 : i32
    %dma_wait3A_270 = tpu.memref_slice %arg3[%dma_wait3A_269] : memref<100000xf32, #tpu.memory_space<hbm>> -> memref<100000xf32, #tpu.memory_space<hbm>>
    tpu.wait_indirect_dma semaphore(%arg8 : memref<!tpu.dma_semaphore, #tpu.memory_space<semaphore_mem>>) src(%dma_wait3A_270 : memref<100000xf32, #tpu.memory_space<hbm>>) dst(%dma_wait3A_265 : memref<128xf32, #tpu.memory_space<vmem>>)
    %dma_wait3A_271 = arith.constant 1 : i32
    %dma_wait3A_272 = arith.constant 1 : i32
    %dma_wait3A_273 = arith.constant 0 : i32
    %dma_wait3A_274 = tpu.memref_slice %arg6[%dma_wait3A_272, %dma_wait3A_273] : memref<26x128xf32, #tpu.memory_space<vmem>> -> memref<1x128xf32, #tpu.memory_space<vmem>>
    %dma_wait3A_275 = tpu.memref_squeeze %dma_wait3A_274 : memref<1x128xf32, #tpu.memory_space<vmem>> -> memref<128xf32, #tpu.memory_space<vmem>>
    %dma_wait3A_276 = arith.constant 0 : i32
    %dma_wait3A_277 = tpu.memref_slice %arg5[%dma_wait3A_271, %dma_wait3A_276] : memref<26x128xi32, #tpu.memory_space<vmem>> -> memref<1x128xi32, #tpu.memory_space<vmem>>
    %dma_wait3A_278 = tpu.memref_squeeze %dma_wait3A_277 : memref<1x128xi32, #tpu.memory_space<vmem>> -> memref<128xi32, #tpu.memory_space<vmem>>
    %dma_wait3A_279 = arith.constant 0 : i32
    %dma_wait3A_280 = tpu.memref_slice %arg3[%dma_wait3A_279] : memref<100000xf32, #tpu.memory_space<hbm>> -> memref<100000xf32, #tpu.memory_space<hbm>>
    tpu.wait_indirect_dma semaphore(%arg8 : memref<!tpu.dma_semaphore, #tpu.memory_space<semaphore_mem>>) src(%dma_wait3A_280 : memref<100000xf32, #tpu.memory_space<hbm>>) dst(%dma_wait3A_275 : memref<128xf32, #tpu.memory_space<vmem>>)
    %dma_wait3A_281 = arith.constant 2 : i32
    %dma_wait3A_282 = arith.constant 2 : i32
    %dma_wait3A_283 = arith.constant 0 : i32
    %dma_wait3A_284 = tpu.memref_slice %arg6[%dma_wait3A_282, %dma_wait3A_283] : memref<26x128xf32, #tpu.memory_space<vmem>> -> memref<1x128xf32, #tpu.memory_space<vmem>>
    %dma_wait3A_285 = tpu.memref_squeeze %dma_wait3A_284 : memref<1x128xf32, #tpu.memory_space<vmem>> -> memref<128xf32, #tpu.memory_space<vmem>>
    %dma_wait3A_286 = arith.constant 0 : i32
    %dma_wait3A_287 = tpu.memref_slice %arg5[%dma_wait3A_281, %dma_wait3A_286] : memref<26x128xi32, #tpu.memory_space<vmem>> -> memref<1x128xi32, #tpu.memory_space<vmem>>
    %dma_wait3A_288 = tpu.memref_squeeze %dma_wait3A_287 : memref<1x128xi32, #tpu.memory_space<vmem>> -> memref<128xi32, #tpu.memory_space<vmem>>
    %dma_wait3A_289 = arith.constant 0 : i32
    %dma_wait3A_290 = tpu.memref_slice %arg3[%dma_wait3A_289] : memref<100000xf32, #tpu.memory_space<hbm>> -> memref<100000xf32, #tpu.memory_space<hbm>>
    tpu.wait_indirect_dma semaphore(%arg8 : memref<!tpu.dma_semaphore, #tpu.memory_space<semaphore_mem>>) src(%dma_wait3A_290 : memref<100000xf32, #tpu.memory_space<hbm>>) dst(%dma_wait3A_285 : memref<128xf32, #tpu.memory_space<vmem>>)
    %dma_wait3A_291 = arith.constant 3 : i32
    %dma_wait3A_292 = arith.constant 3 : i32
    %dma_wait3A_293 = arith.constant 0 : i32
    %dma_wait3A_294 = tpu.memref_slice %arg6[%dma_wait3A_292, %dma_wait3A_293] : memref<26x128xf32, #tpu.memory_space<vmem>> -> memref<1x128xf32, #tpu.memory_space<vmem>>
    %dma_wait3A_295 = tpu.memref_squeeze %dma_wait3A_294 : memref<1x128xf32, #tpu.memory_space<vmem>> -> memref<128xf32, #tpu.memory_space<vmem>>
    %dma_wait3A_296 = arith.constant 0 : i32
    %dma_wait3A_297 = tpu.memref_slice %arg5[%dma_wait3A_291, %dma_wait3A_296] : memref<26x128xi32, #tpu.memory_space<vmem>> -> memref<1x128xi32, #tpu.memory_space<vmem>>
    %dma_wait3A_298 = tpu.memref_squeeze %dma_wait3A_297 : memref<1x128xi32, #tpu.memory_space<vmem>> -> memref<128xi32, #tpu.memory_space<vmem>>
    %dma_wait3A_299 = arith.constant 0 : i32
    %dma_wait3A_300 = tpu.memref_slice %arg3[%dma_wait3A_299] : memref<100000xf32, #tpu.memory_space<hbm>> -> memref<100000xf32, #tpu.memory_space<hbm>>
    tpu.wait_indirect_dma semaphore(%arg8 : memref<!tpu.dma_semaphore, #tpu.memory_space<semaphore_mem>>) src(%dma_wait3A_300 : memref<100000xf32, #tpu.memory_space<hbm>>) dst(%dma_wait3A_295 : memref<128xf32, #tpu.memory_space<vmem>>)
    %dma_wait3A_301 = arith.constant 4 : i32
    %dma_wait3A_302 = arith.constant 4 : i32
    %dma_wait3A_303 = arith.constant 0 : i32
    %dma_wait3A_304 = tpu.memref_slice %arg6[%dma_wait3A_302, %dma_wait3A_303] : memref<26x128xf32, #tpu.memory_space<vmem>> -> memref<1x128xf32, #tpu.memory_space<vmem>>
    %dma_wait3A_305 = tpu.memref_squeeze %dma_wait3A_304 : memref<1x128xf32, #tpu.memory_space<vmem>> -> memref<128xf32, #tpu.memory_space<vmem>>
    %dma_wait3A_306 = arith.constant 0 : i32
    %dma_wait3A_307 = tpu.memref_slice %arg5[%dma_wait3A_301, %dma_wait3A_306] : memref<26x128xi32, #tpu.memory_space<vmem>> -> memref<1x128xi32, #tpu.memory_space<vmem>>
    %dma_wait3A_308 = tpu.memref_squeeze %dma_wait3A_307 : memref<1x128xi32, #tpu.memory_space<vmem>> -> memref<128xi32, #tpu.memory_space<vmem>>
    %dma_wait3A_309 = arith.constant 0 : i32
    %dma_wait3A_310 = tpu.memref_slice %arg3[%dma_wait3A_309] : memref<100000xf32, #tpu.memory_space<hbm>> -> memref<100000xf32, #tpu.memory_space<hbm>>
    tpu.wait_indirect_dma semaphore(%arg8 : memref<!tpu.dma_semaphore, #tpu.memory_space<semaphore_mem>>) src(%dma_wait3A_310 : memref<100000xf32, #tpu.memory_space<hbm>>) dst(%dma_wait3A_305 : memref<128xf32, #tpu.memory_space<vmem>>)
    %dma_wait3A_311 = arith.constant 5 : i32
    %dma_wait3A_312 = arith.constant 5 : i32
    %dma_wait3A_313 = arith.constant 0 : i32
    %dma_wait3A_314 = tpu.memref_slice %arg6[%dma_wait3A_312, %dma_wait3A_313] : memref<26x128xf32, #tpu.memory_space<vmem>> -> memref<1x128xf32, #tpu.memory_space<vmem>>
    %dma_wait3A_315 = tpu.memref_squeeze %dma_wait3A_314 : memref<1x128xf32, #tpu.memory_space<vmem>> -> memref<128xf32, #tpu.memory_space<vmem>>
    %dma_wait3A_316 = arith.constant 0 : i32
    %dma_wait3A_317 = tpu.memref_slice %arg5[%dma_wait3A_311, %dma_wait3A_316] : memref<26x128xi32, #tpu.memory_space<vmem>> -> memref<1x128xi32, #tpu.memory_space<vmem>>
    %dma_wait3A_318 = tpu.memref_squeeze %dma_wait3A_317 : memref<1x128xi32, #tpu.memory_space<vmem>> -> memref<128xi32, #tpu.memory_space<vmem>>
    %dma_wait3A_319 = arith.constant 0 : i32
    %dma_wait3A_320 = tpu.memref_slice %arg3[%dma_wait3A_319] : memref<100000xf32, #tpu.memory_space<hbm>> -> memref<100000xf32, #tpu.memory_space<hbm>>
    tpu.wait_indirect_dma semaphore(%arg8 : memref<!tpu.dma_semaphore, #tpu.memory_space<semaphore_mem>>) src(%dma_wait3A_320 : memref<100000xf32, #tpu.memory_space<hbm>>) dst(%dma_wait3A_315 : memref<128xf32, #tpu.memory_space<vmem>>)
    %dma_wait3A_321 = arith.constant 6 : i32
    %dma_wait3A_322 = arith.constant 6 : i32
    %dma_wait3A_323 = arith.constant 0 : i32
    %dma_wait3A_324 = tpu.memref_slice %arg6[%dma_wait3A_322, %dma_wait3A_323] : memref<26x128xf32, #tpu.memory_space<vmem>> -> memref<1x128xf32, #tpu.memory_space<vmem>>
    %dma_wait3A_325 = tpu.memref_squeeze %dma_wait3A_324 : memref<1x128xf32, #tpu.memory_space<vmem>> -> memref<128xf32, #tpu.memory_space<vmem>>
    %dma_wait3A_326 = arith.constant 0 : i32
    %dma_wait3A_327 = tpu.memref_slice %arg5[%dma_wait3A_321, %dma_wait3A_326] : memref<26x128xi32, #tpu.memory_space<vmem>> -> memref<1x128xi32, #tpu.memory_space<vmem>>
    %dma_wait3A_328 = tpu.memref_squeeze %dma_wait3A_327 : memref<1x128xi32, #tpu.memory_space<vmem>> -> memref<128xi32, #tpu.memory_space<vmem>>
    %dma_wait3A_329 = arith.constant 0 : i32
    %dma_wait3A_330 = tpu.memref_slice %arg3[%dma_wait3A_329] : memref<100000xf32, #tpu.memory_space<hbm>> -> memref<100000xf32, #tpu.memory_space<hbm>>
    tpu.wait_indirect_dma semaphore(%arg8 : memref<!tpu.dma_semaphore, #tpu.memory_space<semaphore_mem>>) src(%dma_wait3A_330 : memref<100000xf32, #tpu.memory_space<hbm>>) dst(%dma_wait3A_325 : memref<128xf32, #tpu.memory_space<vmem>>)
    %dma_wait3A_331 = arith.constant 7 : i32
    %dma_wait3A_332 = arith.constant 7 : i32
    %dma_wait3A_333 = arith.constant 0 : i32
    %dma_wait3A_334 = tpu.memref_slice %arg6[%dma_wait3A_332, %dma_wait3A_333] : memref<26x128xf32, #tpu.memory_space<vmem>> -> memref<1x128xf32, #tpu.memory_space<vmem>>
    %dma_wait3A_335 = tpu.memref_squeeze %dma_wait3A_334 : memref<1x128xf32, #tpu.memory_space<vmem>> -> memref<128xf32, #tpu.memory_space<vmem>>
    %dma_wait3A_336 = arith.constant 0 : i32
    %dma_wait3A_337 = tpu.memref_slice %arg5[%dma_wait3A_331, %dma_wait3A_336] : memref<26x128xi32, #tpu.memory_space<vmem>> -> memref<1x128xi32, #tpu.memory_space<vmem>>
    %dma_wait3A_338 = tpu.memref_squeeze %dma_wait3A_337 : memref<1x128xi32, #tpu.memory_space<vmem>> -> memref<128xi32, #tpu.memory_space<vmem>>
    %dma_wait3A_339 = arith.constant 0 : i32
    %dma_wait3A_340 = tpu.memref_slice %arg3[%dma_wait3A_339] : memref<100000xf32, #tpu.memory_space<hbm>> -> memref<100000xf32, #tpu.memory_space<hbm>>
    tpu.wait_indirect_dma semaphore(%arg8 : memref<!tpu.dma_semaphore, #tpu.memory_space<semaphore_mem>>) src(%dma_wait3A_340 : memref<100000xf32, #tpu.memory_space<hbm>>) dst(%dma_wait3A_335 : memref<128xf32, #tpu.memory_space<vmem>>)
    %dma_wait3A_341 = arith.constant 8 : i32
    %dma_wait3A_342 = arith.constant 8 : i32
    %dma_wait3A_343 = arith.constant 0 : i32
    %dma_wait3A_344 = tpu.memref_slice %arg6[%dma_wait3A_342, %dma_wait3A_343] : memref<26x128xf32, #tpu.memory_space<vmem>> -> memref<1x128xf32, #tpu.memory_space<vmem>>
    %dma_wait3A_345 = tpu.memref_squeeze %dma_wait3A_344 : memref<1x128xf32, #tpu.memory_space<vmem>> -> memref<128xf32, #tpu.memory_space<vmem>>
    %dma_wait3A_346 = arith.constant 0 : i32
    %dma_wait3A_347 = tpu.memref_slice %arg5[%dma_wait3A_341, %dma_wait3A_346] : memref<26x128xi32, #tpu.memory_space<vmem>> -> memref<1x128xi32, #tpu.memory_space<vmem>>
    %dma_wait3A_348 = tpu.memref_squeeze %dma_wait3A_347 : memref<1x128xi32, #tpu.memory_space<vmem>> -> memref<128xi32, #tpu.memory_space<vmem>>
    %dma_wait3A_349 = arith.constant 0 : i32
    %dma_wait3A_350 = tpu.memref_slice %arg3[%dma_wait3A_349] : memref<100000xf32, #tpu.memory_space<hbm>> -> memref<100000xf32, #tpu.memory_space<hbm>>
    tpu.wait_indirect_dma semaphore(%arg8 : memref<!tpu.dma_semaphore, #tpu.memory_space<semaphore_mem>>) src(%dma_wait3A_350 : memref<100000xf32, #tpu.memory_space<hbm>>) dst(%dma_wait3A_345 : memref<128xf32, #tpu.memory_space<vmem>>)
    %dma_wait3A_351 = arith.constant 9 : i32
    %dma_wait3A_352 = arith.constant 9 : i32
    %dma_wait3A_353 = arith.constant 0 : i32
    %dma_wait3A_354 = tpu.memref_slice %arg6[%dma_wait3A_352, %dma_wait3A_353] : memref<26x128xf32, #tpu.memory_space<vmem>> -> memref<1x128xf32, #tpu.memory_space<vmem>>
    %dma_wait3A_355 = tpu.memref_squeeze %dma_wait3A_354 : memref<1x128xf32, #tpu.memory_space<vmem>> -> memref<128xf32, #tpu.memory_space<vmem>>
    %dma_wait3A_356 = arith.constant 0 : i32
    %dma_wait3A_357 = tpu.memref_slice %arg5[%dma_wait3A_351, %dma_wait3A_356] : memref<26x128xi32, #tpu.memory_space<vmem>> -> memref<1x128xi32, #tpu.memory_space<vmem>>
    %dma_wait3A_358 = tpu.memref_squeeze %dma_wait3A_357 : memref<1x128xi32, #tpu.memory_space<vmem>> -> memref<128xi32, #tpu.memory_space<vmem>>
    %dma_wait3A_359 = arith.constant 0 : i32
    %dma_wait3A_360 = tpu.memref_slice %arg3[%dma_wait3A_359] : memref<100000xf32, #tpu.memory_space<hbm>> -> memref<100000xf32, #tpu.memory_space<hbm>>
    tpu.wait_indirect_dma semaphore(%arg8 : memref<!tpu.dma_semaphore, #tpu.memory_space<semaphore_mem>>) src(%dma_wait3A_360 : memref<100000xf32, #tpu.memory_space<hbm>>) dst(%dma_wait3A_355 : memref<128xf32, #tpu.memory_space<vmem>>)
    %dma_wait3A_361 = arith.constant 10 : i32
    %dma_wait3A_362 = arith.constant 10 : i32
    %dma_wait3A_363 = arith.constant 0 : i32
    %dma_wait3A_364 = tpu.memref_slice %arg6[%dma_wait3A_362, %dma_wait3A_363] : memref<26x128xf32, #tpu.memory_space<vmem>> -> memref<1x128xf32, #tpu.memory_space<vmem>>
    %dma_wait3A_365 = tpu.memref_squeeze %dma_wait3A_364 : memref<1x128xf32, #tpu.memory_space<vmem>> -> memref<128xf32, #tpu.memory_space<vmem>>
    %dma_wait3A_366 = arith.constant 0 : i32
    %dma_wait3A_367 = tpu.memref_slice %arg5[%dma_wait3A_361, %dma_wait3A_366] : memref<26x128xi32, #tpu.memory_space<vmem>> -> memref<1x128xi32, #tpu.memory_space<vmem>>
    %dma_wait3A_368 = tpu.memref_squeeze %dma_wait3A_367 : memref<1x128xi32, #tpu.memory_space<vmem>> -> memref<128xi32, #tpu.memory_space<vmem>>
    %dma_wait3A_369 = arith.constant 0 : i32
    %dma_wait3A_370 = tpu.memref_slice %arg3[%dma_wait3A_369] : memref<100000xf32, #tpu.memory_space<hbm>> -> memref<100000xf32, #tpu.memory_space<hbm>>
    tpu.wait_indirect_dma semaphore(%arg8 : memref<!tpu.dma_semaphore, #tpu.memory_space<semaphore_mem>>) src(%dma_wait3A_370 : memref<100000xf32, #tpu.memory_space<hbm>>) dst(%dma_wait3A_365 : memref<128xf32, #tpu.memory_space<vmem>>)
    %dma_wait3A_371 = arith.constant 11 : i32
    %dma_wait3A_372 = arith.constant 11 : i32
    %dma_wait3A_373 = arith.constant 0 : i32
    %dma_wait3A_374 = tpu.memref_slice %arg6[%dma_wait3A_372, %dma_wait3A_373] : memref<26x128xf32, #tpu.memory_space<vmem>> -> memref<1x128xf32, #tpu.memory_space<vmem>>
    %dma_wait3A_375 = tpu.memref_squeeze %dma_wait3A_374 : memref<1x128xf32, #tpu.memory_space<vmem>> -> memref<128xf32, #tpu.memory_space<vmem>>
    %dma_wait3A_376 = arith.constant 0 : i32
    %dma_wait3A_377 = tpu.memref_slice %arg5[%dma_wait3A_371, %dma_wait3A_376] : memref<26x128xi32, #tpu.memory_space<vmem>> -> memref<1x128xi32, #tpu.memory_space<vmem>>
    %dma_wait3A_378 = tpu.memref_squeeze %dma_wait3A_377 : memref<1x128xi32, #tpu.memory_space<vmem>> -> memref<128xi32, #tpu.memory_space<vmem>>
    %dma_wait3A_379 = arith.constant 0 : i32
    %dma_wait3A_380 = tpu.memref_slice %arg3[%dma_wait3A_379] : memref<100000xf32, #tpu.memory_space<hbm>> -> memref<100000xf32, #tpu.memory_space<hbm>>
    tpu.wait_indirect_dma semaphore(%arg8 : memref<!tpu.dma_semaphore, #tpu.memory_space<semaphore_mem>>) src(%dma_wait3A_380 : memref<100000xf32, #tpu.memory_space<hbm>>) dst(%dma_wait3A_375 : memref<128xf32, #tpu.memory_space<vmem>>)
    %dma_wait3A_381 = arith.constant 12 : i32
    %dma_wait3A_382 = arith.constant 12 : i32
    %dma_wait3A_383 = arith.constant 0 : i32
    %dma_wait3A_384 = tpu.memref_slice %arg6[%dma_wait3A_382, %dma_wait3A_383] : memref<26x128xf32, #tpu.memory_space<vmem>> -> memref<1x128xf32, #tpu.memory_space<vmem>>
    %dma_wait3A_385 = tpu.memref_squeeze %dma_wait3A_384 : memref<1x128xf32, #tpu.memory_space<vmem>> -> memref<128xf32, #tpu.memory_space<vmem>>
    %dma_wait3A_386 = arith.constant 0 : i32
    %dma_wait3A_387 = tpu.memref_slice %arg5[%dma_wait3A_381, %dma_wait3A_386] : memref<26x128xi32, #tpu.memory_space<vmem>> -> memref<1x128xi32, #tpu.memory_space<vmem>>
    %dma_wait3A_388 = tpu.memref_squeeze %dma_wait3A_387 : memref<1x128xi32, #tpu.memory_space<vmem>> -> memref<128xi32, #tpu.memory_space<vmem>>
    %dma_wait3A_389 = arith.constant 0 : i32
    %dma_wait3A_390 = tpu.memref_slice %arg3[%dma_wait3A_389] : memref<100000xf32, #tpu.memory_space<hbm>> -> memref<100000xf32, #tpu.memory_space<hbm>>
    tpu.wait_indirect_dma semaphore(%arg8 : memref<!tpu.dma_semaphore, #tpu.memory_space<semaphore_mem>>) src(%dma_wait3A_390 : memref<100000xf32, #tpu.memory_space<hbm>>) dst(%dma_wait3A_385 : memref<128xf32, #tpu.memory_space<vmem>>)
    %dma_wait3A_391 = arith.constant 13 : i32
    %dma_wait3A_392 = arith.constant 13 : i32
    %dma_wait3A_393 = arith.constant 0 : i32
    %dma_wait3A_394 = tpu.memref_slice %arg6[%dma_wait3A_392, %dma_wait3A_393] : memref<26x128xf32, #tpu.memory_space<vmem>> -> memref<1x128xf32, #tpu.memory_space<vmem>>
    %dma_wait3A_395 = tpu.memref_squeeze %dma_wait3A_394 : memref<1x128xf32, #tpu.memory_space<vmem>> -> memref<128xf32, #tpu.memory_space<vmem>>
    %dma_wait3A_396 = arith.constant 0 : i32
    %dma_wait3A_397 = tpu.memref_slice %arg5[%dma_wait3A_391, %dma_wait3A_396] : memref<26x128xi32, #tpu.memory_space<vmem>> -> memref<1x128xi32, #tpu.memory_space<vmem>>
    %dma_wait3A_398 = tpu.memref_squeeze %dma_wait3A_397 : memref<1x128xi32, #tpu.memory_space<vmem>> -> memref<128xi32, #tpu.memory_space<vmem>>
    %dma_wait3A_399 = arith.constant 0 : i32
    %dma_wait3A_400 = tpu.memref_slice %arg3[%dma_wait3A_399] : memref<100000xf32, #tpu.memory_space<hbm>> -> memref<100000xf32, #tpu.memory_space<hbm>>
    tpu.wait_indirect_dma semaphore(%arg8 : memref<!tpu.dma_semaphore, #tpu.memory_space<semaphore_mem>>) src(%dma_wait3A_400 : memref<100000xf32, #tpu.memory_space<hbm>>) dst(%dma_wait3A_395 : memref<128xf32, #tpu.memory_space<vmem>>)
    %dma_wait3A_401 = arith.constant 14 : i32
    %dma_wait3A_402 = arith.constant 14 : i32
    %dma_wait3A_403 = arith.constant 0 : i32
    %dma_wait3A_404 = tpu.memref_slice %arg6[%dma_wait3A_402, %dma_wait3A_403] : memref<26x128xf32, #tpu.memory_space<vmem>> -> memref<1x128xf32, #tpu.memory_space<vmem>>
    %dma_wait3A_405 = tpu.memref_squeeze %dma_wait3A_404 : memref<1x128xf32, #tpu.memory_space<vmem>> -> memref<128xf32, #tpu.memory_space<vmem>>
    %dma_wait3A_406 = arith.constant 0 : i32
    %dma_wait3A_407 = tpu.memref_slice %arg5[%dma_wait3A_401, %dma_wait3A_406] : memref<26x128xi32, #tpu.memory_space<vmem>> -> memref<1x128xi32, #tpu.memory_space<vmem>>
    %dma_wait3A_408 = tpu.memref_squeeze %dma_wait3A_407 : memref<1x128xi32, #tpu.memory_space<vmem>> -> memref<128xi32, #tpu.memory_space<vmem>>
    %dma_wait3A_409 = arith.constant 0 : i32
    %dma_wait3A_410 = tpu.memref_slice %arg3[%dma_wait3A_409] : memref<100000xf32, #tpu.memory_space<hbm>> -> memref<100000xf32, #tpu.memory_space<hbm>>
    tpu.wait_indirect_dma semaphore(%arg8 : memref<!tpu.dma_semaphore, #tpu.memory_space<semaphore_mem>>) src(%dma_wait3A_410 : memref<100000xf32, #tpu.memory_space<hbm>>) dst(%dma_wait3A_405 : memref<128xf32, #tpu.memory_space<vmem>>)
    %dma_wait3A_411 = arith.constant 15 : i32
    %dma_wait3A_412 = arith.constant 15 : i32
    %dma_wait3A_413 = arith.constant 0 : i32
    %dma_wait3A_414 = tpu.memref_slice %arg6[%dma_wait3A_412, %dma_wait3A_413] : memref<26x128xf32, #tpu.memory_space<vmem>> -> memref<1x128xf32, #tpu.memory_space<vmem>>
    %dma_wait3A_415 = tpu.memref_squeeze %dma_wait3A_414 : memref<1x128xf32, #tpu.memory_space<vmem>> -> memref<128xf32, #tpu.memory_space<vmem>>
    %dma_wait3A_416 = arith.constant 0 : i32
    %dma_wait3A_417 = tpu.memref_slice %arg5[%dma_wait3A_411, %dma_wait3A_416] : memref<26x128xi32, #tpu.memory_space<vmem>> -> memref<1x128xi32, #tpu.memory_space<vmem>>
    %dma_wait3A_418 = tpu.memref_squeeze %dma_wait3A_417 : memref<1x128xi32, #tpu.memory_space<vmem>> -> memref<128xi32, #tpu.memory_space<vmem>>
    %dma_wait3A_419 = arith.constant 0 : i32
    %dma_wait3A_420 = tpu.memref_slice %arg3[%dma_wait3A_419] : memref<100000xf32, #tpu.memory_space<hbm>> -> memref<100000xf32, #tpu.memory_space<hbm>>
    tpu.wait_indirect_dma semaphore(%arg8 : memref<!tpu.dma_semaphore, #tpu.memory_space<semaphore_mem>>) src(%dma_wait3A_420 : memref<100000xf32, #tpu.memory_space<hbm>>) dst(%dma_wait3A_415 : memref<128xf32, #tpu.memory_space<vmem>>)
    %dma_wait3A_421 = arith.constant 16 : i32
    %dma_wait3A_422 = arith.constant 16 : i32
    %dma_wait3A_423 = arith.constant 0 : i32
    %dma_wait3A_424 = tpu.memref_slice %arg6[%dma_wait3A_422, %dma_wait3A_423] : memref<26x128xf32, #tpu.memory_space<vmem>> -> memref<1x128xf32, #tpu.memory_space<vmem>>
    %dma_wait3A_425 = tpu.memref_squeeze %dma_wait3A_424 : memref<1x128xf32, #tpu.memory_space<vmem>> -> memref<128xf32, #tpu.memory_space<vmem>>
    %dma_wait3A_426 = arith.constant 0 : i32
    %dma_wait3A_427 = tpu.memref_slice %arg5[%dma_wait3A_421, %dma_wait3A_426] : memref<26x128xi32, #tpu.memory_space<vmem>> -> memref<1x128xi32, #tpu.memory_space<vmem>>
    %dma_wait3A_428 = tpu.memref_squeeze %dma_wait3A_427 : memref<1x128xi32, #tpu.memory_space<vmem>> -> memref<128xi32, #tpu.memory_space<vmem>>
    %dma_wait3A_429 = arith.constant 0 : i32
    %dma_wait3A_430 = tpu.memref_slice %arg3[%dma_wait3A_429] : memref<100000xf32, #tpu.memory_space<hbm>> -> memref<100000xf32, #tpu.memory_space<hbm>>
    tpu.wait_indirect_dma semaphore(%arg8 : memref<!tpu.dma_semaphore, #tpu.memory_space<semaphore_mem>>) src(%dma_wait3A_430 : memref<100000xf32, #tpu.memory_space<hbm>>) dst(%dma_wait3A_425 : memref<128xf32, #tpu.memory_space<vmem>>)
    %dma_wait3A_431 = arith.constant 17 : i32
    %dma_wait3A_432 = arith.constant 17 : i32
    %dma_wait3A_433 = arith.constant 0 : i32
    %dma_wait3A_434 = tpu.memref_slice %arg6[%dma_wait3A_432, %dma_wait3A_433] : memref<26x128xf32, #tpu.memory_space<vmem>> -> memref<1x128xf32, #tpu.memory_space<vmem>>
    %dma_wait3A_435 = tpu.memref_squeeze %dma_wait3A_434 : memref<1x128xf32, #tpu.memory_space<vmem>> -> memref<128xf32, #tpu.memory_space<vmem>>
    %dma_wait3A_436 = arith.constant 0 : i32
    %dma_wait3A_437 = tpu.memref_slice %arg5[%dma_wait3A_431, %dma_wait3A_436] : memref<26x128xi32, #tpu.memory_space<vmem>> -> memref<1x128xi32, #tpu.memory_space<vmem>>
    %dma_wait3A_438 = tpu.memref_squeeze %dma_wait3A_437 : memref<1x128xi32, #tpu.memory_space<vmem>> -> memref<128xi32, #tpu.memory_space<vmem>>
    %dma_wait3A_439 = arith.constant 0 : i32
    %dma_wait3A_440 = tpu.memref_slice %arg3[%dma_wait3A_439] : memref<100000xf32, #tpu.memory_space<hbm>> -> memref<100000xf32, #tpu.memory_space<hbm>>
    tpu.wait_indirect_dma semaphore(%arg8 : memref<!tpu.dma_semaphore, #tpu.memory_space<semaphore_mem>>) src(%dma_wait3A_440 : memref<100000xf32, #tpu.memory_space<hbm>>) dst(%dma_wait3A_435 : memref<128xf32, #tpu.memory_space<vmem>>)
    %dma_wait3A_441 = arith.constant 18 : i32
    %dma_wait3A_442 = arith.constant 18 : i32
    %dma_wait3A_443 = arith.constant 0 : i32
    %dma_wait3A_444 = tpu.memref_slice %arg6[%dma_wait3A_442, %dma_wait3A_443] : memref<26x128xf32, #tpu.memory_space<vmem>> -> memref<1x128xf32, #tpu.memory_space<vmem>>
    %dma_wait3A_445 = tpu.memref_squeeze %dma_wait3A_444 : memref<1x128xf32, #tpu.memory_space<vmem>> -> memref<128xf32, #tpu.memory_space<vmem>>
    %dma_wait3A_446 = arith.constant 0 : i32
    %dma_wait3A_447 = tpu.memref_slice %arg5[%dma_wait3A_441, %dma_wait3A_446] : memref<26x128xi32, #tpu.memory_space<vmem>> -> memref<1x128xi32, #tpu.memory_space<vmem>>
    %dma_wait3A_448 = tpu.memref_squeeze %dma_wait3A_447 : memref<1x128xi32, #tpu.memory_space<vmem>> -> memref<128xi32, #tpu.memory_space<vmem>>
    %dma_wait3A_449 = arith.constant 0 : i32
    %dma_wait3A_450 = tpu.memref_slice %arg3[%dma_wait3A_449] : memref<100000xf32, #tpu.memory_space<hbm>> -> memref<100000xf32, #tpu.memory_space<hbm>>
    tpu.wait_indirect_dma semaphore(%arg8 : memref<!tpu.dma_semaphore, #tpu.memory_space<semaphore_mem>>) src(%dma_wait3A_450 : memref<100000xf32, #tpu.memory_space<hbm>>) dst(%dma_wait3A_445 : memref<128xf32, #tpu.memory_space<vmem>>)
    %dma_wait3A_451 = arith.constant 19 : i32
    %dma_wait3A_452 = arith.constant 19 : i32
    %dma_wait3A_453 = arith.constant 0 : i32
    %dma_wait3A_454 = tpu.memref_slice %arg6[%dma_wait3A_452, %dma_wait3A_453] : memref<26x128xf32, #tpu.memory_space<vmem>> -> memref<1x128xf32, #tpu.memory_space<vmem>>
    %dma_wait3A_455 = tpu.memref_squeeze %dma_wait3A_454 : memref<1x128xf32, #tpu.memory_space<vmem>> -> memref<128xf32, #tpu.memory_space<vmem>>
    %dma_wait3A_456 = arith.constant 0 : i32
    %dma_wait3A_457 = tpu.memref_slice %arg5[%dma_wait3A_451, %dma_wait3A_456] : memref<26x128xi32, #tpu.memory_space<vmem>> -> memref<1x128xi32, #tpu.memory_space<vmem>>
    %dma_wait3A_458 = tpu.memref_squeeze %dma_wait3A_457 : memref<1x128xi32, #tpu.memory_space<vmem>> -> memref<128xi32, #tpu.memory_space<vmem>>
    %dma_wait3A_459 = arith.constant 0 : i32
    %dma_wait3A_460 = tpu.memref_slice %arg3[%dma_wait3A_459] : memref<100000xf32, #tpu.memory_space<hbm>> -> memref<100000xf32, #tpu.memory_space<hbm>>
    tpu.wait_indirect_dma semaphore(%arg8 : memref<!tpu.dma_semaphore, #tpu.memory_space<semaphore_mem>>) src(%dma_wait3A_460 : memref<100000xf32, #tpu.memory_space<hbm>>) dst(%dma_wait3A_455 : memref<128xf32, #tpu.memory_space<vmem>>)
    %dma_wait3A_461 = arith.constant 20 : i32
    %dma_wait3A_462 = arith.constant 20 : i32
    %dma_wait3A_463 = arith.constant 0 : i32
    %dma_wait3A_464 = tpu.memref_slice %arg6[%dma_wait3A_462, %dma_wait3A_463] : memref<26x128xf32, #tpu.memory_space<vmem>> -> memref<1x128xf32, #tpu.memory_space<vmem>>
    %dma_wait3A_465 = tpu.memref_squeeze %dma_wait3A_464 : memref<1x128xf32, #tpu.memory_space<vmem>> -> memref<128xf32, #tpu.memory_space<vmem>>
    %dma_wait3A_466 = arith.constant 0 : i32
    %dma_wait3A_467 = tpu.memref_slice %arg5[%dma_wait3A_461, %dma_wait3A_466] : memref<26x128xi32, #tpu.memory_space<vmem>> -> memref<1x128xi32, #tpu.memory_space<vmem>>
    %dma_wait3A_468 = tpu.memref_squeeze %dma_wait3A_467 : memref<1x128xi32, #tpu.memory_space<vmem>> -> memref<128xi32, #tpu.memory_space<vmem>>
    %dma_wait3A_469 = arith.constant 0 : i32
    %dma_wait3A_470 = tpu.memref_slice %arg3[%dma_wait3A_469] : memref<100000xf32, #tpu.memory_space<hbm>> -> memref<100000xf32, #tpu.memory_space<hbm>>
    tpu.wait_indirect_dma semaphore(%arg8 : memref<!tpu.dma_semaphore, #tpu.memory_space<semaphore_mem>>) src(%dma_wait3A_470 : memref<100000xf32, #tpu.memory_space<hbm>>) dst(%dma_wait3A_465 : memref<128xf32, #tpu.memory_space<vmem>>)
    %dma_wait3A_471 = arith.constant 21 : i32
    %dma_wait3A_472 = arith.constant 21 : i32
    %dma_wait3A_473 = arith.constant 0 : i32
    %dma_wait3A_474 = tpu.memref_slice %arg6[%dma_wait3A_472, %dma_wait3A_473] : memref<26x128xf32, #tpu.memory_space<vmem>> -> memref<1x128xf32, #tpu.memory_space<vmem>>
    %dma_wait3A_475 = tpu.memref_squeeze %dma_wait3A_474 : memref<1x128xf32, #tpu.memory_space<vmem>> -> memref<128xf32, #tpu.memory_space<vmem>>
    %dma_wait3A_476 = arith.constant 0 : i32
    %dma_wait3A_477 = tpu.memref_slice %arg5[%dma_wait3A_471, %dma_wait3A_476] : memref<26x128xi32, #tpu.memory_space<vmem>> -> memref<1x128xi32, #tpu.memory_space<vmem>>
    %dma_wait3A_478 = tpu.memref_squeeze %dma_wait3A_477 : memref<1x128xi32, #tpu.memory_space<vmem>> -> memref<128xi32, #tpu.memory_space<vmem>>
    %dma_wait3A_479 = arith.constant 0 : i32
    %dma_wait3A_480 = tpu.memref_slice %arg3[%dma_wait3A_479] : memref<100000xf32, #tpu.memory_space<hbm>> -> memref<100000xf32, #tpu.memory_space<hbm>>
    tpu.wait_indirect_dma semaphore(%arg8 : memref<!tpu.dma_semaphore, #tpu.memory_space<semaphore_mem>>) src(%dma_wait3A_480 : memref<100000xf32, #tpu.memory_space<hbm>>) dst(%dma_wait3A_475 : memref<128xf32, #tpu.memory_space<vmem>>)
    %dma_wait3A_481 = arith.constant 22 : i32
    %dma_wait3A_482 = arith.constant 22 : i32
    %dma_wait3A_483 = arith.constant 0 : i32
    %dma_wait3A_484 = tpu.memref_slice %arg6[%dma_wait3A_482, %dma_wait3A_483] : memref<26x128xf32, #tpu.memory_space<vmem>> -> memref<1x128xf32, #tpu.memory_space<vmem>>
    %dma_wait3A_485 = tpu.memref_squeeze %dma_wait3A_484 : memref<1x128xf32, #tpu.memory_space<vmem>> -> memref<128xf32, #tpu.memory_space<vmem>>
    %dma_wait3A_486 = arith.constant 0 : i32
    %dma_wait3A_487 = tpu.memref_slice %arg5[%dma_wait3A_481, %dma_wait3A_486] : memref<26x128xi32, #tpu.memory_space<vmem>> -> memref<1x128xi32, #tpu.memory_space<vmem>>
    %dma_wait3A_488 = tpu.memref_squeeze %dma_wait3A_487 : memref<1x128xi32, #tpu.memory_space<vmem>> -> memref<128xi32, #tpu.memory_space<vmem>>
    %dma_wait3A_489 = arith.constant 0 : i32
    %dma_wait3A_490 = tpu.memref_slice %arg3[%dma_wait3A_489] : memref<100000xf32, #tpu.memory_space<hbm>> -> memref<100000xf32, #tpu.memory_space<hbm>>
    tpu.wait_indirect_dma semaphore(%arg8 : memref<!tpu.dma_semaphore, #tpu.memory_space<semaphore_mem>>) src(%dma_wait3A_490 : memref<100000xf32, #tpu.memory_space<hbm>>) dst(%dma_wait3A_485 : memref<128xf32, #tpu.memory_space<vmem>>)
    %dma_wait3A_491 = arith.constant 23 : i32
    %dma_wait3A_492 = arith.constant 23 : i32
    %dma_wait3A_493 = arith.constant 0 : i32
    %dma_wait3A_494 = tpu.memref_slice %arg6[%dma_wait3A_492, %dma_wait3A_493] : memref<26x128xf32, #tpu.memory_space<vmem>> -> memref<1x128xf32, #tpu.memory_space<vmem>>
    %dma_wait3A_495 = tpu.memref_squeeze %dma_wait3A_494 : memref<1x128xf32, #tpu.memory_space<vmem>> -> memref<128xf32, #tpu.memory_space<vmem>>
    %dma_wait3A_496 = arith.constant 0 : i32
    %dma_wait3A_497 = tpu.memref_slice %arg5[%dma_wait3A_491, %dma_wait3A_496] : memref<26x128xi32, #tpu.memory_space<vmem>> -> memref<1x128xi32, #tpu.memory_space<vmem>>
    %dma_wait3A_498 = tpu.memref_squeeze %dma_wait3A_497 : memref<1x128xi32, #tpu.memory_space<vmem>> -> memref<128xi32, #tpu.memory_space<vmem>>
    %dma_wait3A_499 = arith.constant 0 : i32
    %dma_wait3A_500 = tpu.memref_slice %arg3[%dma_wait3A_499] : memref<100000xf32, #tpu.memory_space<hbm>> -> memref<100000xf32, #tpu.memory_space<hbm>>
    tpu.wait_indirect_dma semaphore(%arg8 : memref<!tpu.dma_semaphore, #tpu.memory_space<semaphore_mem>>) src(%dma_wait3A_500 : memref<100000xf32, #tpu.memory_space<hbm>>) dst(%dma_wait3A_495 : memref<128xf32, #tpu.memory_space<vmem>>)
    %dma_wait3A_501 = arith.constant 24 : i32
    %dma_wait3A_502 = arith.constant 24 : i32
    %dma_wait3A_503 = arith.constant 0 : i32
    %dma_wait3A_504 = tpu.memref_slice %arg6[%dma_wait3A_502, %dma_wait3A_503] : memref<26x128xf32, #tpu.memory_space<vmem>> -> memref<1x128xf32, #tpu.memory_space<vmem>>
    %dma_wait3A_505 = tpu.memref_squeeze %dma_wait3A_504 : memref<1x128xf32, #tpu.memory_space<vmem>> -> memref<128xf32, #tpu.memory_space<vmem>>
    %dma_wait3A_506 = arith.constant 0 : i32
    %dma_wait3A_507 = tpu.memref_slice %arg5[%dma_wait3A_501, %dma_wait3A_506] : memref<26x128xi32, #tpu.memory_space<vmem>> -> memref<1x128xi32, #tpu.memory_space<vmem>>
    %dma_wait3A_508 = tpu.memref_squeeze %dma_wait3A_507 : memref<1x128xi32, #tpu.memory_space<vmem>> -> memref<128xi32, #tpu.memory_space<vmem>>
    %dma_wait3A_509 = arith.constant 0 : i32
    %dma_wait3A_510 = tpu.memref_slice %arg3[%dma_wait3A_509] : memref<100000xf32, #tpu.memory_space<hbm>> -> memref<100000xf32, #tpu.memory_space<hbm>>
    tpu.wait_indirect_dma semaphore(%arg8 : memref<!tpu.dma_semaphore, #tpu.memory_space<semaphore_mem>>) src(%dma_wait3A_510 : memref<100000xf32, #tpu.memory_space<hbm>>) dst(%dma_wait3A_505 : memref<128xf32, #tpu.memory_space<vmem>>)
    %dma_wait3A_511 = arith.constant 25 : i32
    %dma_wait3A_512 = arith.constant 25 : i32
    %dma_wait3A_513 = arith.constant 0 : i32
    %dma_wait3A_514 = tpu.memref_slice %arg6[%dma_wait3A_512, %dma_wait3A_513] : memref<26x128xf32, #tpu.memory_space<vmem>> -> memref<1x128xf32, #tpu.memory_space<vmem>>
    %dma_wait3A_515 = tpu.memref_squeeze %dma_wait3A_514 : memref<1x128xf32, #tpu.memory_space<vmem>> -> memref<128xf32, #tpu.memory_space<vmem>>
    %dma_wait3A_516 = arith.constant 0 : i32
    %dma_wait3A_517 = tpu.memref_slice %arg5[%dma_wait3A_511, %dma_wait3A_516] : memref<26x128xi32, #tpu.memory_space<vmem>> -> memref<1x128xi32, #tpu.memory_space<vmem>>
    %dma_wait3A_518 = tpu.memref_squeeze %dma_wait3A_517 : memref<1x128xi32, #tpu.memory_space<vmem>> -> memref<128xi32, #tpu.memory_space<vmem>>
    %dma_wait3A_519 = arith.constant 0 : i32
    %dma_wait3A_520 = tpu.memref_slice %arg3[%dma_wait3A_519] : memref<100000xf32, #tpu.memory_space<hbm>> -> memref<100000xf32, #tpu.memory_space<hbm>>
    tpu.wait_indirect_dma semaphore(%arg8 : memref<!tpu.dma_semaphore, #tpu.memory_space<semaphore_mem>>) src(%dma_wait3A_520 : memref<100000xf32, #tpu.memory_space<hbm>>) dst(%dma_wait3A_515 : memref<128xf32, #tpu.memory_space<vmem>>)
    %get3A = arith.constant 0 : i32
    %get3A_521 = arith.index_cast %get3A : i32 to index
    %get3A_522 = arith.constant 0 : index
    %get3A_523 = tpu.vector_load %arg6[%get3A_521, %get3A_522] {strides = array<i32>} : memref<26x128xf32, #tpu.memory_space<vmem>>, vector<1x16xf32>,
    %get3A_524 = vector.shape_cast %get3A_523 : vector<1x16xf32> to vector<16xf32>
    %get3A_525 = arith.constant 1 : i32
    %get3A_526 = arith.index_cast %get3A_525 : i32 to index
    %get3A_527 = arith.constant 0 : index
    %get3A_528 = tpu.vector_load %arg6[%get3A_526, %get3A_527] {strides = array<i32>} : memref<26x128xf32, #tpu.memory_space<vmem>>, vector<1x16xf32>,
    %get3A_529 = vector.shape_cast %get3A_528 : vector<1x16xf32> to vector<16xf32>
    %add3A_530 = arith.addf %get3A_524, %get3A_529 : vector<16xf32>
    %get3A_531 = arith.constant 2 : i32
    %get3A_532 = arith.index_cast %get3A_531 : i32 to index
    %get3A_533 = arith.constant 0 : index
    %get3A_534 = tpu.vector_load %arg6[%get3A_532, %get3A_533] {strides = array<i32>} : memref<26x128xf32, #tpu.memory_space<vmem>>, vector<1x16xf32>,
    %get3A_535 = vector.shape_cast %get3A_534 : vector<1x16xf32> to vector<16xf32>
    %add3A_536 = arith.addf %add3A_530, %get3A_535 : vector<16xf32>
    %get3A_537 = arith.constant 3 : i32
    %get3A_538 = arith.index_cast %get3A_537 : i32 to index
    %get3A_539 = arith.constant 0 : index
    %get3A_540 = tpu.vector_load %arg6[%get3A_538, %get3A_539] {strides = array<i32>} : memref<26x128xf32, #tpu.memory_space<vmem>>, vector<1x16xf32>,
    %get3A_541 = vector.shape_cast %get3A_540 : vector<1x16xf32> to vector<16xf32>
    %add3A_542 = arith.addf %add3A_536, %get3A_541 : vector<16xf32>
    %get3A_543 = arith.constant 4 : i32
    %get3A_544 = arith.index_cast %get3A_543 : i32 to index
    %get3A_545 = arith.constant 0 : index
    %get3A_546 = tpu.vector_load %arg6[%get3A_544, %get3A_545] {strides = array<i32>} : memref<26x128xf32, #tpu.memory_space<vmem>>, vector<1x16xf32>,
    %get3A_547 = vector.shape_cast %get3A_546 : vector<1x16xf32> to vector<16xf32>
    %add3A_548 = arith.addf %add3A_542, %get3A_547 : vector<16xf32>
    %get3A_549 = arith.constant 5 : i32
    %get3A_550 = arith.index_cast %get3A_549 : i32 to index
    %get3A_551 = arith.constant 0 : index
    %get3A_552 = tpu.vector_load %arg6[%get3A_550, %get3A_551] {strides = array<i32>} : memref<26x128xf32, #tpu.memory_space<vmem>>, vector<1x16xf32>,
    %get3A_553 = vector.shape_cast %get3A_552 : vector<1x16xf32> to vector<16xf32>
    %add3A_554 = arith.addf %add3A_548, %get3A_553 : vector<16xf32>
    %get3A_555 = arith.constant 6 : i32
    %get3A_556 = arith.index_cast %get3A_555 : i32 to index
    %get3A_557 = arith.constant 0 : index
    %get3A_558 = tpu.vector_load %arg6[%get3A_556, %get3A_557] {strides = array<i32>} : memref<26x128xf32, #tpu.memory_space<vmem>>, vector<1x16xf32>,
    %get3A_559 = vector.shape_cast %get3A_558 : vector<1x16xf32> to vector<16xf32>
    %add3A_560 = arith.addf %add3A_554, %get3A_559 : vector<16xf32>
    %get3A_561 = arith.constant 7 : i32
    %get3A_562 = arith.index_cast %get3A_561 : i32 to index
    %get3A_563 = arith.constant 0 : index
    %get3A_564 = tpu.vector_load %arg6[%get3A_562, %get3A_563] {strides = array<i32>} : memref<26x128xf32, #tpu.memory_space<vmem>>, vector<1x16xf32>,
    %get3A_565 = vector.shape_cast %get3A_564 : vector<1x16xf32> to vector<16xf32>
    %add3A_566 = arith.addf %add3A_560, %get3A_565 : vector<16xf32>
    %get3A_567 = arith.constant 8 : i32
    %get3A_568 = arith.index_cast %get3A_567 : i32 to index
    %get3A_569 = arith.constant 0 : index
    %get3A_570 = tpu.vector_load %arg6[%get3A_568, %get3A_569] {strides = array<i32>} : memref<26x128xf32, #tpu.memory_space<vmem>>, vector<1x16xf32>,
    %get3A_571 = vector.shape_cast %get3A_570 : vector<1x16xf32> to vector<16xf32>
    %add3A_572 = arith.addf %add3A_566, %get3A_571 : vector<16xf32>
    %get3A_573 = arith.constant 9 : i32
    %get3A_574 = arith.index_cast %get3A_573 : i32 to index
    %get3A_575 = arith.constant 0 : index
    %get3A_576 = tpu.vector_load %arg6[%get3A_574, %get3A_575] {strides = array<i32>} : memref<26x128xf32, #tpu.memory_space<vmem>>, vector<1x16xf32>,
    %get3A_577 = vector.shape_cast %get3A_576 : vector<1x16xf32> to vector<16xf32>
    %add3A_578 = arith.addf %add3A_572, %get3A_577 : vector<16xf32>
    %get3A_579 = arith.constant 10 : i32
    %get3A_580 = arith.index_cast %get3A_579 : i32 to index
    %get3A_581 = arith.constant 0 : index
    %get3A_582 = tpu.vector_load %arg6[%get3A_580, %get3A_581] {strides = array<i32>} : memref<26x128xf32, #tpu.memory_space<vmem>>, vector<1x16xf32>,
    %get3A_583 = vector.shape_cast %get3A_582 : vector<1x16xf32> to vector<16xf32>
    %add3A_584 = arith.addf %add3A_578, %get3A_583 : vector<16xf32>
    %get3A_585 = arith.constant 11 : i32
    %get3A_586 = arith.index_cast %get3A_585 : i32 to index
    %get3A_587 = arith.constant 0 : index
    %get3A_588 = tpu.vector_load %arg6[%get3A_586, %get3A_587] {strides = array<i32>} : memref<26x128xf32, #tpu.memory_space<vmem>>, vector<1x16xf32>,
    %get3A_589 = vector.shape_cast %get3A_588 : vector<1x16xf32> to vector<16xf32>
    %add3A_590 = arith.addf %add3A_584, %get3A_589 : vector<16xf32>
    %get3A_591 = arith.constant 12 : i32
    %get3A_592 = arith.index_cast %get3A_591 : i32 to index
    %get3A_593 = arith.constant 0 : index
    %get3A_594 = tpu.vector_load %arg6[%get3A_592, %get3A_593] {strides = array<i32>} : memref<26x128xf32, #tpu.memory_space<vmem>>, vector<1x16xf32>,
    %get3A_595 = vector.shape_cast %get3A_594 : vector<1x16xf32> to vector<16xf32>
    %add3A_596 = arith.addf %add3A_590, %get3A_595 : vector<16xf32>
    %get3A_597 = arith.constant 13 : i32
    %get3A_598 = arith.index_cast %get3A_597 : i32 to index
    %get3A_599 = arith.constant 0 : index
    %get3A_600 = tpu.vector_load %arg6[%get3A_598, %get3A_599] {strides = array<i32>} : memref<26x128xf32, #tpu.memory_space<vmem>>, vector<1x16xf32>,
    %get3A_601 = vector.shape_cast %get3A_600 : vector<1x16xf32> to vector<16xf32>
    %add3A_602 = arith.addf %add3A_596, %get3A_601 : vector<16xf32>
    %get3A_603 = arith.constant 14 : i32
    %get3A_604 = arith.index_cast %get3A_603 : i32 to index
    %get3A_605 = arith.constant 0 : index
    %get3A_606 = tpu.vector_load %arg6[%get3A_604, %get3A_605] {strides = array<i32>} : memref<26x128xf32, #tpu.memory_space<vmem>>, vector<1x16xf32>,
    %get3A_607 = vector.shape_cast %get3A_606 : vector<1x16xf32> to vector<16xf32>
    %add3A_608 = arith.addf %add3A_602, %get3A_607 : vector<16xf32>
    %get3A_609 = arith.constant 15 : i32
    %get3A_610 = arith.index_cast %get3A_609 : i32 to index
    %get3A_611 = arith.constant 0 : index
    %get3A_612 = tpu.vector_load %arg6[%get3A_610, %get3A_611] {strides = array<i32>} : memref<26x128xf32, #tpu.memory_space<vmem>>, vector<1x16xf32>,
    %get3A_613 = vector.shape_cast %get3A_612 : vector<1x16xf32> to vector<16xf32>
    %add3A_614 = arith.addf %add3A_608, %get3A_613 : vector<16xf32>
    %get3A_615 = arith.constant 16 : i32
    %get3A_616 = arith.index_cast %get3A_615 : i32 to index
    %get3A_617 = arith.constant 0 : index
    %get3A_618 = tpu.vector_load %arg6[%get3A_616, %get3A_617] {strides = array<i32>} : memref<26x128xf32, #tpu.memory_space<vmem>>, vector<1x16xf32>,
    %get3A_619 = vector.shape_cast %get3A_618 : vector<1x16xf32> to vector<16xf32>
    %add3A_620 = arith.addf %add3A_614, %get3A_619 : vector<16xf32>
    %get3A_621 = arith.constant 17 : i32
    %get3A_622 = arith.index_cast %get3A_621 : i32 to index
    %get3A_623 = arith.constant 0 : index
    %get3A_624 = tpu.vector_load %arg6[%get3A_622, %get3A_623] {strides = array<i32>} : memref<26x128xf32, #tpu.memory_space<vmem>>, vector<1x16xf32>,
    %get3A_625 = vector.shape_cast %get3A_624 : vector<1x16xf32> to vector<16xf32>
    %add3A_626 = arith.addf %add3A_620, %get3A_625 : vector<16xf32>
    %get3A_627 = arith.constant 18 : i32
    %get3A_628 = arith.index_cast %get3A_627 : i32 to index
    %get3A_629 = arith.constant 0 : index
    %get3A_630 = tpu.vector_load %arg6[%get3A_628, %get3A_629] {strides = array<i32>} : memref<26x128xf32, #tpu.memory_space<vmem>>, vector<1x16xf32>,
    %get3A_631 = vector.shape_cast %get3A_630 : vector<1x16xf32> to vector<16xf32>
    %add3A_632 = arith.addf %add3A_626, %get3A_631 : vector<16xf32>
    %get3A_633 = arith.constant 19 : i32
    %get3A_634 = arith.index_cast %get3A_633 : i32 to index
    %get3A_635 = arith.constant 0 : index
    %get3A_636 = tpu.vector_load %arg6[%get3A_634, %get3A_635] {strides = array<i32>} : memref<26x128xf32, #tpu.memory_space<vmem>>, vector<1x16xf32>,
    %get3A_637 = vector.shape_cast %get3A_636 : vector<1x16xf32> to vector<16xf32>
    %add3A_638 = arith.addf %add3A_632, %get3A_637 : vector<16xf32>
    %get3A_639 = arith.constant 20 : i32
    %get3A_640 = arith.index_cast %get3A_639 : i32 to index
    %get3A_641 = arith.constant 0 : index
    %get3A_642 = tpu.vector_load %arg6[%get3A_640, %get3A_641] {strides = array<i32>} : memref<26x128xf32, #tpu.memory_space<vmem>>, vector<1x16xf32>,
    %get3A_643 = vector.shape_cast %get3A_642 : vector<1x16xf32> to vector<16xf32>
    %add3A_644 = arith.addf %add3A_638, %get3A_643 : vector<16xf32>
    %get3A_645 = arith.constant 21 : i32
    %get3A_646 = arith.index_cast %get3A_645 : i32 to index
    %get3A_647 = arith.constant 0 : index
    %get3A_648 = tpu.vector_load %arg6[%get3A_646, %get3A_647] {strides = array<i32>} : memref<26x128xf32, #tpu.memory_space<vmem>>, vector<1x16xf32>,
    %get3A_649 = vector.shape_cast %get3A_648 : vector<1x16xf32> to vector<16xf32>
    %add3A_650 = arith.addf %add3A_644, %get3A_649 : vector<16xf32>
    %get3A_651 = arith.constant 22 : i32
    %get3A_652 = arith.index_cast %get3A_651 : i32 to index
    %get3A_653 = arith.constant 0 : index
    %get3A_654 = tpu.vector_load %arg6[%get3A_652, %get3A_653] {strides = array<i32>} : memref<26x128xf32, #tpu.memory_space<vmem>>, vector<1x16xf32>,
    %get3A_655 = vector.shape_cast %get3A_654 : vector<1x16xf32> to vector<16xf32>
    %add3A_656 = arith.addf %add3A_650, %get3A_655 : vector<16xf32>
    %get3A_657 = arith.constant 23 : i32
    %get3A_658 = arith.index_cast %get3A_657 : i32 to index
    %get3A_659 = arith.constant 0 : index
    %get3A_660 = tpu.vector_load %arg6[%get3A_658, %get3A_659] {strides = array<i32>} : memref<26x128xf32, #tpu.memory_space<vmem>>, vector<1x16xf32>,
    %get3A_661 = vector.shape_cast %get3A_660 : vector<1x16xf32> to vector<16xf32>
    %add3A_662 = arith.addf %add3A_656, %get3A_661 : vector<16xf32>
    %get3A_663 = arith.constant 24 : i32
    %get3A_664 = arith.index_cast %get3A_663 : i32 to index
    %get3A_665 = arith.constant 0 : index
    %get3A_666 = tpu.vector_load %arg6[%get3A_664, %get3A_665] {strides = array<i32>} : memref<26x128xf32, #tpu.memory_space<vmem>>, vector<1x16xf32>,
    %get3A_667 = vector.shape_cast %get3A_666 : vector<1x16xf32> to vector<16xf32>
    %add3A_668 = arith.addf %add3A_662, %get3A_667 : vector<16xf32>
    %get3A_669 = arith.constant 25 : i32
    %get3A_670 = arith.index_cast %get3A_669 : i32 to index
    %get3A_671 = arith.constant 0 : index
    %get3A_672 = tpu.vector_load %arg6[%get3A_670, %get3A_671] {strides = array<i32>} : memref<26x128xf32, #tpu.memory_space<vmem>>, vector<1x16xf32>,
    %get3A_673 = vector.shape_cast %get3A_672 : vector<1x16xf32> to vector<16xf32>
    %add3A_674 = arith.addf %add3A_668, %get3A_673 : vector<16xf32>
    %swap3A = arith.constant 0 : index
    %swap3A_675 = tpu.vector_load %arg7[%swap3A] {strides = array<i32>} : memref<128xf32, #tpu.memory_space<vmem>>, vector<16xf32>,
    %swap3A_676 = vector.shape_cast %swap3A_675 : vector<16xf32> to vector<16xf32>
    %swap3A_677 = vector.shape_cast %add3A_674 : vector<16xf32> to vector<16xf32>
    tpu.vector_store %arg7[%swap3A], %swap3A_677 {strides = array<i32>} : memref<128xf32, #tpu.memory_space<vmem>>, vector<16xf32>,
    %get3A_678 = arith.constant 0 : i32
    %get3A_679 = arith.index_cast %get3A_678 : i32 to index
    %get3A_680 = arith.constant 16 : index
    %get3A_681 = tpu.vector_load %arg6[%get3A_679, %get3A_680] {strides = array<i32>} : memref<26x128xf32, #tpu.memory_space<vmem>>, vector<1x16xf32>,
    %get3A_682 = vector.shape_cast %get3A_681 : vector<1x16xf32> to vector<16xf32>
    %get3A_683 = arith.constant 1 : i32
    %get3A_684 = arith.index_cast %get3A_683 : i32 to index
    %get3A_685 = arith.constant 16 : index
    %get3A_686 = tpu.vector_load %arg6[%get3A_684, %get3A_685] {strides = array<i32>} : memref<26x128xf32, #tpu.memory_space<vmem>>, vector<1x16xf32>,
    %get3A_687 = vector.shape_cast %get3A_686 : vector<1x16xf32> to vector<16xf32>
    %add3A_688 = arith.addf %get3A_682, %get3A_687 : vector<16xf32>
    %get3A_689 = arith.constant 2 : i32
    %get3A_690 = arith.index_cast %get3A_689 : i32 to index
    %get3A_691 = arith.constant 16 : index
    %get3A_692 = tpu.vector_load %arg6[%get3A_690, %get3A_691] {strides = array<i32>} : memref<26x128xf32, #tpu.memory_space<vmem>>, vector<1x16xf32>,
    %get3A_693 = vector.shape_cast %get3A_692 : vector<1x16xf32> to vector<16xf32>
    %add3A_694 = arith.addf %add3A_688, %get3A_693 : vector<16xf32>
    %get3A_695 = arith.constant 3 : i32
    %get3A_696 = arith.index_cast %get3A_695 : i32 to index
    %get3A_697 = arith.constant 16 : index
    %get3A_698 = tpu.vector_load %arg6[%get3A_696, %get3A_697] {strides = array<i32>} : memref<26x128xf32, #tpu.memory_space<vmem>>, vector<1x16xf32>,
    %get3A_699 = vector.shape_cast %get3A_698 : vector<1x16xf32> to vector<16xf32>
    %add3A_700 = arith.addf %add3A_694, %get3A_699 : vector<16xf32>
    %get3A_701 = arith.constant 4 : i32
    %get3A_702 = arith.index_cast %get3A_701 : i32 to index
    %get3A_703 = arith.constant 16 : index
    %get3A_704 = tpu.vector_load %arg6[%get3A_702, %get3A_703] {strides = array<i32>} : memref<26x128xf32, #tpu.memory_space<vmem>>, vector<1x16xf32>,
    %get3A_705 = vector.shape_cast %get3A_704 : vector<1x16xf32> to vector<16xf32>
    %add3A_706 = arith.addf %add3A_700, %get3A_705 : vector<16xf32>
    %get3A_707 = arith.constant 5 : i32
    %get3A_708 = arith.index_cast %get3A_707 : i32 to index
    %get3A_709 = arith.constant 16 : index
    %get3A_710 = tpu.vector_load %arg6[%get3A_708, %get3A_709] {strides = array<i32>} : memref<26x128xf32, #tpu.memory_space<vmem>>, vector<1x16xf32>,
    %get3A_711 = vector.shape_cast %get3A_710 : vector<1x16xf32> to vector<16xf32>
    %add3A_712 = arith.addf %add3A_706, %get3A_711 : vector<16xf32>
    %get3A_713 = arith.constant 6 : i32
    %get3A_714 = arith.index_cast %get3A_713 : i32 to index
    %get3A_715 = arith.constant 16 : index
    %get3A_716 = tpu.vector_load %arg6[%get3A_714, %get3A_715] {strides = array<i32>} : memref<26x128xf32, #tpu.memory_space<vmem>>, vector<1x16xf32>,
    %get3A_717 = vector.shape_cast %get3A_716 : vector<1x16xf32> to vector<16xf32>
    %add3A_718 = arith.addf %add3A_712, %get3A_717 : vector<16xf32>
    %get3A_719 = arith.constant 7 : i32
    %get3A_720 = arith.index_cast %get3A_719 : i32 to index
    %get3A_721 = arith.constant 16 : index
    %get3A_722 = tpu.vector_load %arg6[%get3A_720, %get3A_721] {strides = array<i32>} : memref<26x128xf32, #tpu.memory_space<vmem>>, vector<1x16xf32>,
    %get3A_723 = vector.shape_cast %get3A_722 : vector<1x16xf32> to vector<16xf32>
    %add3A_724 = arith.addf %add3A_718, %get3A_723 : vector<16xf32>
    %get3A_725 = arith.constant 8 : i32
    %get3A_726 = arith.index_cast %get3A_725 : i32 to index
    %get3A_727 = arith.constant 16 : index
    %get3A_728 = tpu.vector_load %arg6[%get3A_726, %get3A_727] {strides = array<i32>} : memref<26x128xf32, #tpu.memory_space<vmem>>, vector<1x16xf32>,
    %get3A_729 = vector.shape_cast %get3A_728 : vector<1x16xf32> to vector<16xf32>
    %add3A_730 = arith.addf %add3A_724, %get3A_729 : vector<16xf32>
    %get3A_731 = arith.constant 9 : i32
    %get3A_732 = arith.index_cast %get3A_731 : i32 to index
    %get3A_733 = arith.constant 16 : index
    %get3A_734 = tpu.vector_load %arg6[%get3A_732, %get3A_733] {strides = array<i32>} : memref<26x128xf32, #tpu.memory_space<vmem>>, vector<1x16xf32>,
    %get3A_735 = vector.shape_cast %get3A_734 : vector<1x16xf32> to vector<16xf32>
    %add3A_736 = arith.addf %add3A_730, %get3A_735 : vector<16xf32>
    %get3A_737 = arith.constant 10 : i32
    %get3A_738 = arith.index_cast %get3A_737 : i32 to index
    %get3A_739 = arith.constant 16 : index
    %get3A_740 = tpu.vector_load %arg6[%get3A_738, %get3A_739] {strides = array<i32>} : memref<26x128xf32, #tpu.memory_space<vmem>>, vector<1x16xf32>,
    %get3A_741 = vector.shape_cast %get3A_740 : vector<1x16xf32> to vector<16xf32>
    %add3A_742 = arith.addf %add3A_736, %get3A_741 : vector<16xf32>
    %get3A_743 = arith.constant 11 : i32
    %get3A_744 = arith.index_cast %get3A_743 : i32 to index
    %get3A_745 = arith.constant 16 : index
    %get3A_746 = tpu.vector_load %arg6[%get3A_744, %get3A_745] {strides = array<i32>} : memref<26x128xf32, #tpu.memory_space<vmem>>, vector<1x16xf32>,
    %get3A_747 = vector.shape_cast %get3A_746 : vector<1x16xf32> to vector<16xf32>
    %add3A_748 = arith.addf %add3A_742, %get3A_747 : vector<16xf32>
    %get3A_749 = arith.constant 12 : i32
    %get3A_750 = arith.index_cast %get3A_749 : i32 to index
    %get3A_751 = arith.constant 16 : index
    %get3A_752 = tpu.vector_load %arg6[%get3A_750, %get3A_751] {strides = array<i32>} : memref<26x128xf32, #tpu.memory_space<vmem>>, vector<1x16xf32>,
    %get3A_753 = vector.shape_cast %get3A_752 : vector<1x16xf32> to vector<16xf32>
    %add3A_754 = arith.addf %add3A_748, %get3A_753 : vector<16xf32>
    %get3A_755 = arith.constant 13 : i32
    %get3A_756 = arith.index_cast %get3A_755 : i32 to index
    %get3A_757 = arith.constant 16 : index
    %get3A_758 = tpu.vector_load %arg6[%get3A_756, %get3A_757] {strides = array<i32>} : memref<26x128xf32, #tpu.memory_space<vmem>>, vector<1x16xf32>,
    %get3A_759 = vector.shape_cast %get3A_758 : vector<1x16xf32> to vector<16xf32>
    %add3A_760 = arith.addf %add3A_754, %get3A_759 : vector<16xf32>
    %get3A_761 = arith.constant 14 : i32
    %get3A_762 = arith.index_cast %get3A_761 : i32 to index
    %get3A_763 = arith.constant 16 : index
    %get3A_764 = tpu.vector_load %arg6[%get3A_762, %get3A_763] {strides = array<i32>} : memref<26x128xf32, #tpu.memory_space<vmem>>, vector<1x16xf32>,
    %get3A_765 = vector.shape_cast %get3A_764 : vector<1x16xf32> to vector<16xf32>
    %add3A_766 = arith.addf %add3A_760, %get3A_765 : vector<16xf32>
    %get3A_767 = arith.constant 15 : i32
    %get3A_768 = arith.index_cast %get3A_767 : i32 to index
    %get3A_769 = arith.constant 16 : index
    %get3A_770 = tpu.vector_load %arg6[%get3A_768, %get3A_769] {strides = array<i32>} : memref<26x128xf32, #tpu.memory_space<vmem>>, vector<1x16xf32>,
    %get3A_771 = vector.shape_cast %get3A_770 : vector<1x16xf32> to vector<16xf32>
    %add3A_772 = arith.addf %add3A_766, %get3A_771 : vector<16xf32>
    %get3A_773 = arith.constant 16 : i32
    %get3A_774 = arith.index_cast %get3A_773 : i32 to index
    %get3A_775 = arith.constant 16 : index
    %get3A_776 = tpu.vector_load %arg6[%get3A_774, %get3A_775] {strides = array<i32>} : memref<26x128xf32, #tpu.memory_space<vmem>>, vector<1x16xf32>,
    %get3A_777 = vector.shape_cast %get3A_776 : vector<1x16xf32> to vector<16xf32>
    %add3A_778 = arith.addf %add3A_772, %get3A_777 : vector<16xf32>
    %get3A_779 = arith.constant 17 : i32
    %get3A_780 = arith.index_cast %get3A_779 : i32 to index
    %get3A_781 = arith.constant 16 : index
    %get3A_782 = tpu.vector_load %arg6[%get3A_780, %get3A_781] {strides = array<i32>} : memref<26x128xf32, #tpu.memory_space<vmem>>, vector<1x16xf32>,
    %get3A_783 = vector.shape_cast %get3A_782 : vector<1x16xf32> to vector<16xf32>
    %add3A_784 = arith.addf %add3A_778, %get3A_783 : vector<16xf32>
    %get3A_785 = arith.constant 18 : i32
    %get3A_786 = arith.index_cast %get3A_785 : i32 to index
    %get3A_787 = arith.constant 16 : index
    %get3A_788 = tpu.vector_load %arg6[%get3A_786, %get3A_787] {strides = array<i32>} : memref<26x128xf32, #tpu.memory_space<vmem>>, vector<1x16xf32>,
    %get3A_789 = vector.shape_cast %get3A_788 : vector<1x16xf32> to vector<16xf32>
    %add3A_790 = arith.addf %add3A_784, %get3A_789 : vector<16xf32>
    %get3A_791 = arith.constant 19 : i32
    %get3A_792 = arith.index_cast %get3A_791 : i32 to index
    %get3A_793 = arith.constant 16 : index
    %get3A_794 = tpu.vector_load %arg6[%get3A_792, %get3A_793] {strides = array<i32>} : memref<26x128xf32, #tpu.memory_space<vmem>>, vector<1x16xf32>,
    %get3A_795 = vector.shape_cast %get3A_794 : vector<1x16xf32> to vector<16xf32>
    %add3A_796 = arith.addf %add3A_790, %get3A_795 : vector<16xf32>
    %get3A_797 = arith.constant 20 : i32
    %get3A_798 = arith.index_cast %get3A_797 : i32 to index
    %get3A_799 = arith.constant 16 : index
    %get3A_800 = tpu.vector_load %arg6[%get3A_798, %get3A_799] {strides = array<i32>} : memref<26x128xf32, #tpu.memory_space<vmem>>, vector<1x16xf32>,
    %get3A_801 = vector.shape_cast %get3A_800 : vector<1x16xf32> to vector<16xf32>
    %add3A_802 = arith.addf %add3A_796, %get3A_801 : vector<16xf32>
    %get3A_803 = arith.constant 21 : i32
    %get3A_804 = arith.index_cast %get3A_803 : i32 to index
    %get3A_805 = arith.constant 16 : index
    %get3A_806 = tpu.vector_load %arg6[%get3A_804, %get3A_805] {strides = array<i32>} : memref<26x128xf32, #tpu.memory_space<vmem>>, vector<1x16xf32>,
    %get3A_807 = vector.shape_cast %get3A_806 : vector<1x16xf32> to vector<16xf32>
    %add3A_808 = arith.addf %add3A_802, %get3A_807 : vector<16xf32>
    %get3A_809 = arith.constant 22 : i32
    %get3A_810 = arith.index_cast %get3A_809 : i32 to index
    %get3A_811 = arith.constant 16 : index
    %get3A_812 = tpu.vector_load %arg6[%get3A_810, %get3A_811] {strides = array<i32>} : memref<26x128xf32, #tpu.memory_space<vmem>>, vector<1x16xf32>,
    %get3A_813 = vector.shape_cast %get3A_812 : vector<1x16xf32> to vector<16xf32>
    %add3A_814 = arith.addf %add3A_808, %get3A_813 : vector<16xf32>
    %get3A_815 = arith.constant 23 : i32
    %get3A_816 = arith.index_cast %get3A_815 : i32 to index
    %get3A_817 = arith.constant 16 : index
    %get3A_818 = tpu.vector_load %arg6[%get3A_816, %get3A_817] {strides = array<i32>} : memref<26x128xf32, #tpu.memory_space<vmem>>, vector<1x16xf32>,
    %get3A_819 = vector.shape_cast %get3A_818 : vector<1x16xf32> to vector<16xf32>
    %add3A_820 = arith.addf %add3A_814, %get3A_819 : vector<16xf32>
    %get3A_821 = arith.constant 24 : i32
    %get3A_822 = arith.index_cast %get3A_821 : i32 to index
    %get3A_823 = arith.constant 16 : index
    %get3A_824 = tpu.vector_load %arg6[%get3A_822, %get3A_823] {strides = array<i32>} : memref<26x128xf32, #tpu.memory_space<vmem>>, vector<1x16xf32>,
    %get3A_825 = vector.shape_cast %get3A_824 : vector<1x16xf32> to vector<16xf32>
    %add3A_826 = arith.addf %add3A_820, %get3A_825 : vector<16xf32>
    %get3A_827 = arith.constant 25 : i32
    %get3A_828 = arith.index_cast %get3A_827 : i32 to index
    %get3A_829 = arith.constant 16 : index
    %get3A_830 = tpu.vector_load %arg6[%get3A_828, %get3A_829] {strides = array<i32>} : memref<26x128xf32, #tpu.memory_space<vmem>>, vector<1x16xf32>,
    %get3A_831 = vector.shape_cast %get3A_830 : vector<1x16xf32> to vector<16xf32>
    %add3A_832 = arith.addf %add3A_826, %get3A_831 : vector<16xf32>
    %swap3A_833 = arith.constant 16 : index
    %swap3A_834 = tpu.vector_load %arg7[%swap3A_833] {strides = array<i32>} : memref<128xf32, #tpu.memory_space<vmem>>, vector<16xf32>,
    %swap3A_835 = vector.shape_cast %swap3A_834 : vector<16xf32> to vector<16xf32>
    %swap3A_836 = vector.shape_cast %add3A_832 : vector<16xf32> to vector<16xf32>
    tpu.vector_store %arg7[%swap3A_833], %swap3A_836 {strides = array<i32>} : memref<128xf32, #tpu.memory_space<vmem>>, vector<16xf32>,
    %get3A_837 = arith.constant 0 : i32
    %get3A_838 = arith.index_cast %get3A_837 : i32 to index
    %get3A_839 = arith.constant 32 : index
    %get3A_840 = tpu.vector_load %arg6[%get3A_838, %get3A_839] {strides = array<i32>} : memref<26x128xf32, #tpu.memory_space<vmem>>, vector<1x16xf32>,
    %get3A_841 = vector.shape_cast %get3A_840 : vector<1x16xf32> to vector<16xf32>
    %get3A_842 = arith.constant 1 : i32
    %get3A_843 = arith.index_cast %get3A_842 : i32 to index
    %get3A_844 = arith.constant 32 : index
    %get3A_845 = tpu.vector_load %arg6[%get3A_843, %get3A_844] {strides = array<i32>} : memref<26x128xf32, #tpu.memory_space<vmem>>, vector<1x16xf32>,
    %get3A_846 = vector.shape_cast %get3A_845 : vector<1x16xf32> to vector<16xf32>
    %add3A_847 = arith.addf %get3A_841, %get3A_846 : vector<16xf32>
    %get3A_848 = arith.constant 2 : i32
    %get3A_849 = arith.index_cast %get3A_848 : i32 to index
    %get3A_850 = arith.constant 32 : index
    %get3A_851 = tpu.vector_load %arg6[%get3A_849, %get3A_850] {strides = array<i32>} : memref<26x128xf32, #tpu.memory_space<vmem>>, vector<1x16xf32>,
    %get3A_852 = vector.shape_cast %get3A_851 : vector<1x16xf32> to vector<16xf32>
    %add3A_853 = arith.addf %add3A_847, %get3A_852 : vector<16xf32>
    %get3A_854 = arith.constant 3 : i32
    %get3A_855 = arith.index_cast %get3A_854 : i32 to index
    %get3A_856 = arith.constant 32 : index
    %get3A_857 = tpu.vector_load %arg6[%get3A_855, %get3A_856] {strides = array<i32>} : memref<26x128xf32, #tpu.memory_space<vmem>>, vector<1x16xf32>,
    %get3A_858 = vector.shape_cast %get3A_857 : vector<1x16xf32> to vector<16xf32>
    %add3A_859 = arith.addf %add3A_853, %get3A_858 : vector<16xf32>
    %get3A_860 = arith.constant 4 : i32
    %get3A_861 = arith.index_cast %get3A_860 : i32 to index
    %get3A_862 = arith.constant 32 : index
    %get3A_863 = tpu.vector_load %arg6[%get3A_861, %get3A_862] {strides = array<i32>} : memref<26x128xf32, #tpu.memory_space<vmem>>, vector<1x16xf32>,
    %get3A_864 = vector.shape_cast %get3A_863 : vector<1x16xf32> to vector<16xf32>
    %add3A_865 = arith.addf %add3A_859, %get3A_864 : vector<16xf32>
    %get3A_866 = arith.constant 5 : i32
    %get3A_867 = arith.index_cast %get3A_866 : i32 to index
    %get3A_868 = arith.constant 32 : index
    %get3A_869 = tpu.vector_load %arg6[%get3A_867, %get3A_868] {strides = array<i32>} : memref<26x128xf32, #tpu.memory_space<vmem>>, vector<1x16xf32>,
    %get3A_870 = vector.shape_cast %get3A_869 : vector<1x16xf32> to vector<16xf32>
    %add3A_871 = arith.addf %add3A_865, %get3A_870 : vector<16xf32>
    %get3A_872 = arith.constant 6 : i32
    %get3A_873 = arith.index_cast %get3A_872 : i32 to index
    %get3A_874 = arith.constant 32 : index
    %get3A_875 = tpu.vector_load %arg6[%get3A_873, %get3A_874] {strides = array<i32>} : memref<26x128xf32, #tpu.memory_space<vmem>>, vector<1x16xf32>,
    %get3A_876 = vector.shape_cast %get3A_875 : vector<1x16xf32> to vector<16xf32>
    %add3A_877 = arith.addf %add3A_871, %get3A_876 : vector<16xf32>
    %get3A_878 = arith.constant 7 : i32
    %get3A_879 = arith.index_cast %get3A_878 : i32 to index
    %get3A_880 = arith.constant 32 : index
    %get3A_881 = tpu.vector_load %arg6[%get3A_879, %get3A_880] {strides = array<i32>} : memref<26x128xf32, #tpu.memory_space<vmem>>, vector<1x16xf32>,
    %get3A_882 = vector.shape_cast %get3A_881 : vector<1x16xf32> to vector<16xf32>
    %add3A_883 = arith.addf %add3A_877, %get3A_882 : vector<16xf32>
    %get3A_884 = arith.constant 8 : i32
    %get3A_885 = arith.index_cast %get3A_884 : i32 to index
    %get3A_886 = arith.constant 32 : index
    %get3A_887 = tpu.vector_load %arg6[%get3A_885, %get3A_886] {strides = array<i32>} : memref<26x128xf32, #tpu.memory_space<vmem>>, vector<1x16xf32>,
    %get3A_888 = vector.shape_cast %get3A_887 : vector<1x16xf32> to vector<16xf32>
    %add3A_889 = arith.addf %add3A_883, %get3A_888 : vector<16xf32>
    %get3A_890 = arith.constant 9 : i32
    %get3A_891 = arith.index_cast %get3A_890 : i32 to index
    %get3A_892 = arith.constant 32 : index
    %get3A_893 = tpu.vector_load %arg6[%get3A_891, %get3A_892] {strides = array<i32>} : memref<26x128xf32, #tpu.memory_space<vmem>>, vector<1x16xf32>,
    %get3A_894 = vector.shape_cast %get3A_893 : vector<1x16xf32> to vector<16xf32>
    %add3A_895 = arith.addf %add3A_889, %get3A_894 : vector<16xf32>
    %get3A_896 = arith.constant 10 : i32
    %get3A_897 = arith.index_cast %get3A_896 : i32 to index
    %get3A_898 = arith.constant 32 : index
    %get3A_899 = tpu.vector_load %arg6[%get3A_897, %get3A_898] {strides = array<i32>} : memref<26x128xf32, #tpu.memory_space<vmem>>, vector<1x16xf32>,
    %get3A_900 = vector.shape_cast %get3A_899 : vector<1x16xf32> to vector<16xf32>
    %add3A_901 = arith.addf %add3A_895, %get3A_900 : vector<16xf32>
    %get3A_902 = arith.constant 11 : i32
    %get3A_903 = arith.index_cast %get3A_902 : i32 to index
    %get3A_904 = arith.constant 32 : index
    %get3A_905 = tpu.vector_load %arg6[%get3A_903, %get3A_904] {strides = array<i32>} : memref<26x128xf32, #tpu.memory_space<vmem>>, vector<1x16xf32>,
    %get3A_906 = vector.shape_cast %get3A_905 : vector<1x16xf32> to vector<16xf32>
    %add3A_907 = arith.addf %add3A_901, %get3A_906 : vector<16xf32>
    %get3A_908 = arith.constant 12 : i32
    %get3A_909 = arith.index_cast %get3A_908 : i32 to index
    %get3A_910 = arith.constant 32 : index
    %get3A_911 = tpu.vector_load %arg6[%get3A_909, %get3A_910] {strides = array<i32>} : memref<26x128xf32, #tpu.memory_space<vmem>>, vector<1x16xf32>,
    %get3A_912 = vector.shape_cast %get3A_911 : vector<1x16xf32> to vector<16xf32>
    %add3A_913 = arith.addf %add3A_907, %get3A_912 : vector<16xf32>
    %get3A_914 = arith.constant 13 : i32
    %get3A_915 = arith.index_cast %get3A_914 : i32 to index
    %get3A_916 = arith.constant 32 : index
    %get3A_917 = tpu.vector_load %arg6[%get3A_915, %get3A_916] {strides = array<i32>} : memref<26x128xf32, #tpu.memory_space<vmem>>, vector<1x16xf32>,
    %get3A_918 = vector.shape_cast %get3A_917 : vector<1x16xf32> to vector<16xf32>
    %add3A_919 = arith.addf %add3A_913, %get3A_918 : vector<16xf32>
    %get3A_920 = arith.constant 14 : i32
    %get3A_921 = arith.index_cast %get3A_920 : i32 to index
    %get3A_922 = arith.constant 32 : index
    %get3A_923 = tpu.vector_load %arg6[%get3A_921, %get3A_922] {strides = array<i32>} : memref<26x128xf32, #tpu.memory_space<vmem>>, vector<1x16xf32>,
    %get3A_924 = vector.shape_cast %get3A_923 : vector<1x16xf32> to vector<16xf32>
    %add3A_925 = arith.addf %add3A_919, %get3A_924 : vector<16xf32>
    %get3A_926 = arith.constant 15 : i32
    %get3A_927 = arith.index_cast %get3A_926 : i32 to index
    %get3A_928 = arith.constant 32 : index
    %get3A_929 = tpu.vector_load %arg6[%get3A_927, %get3A_928] {strides = array<i32>} : memref<26x128xf32, #tpu.memory_space<vmem>>, vector<1x16xf32>,
    %get3A_930 = vector.shape_cast %get3A_929 : vector<1x16xf32> to vector<16xf32>
    %add3A_931 = arith.addf %add3A_925, %get3A_930 : vector<16xf32>
    %get3A_932 = arith.constant 16 : i32
    %get3A_933 = arith.index_cast %get3A_932 : i32 to index
    %get3A_934 = arith.constant 32 : index
    %get3A_935 = tpu.vector_load %arg6[%get3A_933, %get3A_934] {strides = array<i32>} : memref<26x128xf32, #tpu.memory_space<vmem>>, vector<1x16xf32>,
    %get3A_936 = vector.shape_cast %get3A_935 : vector<1x16xf32> to vector<16xf32>
    %add3A_937 = arith.addf %add3A_931, %get3A_936 : vector<16xf32>
    %get3A_938 = arith.constant 17 : i32
    %get3A_939 = arith.index_cast %get3A_938 : i32 to index
    %get3A_940 = arith.constant 32 : index
    %get3A_941 = tpu.vector_load %arg6[%get3A_939, %get3A_940] {strides = array<i32>} : memref<26x128xf32, #tpu.memory_space<vmem>>, vector<1x16xf32>,
    %get3A_942 = vector.shape_cast %get3A_941 : vector<1x16xf32> to vector<16xf32>
    %add3A_943 = arith.addf %add3A_937, %get3A_942 : vector<16xf32>
    %get3A_944 = arith.constant 18 : i32
    %get3A_945 = arith.index_cast %get3A_944 : i32 to index
    %get3A_946 = arith.constant 32 : index
    %get3A_947 = tpu.vector_load %arg6[%get3A_945, %get3A_946] {strides = array<i32>} : memref<26x128xf32, #tpu.memory_space<vmem>>, vector<1x16xf32>,
    %get3A_948 = vector.shape_cast %get3A_947 : vector<1x16xf32> to vector<16xf32>
    %add3A_949 = arith.addf %add3A_943, %get3A_948 : vector<16xf32>
    %get3A_950 = arith.constant 19 : i32
    %get3A_951 = arith.index_cast %get3A_950 : i32 to index
    %get3A_952 = arith.constant 32 : index
    %get3A_953 = tpu.vector_load %arg6[%get3A_951, %get3A_952] {strides = array<i32>} : memref<26x128xf32, #tpu.memory_space<vmem>>, vector<1x16xf32>,
    %get3A_954 = vector.shape_cast %get3A_953 : vector<1x16xf32> to vector<16xf32>
    %add3A_955 = arith.addf %add3A_949, %get3A_954 : vector<16xf32>
    %get3A_956 = arith.constant 20 : i32
    %get3A_957 = arith.index_cast %get3A_956 : i32 to index
    %get3A_958 = arith.constant 32 : index
    %get3A_959 = tpu.vector_load %arg6[%get3A_957, %get3A_958] {strides = array<i32>} : memref<26x128xf32, #tpu.memory_space<vmem>>, vector<1x16xf32>,
    %get3A_960 = vector.shape_cast %get3A_959 : vector<1x16xf32> to vector<16xf32>
    %add3A_961 = arith.addf %add3A_955, %get3A_960 : vector<16xf32>
    %get3A_962 = arith.constant 21 : i32
    %get3A_963 = arith.index_cast %get3A_962 : i32 to index
    %get3A_964 = arith.constant 32 : index
    %get3A_965 = tpu.vector_load %arg6[%get3A_963, %get3A_964] {strides = array<i32>} : memref<26x128xf32, #tpu.memory_space<vmem>>, vector<1x16xf32>,
    %get3A_966 = vector.shape_cast %get3A_965 : vector<1x16xf32> to vector<16xf32>
    %add3A_967 = arith.addf %add3A_961, %get3A_966 : vector<16xf32>
    %get3A_968 = arith.constant 22 : i32
    %get3A_969 = arith.index_cast %get3A_968 : i32 to index
    %get3A_970 = arith.constant 32 : index
    %get3A_971 = tpu.vector_load %arg6[%get3A_969, %get3A_970] {strides = array<i32>} : memref<26x128xf32, #tpu.memory_space<vmem>>, vector<1x16xf32>,
    %get3A_972 = vector.shape_cast %get3A_971 : vector<1x16xf32> to vector<16xf32>
    %add3A_973 = arith.addf %add3A_967, %get3A_972 : vector<16xf32>
    %get3A_974 = arith.constant 23 : i32
    %get3A_975 = arith.index_cast %get3A_974 : i32 to index
    %get3A_976 = arith.constant 32 : index
    %get3A_977 = tpu.vector_load %arg6[%get3A_975, %get3A_976] {strides = array<i32>} : memref<26x128xf32, #tpu.memory_space<vmem>>, vector<1x16xf32>,
    %get3A_978 = vector.shape_cast %get3A_977 : vector<1x16xf32> to vector<16xf32>
    %add3A_979 = arith.addf %add3A_973, %get3A_978 : vector<16xf32>
    %get3A_980 = arith.constant 24 : i32
    %get3A_981 = arith.index_cast %get3A_980 : i32 to index
    %get3A_982 = arith.constant 32 : index
    %get3A_983 = tpu.vector_load %arg6[%get3A_981, %get3A_982] {strides = array<i32>} : memref<26x128xf32, #tpu.memory_space<vmem>>, vector<1x16xf32>,
    %get3A_984 = vector.shape_cast %get3A_983 : vector<1x16xf32> to vector<16xf32>
    %add3A_985 = arith.addf %add3A_979, %get3A_984 : vector<16xf32>
    %get3A_986 = arith.constant 25 : i32
    %get3A_987 = arith.index_cast %get3A_986 : i32 to index
    %get3A_988 = arith.constant 32 : index
    %get3A_989 = tpu.vector_load %arg6[%get3A_987, %get3A_988] {strides = array<i32>} : memref<26x128xf32, #tpu.memory_space<vmem>>, vector<1x16xf32>,
    %get3A_990 = vector.shape_cast %get3A_989 : vector<1x16xf32> to vector<16xf32>
    %add3A_991 = arith.addf %add3A_985, %get3A_990 : vector<16xf32>
    %swap3A_992 = arith.constant 32 : index
    %swap3A_993 = tpu.vector_load %arg7[%swap3A_992] {strides = array<i32>} : memref<128xf32, #tpu.memory_space<vmem>>, vector<16xf32>,
    %swap3A_994 = vector.shape_cast %swap3A_993 : vector<16xf32> to vector<16xf32>
    %swap3A_995 = vector.shape_cast %add3A_991 : vector<16xf32> to vector<16xf32>
    tpu.vector_store %arg7[%swap3A_992], %swap3A_995 {strides = array<i32>} : memref<128xf32, #tpu.memory_space<vmem>>, vector<16xf32>,
    %get3A_996 = arith.constant 0 : i32
    %get3A_997 = arith.index_cast %get3A_996 : i32 to index
    %get3A_998 = arith.constant 48 : index
    %get3A_999 = tpu.vector_load %arg6[%get3A_997, %get3A_998] {strides = array<i32>} : memref<26x128xf32, #tpu.memory_space<vmem>>, vector<1x16xf32>,
    %get3A_1000 = vector.shape_cast %get3A_999 : vector<1x16xf32> to vector<16xf32>
    %get3A_1001 = arith.constant 1 : i32
    %get3A_1002 = arith.index_cast %get3A_1001 : i32 to index
    %get3A_1003 = arith.constant 48 : index
    %get3A_1004 = tpu.vector_load %arg6[%get3A_1002, %get3A_1003] {strides = array<i32>} : memref<26x128xf32, #tpu.memory_space<vmem>>, vector<1x16xf32>,
    %get3A_1005 = vector.shape_cast %get3A_1004 : vector<1x16xf32> to vector<16xf32>
    %add3A_1006 = arith.addf %get3A_1000, %get3A_1005 : vector<16xf32>
    %get3A_1007 = arith.constant 2 : i32
    %get3A_1008 = arith.index_cast %get3A_1007 : i32 to index
    %get3A_1009 = arith.constant 48 : index
    %get3A_1010 = tpu.vector_load %arg6[%get3A_1008, %get3A_1009] {strides = array<i32>} : memref<26x128xf32, #tpu.memory_space<vmem>>, vector<1x16xf32>,
    %get3A_1011 = vector.shape_cast %get3A_1010 : vector<1x16xf32> to vector<16xf32>
    %add3A_1012 = arith.addf %add3A_1006, %get3A_1011 : vector<16xf32>
    %get3A_1013 = arith.constant 3 : i32
    %get3A_1014 = arith.index_cast %get3A_1013 : i32 to index
    %get3A_1015 = arith.constant 48 : index
    %get3A_1016 = tpu.vector_load %arg6[%get3A_1014, %get3A_1015] {strides = array<i32>} : memref<26x128xf32, #tpu.memory_space<vmem>>, vector<1x16xf32>,
    %get3A_1017 = vector.shape_cast %get3A_1016 : vector<1x16xf32> to vector<16xf32>
    %add3A_1018 = arith.addf %add3A_1012, %get3A_1017 : vector<16xf32>
    %get3A_1019 = arith.constant 4 : i32
    %get3A_1020 = arith.index_cast %get3A_1019 : i32 to index
    %get3A_1021 = arith.constant 48 : index
    %get3A_1022 = tpu.vector_load %arg6[%get3A_1020, %get3A_1021] {strides = array<i32>} : memref<26x128xf32, #tpu.memory_space<vmem>>, vector<1x16xf32>,
    %get3A_1023 = vector.shape_cast %get3A_1022 : vector<1x16xf32> to vector<16xf32>
    %add3A_1024 = arith.addf %add3A_1018, %get3A_1023 : vector<16xf32>
    %get3A_1025 = arith.constant 5 : i32
    %get3A_1026 = arith.index_cast %get3A_1025 : i32 to index
    %get3A_1027 = arith.constant 48 : index
    %get3A_1028 = tpu.vector_load %arg6[%get3A_1026, %get3A_1027] {strides = array<i32>} : memref<26x128xf32, #tpu.memory_space<vmem>>, vector<1x16xf32>,
    %get3A_1029 = vector.shape_cast %get3A_1028 : vector<1x16xf32> to vector<16xf32>
    %add3A_1030 = arith.addf %add3A_1024, %get3A_1029 : vector<16xf32>
    %get3A_1031 = arith.constant 6 : i32
    %get3A_1032 = arith.index_cast %get3A_1031 : i32 to index
    %get3A_1033 = arith.constant 48 : index
    %get3A_1034 = tpu.vector_load %arg6[%get3A_1032, %get3A_1033] {strides = array<i32>} : memref<26x128xf32, #tpu.memory_space<vmem>>, vector<1x16xf32>,
    %get3A_1035 = vector.shape_cast %get3A_1034 : vector<1x16xf32> to vector<16xf32>
    %add3A_1036 = arith.addf %add3A_1030, %get3A_1035 : vector<16xf32>
    %get3A_1037 = arith.constant 7 : i32
    %get3A_1038 = arith.index_cast %get3A_1037 : i32 to index
    %get3A_1039 = arith.constant 48 : index
    %get3A_1040 = tpu.vector_load %arg6[%get3A_1038, %get3A_1039] {strides = array<i32>} : memref<26x128xf32, #tpu.memory_space<vmem>>, vector<1x16xf32>,
    %get3A_1041 = vector.shape_cast %get3A_1040 : vector<1x16xf32> to vector<16xf32>
    %add3A_1042 = arith.addf %add3A_1036, %get3A_1041 : vector<16xf32>
    %get3A_1043 = arith.constant 8 : i32
    %get3A_1044 = arith.index_cast %get3A_1043 : i32 to index
    %get3A_1045 = arith.constant 48 : index
    %get3A_1046 = tpu.vector_load %arg6[%get3A_1044, %get3A_1045] {strides = array<i32>} : memref<26x128xf32, #tpu.memory_space<vmem>>, vector<1x16xf32>,
    %get3A_1047 = vector.shape_cast %get3A_1046 : vector<1x16xf32> to vector<16xf32>
    %add3A_1048 = arith.addf %add3A_1042, %get3A_1047 : vector<16xf32>
    %get3A_1049 = arith.constant 9 : i32
    %get3A_1050 = arith.index_cast %get3A_1049 : i32 to index
    %get3A_1051 = arith.constant 48 : index
    %get3A_1052 = tpu.vector_load %arg6[%get3A_1050, %get3A_1051] {strides = array<i32>} : memref<26x128xf32, #tpu.memory_space<vmem>>, vector<1x16xf32>,
    %get3A_1053 = vector.shape_cast %get3A_1052 : vector<1x16xf32> to vector<16xf32>
    %add3A_1054 = arith.addf %add3A_1048, %get3A_1053 : vector<16xf32>
    %get3A_1055 = arith.constant 10 : i32
    %get3A_1056 = arith.index_cast %get3A_1055 : i32 to index
    %get3A_1057 = arith.constant 48 : index
    %get3A_1058 = tpu.vector_load %arg6[%get3A_1056, %get3A_1057] {strides = array<i32>} : memref<26x128xf32, #tpu.memory_space<vmem>>, vector<1x16xf32>,
    %get3A_1059 = vector.shape_cast %get3A_1058 : vector<1x16xf32> to vector<16xf32>
    %add3A_1060 = arith.addf %add3A_1054, %get3A_1059 : vector<16xf32>
    %get3A_1061 = arith.constant 11 : i32
    %get3A_1062 = arith.index_cast %get3A_1061 : i32 to index
    %get3A_1063 = arith.constant 48 : index
    %get3A_1064 = tpu.vector_load %arg6[%get3A_1062, %get3A_1063] {strides = array<i32>} : memref<26x128xf32, #tpu.memory_space<vmem>>, vector<1x16xf32>,
    %get3A_1065 = vector.shape_cast %get3A_1064 : vector<1x16xf32> to vector<16xf32>
    %add3A_1066 = arith.addf %add3A_1060, %get3A_1065 : vector<16xf32>
    %get3A_1067 = arith.constant 12 : i32
    %get3A_1068 = arith.index_cast %get3A_1067 : i32 to index
    %get3A_1069 = arith.constant 48 : index
    %get3A_1070 = tpu.vector_load %arg6[%get3A_1068, %get3A_1069] {strides = array<i32>} : memref<26x128xf32, #tpu.memory_space<vmem>>, vector<1x16xf32>,
    %get3A_1071 = vector.shape_cast %get3A_1070 : vector<1x16xf32> to vector<16xf32>
    %add3A_1072 = arith.addf %add3A_1066, %get3A_1071 : vector<16xf32>
    %get3A_1073 = arith.constant 13 : i32
    %get3A_1074 = arith.index_cast %get3A_1073 : i32 to index
    %get3A_1075 = arith.constant 48 : index
    %get3A_1076 = tpu.vector_load %arg6[%get3A_1074, %get3A_1075] {strides = array<i32>} : memref<26x128xf32, #tpu.memory_space<vmem>>, vector<1x16xf32>,
    %get3A_1077 = vector.shape_cast %get3A_1076 : vector<1x16xf32> to vector<16xf32>
    %add3A_1078 = arith.addf %add3A_1072, %get3A_1077 : vector<16xf32>
    %get3A_1079 = arith.constant 14 : i32
    %get3A_1080 = arith.index_cast %get3A_1079 : i32 to index
    %get3A_1081 = arith.constant 48 : index
    %get3A_1082 = tpu.vector_load %arg6[%get3A_1080, %get3A_1081] {strides = array<i32>} : memref<26x128xf32, #tpu.memory_space<vmem>>, vector<1x16xf32>,
    %get3A_1083 = vector.shape_cast %get3A_1082 : vector<1x16xf32> to vector<16xf32>
    %add3A_1084 = arith.addf %add3A_1078, %get3A_1083 : vector<16xf32>
    %get3A_1085 = arith.constant 15 : i32
    %get3A_1086 = arith.index_cast %get3A_1085 : i32 to index
    %get3A_1087 = arith.constant 48 : index
    %get3A_1088 = tpu.vector_load %arg6[%get3A_1086, %get3A_1087] {strides = array<i32>} : memref<26x128xf32, #tpu.memory_space<vmem>>, vector<1x16xf32>,
    %get3A_1089 = vector.shape_cast %get3A_1088 : vector<1x16xf32> to vector<16xf32>
    %add3A_1090 = arith.addf %add3A_1084, %get3A_1089 : vector<16xf32>
    %get3A_1091 = arith.constant 16 : i32
    %get3A_1092 = arith.index_cast %get3A_1091 : i32 to index
    %get3A_1093 = arith.constant 48 : index
    %get3A_1094 = tpu.vector_load %arg6[%get3A_1092, %get3A_1093] {strides = array<i32>} : memref<26x128xf32, #tpu.memory_space<vmem>>, vector<1x16xf32>,
    %get3A_1095 = vector.shape_cast %get3A_1094 : vector<1x16xf32> to vector<16xf32>
    %add3A_1096 = arith.addf %add3A_1090, %get3A_1095 : vector<16xf32>
    %get3A_1097 = arith.constant 17 : i32
    %get3A_1098 = arith.index_cast %get3A_1097 : i32 to index
    %get3A_1099 = arith.constant 48 : index
    %get3A_1100 = tpu.vector_load %arg6[%get3A_1098, %get3A_1099] {strides = array<i32>} : memref<26x128xf32, #tpu.memory_space<vmem>>, vector<1x16xf32>,
    %get3A_1101 = vector.shape_cast %get3A_1100 : vector<1x16xf32> to vector<16xf32>
    %add3A_1102 = arith.addf %add3A_1096, %get3A_1101 : vector<16xf32>
    %get3A_1103 = arith.constant 18 : i32
    %get3A_1104 = arith.index_cast %get3A_1103 : i32 to index
    %get3A_1105 = arith.constant 48 : index
    %get3A_1106 = tpu.vector_load %arg6[%get3A_1104, %get3A_1105] {strides = array<i32>} : memref<26x128xf32, #tpu.memory_space<vmem>>, vector<1x16xf32>,
    %get3A_1107 = vector.shape_cast %get3A_1106 : vector<1x16xf32> to vector<16xf32>
    %add3A_1108 = arith.addf %add3A_1102, %get3A_1107 : vector<16xf32>
    %get3A_1109 = arith.constant 19 : i32
    %get3A_1110 = arith.index_cast %get3A_1109 : i32 to index
    %get3A_1111 = arith.constant 48 : index
    %get3A_1112 = tpu.vector_load %arg6[%get3A_1110, %get3A_1111] {strides = array<i32>} : memref<26x128xf32, #tpu.memory_space<vmem>>, vector<1x16xf32>,
    %get3A_1113 = vector.shape_cast %get3A_1112 : vector<1x16xf32> to vector<16xf32>
    %add3A_1114 = arith.addf %add3A_1108, %get3A_1113 : vector<16xf32>
    %get3A_1115 = arith.constant 20 : i32
    %get3A_1116 = arith.index_cast %get3A_1115 : i32 to index
    %get3A_1117 = arith.constant 48 : index
    %get3A_1118 = tpu.vector_load %arg6[%get3A_1116, %get3A_1117] {strides = array<i32>} : memref<26x128xf32, #tpu.memory_space<vmem>>, vector<1x16xf32>,
    %get3A_1119 = vector.shape_cast %get3A_1118 : vector<1x16xf32> to vector<16xf32>
    %add3A_1120 = arith.addf %add3A_1114, %get3A_1119 : vector<16xf32>
    %get3A_1121 = arith.constant 21 : i32
    %get3A_1122 = arith.index_cast %get3A_1121 : i32 to index
    %get3A_1123 = arith.constant 48 : index
    %get3A_1124 = tpu.vector_load %arg6[%get3A_1122, %get3A_1123] {strides = array<i32>} : memref<26x128xf32, #tpu.memory_space<vmem>>, vector<1x16xf32>,
    %get3A_1125 = vector.shape_cast %get3A_1124 : vector<1x16xf32> to vector<16xf32>
    %add3A_1126 = arith.addf %add3A_1120, %get3A_1125 : vector<16xf32>
    %get3A_1127 = arith.constant 22 : i32
    %get3A_1128 = arith.index_cast %get3A_1127 : i32 to index
    %get3A_1129 = arith.constant 48 : index
    %get3A_1130 = tpu.vector_load %arg6[%get3A_1128, %get3A_1129] {strides = array<i32>} : memref<26x128xf32, #tpu.memory_space<vmem>>, vector<1x16xf32>,
    %get3A_1131 = vector.shape_cast %get3A_1130 : vector<1x16xf32> to vector<16xf32>
    %add3A_1132 = arith.addf %add3A_1126, %get3A_1131 : vector<16xf32>
    %get3A_1133 = arith.constant 23 : i32
    %get3A_1134 = arith.index_cast %get3A_1133 : i32 to index
    %get3A_1135 = arith.constant 48 : index
    %get3A_1136 = tpu.vector_load %arg6[%get3A_1134, %get3A_1135] {strides = array<i32>} : memref<26x128xf32, #tpu.memory_space<vmem>>, vector<1x16xf32>,
    %get3A_1137 = vector.shape_cast %get3A_1136 : vector<1x16xf32> to vector<16xf32>
    %add3A_1138 = arith.addf %add3A_1132, %get3A_1137 : vector<16xf32>
    %get3A_1139 = arith.constant 24 : i32
    %get3A_1140 = arith.index_cast %get3A_1139 : i32 to index
    %get3A_1141 = arith.constant 48 : index
    %get3A_1142 = tpu.vector_load %arg6[%get3A_1140, %get3A_1141] {strides = array<i32>} : memref<26x128xf32, #tpu.memory_space<vmem>>, vector<1x16xf32>,
    %get3A_1143 = vector.shape_cast %get3A_1142 : vector<1x16xf32> to vector<16xf32>
    %add3A_1144 = arith.addf %add3A_1138, %get3A_1143 : vector<16xf32>
    %get3A_1145 = arith.constant 25 : i32
    %get3A_1146 = arith.index_cast %get3A_1145 : i32 to index
    %get3A_1147 = arith.constant 48 : index
    %get3A_1148 = tpu.vector_load %arg6[%get3A_1146, %get3A_1147] {strides = array<i32>} : memref<26x128xf32, #tpu.memory_space<vmem>>, vector<1x16xf32>,
    %get3A_1149 = vector.shape_cast %get3A_1148 : vector<1x16xf32> to vector<16xf32>
    %add3A_1150 = arith.addf %add3A_1144, %get3A_1149 : vector<16xf32>
    %swap3A_1151 = arith.constant 48 : index
    %swap3A_1152 = tpu.vector_load %arg7[%swap3A_1151] {strides = array<i32>} : memref<128xf32, #tpu.memory_space<vmem>>, vector<16xf32>,
    %swap3A_1153 = vector.shape_cast %swap3A_1152 : vector<16xf32> to vector<16xf32>
    %swap3A_1154 = vector.shape_cast %add3A_1150 : vector<16xf32> to vector<16xf32>
    tpu.vector_store %arg7[%swap3A_1151], %swap3A_1154 {strides = array<i32>} : memref<128xf32, #tpu.memory_space<vmem>>, vector<16xf32>,
    %get3A_1155 = arith.constant 0 : i32
    %get3A_1156 = arith.index_cast %get3A_1155 : i32 to index
    %get3A_1157 = arith.constant 64 : index
    %get3A_1158 = tpu.vector_load %arg6[%get3A_1156, %get3A_1157] {strides = array<i32>} : memref<26x128xf32, #tpu.memory_space<vmem>>, vector<1x16xf32>,
    %get3A_1159 = vector.shape_cast %get3A_1158 : vector<1x16xf32> to vector<16xf32>
    %get3A_1160 = arith.constant 1 : i32
    %get3A_1161 = arith.index_cast %get3A_1160 : i32 to index
    %get3A_1162 = arith.constant 64 : index
    %get3A_1163 = tpu.vector_load %arg6[%get3A_1161, %get3A_1162] {strides = array<i32>} : memref<26x128xf32, #tpu.memory_space<vmem>>, vector<1x16xf32>,
    %get3A_1164 = vector.shape_cast %get3A_1163 : vector<1x16xf32> to vector<16xf32>
    %add3A_1165 = arith.addf %get3A_1159, %get3A_1164 : vector<16xf32>
    %get3A_1166 = arith.constant 2 : i32
    %get3A_1167 = arith.index_cast %get3A_1166 : i32 to index
    %get3A_1168 = arith.constant 64 : index
    %get3A_1169 = tpu.vector_load %arg6[%get3A_1167, %get3A_1168] {strides = array<i32>} : memref<26x128xf32, #tpu.memory_space<vmem>>, vector<1x16xf32>,
    %get3A_1170 = vector.shape_cast %get3A_1169 : vector<1x16xf32> to vector<16xf32>
    %add3A_1171 = arith.addf %add3A_1165, %get3A_1170 : vector<16xf32>
    %get3A_1172 = arith.constant 3 : i32
    %get3A_1173 = arith.index_cast %get3A_1172 : i32 to index
    %get3A_1174 = arith.constant 64 : index
    %get3A_1175 = tpu.vector_load %arg6[%get3A_1173, %get3A_1174] {strides = array<i32>} : memref<26x128xf32, #tpu.memory_space<vmem>>, vector<1x16xf32>,
    %get3A_1176 = vector.shape_cast %get3A_1175 : vector<1x16xf32> to vector<16xf32>
    %add3A_1177 = arith.addf %add3A_1171, %get3A_1176 : vector<16xf32>
    %get3A_1178 = arith.constant 4 : i32
    %get3A_1179 = arith.index_cast %get3A_1178 : i32 to index
    %get3A_1180 = arith.constant 64 : index
    %get3A_1181 = tpu.vector_load %arg6[%get3A_1179, %get3A_1180] {strides = array<i32>} : memref<26x128xf32, #tpu.memory_space<vmem>>, vector<1x16xf32>,
    %get3A_1182 = vector.shape_cast %get3A_1181 : vector<1x16xf32> to vector<16xf32>
    %add3A_1183 = arith.addf %add3A_1177, %get3A_1182 : vector<16xf32>
    %get3A_1184 = arith.constant 5 : i32
    %get3A_1185 = arith.index_cast %get3A_1184 : i32 to index
    %get3A_1186 = arith.constant 64 : index
    %get3A_1187 = tpu.vector_load %arg6[%get3A_1185, %get3A_1186] {strides = array<i32>} : memref<26x128xf32, #tpu.memory_space<vmem>>, vector<1x16xf32>,
    %get3A_1188 = vector.shape_cast %get3A_1187 : vector<1x16xf32> to vector<16xf32>
    %add3A_1189 = arith.addf %add3A_1183, %get3A_1188 : vector<16xf32>
    %get3A_1190 = arith.constant 6 : i32
    %get3A_1191 = arith.index_cast %get3A_1190 : i32 to index
    %get3A_1192 = arith.constant 64 : index
    %get3A_1193 = tpu.vector_load %arg6[%get3A_1191, %get3A_1192] {strides = array<i32>} : memref<26x128xf32, #tpu.memory_space<vmem>>, vector<1x16xf32>,
    %get3A_1194 = vector.shape_cast %get3A_1193 : vector<1x16xf32> to vector<16xf32>
    %add3A_1195 = arith.addf %add3A_1189, %get3A_1194 : vector<16xf32>
    %get3A_1196 = arith.constant 7 : i32
    %get3A_1197 = arith.index_cast %get3A_1196 : i32 to index
    %get3A_1198 = arith.constant 64 : index
    %get3A_1199 = tpu.vector_load %arg6[%get3A_1197, %get3A_1198] {strides = array<i32>} : memref<26x128xf32, #tpu.memory_space<vmem>>, vector<1x16xf32>,
    %get3A_1200 = vector.shape_cast %get3A_1199 : vector<1x16xf32> to vector<16xf32>
    %add3A_1201 = arith.addf %add3A_1195, %get3A_1200 : vector<16xf32>
    %get3A_1202 = arith.constant 8 : i32
    %get3A_1203 = arith.index_cast %get3A_1202 : i32 to index
    %get3A_1204 = arith.constant 64 : index
    %get3A_1205 = tpu.vector_load %arg6[%get3A_1203, %get3A_1204] {strides = array<i32>} : memref<26x128xf32, #tpu.memory_space<vmem>>, vector<1x16xf32>,
    %get3A_1206 = vector.shape_cast %get3A_1205 : vector<1x16xf32> to vector<16xf32>
    %add3A_1207 = arith.addf %add3A_1201, %get3A_1206 : vector<16xf32>
    %get3A_1208 = arith.constant 9 : i32
    %get3A_1209 = arith.index_cast %get3A_1208 : i32 to index
    %get3A_1210 = arith.constant 64 : index
    %get3A_1211 = tpu.vector_load %arg6[%get3A_1209, %get3A_1210] {strides = array<i32>} : memref<26x128xf32, #tpu.memory_space<vmem>>, vector<1x16xf32>,
    %get3A_1212 = vector.shape_cast %get3A_1211 : vector<1x16xf32> to vector<16xf32>
    %add3A_1213 = arith.addf %add3A_1207, %get3A_1212 : vector<16xf32>
    %get3A_1214 = arith.constant 10 : i32
    %get3A_1215 = arith.index_cast %get3A_1214 : i32 to index
    %get3A_1216 = arith.constant 64 : index
    %get3A_1217 = tpu.vector_load %arg6[%get3A_1215, %get3A_1216] {strides = array<i32>} : memref<26x128xf32, #tpu.memory_space<vmem>>, vector<1x16xf32>,
    %get3A_1218 = vector.shape_cast %get3A_1217 : vector<1x16xf32> to vector<16xf32>
    %add3A_1219 = arith.addf %add3A_1213, %get3A_1218 : vector<16xf32>
    %get3A_1220 = arith.constant 11 : i32
    %get3A_1221 = arith.index_cast %get3A_1220 : i32 to index
    %get3A_1222 = arith.constant 64 : index
    %get3A_1223 = tpu.vector_load %arg6[%get3A_1221, %get3A_1222] {strides = array<i32>} : memref<26x128xf32, #tpu.memory_space<vmem>>, vector<1x16xf32>,
    %get3A_1224 = vector.shape_cast %get3A_1223 : vector<1x16xf32> to vector<16xf32>
    %add3A_1225 = arith.addf %add3A_1219, %get3A_1224 : vector<16xf32>
    %get3A_1226 = arith.constant 12 : i32
    %get3A_1227 = arith.index_cast %get3A_1226 : i32 to index
    %get3A_1228 = arith.constant 64 : index
    %get3A_1229 = tpu.vector_load %arg6[%get3A_1227, %get3A_1228] {strides = array<i32>} : memref<26x128xf32, #tpu.memory_space<vmem>>, vector<1x16xf32>,
    %get3A_1230 = vector.shape_cast %get3A_1229 : vector<1x16xf32> to vector<16xf32>
    %add3A_1231 = arith.addf %add3A_1225, %get3A_1230 : vector<16xf32>
    %get3A_1232 = arith.constant 13 : i32
    %get3A_1233 = arith.index_cast %get3A_1232 : i32 to index
    %get3A_1234 = arith.constant 64 : index
    %get3A_1235 = tpu.vector_load %arg6[%get3A_1233, %get3A_1234] {strides = array<i32>} : memref<26x128xf32, #tpu.memory_space<vmem>>, vector<1x16xf32>,
    %get3A_1236 = vector.shape_cast %get3A_1235 : vector<1x16xf32> to vector<16xf32>
    %add3A_1237 = arith.addf %add3A_1231, %get3A_1236 : vector<16xf32>
    %get3A_1238 = arith.constant 14 : i32
    %get3A_1239 = arith.index_cast %get3A_1238 : i32 to index
    %get3A_1240 = arith.constant 64 : index
    %get3A_1241 = tpu.vector_load %arg6[%get3A_1239, %get3A_1240] {strides = array<i32>} : memref<26x128xf32, #tpu.memory_space<vmem>>, vector<1x16xf32>,
    %get3A_1242 = vector.shape_cast %get3A_1241 : vector<1x16xf32> to vector<16xf32>
    %add3A_1243 = arith.addf %add3A_1237, %get3A_1242 : vector<16xf32>
    %get3A_1244 = arith.constant 15 : i32
    %get3A_1245 = arith.index_cast %get3A_1244 : i32 to index
    %get3A_1246 = arith.constant 64 : index
    %get3A_1247 = tpu.vector_load %arg6[%get3A_1245, %get3A_1246] {strides = array<i32>} : memref<26x128xf32, #tpu.memory_space<vmem>>, vector<1x16xf32>,
    %get3A_1248 = vector.shape_cast %get3A_1247 : vector<1x16xf32> to vector<16xf32>
    %add3A_1249 = arith.addf %add3A_1243, %get3A_1248 : vector<16xf32>
    %get3A_1250 = arith.constant 16 : i32
    %get3A_1251 = arith.index_cast %get3A_1250 : i32 to index
    %get3A_1252 = arith.constant 64 : index
    %get3A_1253 = tpu.vector_load %arg6[%get3A_1251, %get3A_1252] {strides = array<i32>} : memref<26x128xf32, #tpu.memory_space<vmem>>, vector<1x16xf32>,
    %get3A_1254 = vector.shape_cast %get3A_1253 : vector<1x16xf32> to vector<16xf32>
    %add3A_1255 = arith.addf %add3A_1249, %get3A_1254 : vector<16xf32>
    %get3A_1256 = arith.constant 17 : i32
    %get3A_1257 = arith.index_cast %get3A_1256 : i32 to index
    %get3A_1258 = arith.constant 64 : index
    %get3A_1259 = tpu.vector_load %arg6[%get3A_1257, %get3A_1258] {strides = array<i32>} : memref<26x128xf32, #tpu.memory_space<vmem>>, vector<1x16xf32>,
    %get3A_1260 = vector.shape_cast %get3A_1259 : vector<1x16xf32> to vector<16xf32>
    %add3A_1261 = arith.addf %add3A_1255, %get3A_1260 : vector<16xf32>
    %get3A_1262 = arith.constant 18 : i32
    %get3A_1263 = arith.index_cast %get3A_1262 : i32 to index
    %get3A_1264 = arith.constant 64 : index
    %get3A_1265 = tpu.vector_load %arg6[%get3A_1263, %get3A_1264] {strides = array<i32>} : memref<26x128xf32, #tpu.memory_space<vmem>>, vector<1x16xf32>,
    %get3A_1266 = vector.shape_cast %get3A_1265 : vector<1x16xf32> to vector<16xf32>
    %add3A_1267 = arith.addf %add3A_1261, %get3A_1266 : vector<16xf32>
    %get3A_1268 = arith.constant 19 : i32
    %get3A_1269 = arith.index_cast %get3A_1268 : i32 to index
    %get3A_1270 = arith.constant 64 : index
    %get3A_1271 = tpu.vector_load %arg6[%get3A_1269, %get3A_1270] {strides = array<i32>} : memref<26x128xf32, #tpu.memory_space<vmem>>, vector<1x16xf32>,
    %get3A_1272 = vector.shape_cast %get3A_1271 : vector<1x16xf32> to vector<16xf32>
    %add3A_1273 = arith.addf %add3A_1267, %get3A_1272 : vector<16xf32>
    %get3A_1274 = arith.constant 20 : i32
    %get3A_1275 = arith.index_cast %get3A_1274 : i32 to index
    %get3A_1276 = arith.constant 64 : index
    %get3A_1277 = tpu.vector_load %arg6[%get3A_1275, %get3A_1276] {strides = array<i32>} : memref<26x128xf32, #tpu.memory_space<vmem>>, vector<1x16xf32>,
    %get3A_1278 = vector.shape_cast %get3A_1277 : vector<1x16xf32> to vector<16xf32>
    %add3A_1279 = arith.addf %add3A_1273, %get3A_1278 : vector<16xf32>
    %get3A_1280 = arith.constant 21 : i32
    %get3A_1281 = arith.index_cast %get3A_1280 : i32 to index
    %get3A_1282 = arith.constant 64 : index
    %get3A_1283 = tpu.vector_load %arg6[%get3A_1281, %get3A_1282] {strides = array<i32>} : memref<26x128xf32, #tpu.memory_space<vmem>>, vector<1x16xf32>,
    %get3A_1284 = vector.shape_cast %get3A_1283 : vector<1x16xf32> to vector<16xf32>
    %add3A_1285 = arith.addf %add3A_1279, %get3A_1284 : vector<16xf32>
    %get3A_1286 = arith.constant 22 : i32
    %get3A_1287 = arith.index_cast %get3A_1286 : i32 to index
    %get3A_1288 = arith.constant 64 : index
    %get3A_1289 = tpu.vector_load %arg6[%get3A_1287, %get3A_1288] {strides = array<i32>} : memref<26x128xf32, #tpu.memory_space<vmem>>, vector<1x16xf32>,
    %get3A_1290 = vector.shape_cast %get3A_1289 : vector<1x16xf32> to vector<16xf32>
    %add3A_1291 = arith.addf %add3A_1285, %get3A_1290 : vector<16xf32>
    %get3A_1292 = arith.constant 23 : i32
    %get3A_1293 = arith.index_cast %get3A_1292 : i32 to index
    %get3A_1294 = arith.constant 64 : index
    %get3A_1295 = tpu.vector_load %arg6[%get3A_1293, %get3A_1294] {strides = array<i32>} : memref<26x128xf32, #tpu.memory_space<vmem>>, vector<1x16xf32>,
    %get3A_1296 = vector.shape_cast %get3A_1295 : vector<1x16xf32> to vector<16xf32>
    %add3A_1297 = arith.addf %add3A_1291, %get3A_1296 : vector<16xf32>
    %get3A_1298 = arith.constant 24 : i32
    %get3A_1299 = arith.index_cast %get3A_1298 : i32 to index
    %get3A_1300 = arith.constant 64 : index
    %get3A_1301 = tpu.vector_load %arg6[%get3A_1299, %get3A_1300] {strides = array<i32>} : memref<26x128xf32, #tpu.memory_space<vmem>>, vector<1x16xf32>,
    %get3A_1302 = vector.shape_cast %get3A_1301 : vector<1x16xf32> to vector<16xf32>
    %add3A_1303 = arith.addf %add3A_1297, %get3A_1302 : vector<16xf32>
    %get3A_1304 = arith.constant 25 : i32
    %get3A_1305 = arith.index_cast %get3A_1304 : i32 to index
    %get3A_1306 = arith.constant 64 : index
    %get3A_1307 = tpu.vector_load %arg6[%get3A_1305, %get3A_1306] {strides = array<i32>} : memref<26x128xf32, #tpu.memory_space<vmem>>, vector<1x16xf32>,
    %get3A_1308 = vector.shape_cast %get3A_1307 : vector<1x16xf32> to vector<16xf32>
    %add3A_1309 = arith.addf %add3A_1303, %get3A_1308 : vector<16xf32>
    %swap3A_1310 = arith.constant 64 : index
    %swap3A_1311 = tpu.vector_load %arg7[%swap3A_1310] {strides = array<i32>} : memref<128xf32, #tpu.memory_space<vmem>>, vector<16xf32>,
    %swap3A_1312 = vector.shape_cast %swap3A_1311 : vector<16xf32> to vector<16xf32>
    %swap3A_1313 = vector.shape_cast %add3A_1309 : vector<16xf32> to vector<16xf32>
    tpu.vector_store %arg7[%swap3A_1310], %swap3A_1313 {strides = array<i32>} : memref<128xf32, #tpu.memory_space<vmem>>, vector<16xf32>,
    %get3A_1314 = arith.constant 0 : i32
    %get3A_1315 = arith.index_cast %get3A_1314 : i32 to index
    %get3A_1316 = arith.constant 80 : index
    %get3A_1317 = tpu.vector_load %arg6[%get3A_1315, %get3A_1316] {strides = array<i32>} : memref<26x128xf32, #tpu.memory_space<vmem>>, vector<1x16xf32>,
    %get3A_1318 = vector.shape_cast %get3A_1317 : vector<1x16xf32> to vector<16xf32>
    %get3A_1319 = arith.constant 1 : i32
    %get3A_1320 = arith.index_cast %get3A_1319 : i32 to index
    %get3A_1321 = arith.constant 80 : index
    %get3A_1322 = tpu.vector_load %arg6[%get3A_1320, %get3A_1321] {strides = array<i32>} : memref<26x128xf32, #tpu.memory_space<vmem>>, vector<1x16xf32>,
    %get3A_1323 = vector.shape_cast %get3A_1322 : vector<1x16xf32> to vector<16xf32>
    %add3A_1324 = arith.addf %get3A_1318, %get3A_1323 : vector<16xf32>
    %get3A_1325 = arith.constant 2 : i32
    %get3A_1326 = arith.index_cast %get3A_1325 : i32 to index
    %get3A_1327 = arith.constant 80 : index
    %get3A_1328 = tpu.vector_load %arg6[%get3A_1326, %get3A_1327] {strides = array<i32>} : memref<26x128xf32, #tpu.memory_space<vmem>>, vector<1x16xf32>,
    %get3A_1329 = vector.shape_cast %get3A_1328 : vector<1x16xf32> to vector<16xf32>
    %add3A_1330 = arith.addf %add3A_1324, %get3A_1329 : vector<16xf32>
    %get3A_1331 = arith.constant 3 : i32
    %get3A_1332 = arith.index_cast %get3A_1331 : i32 to index
    %get3A_1333 = arith.constant 80 : index
    %get3A_1334 = tpu.vector_load %arg6[%get3A_1332, %get3A_1333] {strides = array<i32>} : memref<26x128xf32, #tpu.memory_space<vmem>>, vector<1x16xf32>,
    %get3A_1335 = vector.shape_cast %get3A_1334 : vector<1x16xf32> to vector<16xf32>
    %add3A_1336 = arith.addf %add3A_1330, %get3A_1335 : vector<16xf32>
    %get3A_1337 = arith.constant 4 : i32
    %get3A_1338 = arith.index_cast %get3A_1337 : i32 to index
    %get3A_1339 = arith.constant 80 : index
    %get3A_1340 = tpu.vector_load %arg6[%get3A_1338, %get3A_1339] {strides = array<i32>} : memref<26x128xf32, #tpu.memory_space<vmem>>, vector<1x16xf32>,
    %get3A_1341 = vector.shape_cast %get3A_1340 : vector<1x16xf32> to vector<16xf32>
    %add3A_1342 = arith.addf %add3A_1336, %get3A_1341 : vector<16xf32>
    %get3A_1343 = arith.constant 5 : i32
    %get3A_1344 = arith.index_cast %get3A_1343 : i32 to index
    %get3A_1345 = arith.constant 80 : index
    %get3A_1346 = tpu.vector_load %arg6[%get3A_1344, %get3A_1345] {strides = array<i32>} : memref<26x128xf32, #tpu.memory_space<vmem>>, vector<1x16xf32>,
    %get3A_1347 = vector.shape_cast %get3A_1346 : vector<1x16xf32> to vector<16xf32>
    %add3A_1348 = arith.addf %add3A_1342, %get3A_1347 : vector<16xf32>
    %get3A_1349 = arith.constant 6 : i32
    %get3A_1350 = arith.index_cast %get3A_1349 : i32 to index
    %get3A_1351 = arith.constant 80 : index
    %get3A_1352 = tpu.vector_load %arg6[%get3A_1350, %get3A_1351] {strides = array<i32>} : memref<26x128xf32, #tpu.memory_space<vmem>>, vector<1x16xf32>,
    %get3A_1353 = vector.shape_cast %get3A_1352 : vector<1x16xf32> to vector<16xf32>
    %add3A_1354 = arith.addf %add3A_1348, %get3A_1353 : vector<16xf32>
    %get3A_1355 = arith.constant 7 : i32
    %get3A_1356 = arith.index_cast %get3A_1355 : i32 to index
    %get3A_1357 = arith.constant 80 : index
    %get3A_1358 = tpu.vector_load %arg6[%get3A_1356, %get3A_1357] {strides = array<i32>} : memref<26x128xf32, #tpu.memory_space<vmem>>, vector<1x16xf32>,
    %get3A_1359 = vector.shape_cast %get3A_1358 : vector<1x16xf32> to vector<16xf32>
    %add3A_1360 = arith.addf %add3A_1354, %get3A_1359 : vector<16xf32>
    %get3A_1361 = arith.constant 8 : i32
    %get3A_1362 = arith.index_cast %get3A_1361 : i32 to index
    %get3A_1363 = arith.constant 80 : index
    %get3A_1364 = tpu.vector_load %arg6[%get3A_1362, %get3A_1363] {strides = array<i32>} : memref<26x128xf32, #tpu.memory_space<vmem>>, vector<1x16xf32>,
    %get3A_1365 = vector.shape_cast %get3A_1364 : vector<1x16xf32> to vector<16xf32>
    %add3A_1366 = arith.addf %add3A_1360, %get3A_1365 : vector<16xf32>
    %get3A_1367 = arith.constant 9 : i32
    %get3A_1368 = arith.index_cast %get3A_1367 : i32 to index
    %get3A_1369 = arith.constant 80 : index
    %get3A_1370 = tpu.vector_load %arg6[%get3A_1368, %get3A_1369] {strides = array<i32>} : memref<26x128xf32, #tpu.memory_space<vmem>>, vector<1x16xf32>,
    %get3A_1371 = vector.shape_cast %get3A_1370 : vector<1x16xf32> to vector<16xf32>
    %add3A_1372 = arith.addf %add3A_1366, %get3A_1371 : vector<16xf32>
    %get3A_1373 = arith.constant 10 : i32
    %get3A_1374 = arith.index_cast %get3A_1373 : i32 to index
    %get3A_1375 = arith.constant 80 : index
    %get3A_1376 = tpu.vector_load %arg6[%get3A_1374, %get3A_1375] {strides = array<i32>} : memref<26x128xf32, #tpu.memory_space<vmem>>, vector<1x16xf32>,
    %get3A_1377 = vector.shape_cast %get3A_1376 : vector<1x16xf32> to vector<16xf32>
    %add3A_1378 = arith.addf %add3A_1372, %get3A_1377 : vector<16xf32>
    %get3A_1379 = arith.constant 11 : i32
    %get3A_1380 = arith.index_cast %get3A_1379 : i32 to index
    %get3A_1381 = arith.constant 80 : index
    %get3A_1382 = tpu.vector_load %arg6[%get3A_1380, %get3A_1381] {strides = array<i32>} : memref<26x128xf32, #tpu.memory_space<vmem>>, vector<1x16xf32>,
    %get3A_1383 = vector.shape_cast %get3A_1382 : vector<1x16xf32> to vector<16xf32>
    %add3A_1384 = arith.addf %add3A_1378, %get3A_1383 : vector<16xf32>
    %get3A_1385 = arith.constant 12 : i32
    %get3A_1386 = arith.index_cast %get3A_1385 : i32 to index
    %get3A_1387 = arith.constant 80 : index
    %get3A_1388 = tpu.vector_load %arg6[%get3A_1386, %get3A_1387] {strides = array<i32>} : memref<26x128xf32, #tpu.memory_space<vmem>>, vector<1x16xf32>,
    %get3A_1389 = vector.shape_cast %get3A_1388 : vector<1x16xf32> to vector<16xf32>
    %add3A_1390 = arith.addf %add3A_1384, %get3A_1389 : vector<16xf32>
    %get3A_1391 = arith.constant 13 : i32
    %get3A_1392 = arith.index_cast %get3A_1391 : i32 to index
    %get3A_1393 = arith.constant 80 : index
    %get3A_1394 = tpu.vector_load %arg6[%get3A_1392, %get3A_1393] {strides = array<i32>} : memref<26x128xf32, #tpu.memory_space<vmem>>, vector<1x16xf32>,
    %get3A_1395 = vector.shape_cast %get3A_1394 : vector<1x16xf32> to vector<16xf32>
    %add3A_1396 = arith.addf %add3A_1390, %get3A_1395 : vector<16xf32>
    %get3A_1397 = arith.constant 14 : i32
    %get3A_1398 = arith.index_cast %get3A_1397 : i32 to index
    %get3A_1399 = arith.constant 80 : index
    %get3A_1400 = tpu.vector_load %arg6[%get3A_1398, %get3A_1399] {strides = array<i32>} : memref<26x128xf32, #tpu.memory_space<vmem>>, vector<1x16xf32>,
    %get3A_1401 = vector.shape_cast %get3A_1400 : vector<1x16xf32> to vector<16xf32>
    %add3A_1402 = arith.addf %add3A_1396, %get3A_1401 : vector<16xf32>
    %get3A_1403 = arith.constant 15 : i32
    %get3A_1404 = arith.index_cast %get3A_1403 : i32 to index
    %get3A_1405 = arith.constant 80 : index
    %get3A_1406 = tpu.vector_load %arg6[%get3A_1404, %get3A_1405] {strides = array<i32>} : memref<26x128xf32, #tpu.memory_space<vmem>>, vector<1x16xf32>,
    %get3A_1407 = vector.shape_cast %get3A_1406 : vector<1x16xf32> to vector<16xf32>
    %add3A_1408 = arith.addf %add3A_1402, %get3A_1407 : vector<16xf32>
    %get3A_1409 = arith.constant 16 : i32
    %get3A_1410 = arith.index_cast %get3A_1409 : i32 to index
    %get3A_1411 = arith.constant 80 : index
    %get3A_1412 = tpu.vector_load %arg6[%get3A_1410, %get3A_1411] {strides = array<i32>} : memref<26x128xf32, #tpu.memory_space<vmem>>, vector<1x16xf32>,
    %get3A_1413 = vector.shape_cast %get3A_1412 : vector<1x16xf32> to vector<16xf32>
    %add3A_1414 = arith.addf %add3A_1408, %get3A_1413 : vector<16xf32>
    %get3A_1415 = arith.constant 17 : i32
    %get3A_1416 = arith.index_cast %get3A_1415 : i32 to index
    %get3A_1417 = arith.constant 80 : index
    %get3A_1418 = tpu.vector_load %arg6[%get3A_1416, %get3A_1417] {strides = array<i32>} : memref<26x128xf32, #tpu.memory_space<vmem>>, vector<1x16xf32>,
    %get3A_1419 = vector.shape_cast %get3A_1418 : vector<1x16xf32> to vector<16xf32>
    %add3A_1420 = arith.addf %add3A_1414, %get3A_1419 : vector<16xf32>
    %get3A_1421 = arith.constant 18 : i32
    %get3A_1422 = arith.index_cast %get3A_1421 : i32 to index
    %get3A_1423 = arith.constant 80 : index
    %get3A_1424 = tpu.vector_load %arg6[%get3A_1422, %get3A_1423] {strides = array<i32>} : memref<26x128xf32, #tpu.memory_space<vmem>>, vector<1x16xf32>,
    %get3A_1425 = vector.shape_cast %get3A_1424 : vector<1x16xf32> to vector<16xf32>
    %add3A_1426 = arith.addf %add3A_1420, %get3A_1425 : vector<16xf32>
    %get3A_1427 = arith.constant 19 : i32
    %get3A_1428 = arith.index_cast %get3A_1427 : i32 to index
    %get3A_1429 = arith.constant 80 : index
    %get3A_1430 = tpu.vector_load %arg6[%get3A_1428, %get3A_1429] {strides = array<i32>} : memref<26x128xf32, #tpu.memory_space<vmem>>, vector<1x16xf32>,
    %get3A_1431 = vector.shape_cast %get3A_1430 : vector<1x16xf32> to vector<16xf32>
    %add3A_1432 = arith.addf %add3A_1426, %get3A_1431 : vector<16xf32>
    %get3A_1433 = arith.constant 20 : i32
    %get3A_1434 = arith.index_cast %get3A_1433 : i32 to index
    %get3A_1435 = arith.constant 80 : index
    %get3A_1436 = tpu.vector_load %arg6[%get3A_1434, %get3A_1435] {strides = array<i32>} : memref<26x128xf32, #tpu.memory_space<vmem>>, vector<1x16xf32>,
    %get3A_1437 = vector.shape_cast %get3A_1436 : vector<1x16xf32> to vector<16xf32>
    %add3A_1438 = arith.addf %add3A_1432, %get3A_1437 : vector<16xf32>
    %get3A_1439 = arith.constant 21 : i32
    %get3A_1440 = arith.index_cast %get3A_1439 : i32 to index
    %get3A_1441 = arith.constant 80 : index
    %get3A_1442 = tpu.vector_load %arg6[%get3A_1440, %get3A_1441] {strides = array<i32>} : memref<26x128xf32, #tpu.memory_space<vmem>>, vector<1x16xf32>,
    %get3A_1443 = vector.shape_cast %get3A_1442 : vector<1x16xf32> to vector<16xf32>
    %add3A_1444 = arith.addf %add3A_1438, %get3A_1443 : vector<16xf32>
    %get3A_1445 = arith.constant 22 : i32
    %get3A_1446 = arith.index_cast %get3A_1445 : i32 to index
    %get3A_1447 = arith.constant 80 : index
    %get3A_1448 = tpu.vector_load %arg6[%get3A_1446, %get3A_1447] {strides = array<i32>} : memref<26x128xf32, #tpu.memory_space<vmem>>, vector<1x16xf32>,
    %get3A_1449 = vector.shape_cast %get3A_1448 : vector<1x16xf32> to vector<16xf32>
    %add3A_1450 = arith.addf %add3A_1444, %get3A_1449 : vector<16xf32>
    %get3A_1451 = arith.constant 23 : i32
    %get3A_1452 = arith.index_cast %get3A_1451 : i32 to index
    %get3A_1453 = arith.constant 80 : index
    %get3A_1454 = tpu.vector_load %arg6[%get3A_1452, %get3A_1453] {strides = array<i32>} : memref<26x128xf32, #tpu.memory_space<vmem>>, vector<1x16xf32>,
    %get3A_1455 = vector.shape_cast %get3A_1454 : vector<1x16xf32> to vector<16xf32>
    %add3A_1456 = arith.addf %add3A_1450, %get3A_1455 : vector<16xf32>
    %get3A_1457 = arith.constant 24 : i32
    %get3A_1458 = arith.index_cast %get3A_1457 : i32 to index
    %get3A_1459 = arith.constant 80 : index
    %get3A_1460 = tpu.vector_load %arg6[%get3A_1458, %get3A_1459] {strides = array<i32>} : memref<26x128xf32, #tpu.memory_space<vmem>>, vector<1x16xf32>,
    %get3A_1461 = vector.shape_cast %get3A_1460 : vector<1x16xf32> to vector<16xf32>
    %add3A_1462 = arith.addf %add3A_1456, %get3A_1461 : vector<16xf32>
    %get3A_1463 = arith.constant 25 : i32
    %get3A_1464 = arith.index_cast %get3A_1463 : i32 to index
    %get3A_1465 = arith.constant 80 : index
    %get3A_1466 = tpu.vector_load %arg6[%get3A_1464, %get3A_1465] {strides = array<i32>} : memref<26x128xf32, #tpu.memory_space<vmem>>, vector<1x16xf32>,
    %get3A_1467 = vector.shape_cast %get3A_1466 : vector<1x16xf32> to vector<16xf32>
    %add3A_1468 = arith.addf %add3A_1462, %get3A_1467 : vector<16xf32>
    %swap3A_1469 = arith.constant 80 : index
    %swap3A_1470 = tpu.vector_load %arg7[%swap3A_1469] {strides = array<i32>} : memref<128xf32, #tpu.memory_space<vmem>>, vector<16xf32>,
    %swap3A_1471 = vector.shape_cast %swap3A_1470 : vector<16xf32> to vector<16xf32>
    %swap3A_1472 = vector.shape_cast %add3A_1468 : vector<16xf32> to vector<16xf32>
    tpu.vector_store %arg7[%swap3A_1469], %swap3A_1472 {strides = array<i32>} : memref<128xf32, #tpu.memory_space<vmem>>, vector<16xf32>,
    %get3A_1473 = arith.constant 0 : i32
    %get3A_1474 = arith.index_cast %get3A_1473 : i32 to index
    %get3A_1475 = arith.constant 96 : index
    %get3A_1476 = tpu.vector_load %arg6[%get3A_1474, %get3A_1475] {strides = array<i32>} : memref<26x128xf32, #tpu.memory_space<vmem>>, vector<1x16xf32>,
    %get3A_1477 = vector.shape_cast %get3A_1476 : vector<1x16xf32> to vector<16xf32>
    %get3A_1478 = arith.constant 1 : i32
    %get3A_1479 = arith.index_cast %get3A_1478 : i32 to index
    %get3A_1480 = arith.constant 96 : index
    %get3A_1481 = tpu.vector_load %arg6[%get3A_1479, %get3A_1480] {strides = array<i32>} : memref<26x128xf32, #tpu.memory_space<vmem>>, vector<1x16xf32>,
    %get3A_1482 = vector.shape_cast %get3A_1481 : vector<1x16xf32> to vector<16xf32>
    %add3A_1483 = arith.addf %get3A_1477, %get3A_1482 : vector<16xf32>
    %get3A_1484 = arith.constant 2 : i32
    %get3A_1485 = arith.index_cast %get3A_1484 : i32 to index
    %get3A_1486 = arith.constant 96 : index
    %get3A_1487 = tpu.vector_load %arg6[%get3A_1485, %get3A_1486] {strides = array<i32>} : memref<26x128xf32, #tpu.memory_space<vmem>>, vector<1x16xf32>,
    %get3A_1488 = vector.shape_cast %get3A_1487 : vector<1x16xf32> to vector<16xf32>
    %add3A_1489 = arith.addf %add3A_1483, %get3A_1488 : vector<16xf32>
    %get3A_1490 = arith.constant 3 : i32
    %get3A_1491 = arith.index_cast %get3A_1490 : i32 to index
    %get3A_1492 = arith.constant 96 : index
    %get3A_1493 = tpu.vector_load %arg6[%get3A_1491, %get3A_1492] {strides = array<i32>} : memref<26x128xf32, #tpu.memory_space<vmem>>, vector<1x16xf32>,
    %get3A_1494 = vector.shape_cast %get3A_1493 : vector<1x16xf32> to vector<16xf32>
    %add3A_1495 = arith.addf %add3A_1489, %get3A_1494 : vector<16xf32>
    %get3A_1496 = arith.constant 4 : i32
    %get3A_1497 = arith.index_cast %get3A_1496 : i32 to index
    %get3A_1498 = arith.constant 96 : index
    %get3A_1499 = tpu.vector_load %arg6[%get3A_1497, %get3A_1498] {strides = array<i32>} : memref<26x128xf32, #tpu.memory_space<vmem>>, vector<1x16xf32>,
    %get3A_1500 = vector.shape_cast %get3A_1499 : vector<1x16xf32> to vector<16xf32>
    %add3A_1501 = arith.addf %add3A_1495, %get3A_1500 : vector<16xf32>
    %get3A_1502 = arith.constant 5 : i32
    %get3A_1503 = arith.index_cast %get3A_1502 : i32 to index
    %get3A_1504 = arith.constant 96 : index
    %get3A_1505 = tpu.vector_load %arg6[%get3A_1503, %get3A_1504] {strides = array<i32>} : memref<26x128xf32, #tpu.memory_space<vmem>>, vector<1x16xf32>,
    %get3A_1506 = vector.shape_cast %get3A_1505 : vector<1x16xf32> to vector<16xf32>
    %add3A_1507 = arith.addf %add3A_1501, %get3A_1506 : vector<16xf32>
    %get3A_1508 = arith.constant 6 : i32
    %get3A_1509 = arith.index_cast %get3A_1508 : i32 to index
    %get3A_1510 = arith.constant 96 : index
    %get3A_1511 = tpu.vector_load %arg6[%get3A_1509, %get3A_1510] {strides = array<i32>} : memref<26x128xf32, #tpu.memory_space<vmem>>, vector<1x16xf32>,
    %get3A_1512 = vector.shape_cast %get3A_1511 : vector<1x16xf32> to vector<16xf32>
    %add3A_1513 = arith.addf %add3A_1507, %get3A_1512 : vector<16xf32>
    %get3A_1514 = arith.constant 7 : i32
    %get3A_1515 = arith.index_cast %get3A_1514 : i32 to index
    %get3A_1516 = arith.constant 96 : index
    %get3A_1517 = tpu.vector_load %arg6[%get3A_1515, %get3A_1516] {strides = array<i32>} : memref<26x128xf32, #tpu.memory_space<vmem>>, vector<1x16xf32>,
    %get3A_1518 = vector.shape_cast %get3A_1517 : vector<1x16xf32> to vector<16xf32>
    %add3A_1519 = arith.addf %add3A_1513, %get3A_1518 : vector<16xf32>
    %get3A_1520 = arith.constant 8 : i32
    %get3A_1521 = arith.index_cast %get3A_1520 : i32 to index
    %get3A_1522 = arith.constant 96 : index
    %get3A_1523 = tpu.vector_load %arg6[%get3A_1521, %get3A_1522] {strides = array<i32>} : memref<26x128xf32, #tpu.memory_space<vmem>>, vector<1x16xf32>,
    %get3A_1524 = vector.shape_cast %get3A_1523 : vector<1x16xf32> to vector<16xf32>
    %add3A_1525 = arith.addf %add3A_1519, %get3A_1524 : vector<16xf32>
    %get3A_1526 = arith.constant 9 : i32
    %get3A_1527 = arith.index_cast %get3A_1526 : i32 to index
    %get3A_1528 = arith.constant 96 : index
    %get3A_1529 = tpu.vector_load %arg6[%get3A_1527, %get3A_1528] {strides = array<i32>} : memref<26x128xf32, #tpu.memory_space<vmem>>, vector<1x16xf32>,
    %get3A_1530 = vector.shape_cast %get3A_1529 : vector<1x16xf32> to vector<16xf32>
    %add3A_1531 = arith.addf %add3A_1525, %get3A_1530 : vector<16xf32>
    %get3A_1532 = arith.constant 10 : i32
    %get3A_1533 = arith.index_cast %get3A_1532 : i32 to index
    %get3A_1534 = arith.constant 96 : index
    %get3A_1535 = tpu.vector_load %arg6[%get3A_1533, %get3A_1534] {strides = array<i32>} : memref<26x128xf32, #tpu.memory_space<vmem>>, vector<1x16xf32>,
    %get3A_1536 = vector.shape_cast %get3A_1535 : vector<1x16xf32> to vector<16xf32>
    %add3A_1537 = arith.addf %add3A_1531, %get3A_1536 : vector<16xf32>
    %get3A_1538 = arith.constant 11 : i32
    %get3A_1539 = arith.index_cast %get3A_1538 : i32 to index
    %get3A_1540 = arith.constant 96 : index
    %get3A_1541 = tpu.vector_load %arg6[%get3A_1539, %get3A_1540] {strides = array<i32>} : memref<26x128xf32, #tpu.memory_space<vmem>>, vector<1x16xf32>,
    %get3A_1542 = vector.shape_cast %get3A_1541 : vector<1x16xf32> to vector<16xf32>
    %add3A_1543 = arith.addf %add3A_1537, %get3A_1542 : vector<16xf32>
    %get3A_1544 = arith.constant 12 : i32
    %get3A_1545 = arith.index_cast %get3A_1544 : i32 to index
    %get3A_1546 = arith.constant 96 : index
    %get3A_1547 = tpu.vector_load %arg6[%get3A_1545, %get3A_1546] {strides = array<i32>} : memref<26x128xf32, #tpu.memory_space<vmem>>, vector<1x16xf32>,
    %get3A_1548 = vector.shape_cast %get3A_1547 : vector<1x16xf32> to vector<16xf32>
    %add3A_1549 = arith.addf %add3A_1543, %get3A_1548 : vector<16xf32>
    %get3A_1550 = arith.constant 13 : i32
    %get3A_1551 = arith.index_cast %get3A_1550 : i32 to index
    %get3A_1552 = arith.constant 96 : index
    %get3A_1553 = tpu.vector_load %arg6[%get3A_1551, %get3A_1552] {strides = array<i32>} : memref<26x128xf32, #tpu.memory_space<vmem>>, vector<1x16xf32>,
    %get3A_1554 = vector.shape_cast %get3A_1553 : vector<1x16xf32> to vector<16xf32>
    %add3A_1555 = arith.addf %add3A_1549, %get3A_1554 : vector<16xf32>
    %get3A_1556 = arith.constant 14 : i32
    %get3A_1557 = arith.index_cast %get3A_1556 : i32 to index
    %get3A_1558 = arith.constant 96 : index
    %get3A_1559 = tpu.vector_load %arg6[%get3A_1557, %get3A_1558] {strides = array<i32>} : memref<26x128xf32, #tpu.memory_space<vmem>>, vector<1x16xf32>,
    %get3A_1560 = vector.shape_cast %get3A_1559 : vector<1x16xf32> to vector<16xf32>
    %add3A_1561 = arith.addf %add3A_1555, %get3A_1560 : vector<16xf32>
    %get3A_1562 = arith.constant 15 : i32
    %get3A_1563 = arith.index_cast %get3A_1562 : i32 to index
    %get3A_1564 = arith.constant 96 : index
    %get3A_1565 = tpu.vector_load %arg6[%get3A_1563, %get3A_1564] {strides = array<i32>} : memref<26x128xf32, #tpu.memory_space<vmem>>, vector<1x16xf32>,
    %get3A_1566 = vector.shape_cast %get3A_1565 : vector<1x16xf32> to vector<16xf32>
    %add3A_1567 = arith.addf %add3A_1561, %get3A_1566 : vector<16xf32>
    %get3A_1568 = arith.constant 16 : i32
    %get3A_1569 = arith.index_cast %get3A_1568 : i32 to index
    %get3A_1570 = arith.constant 96 : index
    %get3A_1571 = tpu.vector_load %arg6[%get3A_1569, %get3A_1570] {strides = array<i32>} : memref<26x128xf32, #tpu.memory_space<vmem>>, vector<1x16xf32>,
    %get3A_1572 = vector.shape_cast %get3A_1571 : vector<1x16xf32> to vector<16xf32>
    %add3A_1573 = arith.addf %add3A_1567, %get3A_1572 : vector<16xf32>
    %get3A_1574 = arith.constant 17 : i32
    %get3A_1575 = arith.index_cast %get3A_1574 : i32 to index
    %get3A_1576 = arith.constant 96 : index
    %get3A_1577 = tpu.vector_load %arg6[%get3A_1575, %get3A_1576] {strides = array<i32>} : memref<26x128xf32, #tpu.memory_space<vmem>>, vector<1x16xf32>,
    %get3A_1578 = vector.shape_cast %get3A_1577 : vector<1x16xf32> to vector<16xf32>
    %add3A_1579 = arith.addf %add3A_1573, %get3A_1578 : vector<16xf32>
    %get3A_1580 = arith.constant 18 : i32
    %get3A_1581 = arith.index_cast %get3A_1580 : i32 to index
    %get3A_1582 = arith.constant 96 : index
    %get3A_1583 = tpu.vector_load %arg6[%get3A_1581, %get3A_1582] {strides = array<i32>} : memref<26x128xf32, #tpu.memory_space<vmem>>, vector<1x16xf32>,
    %get3A_1584 = vector.shape_cast %get3A_1583 : vector<1x16xf32> to vector<16xf32>
    %add3A_1585 = arith.addf %add3A_1579, %get3A_1584 : vector<16xf32>
    %get3A_1586 = arith.constant 19 : i32
    %get3A_1587 = arith.index_cast %get3A_1586 : i32 to index
    %get3A_1588 = arith.constant 96 : index
    %get3A_1589 = tpu.vector_load %arg6[%get3A_1587, %get3A_1588] {strides = array<i32>} : memref<26x128xf32, #tpu.memory_space<vmem>>, vector<1x16xf32>,
    %get3A_1590 = vector.shape_cast %get3A_1589 : vector<1x16xf32> to vector<16xf32>
    %add3A_1591 = arith.addf %add3A_1585, %get3A_1590 : vector<16xf32>
    %get3A_1592 = arith.constant 20 : i32
    %get3A_1593 = arith.index_cast %get3A_1592 : i32 to index
    %get3A_1594 = arith.constant 96 : index
    %get3A_1595 = tpu.vector_load %arg6[%get3A_1593, %get3A_1594] {strides = array<i32>} : memref<26x128xf32, #tpu.memory_space<vmem>>, vector<1x16xf32>,
    %get3A_1596 = vector.shape_cast %get3A_1595 : vector<1x16xf32> to vector<16xf32>
    %add3A_1597 = arith.addf %add3A_1591, %get3A_1596 : vector<16xf32>
    %get3A_1598 = arith.constant 21 : i32
    %get3A_1599 = arith.index_cast %get3A_1598 : i32 to index
    %get3A_1600 = arith.constant 96 : index
    %get3A_1601 = tpu.vector_load %arg6[%get3A_1599, %get3A_1600] {strides = array<i32>} : memref<26x128xf32, #tpu.memory_space<vmem>>, vector<1x16xf32>,
    %get3A_1602 = vector.shape_cast %get3A_1601 : vector<1x16xf32> to vector<16xf32>
    %add3A_1603 = arith.addf %add3A_1597, %get3A_1602 : vector<16xf32>
    %get3A_1604 = arith.constant 22 : i32
    %get3A_1605 = arith.index_cast %get3A_1604 : i32 to index
    %get3A_1606 = arith.constant 96 : index
    %get3A_1607 = tpu.vector_load %arg6[%get3A_1605, %get3A_1606] {strides = array<i32>} : memref<26x128xf32, #tpu.memory_space<vmem>>, vector<1x16xf32>,
    %get3A_1608 = vector.shape_cast %get3A_1607 : vector<1x16xf32> to vector<16xf32>
    %add3A_1609 = arith.addf %add3A_1603, %get3A_1608 : vector<16xf32>
    %get3A_1610 = arith.constant 23 : i32
    %get3A_1611 = arith.index_cast %get3A_1610 : i32 to index
    %get3A_1612 = arith.constant 96 : index
    %get3A_1613 = tpu.vector_load %arg6[%get3A_1611, %get3A_1612] {strides = array<i32>} : memref<26x128xf32, #tpu.memory_space<vmem>>, vector<1x16xf32>,
    %get3A_1614 = vector.shape_cast %get3A_1613 : vector<1x16xf32> to vector<16xf32>
    %add3A_1615 = arith.addf %add3A_1609, %get3A_1614 : vector<16xf32>
    %get3A_1616 = arith.constant 24 : i32
    %get3A_1617 = arith.index_cast %get3A_1616 : i32 to index
    %get3A_1618 = arith.constant 96 : index
    %get3A_1619 = tpu.vector_load %arg6[%get3A_1617, %get3A_1618] {strides = array<i32>} : memref<26x128xf32, #tpu.memory_space<vmem>>, vector<1x16xf32>,
    %get3A_1620 = vector.shape_cast %get3A_1619 : vector<1x16xf32> to vector<16xf32>
    %add3A_1621 = arith.addf %add3A_1615, %get3A_1620 : vector<16xf32>
    %get3A_1622 = arith.constant 25 : i32
    %get3A_1623 = arith.index_cast %get3A_1622 : i32 to index
    %get3A_1624 = arith.constant 96 : index
    %get3A_1625 = tpu.vector_load %arg6[%get3A_1623, %get3A_1624] {strides = array<i32>} : memref<26x128xf32, #tpu.memory_space<vmem>>, vector<1x16xf32>,
    %get3A_1626 = vector.shape_cast %get3A_1625 : vector<1x16xf32> to vector<16xf32>
    %add3A_1627 = arith.addf %add3A_1621, %get3A_1626 : vector<16xf32>
    %swap3A_1628 = arith.constant 96 : index
    %swap3A_1629 = tpu.vector_load %arg7[%swap3A_1628] {strides = array<i32>} : memref<128xf32, #tpu.memory_space<vmem>>, vector<16xf32>,
    %swap3A_1630 = vector.shape_cast %swap3A_1629 : vector<16xf32> to vector<16xf32>
    %swap3A_1631 = vector.shape_cast %add3A_1627 : vector<16xf32> to vector<16xf32>
    tpu.vector_store %arg7[%swap3A_1628], %swap3A_1631 {strides = array<i32>} : memref<128xf32, #tpu.memory_space<vmem>>, vector<16xf32>,
    %get3A_1632 = arith.constant 0 : i32
    %get3A_1633 = arith.index_cast %get3A_1632 : i32 to index
    %get3A_1634 = arith.constant 112 : index
    %get3A_1635 = tpu.vector_load %arg6[%get3A_1633, %get3A_1634] {strides = array<i32>} : memref<26x128xf32, #tpu.memory_space<vmem>>, vector<1x16xf32>,
    %get3A_1636 = vector.shape_cast %get3A_1635 : vector<1x16xf32> to vector<16xf32>
    %get3A_1637 = arith.constant 1 : i32
    %get3A_1638 = arith.index_cast %get3A_1637 : i32 to index
    %get3A_1639 = arith.constant 112 : index
    %get3A_1640 = tpu.vector_load %arg6[%get3A_1638, %get3A_1639] {strides = array<i32>} : memref<26x128xf32, #tpu.memory_space<vmem>>, vector<1x16xf32>,
    %get3A_1641 = vector.shape_cast %get3A_1640 : vector<1x16xf32> to vector<16xf32>
    %add3A_1642 = arith.addf %get3A_1636, %get3A_1641 : vector<16xf32>
    %get3A_1643 = arith.constant 2 : i32
    %get3A_1644 = arith.index_cast %get3A_1643 : i32 to index
    %get3A_1645 = arith.constant 112 : index
    %get3A_1646 = tpu.vector_load %arg6[%get3A_1644, %get3A_1645] {strides = array<i32>} : memref<26x128xf32, #tpu.memory_space<vmem>>, vector<1x16xf32>,
    %get3A_1647 = vector.shape_cast %get3A_1646 : vector<1x16xf32> to vector<16xf32>
    %add3A_1648 = arith.addf %add3A_1642, %get3A_1647 : vector<16xf32>
    %get3A_1649 = arith.constant 3 : i32
    %get3A_1650 = arith.index_cast %get3A_1649 : i32 to index
    %get3A_1651 = arith.constant 112 : index
    %get3A_1652 = tpu.vector_load %arg6[%get3A_1650, %get3A_1651] {strides = array<i32>} : memref<26x128xf32, #tpu.memory_space<vmem>>, vector<1x16xf32>,
    %get3A_1653 = vector.shape_cast %get3A_1652 : vector<1x16xf32> to vector<16xf32>
    %add3A_1654 = arith.addf %add3A_1648, %get3A_1653 : vector<16xf32>
    %get3A_1655 = arith.constant 4 : i32
    %get3A_1656 = arith.index_cast %get3A_1655 : i32 to index
    %get3A_1657 = arith.constant 112 : index
    %get3A_1658 = tpu.vector_load %arg6[%get3A_1656, %get3A_1657] {strides = array<i32>} : memref<26x128xf32, #tpu.memory_space<vmem>>, vector<1x16xf32>,
    %get3A_1659 = vector.shape_cast %get3A_1658 : vector<1x16xf32> to vector<16xf32>
    %add3A_1660 = arith.addf %add3A_1654, %get3A_1659 : vector<16xf32>
    %get3A_1661 = arith.constant 5 : i32
    %get3A_1662 = arith.index_cast %get3A_1661 : i32 to index
    %get3A_1663 = arith.constant 112 : index
    %get3A_1664 = tpu.vector_load %arg6[%get3A_1662, %get3A_1663] {strides = array<i32>} : memref<26x128xf32, #tpu.memory_space<vmem>>, vector<1x16xf32>,
    %get3A_1665 = vector.shape_cast %get3A_1664 : vector<1x16xf32> to vector<16xf32>
    %add3A_1666 = arith.addf %add3A_1660, %get3A_1665 : vector<16xf32>
    %get3A_1667 = arith.constant 6 : i32
    %get3A_1668 = arith.index_cast %get3A_1667 : i32 to index
    %get3A_1669 = arith.constant 112 : index
    %get3A_1670 = tpu.vector_load %arg6[%get3A_1668, %get3A_1669] {strides = array<i32>} : memref<26x128xf32, #tpu.memory_space<vmem>>, vector<1x16xf32>,
    %get3A_1671 = vector.shape_cast %get3A_1670 : vector<1x16xf32> to vector<16xf32>
    %add3A_1672 = arith.addf %add3A_1666, %get3A_1671 : vector<16xf32>
    %get3A_1673 = arith.constant 7 : i32
    %get3A_1674 = arith.index_cast %get3A_1673 : i32 to index
    %get3A_1675 = arith.constant 112 : index
    %get3A_1676 = tpu.vector_load %arg6[%get3A_1674, %get3A_1675] {strides = array<i32>} : memref<26x128xf32, #tpu.memory_space<vmem>>, vector<1x16xf32>,
    %get3A_1677 = vector.shape_cast %get3A_1676 : vector<1x16xf32> to vector<16xf32>
    %add3A_1678 = arith.addf %add3A_1672, %get3A_1677 : vector<16xf32>
    %get3A_1679 = arith.constant 8 : i32
    %get3A_1680 = arith.index_cast %get3A_1679 : i32 to index
    %get3A_1681 = arith.constant 112 : index
    %get3A_1682 = tpu.vector_load %arg6[%get3A_1680, %get3A_1681] {strides = array<i32>} : memref<26x128xf32, #tpu.memory_space<vmem>>, vector<1x16xf32>,
    %get3A_1683 = vector.shape_cast %get3A_1682 : vector<1x16xf32> to vector<16xf32>
    %add3A_1684 = arith.addf %add3A_1678, %get3A_1683 : vector<16xf32>
    %get3A_1685 = arith.constant 9 : i32
    %get3A_1686 = arith.index_cast %get3A_1685 : i32 to index
    %get3A_1687 = arith.constant 112 : index
    %get3A_1688 = tpu.vector_load %arg6[%get3A_1686, %get3A_1687] {strides = array<i32>} : memref<26x128xf32, #tpu.memory_space<vmem>>, vector<1x16xf32>,
    %get3A_1689 = vector.shape_cast %get3A_1688 : vector<1x16xf32> to vector<16xf32>
    %add3A_1690 = arith.addf %add3A_1684, %get3A_1689 : vector<16xf32>
    %get3A_1691 = arith.constant 10 : i32
    %get3A_1692 = arith.index_cast %get3A_1691 : i32 to index
    %get3A_1693 = arith.constant 112 : index
    %get3A_1694 = tpu.vector_load %arg6[%get3A_1692, %get3A_1693] {strides = array<i32>} : memref<26x128xf32, #tpu.memory_space<vmem>>, vector<1x16xf32>,
    %get3A_1695 = vector.shape_cast %get3A_1694 : vector<1x16xf32> to vector<16xf32>
    %add3A_1696 = arith.addf %add3A_1690, %get3A_1695 : vector<16xf32>
    %get3A_1697 = arith.constant 11 : i32
    %get3A_1698 = arith.index_cast %get3A_1697 : i32 to index
    %get3A_1699 = arith.constant 112 : index
    %get3A_1700 = tpu.vector_load %arg6[%get3A_1698, %get3A_1699] {strides = array<i32>} : memref<26x128xf32, #tpu.memory_space<vmem>>, vector<1x16xf32>,
    %get3A_1701 = vector.shape_cast %get3A_1700 : vector<1x16xf32> to vector<16xf32>
    %add3A_1702 = arith.addf %add3A_1696, %get3A_1701 : vector<16xf32>
    %get3A_1703 = arith.constant 12 : i32
    %get3A_1704 = arith.index_cast %get3A_1703 : i32 to index
    %get3A_1705 = arith.constant 112 : index
    %get3A_1706 = tpu.vector_load %arg6[%get3A_1704, %get3A_1705] {strides = array<i32>} : memref<26x128xf32, #tpu.memory_space<vmem>>, vector<1x16xf32>,
    %get3A_1707 = vector.shape_cast %get3A_1706 : vector<1x16xf32> to vector<16xf32>
    %add3A_1708 = arith.addf %add3A_1702, %get3A_1707 : vector<16xf32>
    %get3A_1709 = arith.constant 13 : i32
    %get3A_1710 = arith.index_cast %get3A_1709 : i32 to index
    %get3A_1711 = arith.constant 112 : index
    %get3A_1712 = tpu.vector_load %arg6[%get3A_1710, %get3A_1711] {strides = array<i32>} : memref<26x128xf32, #tpu.memory_space<vmem>>, vector<1x16xf32>,
    %get3A_1713 = vector.shape_cast %get3A_1712 : vector<1x16xf32> to vector<16xf32>
    %add3A_1714 = arith.addf %add3A_1708, %get3A_1713 : vector<16xf32>
    %get3A_1715 = arith.constant 14 : i32
    %get3A_1716 = arith.index_cast %get3A_1715 : i32 to index
    %get3A_1717 = arith.constant 112 : index
    %get3A_1718 = tpu.vector_load %arg6[%get3A_1716, %get3A_1717] {strides = array<i32>} : memref<26x128xf32, #tpu.memory_space<vmem>>, vector<1x16xf32>,
    %get3A_1719 = vector.shape_cast %get3A_1718 : vector<1x16xf32> to vector<16xf32>
    %add3A_1720 = arith.addf %add3A_1714, %get3A_1719 : vector<16xf32>
    %get3A_1721 = arith.constant 15 : i32
    %get3A_1722 = arith.index_cast %get3A_1721 : i32 to index
    %get3A_1723 = arith.constant 112 : index
    %get3A_1724 = tpu.vector_load %arg6[%get3A_1722, %get3A_1723] {strides = array<i32>} : memref<26x128xf32, #tpu.memory_space<vmem>>, vector<1x16xf32>,
    %get3A_1725 = vector.shape_cast %get3A_1724 : vector<1x16xf32> to vector<16xf32>
    %add3A_1726 = arith.addf %add3A_1720, %get3A_1725 : vector<16xf32>
    %get3A_1727 = arith.constant 16 : i32
    %get3A_1728 = arith.index_cast %get3A_1727 : i32 to index
    %get3A_1729 = arith.constant 112 : index
    %get3A_1730 = tpu.vector_load %arg6[%get3A_1728, %get3A_1729] {strides = array<i32>} : memref<26x128xf32, #tpu.memory_space<vmem>>, vector<1x16xf32>,
    %get3A_1731 = vector.shape_cast %get3A_1730 : vector<1x16xf32> to vector<16xf32>
    %add3A_1732 = arith.addf %add3A_1726, %get3A_1731 : vector<16xf32>
    %get3A_1733 = arith.constant 17 : i32
    %get3A_1734 = arith.index_cast %get3A_1733 : i32 to index
    %get3A_1735 = arith.constant 112 : index
    %get3A_1736 = tpu.vector_load %arg6[%get3A_1734, %get3A_1735] {strides = array<i32>} : memref<26x128xf32, #tpu.memory_space<vmem>>, vector<1x16xf32>,
    %get3A_1737 = vector.shape_cast %get3A_1736 : vector<1x16xf32> to vector<16xf32>
    %add3A_1738 = arith.addf %add3A_1732, %get3A_1737 : vector<16xf32>
    %get3A_1739 = arith.constant 18 : i32
    %get3A_1740 = arith.index_cast %get3A_1739 : i32 to index
    %get3A_1741 = arith.constant 112 : index
    %get3A_1742 = tpu.vector_load %arg6[%get3A_1740, %get3A_1741] {strides = array<i32>} : memref<26x128xf32, #tpu.memory_space<vmem>>, vector<1x16xf32>,
    %get3A_1743 = vector.shape_cast %get3A_1742 : vector<1x16xf32> to vector<16xf32>
    %add3A_1744 = arith.addf %add3A_1738, %get3A_1743 : vector<16xf32>
    %get3A_1745 = arith.constant 19 : i32
    %get3A_1746 = arith.index_cast %get3A_1745 : i32 to index
    %get3A_1747 = arith.constant 112 : index
    %get3A_1748 = tpu.vector_load %arg6[%get3A_1746, %get3A_1747] {strides = array<i32>} : memref<26x128xf32, #tpu.memory_space<vmem>>, vector<1x16xf32>,
    %get3A_1749 = vector.shape_cast %get3A_1748 : vector<1x16xf32> to vector<16xf32>
    %add3A_1750 = arith.addf %add3A_1744, %get3A_1749 : vector<16xf32>
    %get3A_1751 = arith.constant 20 : i32
    %get3A_1752 = arith.index_cast %get3A_1751 : i32 to index
    %get3A_1753 = arith.constant 112 : index
    %get3A_1754 = tpu.vector_load %arg6[%get3A_1752, %get3A_1753] {strides = array<i32>} : memref<26x128xf32, #tpu.memory_space<vmem>>, vector<1x16xf32>,
    %get3A_1755 = vector.shape_cast %get3A_1754 : vector<1x16xf32> to vector<16xf32>
    %add3A_1756 = arith.addf %add3A_1750, %get3A_1755 : vector<16xf32>
    %get3A_1757 = arith.constant 21 : i32
    %get3A_1758 = arith.index_cast %get3A_1757 : i32 to index
    %get3A_1759 = arith.constant 112 : index
    %get3A_1760 = tpu.vector_load %arg6[%get3A_1758, %get3A_1759] {strides = array<i32>} : memref<26x128xf32, #tpu.memory_space<vmem>>, vector<1x16xf32>,
    %get3A_1761 = vector.shape_cast %get3A_1760 : vector<1x16xf32> to vector<16xf32>
    %add3A_1762 = arith.addf %add3A_1756, %get3A_1761 : vector<16xf32>
    %get3A_1763 = arith.constant 22 : i32
    %get3A_1764 = arith.index_cast %get3A_1763 : i32 to index
    %get3A_1765 = arith.constant 112 : index
    %get3A_1766 = tpu.vector_load %arg6[%get3A_1764, %get3A_1765] {strides = array<i32>} : memref<26x128xf32, #tpu.memory_space<vmem>>, vector<1x16xf32>,
    %get3A_1767 = vector.shape_cast %get3A_1766 : vector<1x16xf32> to vector<16xf32>
    %add3A_1768 = arith.addf %add3A_1762, %get3A_1767 : vector<16xf32>
    %get3A_1769 = arith.constant 23 : i32
    %get3A_1770 = arith.index_cast %get3A_1769 : i32 to index
    %get3A_1771 = arith.constant 112 : index
    %get3A_1772 = tpu.vector_load %arg6[%get3A_1770, %get3A_1771] {strides = array<i32>} : memref<26x128xf32, #tpu.memory_space<vmem>>, vector<1x16xf32>,
    %get3A_1773 = vector.shape_cast %get3A_1772 : vector<1x16xf32> to vector<16xf32>
    %add3A_1774 = arith.addf %add3A_1768, %get3A_1773 : vector<16xf32>
    %get3A_1775 = arith.constant 24 : i32
    %get3A_1776 = arith.index_cast %get3A_1775 : i32 to index
    %get3A_1777 = arith.constant 112 : index
    %get3A_1778 = tpu.vector_load %arg6[%get3A_1776, %get3A_1777] {strides = array<i32>} : memref<26x128xf32, #tpu.memory_space<vmem>>, vector<1x16xf32>,
    %get3A_1779 = vector.shape_cast %get3A_1778 : vector<1x16xf32> to vector<16xf32>
    %add3A_1780 = arith.addf %add3A_1774, %get3A_1779 : vector<16xf32>
    %get3A_1781 = arith.constant 25 : i32
    %get3A_1782 = arith.index_cast %get3A_1781 : i32 to index
    %get3A_1783 = arith.constant 112 : index
    %get3A_1784 = tpu.vector_load %arg6[%get3A_1782, %get3A_1783] {strides = array<i32>} : memref<26x128xf32, #tpu.memory_space<vmem>>, vector<1x16xf32>,
    %get3A_1785 = vector.shape_cast %get3A_1784 : vector<1x16xf32> to vector<16xf32>
    %add3A_1786 = arith.addf %add3A_1780, %get3A_1785 : vector<16xf32>
    %swap3A_1787 = arith.constant 112 : index
    %swap3A_1788 = tpu.vector_load %arg7[%swap3A_1787] {strides = array<i32>} : memref<128xf32, #tpu.memory_space<vmem>>, vector<16xf32>,
    %swap3A_1789 = vector.shape_cast %swap3A_1788 : vector<16xf32> to vector<16xf32>
    %swap3A_1790 = vector.shape_cast %add3A_1786 : vector<16xf32> to vector<16xf32>
    tpu.vector_store %arg7[%swap3A_1787], %swap3A_1790 {strides = array<i32>} : memref<128xf32, #tpu.memory_space<vmem>>, vector<16xf32>,
    "tpu.region"() ({
      %run_scoped3A = tpu.sem_alloc : memref<!tpu.dma_semaphore, #tpu.memory_space<semaphore_mem>>
      %dma_start3A_1791 = tpu.memref_slice %arg4[%mul3A_2] : memref<4096xf32, #tpu.memory_space<hbm>> -> memref<128xf32, #tpu.memory_space<hbm>>
      %dma_start3A_1792 = tpu.memref_slice %arg4[%mul3A_2] : memref<4096xf32, #tpu.memory_space<hbm>> -> memref<128xf32, #tpu.memory_space<hbm>>
      tpu.enqueue_dma source(%arg7 : memref<128xf32, #tpu.memory_space<vmem>>) target(%dma_start3A_1792 : memref<128xf32, #tpu.memory_space<hbm>>) target_semaphore(%run_scoped3A : memref<!tpu.dma_semaphore, #tpu.memory_space<semaphore_mem>>)
      %dma_wait3A_1793 = tpu.memref_slice %arg4[%mul3A_2] : memref<4096xf32, #tpu.memory_space<hbm>> -> memref<128xf32, #tpu.memory_space<hbm>>
      %dma_wait3A_1794 = tpu.memref_slice %arg4[%mul3A_2] : memref<4096xf32, #tpu.memory_space<hbm>> -> memref<128xf32, #tpu.memory_space<hbm>>
      tpu.wait_dma2 semaphore(%run_scoped3A : memref<!tpu.dma_semaphore, #tpu.memory_space<semaphore_mem>>) src(%arg7 : memref<128xf32, #tpu.memory_space<vmem>>) dst(%dma_wait3A_1794 : memref<128xf32, #tpu.memory_space<hbm>>)
      tpu.yield
    }) : () -> ()
    return
  }
}

module attributes {stable_mosaic.version = 14 : i64} {
  func.func @_second_order_body2d(%arg0: i32, %arg1: memref<128x1664xf32, #tpu.memory_space<vmem>>, %arg2: memref<128x20800xf32, #tpu.memory_space<vmem>>) attributes {dimension_semantics = [#tpu.dimension_semantics<parallel>], iteration_bounds = array<i64: 32>, scalar_prefetch = 0 : i64, scratch_operands = 0 : i64, tpu.core_type = #tpu.core_type<tc>, window_params = [{transform_indices = @transform_0, window_bounds = array<i64: 128, 1664>}, {transform_indices = @transform_1, window_bounds = array<i64: 128, 20800>}]} {
    %get3A = arith.constant 0 : index
    %get3A_0 = arith.constant 0 : index
    %get3A_1 = vector.load %arg1[%get3A, %get3A_0] : memref<128x1664xf32, #tpu.memory_space<vmem>>, vector<128x64xf32>
    %get3A_2 = arith.constant 0 : index
    %get3A_3 = arith.constant 64 : index
    %get3A_4 = vector.load %arg1[%get3A_2, %get3A_3] : memref<128x1664xf32, #tpu.memory_space<vmem>>, vector<128x64xf32>
    %get3A_5 = arith.constant 0 : index
    %get3A_6 = arith.constant 128 : index
    %get3A_7 = vector.load %arg1[%get3A_5, %get3A_6] : memref<128x1664xf32, #tpu.memory_space<vmem>>, vector<128x64xf32>
    %get3A_8 = arith.constant 0 : index
    %get3A_9 = arith.constant 192 : index
    %get3A_10 = vector.load %arg1[%get3A_8, %get3A_9] : memref<128x1664xf32, #tpu.memory_space<vmem>>, vector<128x64xf32>
    %get3A_11 = arith.constant 0 : index
    %get3A_12 = arith.constant 256 : index
    %get3A_13 = vector.load %arg1[%get3A_11, %get3A_12] : memref<128x1664xf32, #tpu.memory_space<vmem>>, vector<128x64xf32>
    %get3A_14 = arith.constant 0 : index
    %get3A_15 = arith.constant 320 : index
    %get3A_16 = vector.load %arg1[%get3A_14, %get3A_15] : memref<128x1664xf32, #tpu.memory_space<vmem>>, vector<128x64xf32>
    %get3A_17 = arith.constant 0 : index
    %get3A_18 = arith.constant 384 : index
    %get3A_19 = vector.load %arg1[%get3A_17, %get3A_18] : memref<128x1664xf32, #tpu.memory_space<vmem>>, vector<128x64xf32>
    %get3A_20 = arith.constant 0 : index
    %get3A_21 = arith.constant 448 : index
    %get3A_22 = vector.load %arg1[%get3A_20, %get3A_21] : memref<128x1664xf32, #tpu.memory_space<vmem>>, vector<128x64xf32>
    %get3A_23 = arith.constant 0 : index
    %get3A_24 = arith.constant 512 : index
    %get3A_25 = vector.load %arg1[%get3A_23, %get3A_24] : memref<128x1664xf32, #tpu.memory_space<vmem>>, vector<128x64xf32>
    %get3A_26 = arith.constant 0 : index
    %get3A_27 = arith.constant 576 : index
    %get3A_28 = vector.load %arg1[%get3A_26, %get3A_27] : memref<128x1664xf32, #tpu.memory_space<vmem>>, vector<128x64xf32>
    %get3A_29 = arith.constant 0 : index
    %get3A_30 = arith.constant 640 : index
    %get3A_31 = vector.load %arg1[%get3A_29, %get3A_30] : memref<128x1664xf32, #tpu.memory_space<vmem>>, vector<128x64xf32>
    %get3A_32 = arith.constant 0 : index
    %get3A_33 = arith.constant 704 : index
    %get3A_34 = vector.load %arg1[%get3A_32, %get3A_33] : memref<128x1664xf32, #tpu.memory_space<vmem>>, vector<128x64xf32>
    %get3A_35 = arith.constant 0 : index
    %get3A_36 = arith.constant 768 : index
    %get3A_37 = vector.load %arg1[%get3A_35, %get3A_36] : memref<128x1664xf32, #tpu.memory_space<vmem>>, vector<128x64xf32>
    %get3A_38 = arith.constant 0 : index
    %get3A_39 = arith.constant 832 : index
    %get3A_40 = vector.load %arg1[%get3A_38, %get3A_39] : memref<128x1664xf32, #tpu.memory_space<vmem>>, vector<128x64xf32>
    %get3A_41 = arith.constant 0 : index
    %get3A_42 = arith.constant 896 : index
    %get3A_43 = vector.load %arg1[%get3A_41, %get3A_42] : memref<128x1664xf32, #tpu.memory_space<vmem>>, vector<128x64xf32>
    %get3A_44 = arith.constant 0 : index
    %get3A_45 = arith.constant 960 : index
    %get3A_46 = vector.load %arg1[%get3A_44, %get3A_45] : memref<128x1664xf32, #tpu.memory_space<vmem>>, vector<128x64xf32>
    %get3A_47 = arith.constant 0 : index
    %get3A_48 = arith.constant 1024 : index
    %get3A_49 = vector.load %arg1[%get3A_47, %get3A_48] : memref<128x1664xf32, #tpu.memory_space<vmem>>, vector<128x64xf32>
    %get3A_50 = arith.constant 0 : index
    %get3A_51 = arith.constant 1088 : index
    %get3A_52 = vector.load %arg1[%get3A_50, %get3A_51] : memref<128x1664xf32, #tpu.memory_space<vmem>>, vector<128x64xf32>
    %get3A_53 = arith.constant 0 : index
    %get3A_54 = arith.constant 1152 : index
    %get3A_55 = vector.load %arg1[%get3A_53, %get3A_54] : memref<128x1664xf32, #tpu.memory_space<vmem>>, vector<128x64xf32>
    %get3A_56 = arith.constant 0 : index
    %get3A_57 = arith.constant 1216 : index
    %get3A_58 = vector.load %arg1[%get3A_56, %get3A_57] : memref<128x1664xf32, #tpu.memory_space<vmem>>, vector<128x64xf32>
    %get3A_59 = arith.constant 0 : index
    %get3A_60 = arith.constant 1280 : index
    %get3A_61 = vector.load %arg1[%get3A_59, %get3A_60] : memref<128x1664xf32, #tpu.memory_space<vmem>>, vector<128x64xf32>
    %get3A_62 = arith.constant 0 : index
    %get3A_63 = arith.constant 1344 : index
    %get3A_64 = vector.load %arg1[%get3A_62, %get3A_63] : memref<128x1664xf32, #tpu.memory_space<vmem>>, vector<128x64xf32>
    %get3A_65 = arith.constant 0 : index
    %get3A_66 = arith.constant 1408 : index
    %get3A_67 = vector.load %arg1[%get3A_65, %get3A_66] : memref<128x1664xf32, #tpu.memory_space<vmem>>, vector<128x64xf32>
    %get3A_68 = arith.constant 0 : index
    %get3A_69 = arith.constant 1472 : index
    %get3A_70 = vector.load %arg1[%get3A_68, %get3A_69] : memref<128x1664xf32, #tpu.memory_space<vmem>>, vector<128x64xf32>
    %get3A_71 = arith.constant 0 : index
    %get3A_72 = arith.constant 1536 : index
    %get3A_73 = vector.load %arg1[%get3A_71, %get3A_72] : memref<128x1664xf32, #tpu.memory_space<vmem>>, vector<128x64xf32>
    %get3A_74 = arith.constant 0 : index
    %get3A_75 = arith.constant 1600 : index
    %get3A_76 = vector.load %arg1[%get3A_74, %get3A_75] : memref<128x1664xf32, #tpu.memory_space<vmem>>, vector<128x64xf32>
    %mul3A = arith.mulf %get3A_1, %get3A_4 : vector<128x64xf32>
    %swap3A = arith.constant 0 : index
    %swap3A_77 = arith.constant 0 : index
    %swap3A_78 = vector.load %arg2[%swap3A, %swap3A_77] : memref<128x20800xf32, #tpu.memory_space<vmem>>, vector<128x64xf32>
    tpu.vector_store %arg2[%swap3A, %swap3A_77], %mul3A {strides = array<i32>} : memref<128x20800xf32, #tpu.memory_space<vmem>>, vector<128x64xf32>,
    %mul3A_79 = arith.mulf %get3A_1, %get3A_7 : vector<128x64xf32>
    %swap3A_80 = arith.constant 0 : index
    %swap3A_81 = arith.constant 64 : index
    %swap3A_82 = vector.load %arg2[%swap3A_80, %swap3A_81] : memref<128x20800xf32, #tpu.memory_space<vmem>>, vector<128x64xf32>
    tpu.vector_store %arg2[%swap3A_80, %swap3A_81], %mul3A_79 {strides = array<i32>} : memref<128x20800xf32, #tpu.memory_space<vmem>>, vector<128x64xf32>,
    %mul3A_83 = arith.mulf %get3A_1, %get3A_10 : vector<128x64xf32>
    %swap3A_84 = arith.constant 0 : index
    %swap3A_85 = arith.constant 128 : index
    %swap3A_86 = vector.load %arg2[%swap3A_84, %swap3A_85] : memref<128x20800xf32, #tpu.memory_space<vmem>>, vector<128x64xf32>
    tpu.vector_store %arg2[%swap3A_84, %swap3A_85], %mul3A_83 {strides = array<i32>} : memref<128x20800xf32, #tpu.memory_space<vmem>>, vector<128x64xf32>,
    %mul3A_87 = arith.mulf %get3A_1, %get3A_13 : vector<128x64xf32>
    %swap3A_88 = arith.constant 0 : index
    %swap3A_89 = arith.constant 192 : index
    %swap3A_90 = vector.load %arg2[%swap3A_88, %swap3A_89] : memref<128x20800xf32, #tpu.memory_space<vmem>>, vector<128x64xf32>
    tpu.vector_store %arg2[%swap3A_88, %swap3A_89], %mul3A_87 {strides = array<i32>} : memref<128x20800xf32, #tpu.memory_space<vmem>>, vector<128x64xf32>,
    %mul3A_91 = arith.mulf %get3A_1, %get3A_16 : vector<128x64xf32>
    %swap3A_92 = arith.constant 0 : index
    %swap3A_93 = arith.constant 256 : index
    %swap3A_94 = vector.load %arg2[%swap3A_92, %swap3A_93] : memref<128x20800xf32, #tpu.memory_space<vmem>>, vector<128x64xf32>
    tpu.vector_store %arg2[%swap3A_92, %swap3A_93], %mul3A_91 {strides = array<i32>} : memref<128x20800xf32, #tpu.memory_space<vmem>>, vector<128x64xf32>,
    %mul3A_95 = arith.mulf %get3A_1, %get3A_19 : vector<128x64xf32>
    %swap3A_96 = arith.constant 0 : index
    %swap3A_97 = arith.constant 320 : index
    %swap3A_98 = vector.load %arg2[%swap3A_96, %swap3A_97] : memref<128x20800xf32, #tpu.memory_space<vmem>>, vector<128x64xf32>
    tpu.vector_store %arg2[%swap3A_96, %swap3A_97], %mul3A_95 {strides = array<i32>} : memref<128x20800xf32, #tpu.memory_space<vmem>>, vector<128x64xf32>,
    %mul3A_99 = arith.mulf %get3A_1, %get3A_22 : vector<128x64xf32>
    %swap3A_100 = arith.constant 0 : index
    %swap3A_101 = arith.constant 384 : index
    %swap3A_102 = vector.load %arg2[%swap3A_100, %swap3A_101] : memref<128x20800xf32, #tpu.memory_space<vmem>>, vector<128x64xf32>
    tpu.vector_store %arg2[%swap3A_100, %swap3A_101], %mul3A_99 {strides = array<i32>} : memref<128x20800xf32, #tpu.memory_space<vmem>>, vector<128x64xf32>,
    %mul3A_103 = arith.mulf %get3A_1, %get3A_25 : vector<128x64xf32>
    %swap3A_104 = arith.constant 0 : index
    %swap3A_105 = arith.constant 448 : index
    %swap3A_106 = vector.load %arg2[%swap3A_104, %swap3A_105] : memref<128x20800xf32, #tpu.memory_space<vmem>>, vector<128x64xf32>
    tpu.vector_store %arg2[%swap3A_104, %swap3A_105], %mul3A_103 {strides = array<i32>} : memref<128x20800xf32, #tpu.memory_space<vmem>>, vector<128x64xf32>,
    %mul3A_107 = arith.mulf %get3A_1, %get3A_28 : vector<128x64xf32>
    %swap3A_108 = arith.constant 0 : index
    %swap3A_109 = arith.constant 512 : index
    %swap3A_110 = vector.load %arg2[%swap3A_108, %swap3A_109] : memref<128x20800xf32, #tpu.memory_space<vmem>>, vector<128x64xf32>
    tpu.vector_store %arg2[%swap3A_108, %swap3A_109], %mul3A_107 {strides = array<i32>} : memref<128x20800xf32, #tpu.memory_space<vmem>>, vector<128x64xf32>,
    %mul3A_111 = arith.mulf %get3A_1, %get3A_31 : vector<128x64xf32>
    %swap3A_112 = arith.constant 0 : index
    %swap3A_113 = arith.constant 576 : index
    %swap3A_114 = vector.load %arg2[%swap3A_112, %swap3A_113] : memref<128x20800xf32, #tpu.memory_space<vmem>>, vector<128x64xf32>
    tpu.vector_store %arg2[%swap3A_112, %swap3A_113], %mul3A_111 {strides = array<i32>} : memref<128x20800xf32, #tpu.memory_space<vmem>>, vector<128x64xf32>,
    %mul3A_115 = arith.mulf %get3A_1, %get3A_34 : vector<128x64xf32>
    %swap3A_116 = arith.constant 0 : index
    %swap3A_117 = arith.constant 640 : index
    %swap3A_118 = vector.load %arg2[%swap3A_116, %swap3A_117] : memref<128x20800xf32, #tpu.memory_space<vmem>>, vector<128x64xf32>
    tpu.vector_store %arg2[%swap3A_116, %swap3A_117], %mul3A_115 {strides = array<i32>} : memref<128x20800xf32, #tpu.memory_space<vmem>>, vector<128x64xf32>,
    %mul3A_119 = arith.mulf %get3A_1, %get3A_37 : vector<128x64xf32>
    %swap3A_120 = arith.constant 0 : index
    %swap3A_121 = arith.constant 704 : index
    %swap3A_122 = vector.load %arg2[%swap3A_120, %swap3A_121] : memref<128x20800xf32, #tpu.memory_space<vmem>>, vector<128x64xf32>
    tpu.vector_store %arg2[%swap3A_120, %swap3A_121], %mul3A_119 {strides = array<i32>} : memref<128x20800xf32, #tpu.memory_space<vmem>>, vector<128x64xf32>,
    %mul3A_123 = arith.mulf %get3A_1, %get3A_40 : vector<128x64xf32>
    %swap3A_124 = arith.constant 0 : index
    %swap3A_125 = arith.constant 768 : index
    %swap3A_126 = vector.load %arg2[%swap3A_124, %swap3A_125] : memref<128x20800xf32, #tpu.memory_space<vmem>>, vector<128x64xf32>
    tpu.vector_store %arg2[%swap3A_124, %swap3A_125], %mul3A_123 {strides = array<i32>} : memref<128x20800xf32, #tpu.memory_space<vmem>>, vector<128x64xf32>,
    %mul3A_127 = arith.mulf %get3A_1, %get3A_43 : vector<128x64xf32>
    %swap3A_128 = arith.constant 0 : index
    %swap3A_129 = arith.constant 832 : index
    %swap3A_130 = vector.load %arg2[%swap3A_128, %swap3A_129] : memref<128x20800xf32, #tpu.memory_space<vmem>>, vector<128x64xf32>
    tpu.vector_store %arg2[%swap3A_128, %swap3A_129], %mul3A_127 {strides = array<i32>} : memref<128x20800xf32, #tpu.memory_space<vmem>>, vector<128x64xf32>,
    %mul3A_131 = arith.mulf %get3A_1, %get3A_46 : vector<128x64xf32>
    %swap3A_132 = arith.constant 0 : index
    %swap3A_133 = arith.constant 896 : index
    %swap3A_134 = vector.load %arg2[%swap3A_132, %swap3A_133] : memref<128x20800xf32, #tpu.memory_space<vmem>>, vector<128x64xf32>
    tpu.vector_store %arg2[%swap3A_132, %swap3A_133], %mul3A_131 {strides = array<i32>} : memref<128x20800xf32, #tpu.memory_space<vmem>>, vector<128x64xf32>,
    %mul3A_135 = arith.mulf %get3A_1, %get3A_49 : vector<128x64xf32>
    %swap3A_136 = arith.constant 0 : index
    %swap3A_137 = arith.constant 960 : index
    %swap3A_138 = vector.load %arg2[%swap3A_136, %swap3A_137] : memref<128x20800xf32, #tpu.memory_space<vmem>>, vector<128x64xf32>
    tpu.vector_store %arg2[%swap3A_136, %swap3A_137], %mul3A_135 {strides = array<i32>} : memref<128x20800xf32, #tpu.memory_space<vmem>>, vector<128x64xf32>,
    %mul3A_139 = arith.mulf %get3A_1, %get3A_52 : vector<128x64xf32>
    %swap3A_140 = arith.constant 0 : index
    %swap3A_141 = arith.constant 1024 : index
    %swap3A_142 = vector.load %arg2[%swap3A_140, %swap3A_141] : memref<128x20800xf32, #tpu.memory_space<vmem>>, vector<128x64xf32>
    tpu.vector_store %arg2[%swap3A_140, %swap3A_141], %mul3A_139 {strides = array<i32>} : memref<128x20800xf32, #tpu.memory_space<vmem>>, vector<128x64xf32>,
    %mul3A_143 = arith.mulf %get3A_1, %get3A_55 : vector<128x64xf32>
    %swap3A_144 = arith.constant 0 : index
    %swap3A_145 = arith.constant 1088 : index
    %swap3A_146 = vector.load %arg2[%swap3A_144, %swap3A_145] : memref<128x20800xf32, #tpu.memory_space<vmem>>, vector<128x64xf32>
    tpu.vector_store %arg2[%swap3A_144, %swap3A_145], %mul3A_143 {strides = array<i32>} : memref<128x20800xf32, #tpu.memory_space<vmem>>, vector<128x64xf32>,
    %mul3A_147 = arith.mulf %get3A_1, %get3A_58 : vector<128x64xf32>
    %swap3A_148 = arith.constant 0 : index
    %swap3A_149 = arith.constant 1152 : index
    %swap3A_150 = vector.load %arg2[%swap3A_148, %swap3A_149] : memref<128x20800xf32, #tpu.memory_space<vmem>>, vector<128x64xf32>
    tpu.vector_store %arg2[%swap3A_148, %swap3A_149], %mul3A_147 {strides = array<i32>} : memref<128x20800xf32, #tpu.memory_space<vmem>>, vector<128x64xf32>,
    %mul3A_151 = arith.mulf %get3A_1, %get3A_61 : vector<128x64xf32>
    %swap3A_152 = arith.constant 0 : index
    %swap3A_153 = arith.constant 1216 : index
    %swap3A_154 = vector.load %arg2[%swap3A_152, %swap3A_153] : memref<128x20800xf32, #tpu.memory_space<vmem>>, vector<128x64xf32>
    tpu.vector_store %arg2[%swap3A_152, %swap3A_153], %mul3A_151 {strides = array<i32>} : memref<128x20800xf32, #tpu.memory_space<vmem>>, vector<128x64xf32>,
    %mul3A_155 = arith.mulf %get3A_1, %get3A_64 : vector<128x64xf32>
    %swap3A_156 = arith.constant 0 : index
    %swap3A_157 = arith.constant 1280 : index
    %swap3A_158 = vector.load %arg2[%swap3A_156, %swap3A_157] : memref<128x20800xf32, #tpu.memory_space<vmem>>, vector<128x64xf32>
    tpu.vector_store %arg2[%swap3A_156, %swap3A_157], %mul3A_155 {strides = array<i32>} : memref<128x20800xf32, #tpu.memory_space<vmem>>, vector<128x64xf32>,
    %mul3A_159 = arith.mulf %get3A_1, %get3A_67 : vector<128x64xf32>
    %swap3A_160 = arith.constant 0 : index
    %swap3A_161 = arith.constant 1344 : index
    %swap3A_162 = vector.load %arg2[%swap3A_160, %swap3A_161] : memref<128x20800xf32, #tpu.memory_space<vmem>>, vector<128x64xf32>
    tpu.vector_store %arg2[%swap3A_160, %swap3A_161], %mul3A_159 {strides = array<i32>} : memref<128x20800xf32, #tpu.memory_space<vmem>>, vector<128x64xf32>,
    %mul3A_163 = arith.mulf %get3A_1, %get3A_70 : vector<128x64xf32>
    %swap3A_164 = arith.constant 0 : index
    %swap3A_165 = arith.constant 1408 : index
    %swap3A_166 = vector.load %arg2[%swap3A_164, %swap3A_165] : memref<128x20800xf32, #tpu.memory_space<vmem>>, vector<128x64xf32>
    tpu.vector_store %arg2[%swap3A_164, %swap3A_165], %mul3A_163 {strides = array<i32>} : memref<128x20800xf32, #tpu.memory_space<vmem>>, vector<128x64xf32>,
    %mul3A_167 = arith.mulf %get3A_1, %get3A_73 : vector<128x64xf32>
    %swap3A_168 = arith.constant 0 : index
    %swap3A_169 = arith.constant 1472 : index
    %swap3A_170 = vector.load %arg2[%swap3A_168, %swap3A_169] : memref<128x20800xf32, #tpu.memory_space<vmem>>, vector<128x64xf32>
    tpu.vector_store %arg2[%swap3A_168, %swap3A_169], %mul3A_167 {strides = array<i32>} : memref<128x20800xf32, #tpu.memory_space<vmem>>, vector<128x64xf32>,
    %mul3A_171 = arith.mulf %get3A_1, %get3A_76 : vector<128x64xf32>
    %swap3A_172 = arith.constant 0 : index
    %swap3A_173 = arith.constant 1536 : index
    %swap3A_174 = vector.load %arg2[%swap3A_172, %swap3A_173] : memref<128x20800xf32, #tpu.memory_space<vmem>>, vector<128x64xf32>
    tpu.vector_store %arg2[%swap3A_172, %swap3A_173], %mul3A_171 {strides = array<i32>} : memref<128x20800xf32, #tpu.memory_space<vmem>>, vector<128x64xf32>,
    %mul3A_175 = arith.mulf %get3A_4, %get3A_7 : vector<128x64xf32>
    %swap3A_176 = arith.constant 0 : index
    %swap3A_177 = arith.constant 1600 : index
    %swap3A_178 = vector.load %arg2[%swap3A_176, %swap3A_177] : memref<128x20800xf32, #tpu.memory_space<vmem>>, vector<128x64xf32>
    tpu.vector_store %arg2[%swap3A_176, %swap3A_177], %mul3A_175 {strides = array<i32>} : memref<128x20800xf32, #tpu.memory_space<vmem>>, vector<128x64xf32>,
    %mul3A_179 = arith.mulf %get3A_4, %get3A_10 : vector<128x64xf32>
    %swap3A_180 = arith.constant 0 : index
    %swap3A_181 = arith.constant 1664 : index
    %swap3A_182 = vector.load %arg2[%swap3A_180, %swap3A_181] : memref<128x20800xf32, #tpu.memory_space<vmem>>, vector<128x64xf32>
    tpu.vector_store %arg2[%swap3A_180, %swap3A_181], %mul3A_179 {strides = array<i32>} : memref<128x20800xf32, #tpu.memory_space<vmem>>, vector<128x64xf32>,
    %mul3A_183 = arith.mulf %get3A_4, %get3A_13 : vector<128x64xf32>
    %swap3A_184 = arith.constant 0 : index
    %swap3A_185 = arith.constant 1728 : index
    %swap3A_186 = vector.load %arg2[%swap3A_184, %swap3A_185] : memref<128x20800xf32, #tpu.memory_space<vmem>>, vector<128x64xf32>
    tpu.vector_store %arg2[%swap3A_184, %swap3A_185], %mul3A_183 {strides = array<i32>} : memref<128x20800xf32, #tpu.memory_space<vmem>>, vector<128x64xf32>,
    %mul3A_187 = arith.mulf %get3A_4, %get3A_16 : vector<128x64xf32>
    %swap3A_188 = arith.constant 0 : index
    %swap3A_189 = arith.constant 1792 : index
    %swap3A_190 = vector.load %arg2[%swap3A_188, %swap3A_189] : memref<128x20800xf32, #tpu.memory_space<vmem>>, vector<128x64xf32>
    tpu.vector_store %arg2[%swap3A_188, %swap3A_189], %mul3A_187 {strides = array<i32>} : memref<128x20800xf32, #tpu.memory_space<vmem>>, vector<128x64xf32>,
    %mul3A_191 = arith.mulf %get3A_4, %get3A_19 : vector<128x64xf32>
    %swap3A_192 = arith.constant 0 : index
    %swap3A_193 = arith.constant 1856 : index
    %swap3A_194 = vector.load %arg2[%swap3A_192, %swap3A_193] : memref<128x20800xf32, #tpu.memory_space<vmem>>, vector<128x64xf32>
    tpu.vector_store %arg2[%swap3A_192, %swap3A_193], %mul3A_191 {strides = array<i32>} : memref<128x20800xf32, #tpu.memory_space<vmem>>, vector<128x64xf32>,
    %mul3A_195 = arith.mulf %get3A_4, %get3A_22 : vector<128x64xf32>
    %swap3A_196 = arith.constant 0 : index
    %swap3A_197 = arith.constant 1920 : index
    %swap3A_198 = vector.load %arg2[%swap3A_196, %swap3A_197] : memref<128x20800xf32, #tpu.memory_space<vmem>>, vector<128x64xf32>
    tpu.vector_store %arg2[%swap3A_196, %swap3A_197], %mul3A_195 {strides = array<i32>} : memref<128x20800xf32, #tpu.memory_space<vmem>>, vector<128x64xf32>,
    %mul3A_199 = arith.mulf %get3A_4, %get3A_25 : vector<128x64xf32>
    %swap3A_200 = arith.constant 0 : index
    %swap3A_201 = arith.constant 1984 : index
    %swap3A_202 = vector.load %arg2[%swap3A_200, %swap3A_201] : memref<128x20800xf32, #tpu.memory_space<vmem>>, vector<128x64xf32>
    tpu.vector_store %arg2[%swap3A_200, %swap3A_201], %mul3A_199 {strides = array<i32>} : memref<128x20800xf32, #tpu.memory_space<vmem>>, vector<128x64xf32>,
    %mul3A_203 = arith.mulf %get3A_4, %get3A_28 : vector<128x64xf32>
    %swap3A_204 = arith.constant 0 : index
    %swap3A_205 = arith.constant 2048 : index
    %swap3A_206 = vector.load %arg2[%swap3A_204, %swap3A_205] : memref<128x20800xf32, #tpu.memory_space<vmem>>, vector<128x64xf32>
    tpu.vector_store %arg2[%swap3A_204, %swap3A_205], %mul3A_203 {strides = array<i32>} : memref<128x20800xf32, #tpu.memory_space<vmem>>, vector<128x64xf32>,
    %mul3A_207 = arith.mulf %get3A_4, %get3A_31 : vector<128x64xf32>
    %swap3A_208 = arith.constant 0 : index
    %swap3A_209 = arith.constant 2112 : index
    %swap3A_210 = vector.load %arg2[%swap3A_208, %swap3A_209] : memref<128x20800xf32, #tpu.memory_space<vmem>>, vector<128x64xf32>
    tpu.vector_store %arg2[%swap3A_208, %swap3A_209], %mul3A_207 {strides = array<i32>} : memref<128x20800xf32, #tpu.memory_space<vmem>>, vector<128x64xf32>,
    %mul3A_211 = arith.mulf %get3A_4, %get3A_34 : vector<128x64xf32>
    %swap3A_212 = arith.constant 0 : index
    %swap3A_213 = arith.constant 2176 : index
    %swap3A_214 = vector.load %arg2[%swap3A_212, %swap3A_213] : memref<128x20800xf32, #tpu.memory_space<vmem>>, vector<128x64xf32>
    tpu.vector_store %arg2[%swap3A_212, %swap3A_213], %mul3A_211 {strides = array<i32>} : memref<128x20800xf32, #tpu.memory_space<vmem>>, vector<128x64xf32>,
    %mul3A_215 = arith.mulf %get3A_4, %get3A_37 : vector<128x64xf32>
    %swap3A_216 = arith.constant 0 : index
    %swap3A_217 = arith.constant 2240 : index
    %swap3A_218 = vector.load %arg2[%swap3A_216, %swap3A_217] : memref<128x20800xf32, #tpu.memory_space<vmem>>, vector<128x64xf32>
    tpu.vector_store %arg2[%swap3A_216, %swap3A_217], %mul3A_215 {strides = array<i32>} : memref<128x20800xf32, #tpu.memory_space<vmem>>, vector<128x64xf32>,
    %mul3A_219 = arith.mulf %get3A_4, %get3A_40 : vector<128x64xf32>
    %swap3A_220 = arith.constant 0 : index
    %swap3A_221 = arith.constant 2304 : index
    %swap3A_222 = vector.load %arg2[%swap3A_220, %swap3A_221] : memref<128x20800xf32, #tpu.memory_space<vmem>>, vector<128x64xf32>
    tpu.vector_store %arg2[%swap3A_220, %swap3A_221], %mul3A_219 {strides = array<i32>} : memref<128x20800xf32, #tpu.memory_space<vmem>>, vector<128x64xf32>,
    %mul3A_223 = arith.mulf %get3A_4, %get3A_43 : vector<128x64xf32>
    %swap3A_224 = arith.constant 0 : index
    %swap3A_225 = arith.constant 2368 : index
    %swap3A_226 = vector.load %arg2[%swap3A_224, %swap3A_225] : memref<128x20800xf32, #tpu.memory_space<vmem>>, vector<128x64xf32>
    tpu.vector_store %arg2[%swap3A_224, %swap3A_225], %mul3A_223 {strides = array<i32>} : memref<128x20800xf32, #tpu.memory_space<vmem>>, vector<128x64xf32>,
    %mul3A_227 = arith.mulf %get3A_4, %get3A_46 : vector<128x64xf32>
    %swap3A_228 = arith.constant 0 : index
    %swap3A_229 = arith.constant 2432 : index
    %swap3A_230 = vector.load %arg2[%swap3A_228, %swap3A_229] : memref<128x20800xf32, #tpu.memory_space<vmem>>, vector<128x64xf32>
    tpu.vector_store %arg2[%swap3A_228, %swap3A_229], %mul3A_227 {strides = array<i32>} : memref<128x20800xf32, #tpu.memory_space<vmem>>, vector<128x64xf32>,
    %mul3A_231 = arith.mulf %get3A_4, %get3A_49 : vector<128x64xf32>
    %swap3A_232 = arith.constant 0 : index
    %swap3A_233 = arith.constant 2496 : index
    %swap3A_234 = vector.load %arg2[%swap3A_232, %swap3A_233] : memref<128x20800xf32, #tpu.memory_space<vmem>>, vector<128x64xf32>
    tpu.vector_store %arg2[%swap3A_232, %swap3A_233], %mul3A_231 {strides = array<i32>} : memref<128x20800xf32, #tpu.memory_space<vmem>>, vector<128x64xf32>,
    %mul3A_235 = arith.mulf %get3A_4, %get3A_52 : vector<128x64xf32>
    %swap3A_236 = arith.constant 0 : index
    %swap3A_237 = arith.constant 2560 : index
    %swap3A_238 = vector.load %arg2[%swap3A_236, %swap3A_237] : memref<128x20800xf32, #tpu.memory_space<vmem>>, vector<128x64xf32>
    tpu.vector_store %arg2[%swap3A_236, %swap3A_237], %mul3A_235 {strides = array<i32>} : memref<128x20800xf32, #tpu.memory_space<vmem>>, vector<128x64xf32>,
    %mul3A_239 = arith.mulf %get3A_4, %get3A_55 : vector<128x64xf32>
    %swap3A_240 = arith.constant 0 : index
    %swap3A_241 = arith.constant 2624 : index
    %swap3A_242 = vector.load %arg2[%swap3A_240, %swap3A_241] : memref<128x20800xf32, #tpu.memory_space<vmem>>, vector<128x64xf32>
    tpu.vector_store %arg2[%swap3A_240, %swap3A_241], %mul3A_239 {strides = array<i32>} : memref<128x20800xf32, #tpu.memory_space<vmem>>, vector<128x64xf32>,
    %mul3A_243 = arith.mulf %get3A_4, %get3A_58 : vector<128x64xf32>
    %swap3A_244 = arith.constant 0 : index
    %swap3A_245 = arith.constant 2688 : index
    %swap3A_246 = vector.load %arg2[%swap3A_244, %swap3A_245] : memref<128x20800xf32, #tpu.memory_space<vmem>>, vector<128x64xf32>
    tpu.vector_store %arg2[%swap3A_244, %swap3A_245], %mul3A_243 {strides = array<i32>} : memref<128x20800xf32, #tpu.memory_space<vmem>>, vector<128x64xf32>,
    %mul3A_247 = arith.mulf %get3A_4, %get3A_61 : vector<128x64xf32>
    %swap3A_248 = arith.constant 0 : index
    %swap3A_249 = arith.constant 2752 : index
    %swap3A_250 = vector.load %arg2[%swap3A_248, %swap3A_249] : memref<128x20800xf32, #tpu.memory_space<vmem>>, vector<128x64xf32>
    tpu.vector_store %arg2[%swap3A_248, %swap3A_249], %mul3A_247 {strides = array<i32>} : memref<128x20800xf32, #tpu.memory_space<vmem>>, vector<128x64xf32>,
    %mul3A_251 = arith.mulf %get3A_4, %get3A_64 : vector<128x64xf32>
    %swap3A_252 = arith.constant 0 : index
    %swap3A_253 = arith.constant 2816 : index
    %swap3A_254 = vector.load %arg2[%swap3A_252, %swap3A_253] : memref<128x20800xf32, #tpu.memory_space<vmem>>, vector<128x64xf32>
    tpu.vector_store %arg2[%swap3A_252, %swap3A_253], %mul3A_251 {strides = array<i32>} : memref<128x20800xf32, #tpu.memory_space<vmem>>, vector<128x64xf32>,
    %mul3A_255 = arith.mulf %get3A_4, %get3A_67 : vector<128x64xf32>
    %swap3A_256 = arith.constant 0 : index
    %swap3A_257 = arith.constant 2880 : index
    %swap3A_258 = vector.load %arg2[%swap3A_256, %swap3A_257] : memref<128x20800xf32, #tpu.memory_space<vmem>>, vector<128x64xf32>
    tpu.vector_store %arg2[%swap3A_256, %swap3A_257], %mul3A_255 {strides = array<i32>} : memref<128x20800xf32, #tpu.memory_space<vmem>>, vector<128x64xf32>,
    %mul3A_259 = arith.mulf %get3A_4, %get3A_70 : vector<128x64xf32>
    %swap3A_260 = arith.constant 0 : index
    %swap3A_261 = arith.constant 2944 : index
    %swap3A_262 = vector.load %arg2[%swap3A_260, %swap3A_261] : memref<128x20800xf32, #tpu.memory_space<vmem>>, vector<128x64xf32>
    tpu.vector_store %arg2[%swap3A_260, %swap3A_261], %mul3A_259 {strides = array<i32>} : memref<128x20800xf32, #tpu.memory_space<vmem>>, vector<128x64xf32>,
    %mul3A_263 = arith.mulf %get3A_4, %get3A_73 : vector<128x64xf32>
    %swap3A_264 = arith.constant 0 : index
    %swap3A_265 = arith.constant 3008 : index
    %swap3A_266 = vector.load %arg2[%swap3A_264, %swap3A_265] : memref<128x20800xf32, #tpu.memory_space<vmem>>, vector<128x64xf32>
    tpu.vector_store %arg2[%swap3A_264, %swap3A_265], %mul3A_263 {strides = array<i32>} : memref<128x20800xf32, #tpu.memory_space<vmem>>, vector<128x64xf32>,
    %mul3A_267 = arith.mulf %get3A_4, %get3A_76 : vector<128x64xf32>
    %swap3A_268 = arith.constant 0 : index
    %swap3A_269 = arith.constant 3072 : index
    %swap3A_270 = vector.load %arg2[%swap3A_268, %swap3A_269] : memref<128x20800xf32, #tpu.memory_space<vmem>>, vector<128x64xf32>
    tpu.vector_store %arg2[%swap3A_268, %swap3A_269], %mul3A_267 {strides = array<i32>} : memref<128x20800xf32, #tpu.memory_space<vmem>>, vector<128x64xf32>,
    %mul3A_271 = arith.mulf %get3A_7, %get3A_10 : vector<128x64xf32>
    %swap3A_272 = arith.constant 0 : index
    %swap3A_273 = arith.constant 3136 : index
    %swap3A_274 = vector.load %arg2[%swap3A_272, %swap3A_273] : memref<128x20800xf32, #tpu.memory_space<vmem>>, vector<128x64xf32>
    tpu.vector_store %arg2[%swap3A_272, %swap3A_273], %mul3A_271 {strides = array<i32>} : memref<128x20800xf32, #tpu.memory_space<vmem>>, vector<128x64xf32>,
    %mul3A_275 = arith.mulf %get3A_7, %get3A_13 : vector<128x64xf32>
    %swap3A_276 = arith.constant 0 : index
    %swap3A_277 = arith.constant 3200 : index
    %swap3A_278 = vector.load %arg2[%swap3A_276, %swap3A_277] : memref<128x20800xf32, #tpu.memory_space<vmem>>, vector<128x64xf32>
    tpu.vector_store %arg2[%swap3A_276, %swap3A_277], %mul3A_275 {strides = array<i32>} : memref<128x20800xf32, #tpu.memory_space<vmem>>, vector<128x64xf32>,
    %mul3A_279 = arith.mulf %get3A_7, %get3A_16 : vector<128x64xf32>
    %swap3A_280 = arith.constant 0 : index
    %swap3A_281 = arith.constant 3264 : index
    %swap3A_282 = vector.load %arg2[%swap3A_280, %swap3A_281] : memref<128x20800xf32, #tpu.memory_space<vmem>>, vector<128x64xf32>
    tpu.vector_store %arg2[%swap3A_280, %swap3A_281], %mul3A_279 {strides = array<i32>} : memref<128x20800xf32, #tpu.memory_space<vmem>>, vector<128x64xf32>,
    %mul3A_283 = arith.mulf %get3A_7, %get3A_19 : vector<128x64xf32>
    %swap3A_284 = arith.constant 0 : index
    %swap3A_285 = arith.constant 3328 : index
    %swap3A_286 = vector.load %arg2[%swap3A_284, %swap3A_285] : memref<128x20800xf32, #tpu.memory_space<vmem>>, vector<128x64xf32>
    tpu.vector_store %arg2[%swap3A_284, %swap3A_285], %mul3A_283 {strides = array<i32>} : memref<128x20800xf32, #tpu.memory_space<vmem>>, vector<128x64xf32>,
    %mul3A_287 = arith.mulf %get3A_7, %get3A_22 : vector<128x64xf32>
    %swap3A_288 = arith.constant 0 : index
    %swap3A_289 = arith.constant 3392 : index
    %swap3A_290 = vector.load %arg2[%swap3A_288, %swap3A_289] : memref<128x20800xf32, #tpu.memory_space<vmem>>, vector<128x64xf32>
    tpu.vector_store %arg2[%swap3A_288, %swap3A_289], %mul3A_287 {strides = array<i32>} : memref<128x20800xf32, #tpu.memory_space<vmem>>, vector<128x64xf32>,
    %mul3A_291 = arith.mulf %get3A_7, %get3A_25 : vector<128x64xf32>
    %swap3A_292 = arith.constant 0 : index
    %swap3A_293 = arith.constant 3456 : index
    %swap3A_294 = vector.load %arg2[%swap3A_292, %swap3A_293] : memref<128x20800xf32, #tpu.memory_space<vmem>>, vector<128x64xf32>
    tpu.vector_store %arg2[%swap3A_292, %swap3A_293], %mul3A_291 {strides = array<i32>} : memref<128x20800xf32, #tpu.memory_space<vmem>>, vector<128x64xf32>,
    %mul3A_295 = arith.mulf %get3A_7, %get3A_28 : vector<128x64xf32>
    %swap3A_296 = arith.constant 0 : index
    %swap3A_297 = arith.constant 3520 : index
    %swap3A_298 = vector.load %arg2[%swap3A_296, %swap3A_297] : memref<128x20800xf32, #tpu.memory_space<vmem>>, vector<128x64xf32>
    tpu.vector_store %arg2[%swap3A_296, %swap3A_297], %mul3A_295 {strides = array<i32>} : memref<128x20800xf32, #tpu.memory_space<vmem>>, vector<128x64xf32>,
    %mul3A_299 = arith.mulf %get3A_7, %get3A_31 : vector<128x64xf32>
    %swap3A_300 = arith.constant 0 : index
    %swap3A_301 = arith.constant 3584 : index
    %swap3A_302 = vector.load %arg2[%swap3A_300, %swap3A_301] : memref<128x20800xf32, #tpu.memory_space<vmem>>, vector<128x64xf32>
    tpu.vector_store %arg2[%swap3A_300, %swap3A_301], %mul3A_299 {strides = array<i32>} : memref<128x20800xf32, #tpu.memory_space<vmem>>, vector<128x64xf32>,
    %mul3A_303 = arith.mulf %get3A_7, %get3A_34 : vector<128x64xf32>
    %swap3A_304 = arith.constant 0 : index
    %swap3A_305 = arith.constant 3648 : index
    %swap3A_306 = vector.load %arg2[%swap3A_304, %swap3A_305] : memref<128x20800xf32, #tpu.memory_space<vmem>>, vector<128x64xf32>
    tpu.vector_store %arg2[%swap3A_304, %swap3A_305], %mul3A_303 {strides = array<i32>} : memref<128x20800xf32, #tpu.memory_space<vmem>>, vector<128x64xf32>,
    %mul3A_307 = arith.mulf %get3A_7, %get3A_37 : vector<128x64xf32>
    %swap3A_308 = arith.constant 0 : index
    %swap3A_309 = arith.constant 3712 : index
    %swap3A_310 = vector.load %arg2[%swap3A_308, %swap3A_309] : memref<128x20800xf32, #tpu.memory_space<vmem>>, vector<128x64xf32>
    tpu.vector_store %arg2[%swap3A_308, %swap3A_309], %mul3A_307 {strides = array<i32>} : memref<128x20800xf32, #tpu.memory_space<vmem>>, vector<128x64xf32>,
    %mul3A_311 = arith.mulf %get3A_7, %get3A_40 : vector<128x64xf32>
    %swap3A_312 = arith.constant 0 : index
    %swap3A_313 = arith.constant 3776 : index
    %swap3A_314 = vector.load %arg2[%swap3A_312, %swap3A_313] : memref<128x20800xf32, #tpu.memory_space<vmem>>, vector<128x64xf32>
    tpu.vector_store %arg2[%swap3A_312, %swap3A_313], %mul3A_311 {strides = array<i32>} : memref<128x20800xf32, #tpu.memory_space<vmem>>, vector<128x64xf32>,
    %mul3A_315 = arith.mulf %get3A_7, %get3A_43 : vector<128x64xf32>
    %swap3A_316 = arith.constant 0 : index
    %swap3A_317 = arith.constant 3840 : index
    %swap3A_318 = vector.load %arg2[%swap3A_316, %swap3A_317] : memref<128x20800xf32, #tpu.memory_space<vmem>>, vector<128x64xf32>
    tpu.vector_store %arg2[%swap3A_316, %swap3A_317], %mul3A_315 {strides = array<i32>} : memref<128x20800xf32, #tpu.memory_space<vmem>>, vector<128x64xf32>,
    %mul3A_319 = arith.mulf %get3A_7, %get3A_46 : vector<128x64xf32>
    %swap3A_320 = arith.constant 0 : index
    %swap3A_321 = arith.constant 3904 : index
    %swap3A_322 = vector.load %arg2[%swap3A_320, %swap3A_321] : memref<128x20800xf32, #tpu.memory_space<vmem>>, vector<128x64xf32>
    tpu.vector_store %arg2[%swap3A_320, %swap3A_321], %mul3A_319 {strides = array<i32>} : memref<128x20800xf32, #tpu.memory_space<vmem>>, vector<128x64xf32>,
    %mul3A_323 = arith.mulf %get3A_7, %get3A_49 : vector<128x64xf32>
    %swap3A_324 = arith.constant 0 : index
    %swap3A_325 = arith.constant 3968 : index
    %swap3A_326 = vector.load %arg2[%swap3A_324, %swap3A_325] : memref<128x20800xf32, #tpu.memory_space<vmem>>, vector<128x64xf32>
    tpu.vector_store %arg2[%swap3A_324, %swap3A_325], %mul3A_323 {strides = array<i32>} : memref<128x20800xf32, #tpu.memory_space<vmem>>, vector<128x64xf32>,
    %mul3A_327 = arith.mulf %get3A_7, %get3A_52 : vector<128x64xf32>
    %swap3A_328 = arith.constant 0 : index
    %swap3A_329 = arith.constant 4032 : index
    %swap3A_330 = vector.load %arg2[%swap3A_328, %swap3A_329] : memref<128x20800xf32, #tpu.memory_space<vmem>>, vector<128x64xf32>
    tpu.vector_store %arg2[%swap3A_328, %swap3A_329], %mul3A_327 {strides = array<i32>} : memref<128x20800xf32, #tpu.memory_space<vmem>>, vector<128x64xf32>,
    %mul3A_331 = arith.mulf %get3A_7, %get3A_55 : vector<128x64xf32>
    %swap3A_332 = arith.constant 0 : index
    %swap3A_333 = arith.constant 4096 : index
    %swap3A_334 = vector.load %arg2[%swap3A_332, %swap3A_333] : memref<128x20800xf32, #tpu.memory_space<vmem>>, vector<128x64xf32>
    tpu.vector_store %arg2[%swap3A_332, %swap3A_333], %mul3A_331 {strides = array<i32>} : memref<128x20800xf32, #tpu.memory_space<vmem>>, vector<128x64xf32>,
    %mul3A_335 = arith.mulf %get3A_7, %get3A_58 : vector<128x64xf32>
    %swap3A_336 = arith.constant 0 : index
    %swap3A_337 = arith.constant 4160 : index
    %swap3A_338 = vector.load %arg2[%swap3A_336, %swap3A_337] : memref<128x20800xf32, #tpu.memory_space<vmem>>, vector<128x64xf32>
    tpu.vector_store %arg2[%swap3A_336, %swap3A_337], %mul3A_335 {strides = array<i32>} : memref<128x20800xf32, #tpu.memory_space<vmem>>, vector<128x64xf32>,
    %mul3A_339 = arith.mulf %get3A_7, %get3A_61 : vector<128x64xf32>
    %swap3A_340 = arith.constant 0 : index
    %swap3A_341 = arith.constant 4224 : index
    %swap3A_342 = vector.load %arg2[%swap3A_340, %swap3A_341] : memref<128x20800xf32, #tpu.memory_space<vmem>>, vector<128x64xf32>
    tpu.vector_store %arg2[%swap3A_340, %swap3A_341], %mul3A_339 {strides = array<i32>} : memref<128x20800xf32, #tpu.memory_space<vmem>>, vector<128x64xf32>,
    %mul3A_343 = arith.mulf %get3A_7, %get3A_64 : vector<128x64xf32>
    %swap3A_344 = arith.constant 0 : index
    %swap3A_345 = arith.constant 4288 : index
    %swap3A_346 = vector.load %arg2[%swap3A_344, %swap3A_345] : memref<128x20800xf32, #tpu.memory_space<vmem>>, vector<128x64xf32>
    tpu.vector_store %arg2[%swap3A_344, %swap3A_345], %mul3A_343 {strides = array<i32>} : memref<128x20800xf32, #tpu.memory_space<vmem>>, vector<128x64xf32>,
    %mul3A_347 = arith.mulf %get3A_7, %get3A_67 : vector<128x64xf32>
    %swap3A_348 = arith.constant 0 : index
    %swap3A_349 = arith.constant 4352 : index
    %swap3A_350 = vector.load %arg2[%swap3A_348, %swap3A_349] : memref<128x20800xf32, #tpu.memory_space<vmem>>, vector<128x64xf32>
    tpu.vector_store %arg2[%swap3A_348, %swap3A_349], %mul3A_347 {strides = array<i32>} : memref<128x20800xf32, #tpu.memory_space<vmem>>, vector<128x64xf32>,
    %mul3A_351 = arith.mulf %get3A_7, %get3A_70 : vector<128x64xf32>
    %swap3A_352 = arith.constant 0 : index
    %swap3A_353 = arith.constant 4416 : index
    %swap3A_354 = vector.load %arg2[%swap3A_352, %swap3A_353] : memref<128x20800xf32, #tpu.memory_space<vmem>>, vector<128x64xf32>
    tpu.vector_store %arg2[%swap3A_352, %swap3A_353], %mul3A_351 {strides = array<i32>} : memref<128x20800xf32, #tpu.memory_space<vmem>>, vector<128x64xf32>,
    %mul3A_355 = arith.mulf %get3A_7, %get3A_73 : vector<128x64xf32>
    %swap3A_356 = arith.constant 0 : index
    %swap3A_357 = arith.constant 4480 : index
    %swap3A_358 = vector.load %arg2[%swap3A_356, %swap3A_357] : memref<128x20800xf32, #tpu.memory_space<vmem>>, vector<128x64xf32>
    tpu.vector_store %arg2[%swap3A_356, %swap3A_357], %mul3A_355 {strides = array<i32>} : memref<128x20800xf32, #tpu.memory_space<vmem>>, vector<128x64xf32>,
    %mul3A_359 = arith.mulf %get3A_7, %get3A_76 : vector<128x64xf32>
    %swap3A_360 = arith.constant 0 : index
    %swap3A_361 = arith.constant 4544 : index
    %swap3A_362 = vector.load %arg2[%swap3A_360, %swap3A_361] : memref<128x20800xf32, #tpu.memory_space<vmem>>, vector<128x64xf32>
    tpu.vector_store %arg2[%swap3A_360, %swap3A_361], %mul3A_359 {strides = array<i32>} : memref<128x20800xf32, #tpu.memory_space<vmem>>, vector<128x64xf32>,
    %mul3A_363 = arith.mulf %get3A_10, %get3A_13 : vector<128x64xf32>
    %swap3A_364 = arith.constant 0 : index
    %swap3A_365 = arith.constant 4608 : index
    %swap3A_366 = vector.load %arg2[%swap3A_364, %swap3A_365] : memref<128x20800xf32, #tpu.memory_space<vmem>>, vector<128x64xf32>
    tpu.vector_store %arg2[%swap3A_364, %swap3A_365], %mul3A_363 {strides = array<i32>} : memref<128x20800xf32, #tpu.memory_space<vmem>>, vector<128x64xf32>,
    %mul3A_367 = arith.mulf %get3A_10, %get3A_16 : vector<128x64xf32>
    %swap3A_368 = arith.constant 0 : index
    %swap3A_369 = arith.constant 4672 : index
    %swap3A_370 = vector.load %arg2[%swap3A_368, %swap3A_369] : memref<128x20800xf32, #tpu.memory_space<vmem>>, vector<128x64xf32>
    tpu.vector_store %arg2[%swap3A_368, %swap3A_369], %mul3A_367 {strides = array<i32>} : memref<128x20800xf32, #tpu.memory_space<vmem>>, vector<128x64xf32>,
    %mul3A_371 = arith.mulf %get3A_10, %get3A_19 : vector<128x64xf32>
    %swap3A_372 = arith.constant 0 : index
    %swap3A_373 = arith.constant 4736 : index
    %swap3A_374 = vector.load %arg2[%swap3A_372, %swap3A_373] : memref<128x20800xf32, #tpu.memory_space<vmem>>, vector<128x64xf32>
    tpu.vector_store %arg2[%swap3A_372, %swap3A_373], %mul3A_371 {strides = array<i32>} : memref<128x20800xf32, #tpu.memory_space<vmem>>, vector<128x64xf32>,
    %mul3A_375 = arith.mulf %get3A_10, %get3A_22 : vector<128x64xf32>
    %swap3A_376 = arith.constant 0 : index
    %swap3A_377 = arith.constant 4800 : index
    %swap3A_378 = vector.load %arg2[%swap3A_376, %swap3A_377] : memref<128x20800xf32, #tpu.memory_space<vmem>>, vector<128x64xf32>
    tpu.vector_store %arg2[%swap3A_376, %swap3A_377], %mul3A_375 {strides = array<i32>} : memref<128x20800xf32, #tpu.memory_space<vmem>>, vector<128x64xf32>,
    %mul3A_379 = arith.mulf %get3A_10, %get3A_25 : vector<128x64xf32>
    %swap3A_380 = arith.constant 0 : index
    %swap3A_381 = arith.constant 4864 : index
    %swap3A_382 = vector.load %arg2[%swap3A_380, %swap3A_381] : memref<128x20800xf32, #tpu.memory_space<vmem>>, vector<128x64xf32>
    tpu.vector_store %arg2[%swap3A_380, %swap3A_381], %mul3A_379 {strides = array<i32>} : memref<128x20800xf32, #tpu.memory_space<vmem>>, vector<128x64xf32>,
    %mul3A_383 = arith.mulf %get3A_10, %get3A_28 : vector<128x64xf32>
    %swap3A_384 = arith.constant 0 : index
    %swap3A_385 = arith.constant 4928 : index
    %swap3A_386 = vector.load %arg2[%swap3A_384, %swap3A_385] : memref<128x20800xf32, #tpu.memory_space<vmem>>, vector<128x64xf32>
    tpu.vector_store %arg2[%swap3A_384, %swap3A_385], %mul3A_383 {strides = array<i32>} : memref<128x20800xf32, #tpu.memory_space<vmem>>, vector<128x64xf32>,
    %mul3A_387 = arith.mulf %get3A_10, %get3A_31 : vector<128x64xf32>
    %swap3A_388 = arith.constant 0 : index
    %swap3A_389 = arith.constant 4992 : index
    %swap3A_390 = vector.load %arg2[%swap3A_388, %swap3A_389] : memref<128x20800xf32, #tpu.memory_space<vmem>>, vector<128x64xf32>
    tpu.vector_store %arg2[%swap3A_388, %swap3A_389], %mul3A_387 {strides = array<i32>} : memref<128x20800xf32, #tpu.memory_space<vmem>>, vector<128x64xf32>,
    %mul3A_391 = arith.mulf %get3A_10, %get3A_34 : vector<128x64xf32>
    %swap3A_392 = arith.constant 0 : index
    %swap3A_393 = arith.constant 5056 : index
    %swap3A_394 = vector.load %arg2[%swap3A_392, %swap3A_393] : memref<128x20800xf32, #tpu.memory_space<vmem>>, vector<128x64xf32>
    tpu.vector_store %arg2[%swap3A_392, %swap3A_393], %mul3A_391 {strides = array<i32>} : memref<128x20800xf32, #tpu.memory_space<vmem>>, vector<128x64xf32>,
    %mul3A_395 = arith.mulf %get3A_10, %get3A_37 : vector<128x64xf32>
    %swap3A_396 = arith.constant 0 : index
    %swap3A_397 = arith.constant 5120 : index
    %swap3A_398 = vector.load %arg2[%swap3A_396, %swap3A_397] : memref<128x20800xf32, #tpu.memory_space<vmem>>, vector<128x64xf32>
    tpu.vector_store %arg2[%swap3A_396, %swap3A_397], %mul3A_395 {strides = array<i32>} : memref<128x20800xf32, #tpu.memory_space<vmem>>, vector<128x64xf32>,
    %mul3A_399 = arith.mulf %get3A_10, %get3A_40 : vector<128x64xf32>
    %swap3A_400 = arith.constant 0 : index
    %swap3A_401 = arith.constant 5184 : index
    %swap3A_402 = vector.load %arg2[%swap3A_400, %swap3A_401] : memref<128x20800xf32, #tpu.memory_space<vmem>>, vector<128x64xf32>
    tpu.vector_store %arg2[%swap3A_400, %swap3A_401], %mul3A_399 {strides = array<i32>} : memref<128x20800xf32, #tpu.memory_space<vmem>>, vector<128x64xf32>,
    %mul3A_403 = arith.mulf %get3A_10, %get3A_43 : vector<128x64xf32>
    %swap3A_404 = arith.constant 0 : index
    %swap3A_405 = arith.constant 5248 : index
    %swap3A_406 = vector.load %arg2[%swap3A_404, %swap3A_405] : memref<128x20800xf32, #tpu.memory_space<vmem>>, vector<128x64xf32>
    tpu.vector_store %arg2[%swap3A_404, %swap3A_405], %mul3A_403 {strides = array<i32>} : memref<128x20800xf32, #tpu.memory_space<vmem>>, vector<128x64xf32>,
    %mul3A_407 = arith.mulf %get3A_10, %get3A_46 : vector<128x64xf32>
    %swap3A_408 = arith.constant 0 : index
    %swap3A_409 = arith.constant 5312 : index
    %swap3A_410 = vector.load %arg2[%swap3A_408, %swap3A_409] : memref<128x20800xf32, #tpu.memory_space<vmem>>, vector<128x64xf32>
    tpu.vector_store %arg2[%swap3A_408, %swap3A_409], %mul3A_407 {strides = array<i32>} : memref<128x20800xf32, #tpu.memory_space<vmem>>, vector<128x64xf32>,
    %mul3A_411 = arith.mulf %get3A_10, %get3A_49 : vector<128x64xf32>
    %swap3A_412 = arith.constant 0 : index
    %swap3A_413 = arith.constant 5376 : index
    %swap3A_414 = vector.load %arg2[%swap3A_412, %swap3A_413] : memref<128x20800xf32, #tpu.memory_space<vmem>>, vector<128x64xf32>
    tpu.vector_store %arg2[%swap3A_412, %swap3A_413], %mul3A_411 {strides = array<i32>} : memref<128x20800xf32, #tpu.memory_space<vmem>>, vector<128x64xf32>,
    %mul3A_415 = arith.mulf %get3A_10, %get3A_52 : vector<128x64xf32>
    %swap3A_416 = arith.constant 0 : index
    %swap3A_417 = arith.constant 5440 : index
    %swap3A_418 = vector.load %arg2[%swap3A_416, %swap3A_417] : memref<128x20800xf32, #tpu.memory_space<vmem>>, vector<128x64xf32>
    tpu.vector_store %arg2[%swap3A_416, %swap3A_417], %mul3A_415 {strides = array<i32>} : memref<128x20800xf32, #tpu.memory_space<vmem>>, vector<128x64xf32>,
    %mul3A_419 = arith.mulf %get3A_10, %get3A_55 : vector<128x64xf32>
    %swap3A_420 = arith.constant 0 : index
    %swap3A_421 = arith.constant 5504 : index
    %swap3A_422 = vector.load %arg2[%swap3A_420, %swap3A_421] : memref<128x20800xf32, #tpu.memory_space<vmem>>, vector<128x64xf32>
    tpu.vector_store %arg2[%swap3A_420, %swap3A_421], %mul3A_419 {strides = array<i32>} : memref<128x20800xf32, #tpu.memory_space<vmem>>, vector<128x64xf32>,
    %mul3A_423 = arith.mulf %get3A_10, %get3A_58 : vector<128x64xf32>
    %swap3A_424 = arith.constant 0 : index
    %swap3A_425 = arith.constant 5568 : index
    %swap3A_426 = vector.load %arg2[%swap3A_424, %swap3A_425] : memref<128x20800xf32, #tpu.memory_space<vmem>>, vector<128x64xf32>
    tpu.vector_store %arg2[%swap3A_424, %swap3A_425], %mul3A_423 {strides = array<i32>} : memref<128x20800xf32, #tpu.memory_space<vmem>>, vector<128x64xf32>,
    %mul3A_427 = arith.mulf %get3A_10, %get3A_61 : vector<128x64xf32>
    %swap3A_428 = arith.constant 0 : index
    %swap3A_429 = arith.constant 5632 : index
    %swap3A_430 = vector.load %arg2[%swap3A_428, %swap3A_429] : memref<128x20800xf32, #tpu.memory_space<vmem>>, vector<128x64xf32>
    tpu.vector_store %arg2[%swap3A_428, %swap3A_429], %mul3A_427 {strides = array<i32>} : memref<128x20800xf32, #tpu.memory_space<vmem>>, vector<128x64xf32>,
    %mul3A_431 = arith.mulf %get3A_10, %get3A_64 : vector<128x64xf32>
    %swap3A_432 = arith.constant 0 : index
    %swap3A_433 = arith.constant 5696 : index
    %swap3A_434 = vector.load %arg2[%swap3A_432, %swap3A_433] : memref<128x20800xf32, #tpu.memory_space<vmem>>, vector<128x64xf32>
    tpu.vector_store %arg2[%swap3A_432, %swap3A_433], %mul3A_431 {strides = array<i32>} : memref<128x20800xf32, #tpu.memory_space<vmem>>, vector<128x64xf32>,
    %mul3A_435 = arith.mulf %get3A_10, %get3A_67 : vector<128x64xf32>
    %swap3A_436 = arith.constant 0 : index
    %swap3A_437 = arith.constant 5760 : index
    %swap3A_438 = vector.load %arg2[%swap3A_436, %swap3A_437] : memref<128x20800xf32, #tpu.memory_space<vmem>>, vector<128x64xf32>
    tpu.vector_store %arg2[%swap3A_436, %swap3A_437], %mul3A_435 {strides = array<i32>} : memref<128x20800xf32, #tpu.memory_space<vmem>>, vector<128x64xf32>,
    %mul3A_439 = arith.mulf %get3A_10, %get3A_70 : vector<128x64xf32>
    %swap3A_440 = arith.constant 0 : index
    %swap3A_441 = arith.constant 5824 : index
    %swap3A_442 = vector.load %arg2[%swap3A_440, %swap3A_441] : memref<128x20800xf32, #tpu.memory_space<vmem>>, vector<128x64xf32>
    tpu.vector_store %arg2[%swap3A_440, %swap3A_441], %mul3A_439 {strides = array<i32>} : memref<128x20800xf32, #tpu.memory_space<vmem>>, vector<128x64xf32>,
    %mul3A_443 = arith.mulf %get3A_10, %get3A_73 : vector<128x64xf32>
    %swap3A_444 = arith.constant 0 : index
    %swap3A_445 = arith.constant 5888 : index
    %swap3A_446 = vector.load %arg2[%swap3A_444, %swap3A_445] : memref<128x20800xf32, #tpu.memory_space<vmem>>, vector<128x64xf32>
    tpu.vector_store %arg2[%swap3A_444, %swap3A_445], %mul3A_443 {strides = array<i32>} : memref<128x20800xf32, #tpu.memory_space<vmem>>, vector<128x64xf32>,
    %mul3A_447 = arith.mulf %get3A_10, %get3A_76 : vector<128x64xf32>
    %swap3A_448 = arith.constant 0 : index
    %swap3A_449 = arith.constant 5952 : index
    %swap3A_450 = vector.load %arg2[%swap3A_448, %swap3A_449] : memref<128x20800xf32, #tpu.memory_space<vmem>>, vector<128x64xf32>
    tpu.vector_store %arg2[%swap3A_448, %swap3A_449], %mul3A_447 {strides = array<i32>} : memref<128x20800xf32, #tpu.memory_space<vmem>>, vector<128x64xf32>,
    %mul3A_451 = arith.mulf %get3A_13, %get3A_16 : vector<128x64xf32>
    %swap3A_452 = arith.constant 0 : index
    %swap3A_453 = arith.constant 6016 : index
    %swap3A_454 = vector.load %arg2[%swap3A_452, %swap3A_453] : memref<128x20800xf32, #tpu.memory_space<vmem>>, vector<128x64xf32>
    tpu.vector_store %arg2[%swap3A_452, %swap3A_453], %mul3A_451 {strides = array<i32>} : memref<128x20800xf32, #tpu.memory_space<vmem>>, vector<128x64xf32>,
    %mul3A_455 = arith.mulf %get3A_13, %get3A_19 : vector<128x64xf32>
    %swap3A_456 = arith.constant 0 : index
    %swap3A_457 = arith.constant 6080 : index
    %swap3A_458 = vector.load %arg2[%swap3A_456, %swap3A_457] : memref<128x20800xf32, #tpu.memory_space<vmem>>, vector<128x64xf32>
    tpu.vector_store %arg2[%swap3A_456, %swap3A_457], %mul3A_455 {strides = array<i32>} : memref<128x20800xf32, #tpu.memory_space<vmem>>, vector<128x64xf32>,
    %mul3A_459 = arith.mulf %get3A_13, %get3A_22 : vector<128x64xf32>
    %swap3A_460 = arith.constant 0 : index
    %swap3A_461 = arith.constant 6144 : index
    %swap3A_462 = vector.load %arg2[%swap3A_460, %swap3A_461] : memref<128x20800xf32, #tpu.memory_space<vmem>>, vector<128x64xf32>
    tpu.vector_store %arg2[%swap3A_460, %swap3A_461], %mul3A_459 {strides = array<i32>} : memref<128x20800xf32, #tpu.memory_space<vmem>>, vector<128x64xf32>,
    %mul3A_463 = arith.mulf %get3A_13, %get3A_25 : vector<128x64xf32>
    %swap3A_464 = arith.constant 0 : index
    %swap3A_465 = arith.constant 6208 : index
    %swap3A_466 = vector.load %arg2[%swap3A_464, %swap3A_465] : memref<128x20800xf32, #tpu.memory_space<vmem>>, vector<128x64xf32>
    tpu.vector_store %arg2[%swap3A_464, %swap3A_465], %mul3A_463 {strides = array<i32>} : memref<128x20800xf32, #tpu.memory_space<vmem>>, vector<128x64xf32>,
    %mul3A_467 = arith.mulf %get3A_13, %get3A_28 : vector<128x64xf32>
    %swap3A_468 = arith.constant 0 : index
    %swap3A_469 = arith.constant 6272 : index
    %swap3A_470 = vector.load %arg2[%swap3A_468, %swap3A_469] : memref<128x20800xf32, #tpu.memory_space<vmem>>, vector<128x64xf32>
    tpu.vector_store %arg2[%swap3A_468, %swap3A_469], %mul3A_467 {strides = array<i32>} : memref<128x20800xf32, #tpu.memory_space<vmem>>, vector<128x64xf32>,
    %mul3A_471 = arith.mulf %get3A_13, %get3A_31 : vector<128x64xf32>
    %swap3A_472 = arith.constant 0 : index
    %swap3A_473 = arith.constant 6336 : index
    %swap3A_474 = vector.load %arg2[%swap3A_472, %swap3A_473] : memref<128x20800xf32, #tpu.memory_space<vmem>>, vector<128x64xf32>
    tpu.vector_store %arg2[%swap3A_472, %swap3A_473], %mul3A_471 {strides = array<i32>} : memref<128x20800xf32, #tpu.memory_space<vmem>>, vector<128x64xf32>,
    %mul3A_475 = arith.mulf %get3A_13, %get3A_34 : vector<128x64xf32>
    %swap3A_476 = arith.constant 0 : index
    %swap3A_477 = arith.constant 6400 : index
    %swap3A_478 = vector.load %arg2[%swap3A_476, %swap3A_477] : memref<128x20800xf32, #tpu.memory_space<vmem>>, vector<128x64xf32>
    tpu.vector_store %arg2[%swap3A_476, %swap3A_477], %mul3A_475 {strides = array<i32>} : memref<128x20800xf32, #tpu.memory_space<vmem>>, vector<128x64xf32>,
    %mul3A_479 = arith.mulf %get3A_13, %get3A_37 : vector<128x64xf32>
    %swap3A_480 = arith.constant 0 : index
    %swap3A_481 = arith.constant 6464 : index
    %swap3A_482 = vector.load %arg2[%swap3A_480, %swap3A_481] : memref<128x20800xf32, #tpu.memory_space<vmem>>, vector<128x64xf32>
    tpu.vector_store %arg2[%swap3A_480, %swap3A_481], %mul3A_479 {strides = array<i32>} : memref<128x20800xf32, #tpu.memory_space<vmem>>, vector<128x64xf32>,
    %mul3A_483 = arith.mulf %get3A_13, %get3A_40 : vector<128x64xf32>
    %swap3A_484 = arith.constant 0 : index
    %swap3A_485 = arith.constant 6528 : index
    %swap3A_486 = vector.load %arg2[%swap3A_484, %swap3A_485] : memref<128x20800xf32, #tpu.memory_space<vmem>>, vector<128x64xf32>
    tpu.vector_store %arg2[%swap3A_484, %swap3A_485], %mul3A_483 {strides = array<i32>} : memref<128x20800xf32, #tpu.memory_space<vmem>>, vector<128x64xf32>,
    %mul3A_487 = arith.mulf %get3A_13, %get3A_43 : vector<128x64xf32>
    %swap3A_488 = arith.constant 0 : index
    %swap3A_489 = arith.constant 6592 : index
    %swap3A_490 = vector.load %arg2[%swap3A_488, %swap3A_489] : memref<128x20800xf32, #tpu.memory_space<vmem>>, vector<128x64xf32>
    tpu.vector_store %arg2[%swap3A_488, %swap3A_489], %mul3A_487 {strides = array<i32>} : memref<128x20800xf32, #tpu.memory_space<vmem>>, vector<128x64xf32>,
    %mul3A_491 = arith.mulf %get3A_13, %get3A_46 : vector<128x64xf32>
    %swap3A_492 = arith.constant 0 : index
    %swap3A_493 = arith.constant 6656 : index
    %swap3A_494 = vector.load %arg2[%swap3A_492, %swap3A_493] : memref<128x20800xf32, #tpu.memory_space<vmem>>, vector<128x64xf32>
    tpu.vector_store %arg2[%swap3A_492, %swap3A_493], %mul3A_491 {strides = array<i32>} : memref<128x20800xf32, #tpu.memory_space<vmem>>, vector<128x64xf32>,
    %mul3A_495 = arith.mulf %get3A_13, %get3A_49 : vector<128x64xf32>
    %swap3A_496 = arith.constant 0 : index
    %swap3A_497 = arith.constant 6720 : index
    %swap3A_498 = vector.load %arg2[%swap3A_496, %swap3A_497] : memref<128x20800xf32, #tpu.memory_space<vmem>>, vector<128x64xf32>
    tpu.vector_store %arg2[%swap3A_496, %swap3A_497], %mul3A_495 {strides = array<i32>} : memref<128x20800xf32, #tpu.memory_space<vmem>>, vector<128x64xf32>,
    %mul3A_499 = arith.mulf %get3A_13, %get3A_52 : vector<128x64xf32>
    %swap3A_500 = arith.constant 0 : index
    %swap3A_501 = arith.constant 6784 : index
    %swap3A_502 = vector.load %arg2[%swap3A_500, %swap3A_501] : memref<128x20800xf32, #tpu.memory_space<vmem>>, vector<128x64xf32>
    tpu.vector_store %arg2[%swap3A_500, %swap3A_501], %mul3A_499 {strides = array<i32>} : memref<128x20800xf32, #tpu.memory_space<vmem>>, vector<128x64xf32>,
    %mul3A_503 = arith.mulf %get3A_13, %get3A_55 : vector<128x64xf32>
    %swap3A_504 = arith.constant 0 : index
    %swap3A_505 = arith.constant 6848 : index
    %swap3A_506 = vector.load %arg2[%swap3A_504, %swap3A_505] : memref<128x20800xf32, #tpu.memory_space<vmem>>, vector<128x64xf32>
    tpu.vector_store %arg2[%swap3A_504, %swap3A_505], %mul3A_503 {strides = array<i32>} : memref<128x20800xf32, #tpu.memory_space<vmem>>, vector<128x64xf32>,
    %mul3A_507 = arith.mulf %get3A_13, %get3A_58 : vector<128x64xf32>
    %swap3A_508 = arith.constant 0 : index
    %swap3A_509 = arith.constant 6912 : index
    %swap3A_510 = vector.load %arg2[%swap3A_508, %swap3A_509] : memref<128x20800xf32, #tpu.memory_space<vmem>>, vector<128x64xf32>
    tpu.vector_store %arg2[%swap3A_508, %swap3A_509], %mul3A_507 {strides = array<i32>} : memref<128x20800xf32, #tpu.memory_space<vmem>>, vector<128x64xf32>,
    %mul3A_511 = arith.mulf %get3A_13, %get3A_61 : vector<128x64xf32>
    %swap3A_512 = arith.constant 0 : index
    %swap3A_513 = arith.constant 6976 : index
    %swap3A_514 = vector.load %arg2[%swap3A_512, %swap3A_513] : memref<128x20800xf32, #tpu.memory_space<vmem>>, vector<128x64xf32>
    tpu.vector_store %arg2[%swap3A_512, %swap3A_513], %mul3A_511 {strides = array<i32>} : memref<128x20800xf32, #tpu.memory_space<vmem>>, vector<128x64xf32>,
    %mul3A_515 = arith.mulf %get3A_13, %get3A_64 : vector<128x64xf32>
    %swap3A_516 = arith.constant 0 : index
    %swap3A_517 = arith.constant 7040 : index
    %swap3A_518 = vector.load %arg2[%swap3A_516, %swap3A_517] : memref<128x20800xf32, #tpu.memory_space<vmem>>, vector<128x64xf32>
    tpu.vector_store %arg2[%swap3A_516, %swap3A_517], %mul3A_515 {strides = array<i32>} : memref<128x20800xf32, #tpu.memory_space<vmem>>, vector<128x64xf32>,
    %mul3A_519 = arith.mulf %get3A_13, %get3A_67 : vector<128x64xf32>
    %swap3A_520 = arith.constant 0 : index
    %swap3A_521 = arith.constant 7104 : index
    %swap3A_522 = vector.load %arg2[%swap3A_520, %swap3A_521] : memref<128x20800xf32, #tpu.memory_space<vmem>>, vector<128x64xf32>
    tpu.vector_store %arg2[%swap3A_520, %swap3A_521], %mul3A_519 {strides = array<i32>} : memref<128x20800xf32, #tpu.memory_space<vmem>>, vector<128x64xf32>,
    %mul3A_523 = arith.mulf %get3A_13, %get3A_70 : vector<128x64xf32>
    %swap3A_524 = arith.constant 0 : index
    %swap3A_525 = arith.constant 7168 : index
    %swap3A_526 = vector.load %arg2[%swap3A_524, %swap3A_525] : memref<128x20800xf32, #tpu.memory_space<vmem>>, vector<128x64xf32>
    tpu.vector_store %arg2[%swap3A_524, %swap3A_525], %mul3A_523 {strides = array<i32>} : memref<128x20800xf32, #tpu.memory_space<vmem>>, vector<128x64xf32>,
    %mul3A_527 = arith.mulf %get3A_13, %get3A_73 : vector<128x64xf32>
    %swap3A_528 = arith.constant 0 : index
    %swap3A_529 = arith.constant 7232 : index
    %swap3A_530 = vector.load %arg2[%swap3A_528, %swap3A_529] : memref<128x20800xf32, #tpu.memory_space<vmem>>, vector<128x64xf32>
    tpu.vector_store %arg2[%swap3A_528, %swap3A_529], %mul3A_527 {strides = array<i32>} : memref<128x20800xf32, #tpu.memory_space<vmem>>, vector<128x64xf32>,
    %mul3A_531 = arith.mulf %get3A_13, %get3A_76 : vector<128x64xf32>
    %swap3A_532 = arith.constant 0 : index
    %swap3A_533 = arith.constant 7296 : index
    %swap3A_534 = vector.load %arg2[%swap3A_532, %swap3A_533] : memref<128x20800xf32, #tpu.memory_space<vmem>>, vector<128x64xf32>
    tpu.vector_store %arg2[%swap3A_532, %swap3A_533], %mul3A_531 {strides = array<i32>} : memref<128x20800xf32, #tpu.memory_space<vmem>>, vector<128x64xf32>,
    %mul3A_535 = arith.mulf %get3A_16, %get3A_19 : vector<128x64xf32>
    %swap3A_536 = arith.constant 0 : index
    %swap3A_537 = arith.constant 7360 : index
    %swap3A_538 = vector.load %arg2[%swap3A_536, %swap3A_537] : memref<128x20800xf32, #tpu.memory_space<vmem>>, vector<128x64xf32>
    tpu.vector_store %arg2[%swap3A_536, %swap3A_537], %mul3A_535 {strides = array<i32>} : memref<128x20800xf32, #tpu.memory_space<vmem>>, vector<128x64xf32>,
    %mul3A_539 = arith.mulf %get3A_16, %get3A_22 : vector<128x64xf32>
    %swap3A_540 = arith.constant 0 : index
    %swap3A_541 = arith.constant 7424 : index
    %swap3A_542 = vector.load %arg2[%swap3A_540, %swap3A_541] : memref<128x20800xf32, #tpu.memory_space<vmem>>, vector<128x64xf32>
    tpu.vector_store %arg2[%swap3A_540, %swap3A_541], %mul3A_539 {strides = array<i32>} : memref<128x20800xf32, #tpu.memory_space<vmem>>, vector<128x64xf32>,
    %mul3A_543 = arith.mulf %get3A_16, %get3A_25 : vector<128x64xf32>
    %swap3A_544 = arith.constant 0 : index
    %swap3A_545 = arith.constant 7488 : index
    %swap3A_546 = vector.load %arg2[%swap3A_544, %swap3A_545] : memref<128x20800xf32, #tpu.memory_space<vmem>>, vector<128x64xf32>
    tpu.vector_store %arg2[%swap3A_544, %swap3A_545], %mul3A_543 {strides = array<i32>} : memref<128x20800xf32, #tpu.memory_space<vmem>>, vector<128x64xf32>,
    %mul3A_547 = arith.mulf %get3A_16, %get3A_28 : vector<128x64xf32>
    %swap3A_548 = arith.constant 0 : index
    %swap3A_549 = arith.constant 7552 : index
    %swap3A_550 = vector.load %arg2[%swap3A_548, %swap3A_549] : memref<128x20800xf32, #tpu.memory_space<vmem>>, vector<128x64xf32>
    tpu.vector_store %arg2[%swap3A_548, %swap3A_549], %mul3A_547 {strides = array<i32>} : memref<128x20800xf32, #tpu.memory_space<vmem>>, vector<128x64xf32>,
    %mul3A_551 = arith.mulf %get3A_16, %get3A_31 : vector<128x64xf32>
    %swap3A_552 = arith.constant 0 : index
    %swap3A_553 = arith.constant 7616 : index
    %swap3A_554 = vector.load %arg2[%swap3A_552, %swap3A_553] : memref<128x20800xf32, #tpu.memory_space<vmem>>, vector<128x64xf32>
    tpu.vector_store %arg2[%swap3A_552, %swap3A_553], %mul3A_551 {strides = array<i32>} : memref<128x20800xf32, #tpu.memory_space<vmem>>, vector<128x64xf32>,
    %mul3A_555 = arith.mulf %get3A_16, %get3A_34 : vector<128x64xf32>
    %swap3A_556 = arith.constant 0 : index
    %swap3A_557 = arith.constant 7680 : index
    %swap3A_558 = vector.load %arg2[%swap3A_556, %swap3A_557] : memref<128x20800xf32, #tpu.memory_space<vmem>>, vector<128x64xf32>
    tpu.vector_store %arg2[%swap3A_556, %swap3A_557], %mul3A_555 {strides = array<i32>} : memref<128x20800xf32, #tpu.memory_space<vmem>>, vector<128x64xf32>,
    %mul3A_559 = arith.mulf %get3A_16, %get3A_37 : vector<128x64xf32>
    %swap3A_560 = arith.constant 0 : index
    %swap3A_561 = arith.constant 7744 : index
    %swap3A_562 = vector.load %arg2[%swap3A_560, %swap3A_561] : memref<128x20800xf32, #tpu.memory_space<vmem>>, vector<128x64xf32>
    tpu.vector_store %arg2[%swap3A_560, %swap3A_561], %mul3A_559 {strides = array<i32>} : memref<128x20800xf32, #tpu.memory_space<vmem>>, vector<128x64xf32>,
    %mul3A_563 = arith.mulf %get3A_16, %get3A_40 : vector<128x64xf32>
    %swap3A_564 = arith.constant 0 : index
    %swap3A_565 = arith.constant 7808 : index
    %swap3A_566 = vector.load %arg2[%swap3A_564, %swap3A_565] : memref<128x20800xf32, #tpu.memory_space<vmem>>, vector<128x64xf32>
    tpu.vector_store %arg2[%swap3A_564, %swap3A_565], %mul3A_563 {strides = array<i32>} : memref<128x20800xf32, #tpu.memory_space<vmem>>, vector<128x64xf32>,
    %mul3A_567 = arith.mulf %get3A_16, %get3A_43 : vector<128x64xf32>
    %swap3A_568 = arith.constant 0 : index
    %swap3A_569 = arith.constant 7872 : index
    %swap3A_570 = vector.load %arg2[%swap3A_568, %swap3A_569] : memref<128x20800xf32, #tpu.memory_space<vmem>>, vector<128x64xf32>
    tpu.vector_store %arg2[%swap3A_568, %swap3A_569], %mul3A_567 {strides = array<i32>} : memref<128x20800xf32, #tpu.memory_space<vmem>>, vector<128x64xf32>,
    %mul3A_571 = arith.mulf %get3A_16, %get3A_46 : vector<128x64xf32>
    %swap3A_572 = arith.constant 0 : index
    %swap3A_573 = arith.constant 7936 : index
    %swap3A_574 = vector.load %arg2[%swap3A_572, %swap3A_573] : memref<128x20800xf32, #tpu.memory_space<vmem>>, vector<128x64xf32>
    tpu.vector_store %arg2[%swap3A_572, %swap3A_573], %mul3A_571 {strides = array<i32>} : memref<128x20800xf32, #tpu.memory_space<vmem>>, vector<128x64xf32>,
    %mul3A_575 = arith.mulf %get3A_16, %get3A_49 : vector<128x64xf32>
    %swap3A_576 = arith.constant 0 : index
    %swap3A_577 = arith.constant 8000 : index
    %swap3A_578 = vector.load %arg2[%swap3A_576, %swap3A_577] : memref<128x20800xf32, #tpu.memory_space<vmem>>, vector<128x64xf32>
    tpu.vector_store %arg2[%swap3A_576, %swap3A_577], %mul3A_575 {strides = array<i32>} : memref<128x20800xf32, #tpu.memory_space<vmem>>, vector<128x64xf32>,
    %mul3A_579 = arith.mulf %get3A_16, %get3A_52 : vector<128x64xf32>
    %swap3A_580 = arith.constant 0 : index
    %swap3A_581 = arith.constant 8064 : index
    %swap3A_582 = vector.load %arg2[%swap3A_580, %swap3A_581] : memref<128x20800xf32, #tpu.memory_space<vmem>>, vector<128x64xf32>
    tpu.vector_store %arg2[%swap3A_580, %swap3A_581], %mul3A_579 {strides = array<i32>} : memref<128x20800xf32, #tpu.memory_space<vmem>>, vector<128x64xf32>,
    %mul3A_583 = arith.mulf %get3A_16, %get3A_55 : vector<128x64xf32>
    %swap3A_584 = arith.constant 0 : index
    %swap3A_585 = arith.constant 8128 : index
    %swap3A_586 = vector.load %arg2[%swap3A_584, %swap3A_585] : memref<128x20800xf32, #tpu.memory_space<vmem>>, vector<128x64xf32>
    tpu.vector_store %arg2[%swap3A_584, %swap3A_585], %mul3A_583 {strides = array<i32>} : memref<128x20800xf32, #tpu.memory_space<vmem>>, vector<128x64xf32>,
    %mul3A_587 = arith.mulf %get3A_16, %get3A_58 : vector<128x64xf32>
    %swap3A_588 = arith.constant 0 : index
    %swap3A_589 = arith.constant 8192 : index
    %swap3A_590 = vector.load %arg2[%swap3A_588, %swap3A_589] : memref<128x20800xf32, #tpu.memory_space<vmem>>, vector<128x64xf32>
    tpu.vector_store %arg2[%swap3A_588, %swap3A_589], %mul3A_587 {strides = array<i32>} : memref<128x20800xf32, #tpu.memory_space<vmem>>, vector<128x64xf32>,
    %mul3A_591 = arith.mulf %get3A_16, %get3A_61 : vector<128x64xf32>
    %swap3A_592 = arith.constant 0 : index
    %swap3A_593 = arith.constant 8256 : index
    %swap3A_594 = vector.load %arg2[%swap3A_592, %swap3A_593] : memref<128x20800xf32, #tpu.memory_space<vmem>>, vector<128x64xf32>
    tpu.vector_store %arg2[%swap3A_592, %swap3A_593], %mul3A_591 {strides = array<i32>} : memref<128x20800xf32, #tpu.memory_space<vmem>>, vector<128x64xf32>,
    %mul3A_595 = arith.mulf %get3A_16, %get3A_64 : vector<128x64xf32>
    %swap3A_596 = arith.constant 0 : index
    %swap3A_597 = arith.constant 8320 : index
    %swap3A_598 = vector.load %arg2[%swap3A_596, %swap3A_597] : memref<128x20800xf32, #tpu.memory_space<vmem>>, vector<128x64xf32>
    tpu.vector_store %arg2[%swap3A_596, %swap3A_597], %mul3A_595 {strides = array<i32>} : memref<128x20800xf32, #tpu.memory_space<vmem>>, vector<128x64xf32>,
    %mul3A_599 = arith.mulf %get3A_16, %get3A_67 : vector<128x64xf32>
    %swap3A_600 = arith.constant 0 : index
    %swap3A_601 = arith.constant 8384 : index
    %swap3A_602 = vector.load %arg2[%swap3A_600, %swap3A_601] : memref<128x20800xf32, #tpu.memory_space<vmem>>, vector<128x64xf32>
    tpu.vector_store %arg2[%swap3A_600, %swap3A_601], %mul3A_599 {strides = array<i32>} : memref<128x20800xf32, #tpu.memory_space<vmem>>, vector<128x64xf32>,
    %mul3A_603 = arith.mulf %get3A_16, %get3A_70 : vector<128x64xf32>
    %swap3A_604 = arith.constant 0 : index
    %swap3A_605 = arith.constant 8448 : index
    %swap3A_606 = vector.load %arg2[%swap3A_604, %swap3A_605] : memref<128x20800xf32, #tpu.memory_space<vmem>>, vector<128x64xf32>
    tpu.vector_store %arg2[%swap3A_604, %swap3A_605], %mul3A_603 {strides = array<i32>} : memref<128x20800xf32, #tpu.memory_space<vmem>>, vector<128x64xf32>,
    %mul3A_607 = arith.mulf %get3A_16, %get3A_73 : vector<128x64xf32>
    %swap3A_608 = arith.constant 0 : index
    %swap3A_609 = arith.constant 8512 : index
    %swap3A_610 = vector.load %arg2[%swap3A_608, %swap3A_609] : memref<128x20800xf32, #tpu.memory_space<vmem>>, vector<128x64xf32>
    tpu.vector_store %arg2[%swap3A_608, %swap3A_609], %mul3A_607 {strides = array<i32>} : memref<128x20800xf32, #tpu.memory_space<vmem>>, vector<128x64xf32>,
    %mul3A_611 = arith.mulf %get3A_16, %get3A_76 : vector<128x64xf32>
    %swap3A_612 = arith.constant 0 : index
    %swap3A_613 = arith.constant 8576 : index
    %swap3A_614 = vector.load %arg2[%swap3A_612, %swap3A_613] : memref<128x20800xf32, #tpu.memory_space<vmem>>, vector<128x64xf32>
    tpu.vector_store %arg2[%swap3A_612, %swap3A_613], %mul3A_611 {strides = array<i32>} : memref<128x20800xf32, #tpu.memory_space<vmem>>, vector<128x64xf32>,
    %mul3A_615 = arith.mulf %get3A_19, %get3A_22 : vector<128x64xf32>
    %swap3A_616 = arith.constant 0 : index
    %swap3A_617 = arith.constant 8640 : index
    %swap3A_618 = vector.load %arg2[%swap3A_616, %swap3A_617] : memref<128x20800xf32, #tpu.memory_space<vmem>>, vector<128x64xf32>
    tpu.vector_store %arg2[%swap3A_616, %swap3A_617], %mul3A_615 {strides = array<i32>} : memref<128x20800xf32, #tpu.memory_space<vmem>>, vector<128x64xf32>,
    %mul3A_619 = arith.mulf %get3A_19, %get3A_25 : vector<128x64xf32>
    %swap3A_620 = arith.constant 0 : index
    %swap3A_621 = arith.constant 8704 : index
    %swap3A_622 = vector.load %arg2[%swap3A_620, %swap3A_621] : memref<128x20800xf32, #tpu.memory_space<vmem>>, vector<128x64xf32>
    tpu.vector_store %arg2[%swap3A_620, %swap3A_621], %mul3A_619 {strides = array<i32>} : memref<128x20800xf32, #tpu.memory_space<vmem>>, vector<128x64xf32>,
    %mul3A_623 = arith.mulf %get3A_19, %get3A_28 : vector<128x64xf32>
    %swap3A_624 = arith.constant 0 : index
    %swap3A_625 = arith.constant 8768 : index
    %swap3A_626 = vector.load %arg2[%swap3A_624, %swap3A_625] : memref<128x20800xf32, #tpu.memory_space<vmem>>, vector<128x64xf32>
    tpu.vector_store %arg2[%swap3A_624, %swap3A_625], %mul3A_623 {strides = array<i32>} : memref<128x20800xf32, #tpu.memory_space<vmem>>, vector<128x64xf32>,
    %mul3A_627 = arith.mulf %get3A_19, %get3A_31 : vector<128x64xf32>
    %swap3A_628 = arith.constant 0 : index
    %swap3A_629 = arith.constant 8832 : index
    %swap3A_630 = vector.load %arg2[%swap3A_628, %swap3A_629] : memref<128x20800xf32, #tpu.memory_space<vmem>>, vector<128x64xf32>
    tpu.vector_store %arg2[%swap3A_628, %swap3A_629], %mul3A_627 {strides = array<i32>} : memref<128x20800xf32, #tpu.memory_space<vmem>>, vector<128x64xf32>,
    %mul3A_631 = arith.mulf %get3A_19, %get3A_34 : vector<128x64xf32>
    %swap3A_632 = arith.constant 0 : index
    %swap3A_633 = arith.constant 8896 : index
    %swap3A_634 = vector.load %arg2[%swap3A_632, %swap3A_633] : memref<128x20800xf32, #tpu.memory_space<vmem>>, vector<128x64xf32>
    tpu.vector_store %arg2[%swap3A_632, %swap3A_633], %mul3A_631 {strides = array<i32>} : memref<128x20800xf32, #tpu.memory_space<vmem>>, vector<128x64xf32>,
    %mul3A_635 = arith.mulf %get3A_19, %get3A_37 : vector<128x64xf32>
    %swap3A_636 = arith.constant 0 : index
    %swap3A_637 = arith.constant 8960 : index
    %swap3A_638 = vector.load %arg2[%swap3A_636, %swap3A_637] : memref<128x20800xf32, #tpu.memory_space<vmem>>, vector<128x64xf32>
    tpu.vector_store %arg2[%swap3A_636, %swap3A_637], %mul3A_635 {strides = array<i32>} : memref<128x20800xf32, #tpu.memory_space<vmem>>, vector<128x64xf32>,
    %mul3A_639 = arith.mulf %get3A_19, %get3A_40 : vector<128x64xf32>
    %swap3A_640 = arith.constant 0 : index
    %swap3A_641 = arith.constant 9024 : index
    %swap3A_642 = vector.load %arg2[%swap3A_640, %swap3A_641] : memref<128x20800xf32, #tpu.memory_space<vmem>>, vector<128x64xf32>
    tpu.vector_store %arg2[%swap3A_640, %swap3A_641], %mul3A_639 {strides = array<i32>} : memref<128x20800xf32, #tpu.memory_space<vmem>>, vector<128x64xf32>,
    %mul3A_643 = arith.mulf %get3A_19, %get3A_43 : vector<128x64xf32>
    %swap3A_644 = arith.constant 0 : index
    %swap3A_645 = arith.constant 9088 : index
    %swap3A_646 = vector.load %arg2[%swap3A_644, %swap3A_645] : memref<128x20800xf32, #tpu.memory_space<vmem>>, vector<128x64xf32>
    tpu.vector_store %arg2[%swap3A_644, %swap3A_645], %mul3A_643 {strides = array<i32>} : memref<128x20800xf32, #tpu.memory_space<vmem>>, vector<128x64xf32>,
    %mul3A_647 = arith.mulf %get3A_19, %get3A_46 : vector<128x64xf32>
    %swap3A_648 = arith.constant 0 : index
    %swap3A_649 = arith.constant 9152 : index
    %swap3A_650 = vector.load %arg2[%swap3A_648, %swap3A_649] : memref<128x20800xf32, #tpu.memory_space<vmem>>, vector<128x64xf32>
    tpu.vector_store %arg2[%swap3A_648, %swap3A_649], %mul3A_647 {strides = array<i32>} : memref<128x20800xf32, #tpu.memory_space<vmem>>, vector<128x64xf32>,
    %mul3A_651 = arith.mulf %get3A_19, %get3A_49 : vector<128x64xf32>
    %swap3A_652 = arith.constant 0 : index
    %swap3A_653 = arith.constant 9216 : index
    %swap3A_654 = vector.load %arg2[%swap3A_652, %swap3A_653] : memref<128x20800xf32, #tpu.memory_space<vmem>>, vector<128x64xf32>
    tpu.vector_store %arg2[%swap3A_652, %swap3A_653], %mul3A_651 {strides = array<i32>} : memref<128x20800xf32, #tpu.memory_space<vmem>>, vector<128x64xf32>,
    %mul3A_655 = arith.mulf %get3A_19, %get3A_52 : vector<128x64xf32>
    %swap3A_656 = arith.constant 0 : index
    %swap3A_657 = arith.constant 9280 : index
    %swap3A_658 = vector.load %arg2[%swap3A_656, %swap3A_657] : memref<128x20800xf32, #tpu.memory_space<vmem>>, vector<128x64xf32>
    tpu.vector_store %arg2[%swap3A_656, %swap3A_657], %mul3A_655 {strides = array<i32>} : memref<128x20800xf32, #tpu.memory_space<vmem>>, vector<128x64xf32>,
    %mul3A_659 = arith.mulf %get3A_19, %get3A_55 : vector<128x64xf32>
    %swap3A_660 = arith.constant 0 : index
    %swap3A_661 = arith.constant 9344 : index
    %swap3A_662 = vector.load %arg2[%swap3A_660, %swap3A_661] : memref<128x20800xf32, #tpu.memory_space<vmem>>, vector<128x64xf32>
    tpu.vector_store %arg2[%swap3A_660, %swap3A_661], %mul3A_659 {strides = array<i32>} : memref<128x20800xf32, #tpu.memory_space<vmem>>, vector<128x64xf32>,
    %mul3A_663 = arith.mulf %get3A_19, %get3A_58 : vector<128x64xf32>
    %swap3A_664 = arith.constant 0 : index
    %swap3A_665 = arith.constant 9408 : index
    %swap3A_666 = vector.load %arg2[%swap3A_664, %swap3A_665] : memref<128x20800xf32, #tpu.memory_space<vmem>>, vector<128x64xf32>
    tpu.vector_store %arg2[%swap3A_664, %swap3A_665], %mul3A_663 {strides = array<i32>} : memref<128x20800xf32, #tpu.memory_space<vmem>>, vector<128x64xf32>,
    %mul3A_667 = arith.mulf %get3A_19, %get3A_61 : vector<128x64xf32>
    %swap3A_668 = arith.constant 0 : index
    %swap3A_669 = arith.constant 9472 : index
    %swap3A_670 = vector.load %arg2[%swap3A_668, %swap3A_669] : memref<128x20800xf32, #tpu.memory_space<vmem>>, vector<128x64xf32>
    tpu.vector_store %arg2[%swap3A_668, %swap3A_669], %mul3A_667 {strides = array<i32>} : memref<128x20800xf32, #tpu.memory_space<vmem>>, vector<128x64xf32>,
    %mul3A_671 = arith.mulf %get3A_19, %get3A_64 : vector<128x64xf32>
    %swap3A_672 = arith.constant 0 : index
    %swap3A_673 = arith.constant 9536 : index
    %swap3A_674 = vector.load %arg2[%swap3A_672, %swap3A_673] : memref<128x20800xf32, #tpu.memory_space<vmem>>, vector<128x64xf32>
    tpu.vector_store %arg2[%swap3A_672, %swap3A_673], %mul3A_671 {strides = array<i32>} : memref<128x20800xf32, #tpu.memory_space<vmem>>, vector<128x64xf32>,
    %mul3A_675 = arith.mulf %get3A_19, %get3A_67 : vector<128x64xf32>
    %swap3A_676 = arith.constant 0 : index
    %swap3A_677 = arith.constant 9600 : index
    %swap3A_678 = vector.load %arg2[%swap3A_676, %swap3A_677] : memref<128x20800xf32, #tpu.memory_space<vmem>>, vector<128x64xf32>
    tpu.vector_store %arg2[%swap3A_676, %swap3A_677], %mul3A_675 {strides = array<i32>} : memref<128x20800xf32, #tpu.memory_space<vmem>>, vector<128x64xf32>,
    %mul3A_679 = arith.mulf %get3A_19, %get3A_70 : vector<128x64xf32>
    %swap3A_680 = arith.constant 0 : index
    %swap3A_681 = arith.constant 9664 : index
    %swap3A_682 = vector.load %arg2[%swap3A_680, %swap3A_681] : memref<128x20800xf32, #tpu.memory_space<vmem>>, vector<128x64xf32>
    tpu.vector_store %arg2[%swap3A_680, %swap3A_681], %mul3A_679 {strides = array<i32>} : memref<128x20800xf32, #tpu.memory_space<vmem>>, vector<128x64xf32>,
    %mul3A_683 = arith.mulf %get3A_19, %get3A_73 : vector<128x64xf32>
    %swap3A_684 = arith.constant 0 : index
    %swap3A_685 = arith.constant 9728 : index
    %swap3A_686 = vector.load %arg2[%swap3A_684, %swap3A_685] : memref<128x20800xf32, #tpu.memory_space<vmem>>, vector<128x64xf32>
    tpu.vector_store %arg2[%swap3A_684, %swap3A_685], %mul3A_683 {strides = array<i32>} : memref<128x20800xf32, #tpu.memory_space<vmem>>, vector<128x64xf32>,
    %mul3A_687 = arith.mulf %get3A_19, %get3A_76 : vector<128x64xf32>
    %swap3A_688 = arith.constant 0 : index
    %swap3A_689 = arith.constant 9792 : index
    %swap3A_690 = vector.load %arg2[%swap3A_688, %swap3A_689] : memref<128x20800xf32, #tpu.memory_space<vmem>>, vector<128x64xf32>
    tpu.vector_store %arg2[%swap3A_688, %swap3A_689], %mul3A_687 {strides = array<i32>} : memref<128x20800xf32, #tpu.memory_space<vmem>>, vector<128x64xf32>,
    %mul3A_691 = arith.mulf %get3A_22, %get3A_25 : vector<128x64xf32>
    %swap3A_692 = arith.constant 0 : index
    %swap3A_693 = arith.constant 9856 : index
    %swap3A_694 = vector.load %arg2[%swap3A_692, %swap3A_693] : memref<128x20800xf32, #tpu.memory_space<vmem>>, vector<128x64xf32>
    tpu.vector_store %arg2[%swap3A_692, %swap3A_693], %mul3A_691 {strides = array<i32>} : memref<128x20800xf32, #tpu.memory_space<vmem>>, vector<128x64xf32>,
    %mul3A_695 = arith.mulf %get3A_22, %get3A_28 : vector<128x64xf32>
    %swap3A_696 = arith.constant 0 : index
    %swap3A_697 = arith.constant 9920 : index
    %swap3A_698 = vector.load %arg2[%swap3A_696, %swap3A_697] : memref<128x20800xf32, #tpu.memory_space<vmem>>, vector<128x64xf32>
    tpu.vector_store %arg2[%swap3A_696, %swap3A_697], %mul3A_695 {strides = array<i32>} : memref<128x20800xf32, #tpu.memory_space<vmem>>, vector<128x64xf32>,
    %mul3A_699 = arith.mulf %get3A_22, %get3A_31 : vector<128x64xf32>
    %swap3A_700 = arith.constant 0 : index
    %swap3A_701 = arith.constant 9984 : index
    %swap3A_702 = vector.load %arg2[%swap3A_700, %swap3A_701] : memref<128x20800xf32, #tpu.memory_space<vmem>>, vector<128x64xf32>
    tpu.vector_store %arg2[%swap3A_700, %swap3A_701], %mul3A_699 {strides = array<i32>} : memref<128x20800xf32, #tpu.memory_space<vmem>>, vector<128x64xf32>,
    %mul3A_703 = arith.mulf %get3A_22, %get3A_34 : vector<128x64xf32>
    %swap3A_704 = arith.constant 0 : index
    %swap3A_705 = arith.constant 10048 : index
    %swap3A_706 = vector.load %arg2[%swap3A_704, %swap3A_705] : memref<128x20800xf32, #tpu.memory_space<vmem>>, vector<128x64xf32>
    tpu.vector_store %arg2[%swap3A_704, %swap3A_705], %mul3A_703 {strides = array<i32>} : memref<128x20800xf32, #tpu.memory_space<vmem>>, vector<128x64xf32>,
    %mul3A_707 = arith.mulf %get3A_22, %get3A_37 : vector<128x64xf32>
    %swap3A_708 = arith.constant 0 : index
    %swap3A_709 = arith.constant 10112 : index
    %swap3A_710 = vector.load %arg2[%swap3A_708, %swap3A_709] : memref<128x20800xf32, #tpu.memory_space<vmem>>, vector<128x64xf32>
    tpu.vector_store %arg2[%swap3A_708, %swap3A_709], %mul3A_707 {strides = array<i32>} : memref<128x20800xf32, #tpu.memory_space<vmem>>, vector<128x64xf32>,
    %mul3A_711 = arith.mulf %get3A_22, %get3A_40 : vector<128x64xf32>
    %swap3A_712 = arith.constant 0 : index
    %swap3A_713 = arith.constant 10176 : index
    %swap3A_714 = vector.load %arg2[%swap3A_712, %swap3A_713] : memref<128x20800xf32, #tpu.memory_space<vmem>>, vector<128x64xf32>
    tpu.vector_store %arg2[%swap3A_712, %swap3A_713], %mul3A_711 {strides = array<i32>} : memref<128x20800xf32, #tpu.memory_space<vmem>>, vector<128x64xf32>,
    %mul3A_715 = arith.mulf %get3A_22, %get3A_43 : vector<128x64xf32>
    %swap3A_716 = arith.constant 0 : index
    %swap3A_717 = arith.constant 10240 : index
    %swap3A_718 = vector.load %arg2[%swap3A_716, %swap3A_717] : memref<128x20800xf32, #tpu.memory_space<vmem>>, vector<128x64xf32>
    tpu.vector_store %arg2[%swap3A_716, %swap3A_717], %mul3A_715 {strides = array<i32>} : memref<128x20800xf32, #tpu.memory_space<vmem>>, vector<128x64xf32>,
    %mul3A_719 = arith.mulf %get3A_22, %get3A_46 : vector<128x64xf32>
    %swap3A_720 = arith.constant 0 : index
    %swap3A_721 = arith.constant 10304 : index
    %swap3A_722 = vector.load %arg2[%swap3A_720, %swap3A_721] : memref<128x20800xf32, #tpu.memory_space<vmem>>, vector<128x64xf32>
    tpu.vector_store %arg2[%swap3A_720, %swap3A_721], %mul3A_719 {strides = array<i32>} : memref<128x20800xf32, #tpu.memory_space<vmem>>, vector<128x64xf32>,
    %mul3A_723 = arith.mulf %get3A_22, %get3A_49 : vector<128x64xf32>
    %swap3A_724 = arith.constant 0 : index
    %swap3A_725 = arith.constant 10368 : index
    %swap3A_726 = vector.load %arg2[%swap3A_724, %swap3A_725] : memref<128x20800xf32, #tpu.memory_space<vmem>>, vector<128x64xf32>
    tpu.vector_store %arg2[%swap3A_724, %swap3A_725], %mul3A_723 {strides = array<i32>} : memref<128x20800xf32, #tpu.memory_space<vmem>>, vector<128x64xf32>,
    %mul3A_727 = arith.mulf %get3A_22, %get3A_52 : vector<128x64xf32>
    %swap3A_728 = arith.constant 0 : index
    %swap3A_729 = arith.constant 10432 : index
    %swap3A_730 = vector.load %arg2[%swap3A_728, %swap3A_729] : memref<128x20800xf32, #tpu.memory_space<vmem>>, vector<128x64xf32>
    tpu.vector_store %arg2[%swap3A_728, %swap3A_729], %mul3A_727 {strides = array<i32>} : memref<128x20800xf32, #tpu.memory_space<vmem>>, vector<128x64xf32>,
    %mul3A_731 = arith.mulf %get3A_22, %get3A_55 : vector<128x64xf32>
    %swap3A_732 = arith.constant 0 : index
    %swap3A_733 = arith.constant 10496 : index
    %swap3A_734 = vector.load %arg2[%swap3A_732, %swap3A_733] : memref<128x20800xf32, #tpu.memory_space<vmem>>, vector<128x64xf32>
    tpu.vector_store %arg2[%swap3A_732, %swap3A_733], %mul3A_731 {strides = array<i32>} : memref<128x20800xf32, #tpu.memory_space<vmem>>, vector<128x64xf32>,
    %mul3A_735 = arith.mulf %get3A_22, %get3A_58 : vector<128x64xf32>
    %swap3A_736 = arith.constant 0 : index
    %swap3A_737 = arith.constant 10560 : index
    %swap3A_738 = vector.load %arg2[%swap3A_736, %swap3A_737] : memref<128x20800xf32, #tpu.memory_space<vmem>>, vector<128x64xf32>
    tpu.vector_store %arg2[%swap3A_736, %swap3A_737], %mul3A_735 {strides = array<i32>} : memref<128x20800xf32, #tpu.memory_space<vmem>>, vector<128x64xf32>,
    %mul3A_739 = arith.mulf %get3A_22, %get3A_61 : vector<128x64xf32>
    %swap3A_740 = arith.constant 0 : index
    %swap3A_741 = arith.constant 10624 : index
    %swap3A_742 = vector.load %arg2[%swap3A_740, %swap3A_741] : memref<128x20800xf32, #tpu.memory_space<vmem>>, vector<128x64xf32>
    tpu.vector_store %arg2[%swap3A_740, %swap3A_741], %mul3A_739 {strides = array<i32>} : memref<128x20800xf32, #tpu.memory_space<vmem>>, vector<128x64xf32>,
    %mul3A_743 = arith.mulf %get3A_22, %get3A_64 : vector<128x64xf32>
    %swap3A_744 = arith.constant 0 : index
    %swap3A_745 = arith.constant 10688 : index
    %swap3A_746 = vector.load %arg2[%swap3A_744, %swap3A_745] : memref<128x20800xf32, #tpu.memory_space<vmem>>, vector<128x64xf32>
    tpu.vector_store %arg2[%swap3A_744, %swap3A_745], %mul3A_743 {strides = array<i32>} : memref<128x20800xf32, #tpu.memory_space<vmem>>, vector<128x64xf32>,
    %mul3A_747 = arith.mulf %get3A_22, %get3A_67 : vector<128x64xf32>
    %swap3A_748 = arith.constant 0 : index
    %swap3A_749 = arith.constant 10752 : index
    %swap3A_750 = vector.load %arg2[%swap3A_748, %swap3A_749] : memref<128x20800xf32, #tpu.memory_space<vmem>>, vector<128x64xf32>
    tpu.vector_store %arg2[%swap3A_748, %swap3A_749], %mul3A_747 {strides = array<i32>} : memref<128x20800xf32, #tpu.memory_space<vmem>>, vector<128x64xf32>,
    %mul3A_751 = arith.mulf %get3A_22, %get3A_70 : vector<128x64xf32>
    %swap3A_752 = arith.constant 0 : index
    %swap3A_753 = arith.constant 10816 : index
    %swap3A_754 = vector.load %arg2[%swap3A_752, %swap3A_753] : memref<128x20800xf32, #tpu.memory_space<vmem>>, vector<128x64xf32>
    tpu.vector_store %arg2[%swap3A_752, %swap3A_753], %mul3A_751 {strides = array<i32>} : memref<128x20800xf32, #tpu.memory_space<vmem>>, vector<128x64xf32>,
    %mul3A_755 = arith.mulf %get3A_22, %get3A_73 : vector<128x64xf32>
    %swap3A_756 = arith.constant 0 : index
    %swap3A_757 = arith.constant 10880 : index
    %swap3A_758 = vector.load %arg2[%swap3A_756, %swap3A_757] : memref<128x20800xf32, #tpu.memory_space<vmem>>, vector<128x64xf32>
    tpu.vector_store %arg2[%swap3A_756, %swap3A_757], %mul3A_755 {strides = array<i32>} : memref<128x20800xf32, #tpu.memory_space<vmem>>, vector<128x64xf32>,
    %mul3A_759 = arith.mulf %get3A_22, %get3A_76 : vector<128x64xf32>
    %swap3A_760 = arith.constant 0 : index
    %swap3A_761 = arith.constant 10944 : index
    %swap3A_762 = vector.load %arg2[%swap3A_760, %swap3A_761] : memref<128x20800xf32, #tpu.memory_space<vmem>>, vector<128x64xf32>
    tpu.vector_store %arg2[%swap3A_760, %swap3A_761], %mul3A_759 {strides = array<i32>} : memref<128x20800xf32, #tpu.memory_space<vmem>>, vector<128x64xf32>,
    %mul3A_763 = arith.mulf %get3A_25, %get3A_28 : vector<128x64xf32>
    %swap3A_764 = arith.constant 0 : index
    %swap3A_765 = arith.constant 11008 : index
    %swap3A_766 = vector.load %arg2[%swap3A_764, %swap3A_765] : memref<128x20800xf32, #tpu.memory_space<vmem>>, vector<128x64xf32>
    tpu.vector_store %arg2[%swap3A_764, %swap3A_765], %mul3A_763 {strides = array<i32>} : memref<128x20800xf32, #tpu.memory_space<vmem>>, vector<128x64xf32>,
    %mul3A_767 = arith.mulf %get3A_25, %get3A_31 : vector<128x64xf32>
    %swap3A_768 = arith.constant 0 : index
    %swap3A_769 = arith.constant 11072 : index
    %swap3A_770 = vector.load %arg2[%swap3A_768, %swap3A_769] : memref<128x20800xf32, #tpu.memory_space<vmem>>, vector<128x64xf32>
    tpu.vector_store %arg2[%swap3A_768, %swap3A_769], %mul3A_767 {strides = array<i32>} : memref<128x20800xf32, #tpu.memory_space<vmem>>, vector<128x64xf32>,
    %mul3A_771 = arith.mulf %get3A_25, %get3A_34 : vector<128x64xf32>
    %swap3A_772 = arith.constant 0 : index
    %swap3A_773 = arith.constant 11136 : index
    %swap3A_774 = vector.load %arg2[%swap3A_772, %swap3A_773] : memref<128x20800xf32, #tpu.memory_space<vmem>>, vector<128x64xf32>
    tpu.vector_store %arg2[%swap3A_772, %swap3A_773], %mul3A_771 {strides = array<i32>} : memref<128x20800xf32, #tpu.memory_space<vmem>>, vector<128x64xf32>,
    %mul3A_775 = arith.mulf %get3A_25, %get3A_37 : vector<128x64xf32>
    %swap3A_776 = arith.constant 0 : index
    %swap3A_777 = arith.constant 11200 : index
    %swap3A_778 = vector.load %arg2[%swap3A_776, %swap3A_777] : memref<128x20800xf32, #tpu.memory_space<vmem>>, vector<128x64xf32>
    tpu.vector_store %arg2[%swap3A_776, %swap3A_777], %mul3A_775 {strides = array<i32>} : memref<128x20800xf32, #tpu.memory_space<vmem>>, vector<128x64xf32>,
    %mul3A_779 = arith.mulf %get3A_25, %get3A_40 : vector<128x64xf32>
    %swap3A_780 = arith.constant 0 : index
    %swap3A_781 = arith.constant 11264 : index
    %swap3A_782 = vector.load %arg2[%swap3A_780, %swap3A_781] : memref<128x20800xf32, #tpu.memory_space<vmem>>, vector<128x64xf32>
    tpu.vector_store %arg2[%swap3A_780, %swap3A_781], %mul3A_779 {strides = array<i32>} : memref<128x20800xf32, #tpu.memory_space<vmem>>, vector<128x64xf32>,
    %mul3A_783 = arith.mulf %get3A_25, %get3A_43 : vector<128x64xf32>
    %swap3A_784 = arith.constant 0 : index
    %swap3A_785 = arith.constant 11328 : index
    %swap3A_786 = vector.load %arg2[%swap3A_784, %swap3A_785] : memref<128x20800xf32, #tpu.memory_space<vmem>>, vector<128x64xf32>
    tpu.vector_store %arg2[%swap3A_784, %swap3A_785], %mul3A_783 {strides = array<i32>} : memref<128x20800xf32, #tpu.memory_space<vmem>>, vector<128x64xf32>,
    %mul3A_787 = arith.mulf %get3A_25, %get3A_46 : vector<128x64xf32>
    %swap3A_788 = arith.constant 0 : index
    %swap3A_789 = arith.constant 11392 : index
    %swap3A_790 = vector.load %arg2[%swap3A_788, %swap3A_789] : memref<128x20800xf32, #tpu.memory_space<vmem>>, vector<128x64xf32>
    tpu.vector_store %arg2[%swap3A_788, %swap3A_789], %mul3A_787 {strides = array<i32>} : memref<128x20800xf32, #tpu.memory_space<vmem>>, vector<128x64xf32>,
    %mul3A_791 = arith.mulf %get3A_25, %get3A_49 : vector<128x64xf32>
    %swap3A_792 = arith.constant 0 : index
    %swap3A_793 = arith.constant 11456 : index
    %swap3A_794 = vector.load %arg2[%swap3A_792, %swap3A_793] : memref<128x20800xf32, #tpu.memory_space<vmem>>, vector<128x64xf32>
    tpu.vector_store %arg2[%swap3A_792, %swap3A_793], %mul3A_791 {strides = array<i32>} : memref<128x20800xf32, #tpu.memory_space<vmem>>, vector<128x64xf32>,
    %mul3A_795 = arith.mulf %get3A_25, %get3A_52 : vector<128x64xf32>
    %swap3A_796 = arith.constant 0 : index
    %swap3A_797 = arith.constant 11520 : index
    %swap3A_798 = vector.load %arg2[%swap3A_796, %swap3A_797] : memref<128x20800xf32, #tpu.memory_space<vmem>>, vector<128x64xf32>
    tpu.vector_store %arg2[%swap3A_796, %swap3A_797], %mul3A_795 {strides = array<i32>} : memref<128x20800xf32, #tpu.memory_space<vmem>>, vector<128x64xf32>,
    %mul3A_799 = arith.mulf %get3A_25, %get3A_55 : vector<128x64xf32>
    %swap3A_800 = arith.constant 0 : index
    %swap3A_801 = arith.constant 11584 : index
    %swap3A_802 = vector.load %arg2[%swap3A_800, %swap3A_801] : memref<128x20800xf32, #tpu.memory_space<vmem>>, vector<128x64xf32>
    tpu.vector_store %arg2[%swap3A_800, %swap3A_801], %mul3A_799 {strides = array<i32>} : memref<128x20800xf32, #tpu.memory_space<vmem>>, vector<128x64xf32>,
    %mul3A_803 = arith.mulf %get3A_25, %get3A_58 : vector<128x64xf32>
    %swap3A_804 = arith.constant 0 : index
    %swap3A_805 = arith.constant 11648 : index
    %swap3A_806 = vector.load %arg2[%swap3A_804, %swap3A_805] : memref<128x20800xf32, #tpu.memory_space<vmem>>, vector<128x64xf32>
    tpu.vector_store %arg2[%swap3A_804, %swap3A_805], %mul3A_803 {strides = array<i32>} : memref<128x20800xf32, #tpu.memory_space<vmem>>, vector<128x64xf32>,
    %mul3A_807 = arith.mulf %get3A_25, %get3A_61 : vector<128x64xf32>
    %swap3A_808 = arith.constant 0 : index
    %swap3A_809 = arith.constant 11712 : index
    %swap3A_810 = vector.load %arg2[%swap3A_808, %swap3A_809] : memref<128x20800xf32, #tpu.memory_space<vmem>>, vector<128x64xf32>
    tpu.vector_store %arg2[%swap3A_808, %swap3A_809], %mul3A_807 {strides = array<i32>} : memref<128x20800xf32, #tpu.memory_space<vmem>>, vector<128x64xf32>,
    %mul3A_811 = arith.mulf %get3A_25, %get3A_64 : vector<128x64xf32>
    %swap3A_812 = arith.constant 0 : index
    %swap3A_813 = arith.constant 11776 : index
    %swap3A_814 = vector.load %arg2[%swap3A_812, %swap3A_813] : memref<128x20800xf32, #tpu.memory_space<vmem>>, vector<128x64xf32>
    tpu.vector_store %arg2[%swap3A_812, %swap3A_813], %mul3A_811 {strides = array<i32>} : memref<128x20800xf32, #tpu.memory_space<vmem>>, vector<128x64xf32>,
    %mul3A_815 = arith.mulf %get3A_25, %get3A_67 : vector<128x64xf32>
    %swap3A_816 = arith.constant 0 : index
    %swap3A_817 = arith.constant 11840 : index
    %swap3A_818 = vector.load %arg2[%swap3A_816, %swap3A_817] : memref<128x20800xf32, #tpu.memory_space<vmem>>, vector<128x64xf32>
    tpu.vector_store %arg2[%swap3A_816, %swap3A_817], %mul3A_815 {strides = array<i32>} : memref<128x20800xf32, #tpu.memory_space<vmem>>, vector<128x64xf32>,
    %mul3A_819 = arith.mulf %get3A_25, %get3A_70 : vector<128x64xf32>
    %swap3A_820 = arith.constant 0 : index
    %swap3A_821 = arith.constant 11904 : index
    %swap3A_822 = vector.load %arg2[%swap3A_820, %swap3A_821] : memref<128x20800xf32, #tpu.memory_space<vmem>>, vector<128x64xf32>
    tpu.vector_store %arg2[%swap3A_820, %swap3A_821], %mul3A_819 {strides = array<i32>} : memref<128x20800xf32, #tpu.memory_space<vmem>>, vector<128x64xf32>,
    %mul3A_823 = arith.mulf %get3A_25, %get3A_73 : vector<128x64xf32>
    %swap3A_824 = arith.constant 0 : index
    %swap3A_825 = arith.constant 11968 : index
    %swap3A_826 = vector.load %arg2[%swap3A_824, %swap3A_825] : memref<128x20800xf32, #tpu.memory_space<vmem>>, vector<128x64xf32>
    tpu.vector_store %arg2[%swap3A_824, %swap3A_825], %mul3A_823 {strides = array<i32>} : memref<128x20800xf32, #tpu.memory_space<vmem>>, vector<128x64xf32>,
    %mul3A_827 = arith.mulf %get3A_25, %get3A_76 : vector<128x64xf32>
    %swap3A_828 = arith.constant 0 : index
    %swap3A_829 = arith.constant 12032 : index
    %swap3A_830 = vector.load %arg2[%swap3A_828, %swap3A_829] : memref<128x20800xf32, #tpu.memory_space<vmem>>, vector<128x64xf32>
    tpu.vector_store %arg2[%swap3A_828, %swap3A_829], %mul3A_827 {strides = array<i32>} : memref<128x20800xf32, #tpu.memory_space<vmem>>, vector<128x64xf32>,
    %mul3A_831 = arith.mulf %get3A_28, %get3A_31 : vector<128x64xf32>
    %swap3A_832 = arith.constant 0 : index
    %swap3A_833 = arith.constant 12096 : index
    %swap3A_834 = vector.load %arg2[%swap3A_832, %swap3A_833] : memref<128x20800xf32, #tpu.memory_space<vmem>>, vector<128x64xf32>
    tpu.vector_store %arg2[%swap3A_832, %swap3A_833], %mul3A_831 {strides = array<i32>} : memref<128x20800xf32, #tpu.memory_space<vmem>>, vector<128x64xf32>,
    %mul3A_835 = arith.mulf %get3A_28, %get3A_34 : vector<128x64xf32>
    %swap3A_836 = arith.constant 0 : index
    %swap3A_837 = arith.constant 12160 : index
    %swap3A_838 = vector.load %arg2[%swap3A_836, %swap3A_837] : memref<128x20800xf32, #tpu.memory_space<vmem>>, vector<128x64xf32>
    tpu.vector_store %arg2[%swap3A_836, %swap3A_837], %mul3A_835 {strides = array<i32>} : memref<128x20800xf32, #tpu.memory_space<vmem>>, vector<128x64xf32>,
    %mul3A_839 = arith.mulf %get3A_28, %get3A_37 : vector<128x64xf32>
    %swap3A_840 = arith.constant 0 : index
    %swap3A_841 = arith.constant 12224 : index
    %swap3A_842 = vector.load %arg2[%swap3A_840, %swap3A_841] : memref<128x20800xf32, #tpu.memory_space<vmem>>, vector<128x64xf32>
    tpu.vector_store %arg2[%swap3A_840, %swap3A_841], %mul3A_839 {strides = array<i32>} : memref<128x20800xf32, #tpu.memory_space<vmem>>, vector<128x64xf32>,
    %mul3A_843 = arith.mulf %get3A_28, %get3A_40 : vector<128x64xf32>
    %swap3A_844 = arith.constant 0 : index
    %swap3A_845 = arith.constant 12288 : index
    %swap3A_846 = vector.load %arg2[%swap3A_844, %swap3A_845] : memref<128x20800xf32, #tpu.memory_space<vmem>>, vector<128x64xf32>
    tpu.vector_store %arg2[%swap3A_844, %swap3A_845], %mul3A_843 {strides = array<i32>} : memref<128x20800xf32, #tpu.memory_space<vmem>>, vector<128x64xf32>,
    %mul3A_847 = arith.mulf %get3A_28, %get3A_43 : vector<128x64xf32>
    %swap3A_848 = arith.constant 0 : index
    %swap3A_849 = arith.constant 12352 : index
    %swap3A_850 = vector.load %arg2[%swap3A_848, %swap3A_849] : memref<128x20800xf32, #tpu.memory_space<vmem>>, vector<128x64xf32>
    tpu.vector_store %arg2[%swap3A_848, %swap3A_849], %mul3A_847 {strides = array<i32>} : memref<128x20800xf32, #tpu.memory_space<vmem>>, vector<128x64xf32>,
    %mul3A_851 = arith.mulf %get3A_28, %get3A_46 : vector<128x64xf32>
    %swap3A_852 = arith.constant 0 : index
    %swap3A_853 = arith.constant 12416 : index
    %swap3A_854 = vector.load %arg2[%swap3A_852, %swap3A_853] : memref<128x20800xf32, #tpu.memory_space<vmem>>, vector<128x64xf32>
    tpu.vector_store %arg2[%swap3A_852, %swap3A_853], %mul3A_851 {strides = array<i32>} : memref<128x20800xf32, #tpu.memory_space<vmem>>, vector<128x64xf32>,
    %mul3A_855 = arith.mulf %get3A_28, %get3A_49 : vector<128x64xf32>
    %swap3A_856 = arith.constant 0 : index
    %swap3A_857 = arith.constant 12480 : index
    %swap3A_858 = vector.load %arg2[%swap3A_856, %swap3A_857] : memref<128x20800xf32, #tpu.memory_space<vmem>>, vector<128x64xf32>
    tpu.vector_store %arg2[%swap3A_856, %swap3A_857], %mul3A_855 {strides = array<i32>} : memref<128x20800xf32, #tpu.memory_space<vmem>>, vector<128x64xf32>,
    %mul3A_859 = arith.mulf %get3A_28, %get3A_52 : vector<128x64xf32>
    %swap3A_860 = arith.constant 0 : index
    %swap3A_861 = arith.constant 12544 : index
    %swap3A_862 = vector.load %arg2[%swap3A_860, %swap3A_861] : memref<128x20800xf32, #tpu.memory_space<vmem>>, vector<128x64xf32>
    tpu.vector_store %arg2[%swap3A_860, %swap3A_861], %mul3A_859 {strides = array<i32>} : memref<128x20800xf32, #tpu.memory_space<vmem>>, vector<128x64xf32>,
    %mul3A_863 = arith.mulf %get3A_28, %get3A_55 : vector<128x64xf32>
    %swap3A_864 = arith.constant 0 : index
    %swap3A_865 = arith.constant 12608 : index
    %swap3A_866 = vector.load %arg2[%swap3A_864, %swap3A_865] : memref<128x20800xf32, #tpu.memory_space<vmem>>, vector<128x64xf32>
    tpu.vector_store %arg2[%swap3A_864, %swap3A_865], %mul3A_863 {strides = array<i32>} : memref<128x20800xf32, #tpu.memory_space<vmem>>, vector<128x64xf32>,
    %mul3A_867 = arith.mulf %get3A_28, %get3A_58 : vector<128x64xf32>
    %swap3A_868 = arith.constant 0 : index
    %swap3A_869 = arith.constant 12672 : index
    %swap3A_870 = vector.load %arg2[%swap3A_868, %swap3A_869] : memref<128x20800xf32, #tpu.memory_space<vmem>>, vector<128x64xf32>
    tpu.vector_store %arg2[%swap3A_868, %swap3A_869], %mul3A_867 {strides = array<i32>} : memref<128x20800xf32, #tpu.memory_space<vmem>>, vector<128x64xf32>,
    %mul3A_871 = arith.mulf %get3A_28, %get3A_61 : vector<128x64xf32>
    %swap3A_872 = arith.constant 0 : index
    %swap3A_873 = arith.constant 12736 : index
    %swap3A_874 = vector.load %arg2[%swap3A_872, %swap3A_873] : memref<128x20800xf32, #tpu.memory_space<vmem>>, vector<128x64xf32>
    tpu.vector_store %arg2[%swap3A_872, %swap3A_873], %mul3A_871 {strides = array<i32>} : memref<128x20800xf32, #tpu.memory_space<vmem>>, vector<128x64xf32>,
    %mul3A_875 = arith.mulf %get3A_28, %get3A_64 : vector<128x64xf32>
    %swap3A_876 = arith.constant 0 : index
    %swap3A_877 = arith.constant 12800 : index
    %swap3A_878 = vector.load %arg2[%swap3A_876, %swap3A_877] : memref<128x20800xf32, #tpu.memory_space<vmem>>, vector<128x64xf32>
    tpu.vector_store %arg2[%swap3A_876, %swap3A_877], %mul3A_875 {strides = array<i32>} : memref<128x20800xf32, #tpu.memory_space<vmem>>, vector<128x64xf32>,
    %mul3A_879 = arith.mulf %get3A_28, %get3A_67 : vector<128x64xf32>
    %swap3A_880 = arith.constant 0 : index
    %swap3A_881 = arith.constant 12864 : index
    %swap3A_882 = vector.load %arg2[%swap3A_880, %swap3A_881] : memref<128x20800xf32, #tpu.memory_space<vmem>>, vector<128x64xf32>
    tpu.vector_store %arg2[%swap3A_880, %swap3A_881], %mul3A_879 {strides = array<i32>} : memref<128x20800xf32, #tpu.memory_space<vmem>>, vector<128x64xf32>,
    %mul3A_883 = arith.mulf %get3A_28, %get3A_70 : vector<128x64xf32>
    %swap3A_884 = arith.constant 0 : index
    %swap3A_885 = arith.constant 12928 : index
    %swap3A_886 = vector.load %arg2[%swap3A_884, %swap3A_885] : memref<128x20800xf32, #tpu.memory_space<vmem>>, vector<128x64xf32>
    tpu.vector_store %arg2[%swap3A_884, %swap3A_885], %mul3A_883 {strides = array<i32>} : memref<128x20800xf32, #tpu.memory_space<vmem>>, vector<128x64xf32>,
    %mul3A_887 = arith.mulf %get3A_28, %get3A_73 : vector<128x64xf32>
    %swap3A_888 = arith.constant 0 : index
    %swap3A_889 = arith.constant 12992 : index
    %swap3A_890 = vector.load %arg2[%swap3A_888, %swap3A_889] : memref<128x20800xf32, #tpu.memory_space<vmem>>, vector<128x64xf32>
    tpu.vector_store %arg2[%swap3A_888, %swap3A_889], %mul3A_887 {strides = array<i32>} : memref<128x20800xf32, #tpu.memory_space<vmem>>, vector<128x64xf32>,
    %mul3A_891 = arith.mulf %get3A_28, %get3A_76 : vector<128x64xf32>
    %swap3A_892 = arith.constant 0 : index
    %swap3A_893 = arith.constant 13056 : index
    %swap3A_894 = vector.load %arg2[%swap3A_892, %swap3A_893] : memref<128x20800xf32, #tpu.memory_space<vmem>>, vector<128x64xf32>
    tpu.vector_store %arg2[%swap3A_892, %swap3A_893], %mul3A_891 {strides = array<i32>} : memref<128x20800xf32, #tpu.memory_space<vmem>>, vector<128x64xf32>,
    %mul3A_895 = arith.mulf %get3A_31, %get3A_34 : vector<128x64xf32>
    %swap3A_896 = arith.constant 0 : index
    %swap3A_897 = arith.constant 13120 : index
    %swap3A_898 = vector.load %arg2[%swap3A_896, %swap3A_897] : memref<128x20800xf32, #tpu.memory_space<vmem>>, vector<128x64xf32>
    tpu.vector_store %arg2[%swap3A_896, %swap3A_897], %mul3A_895 {strides = array<i32>} : memref<128x20800xf32, #tpu.memory_space<vmem>>, vector<128x64xf32>,
    %mul3A_899 = arith.mulf %get3A_31, %get3A_37 : vector<128x64xf32>
    %swap3A_900 = arith.constant 0 : index
    %swap3A_901 = arith.constant 13184 : index
    %swap3A_902 = vector.load %arg2[%swap3A_900, %swap3A_901] : memref<128x20800xf32, #tpu.memory_space<vmem>>, vector<128x64xf32>
    tpu.vector_store %arg2[%swap3A_900, %swap3A_901], %mul3A_899 {strides = array<i32>} : memref<128x20800xf32, #tpu.memory_space<vmem>>, vector<128x64xf32>,
    %mul3A_903 = arith.mulf %get3A_31, %get3A_40 : vector<128x64xf32>
    %swap3A_904 = arith.constant 0 : index
    %swap3A_905 = arith.constant 13248 : index
    %swap3A_906 = vector.load %arg2[%swap3A_904, %swap3A_905] : memref<128x20800xf32, #tpu.memory_space<vmem>>, vector<128x64xf32>
    tpu.vector_store %arg2[%swap3A_904, %swap3A_905], %mul3A_903 {strides = array<i32>} : memref<128x20800xf32, #tpu.memory_space<vmem>>, vector<128x64xf32>,
    %mul3A_907 = arith.mulf %get3A_31, %get3A_43 : vector<128x64xf32>
    %swap3A_908 = arith.constant 0 : index
    %swap3A_909 = arith.constant 13312 : index
    %swap3A_910 = vector.load %arg2[%swap3A_908, %swap3A_909] : memref<128x20800xf32, #tpu.memory_space<vmem>>, vector<128x64xf32>
    tpu.vector_store %arg2[%swap3A_908, %swap3A_909], %mul3A_907 {strides = array<i32>} : memref<128x20800xf32, #tpu.memory_space<vmem>>, vector<128x64xf32>,
    %mul3A_911 = arith.mulf %get3A_31, %get3A_46 : vector<128x64xf32>
    %swap3A_912 = arith.constant 0 : index
    %swap3A_913 = arith.constant 13376 : index
    %swap3A_914 = vector.load %arg2[%swap3A_912, %swap3A_913] : memref<128x20800xf32, #tpu.memory_space<vmem>>, vector<128x64xf32>
    tpu.vector_store %arg2[%swap3A_912, %swap3A_913], %mul3A_911 {strides = array<i32>} : memref<128x20800xf32, #tpu.memory_space<vmem>>, vector<128x64xf32>,
    %mul3A_915 = arith.mulf %get3A_31, %get3A_49 : vector<128x64xf32>
    %swap3A_916 = arith.constant 0 : index
    %swap3A_917 = arith.constant 13440 : index
    %swap3A_918 = vector.load %arg2[%swap3A_916, %swap3A_917] : memref<128x20800xf32, #tpu.memory_space<vmem>>, vector<128x64xf32>
    tpu.vector_store %arg2[%swap3A_916, %swap3A_917], %mul3A_915 {strides = array<i32>} : memref<128x20800xf32, #tpu.memory_space<vmem>>, vector<128x64xf32>,
    %mul3A_919 = arith.mulf %get3A_31, %get3A_52 : vector<128x64xf32>
    %swap3A_920 = arith.constant 0 : index
    %swap3A_921 = arith.constant 13504 : index
    %swap3A_922 = vector.load %arg2[%swap3A_920, %swap3A_921] : memref<128x20800xf32, #tpu.memory_space<vmem>>, vector<128x64xf32>
    tpu.vector_store %arg2[%swap3A_920, %swap3A_921], %mul3A_919 {strides = array<i32>} : memref<128x20800xf32, #tpu.memory_space<vmem>>, vector<128x64xf32>,
    %mul3A_923 = arith.mulf %get3A_31, %get3A_55 : vector<128x64xf32>
    %swap3A_924 = arith.constant 0 : index
    %swap3A_925 = arith.constant 13568 : index
    %swap3A_926 = vector.load %arg2[%swap3A_924, %swap3A_925] : memref<128x20800xf32, #tpu.memory_space<vmem>>, vector<128x64xf32>
    tpu.vector_store %arg2[%swap3A_924, %swap3A_925], %mul3A_923 {strides = array<i32>} : memref<128x20800xf32, #tpu.memory_space<vmem>>, vector<128x64xf32>,
    %mul3A_927 = arith.mulf %get3A_31, %get3A_58 : vector<128x64xf32>
    %swap3A_928 = arith.constant 0 : index
    %swap3A_929 = arith.constant 13632 : index
    %swap3A_930 = vector.load %arg2[%swap3A_928, %swap3A_929] : memref<128x20800xf32, #tpu.memory_space<vmem>>, vector<128x64xf32>
    tpu.vector_store %arg2[%swap3A_928, %swap3A_929], %mul3A_927 {strides = array<i32>} : memref<128x20800xf32, #tpu.memory_space<vmem>>, vector<128x64xf32>,
    %mul3A_931 = arith.mulf %get3A_31, %get3A_61 : vector<128x64xf32>
    %swap3A_932 = arith.constant 0 : index
    %swap3A_933 = arith.constant 13696 : index
    %swap3A_934 = vector.load %arg2[%swap3A_932, %swap3A_933] : memref<128x20800xf32, #tpu.memory_space<vmem>>, vector<128x64xf32>
    tpu.vector_store %arg2[%swap3A_932, %swap3A_933], %mul3A_931 {strides = array<i32>} : memref<128x20800xf32, #tpu.memory_space<vmem>>, vector<128x64xf32>,
    %mul3A_935 = arith.mulf %get3A_31, %get3A_64 : vector<128x64xf32>
    %swap3A_936 = arith.constant 0 : index
    %swap3A_937 = arith.constant 13760 : index
    %swap3A_938 = vector.load %arg2[%swap3A_936, %swap3A_937] : memref<128x20800xf32, #tpu.memory_space<vmem>>, vector<128x64xf32>
    tpu.vector_store %arg2[%swap3A_936, %swap3A_937], %mul3A_935 {strides = array<i32>} : memref<128x20800xf32, #tpu.memory_space<vmem>>, vector<128x64xf32>,
    %mul3A_939 = arith.mulf %get3A_31, %get3A_67 : vector<128x64xf32>
    %swap3A_940 = arith.constant 0 : index
    %swap3A_941 = arith.constant 13824 : index
    %swap3A_942 = vector.load %arg2[%swap3A_940, %swap3A_941] : memref<128x20800xf32, #tpu.memory_space<vmem>>, vector<128x64xf32>
    tpu.vector_store %arg2[%swap3A_940, %swap3A_941], %mul3A_939 {strides = array<i32>} : memref<128x20800xf32, #tpu.memory_space<vmem>>, vector<128x64xf32>,
    %mul3A_943 = arith.mulf %get3A_31, %get3A_70 : vector<128x64xf32>
    %swap3A_944 = arith.constant 0 : index
    %swap3A_945 = arith.constant 13888 : index
    %swap3A_946 = vector.load %arg2[%swap3A_944, %swap3A_945] : memref<128x20800xf32, #tpu.memory_space<vmem>>, vector<128x64xf32>
    tpu.vector_store %arg2[%swap3A_944, %swap3A_945], %mul3A_943 {strides = array<i32>} : memref<128x20800xf32, #tpu.memory_space<vmem>>, vector<128x64xf32>,
    %mul3A_947 = arith.mulf %get3A_31, %get3A_73 : vector<128x64xf32>
    %swap3A_948 = arith.constant 0 : index
    %swap3A_949 = arith.constant 13952 : index
    %swap3A_950 = vector.load %arg2[%swap3A_948, %swap3A_949] : memref<128x20800xf32, #tpu.memory_space<vmem>>, vector<128x64xf32>
    tpu.vector_store %arg2[%swap3A_948, %swap3A_949], %mul3A_947 {strides = array<i32>} : memref<128x20800xf32, #tpu.memory_space<vmem>>, vector<128x64xf32>,
    %mul3A_951 = arith.mulf %get3A_31, %get3A_76 : vector<128x64xf32>
    %swap3A_952 = arith.constant 0 : index
    %swap3A_953 = arith.constant 14016 : index
    %swap3A_954 = vector.load %arg2[%swap3A_952, %swap3A_953] : memref<128x20800xf32, #tpu.memory_space<vmem>>, vector<128x64xf32>
    tpu.vector_store %arg2[%swap3A_952, %swap3A_953], %mul3A_951 {strides = array<i32>} : memref<128x20800xf32, #tpu.memory_space<vmem>>, vector<128x64xf32>,
    %mul3A_955 = arith.mulf %get3A_34, %get3A_37 : vector<128x64xf32>
    %swap3A_956 = arith.constant 0 : index
    %swap3A_957 = arith.constant 14080 : index
    %swap3A_958 = vector.load %arg2[%swap3A_956, %swap3A_957] : memref<128x20800xf32, #tpu.memory_space<vmem>>, vector<128x64xf32>
    tpu.vector_store %arg2[%swap3A_956, %swap3A_957], %mul3A_955 {strides = array<i32>} : memref<128x20800xf32, #tpu.memory_space<vmem>>, vector<128x64xf32>,
    %mul3A_959 = arith.mulf %get3A_34, %get3A_40 : vector<128x64xf32>
    %swap3A_960 = arith.constant 0 : index
    %swap3A_961 = arith.constant 14144 : index
    %swap3A_962 = vector.load %arg2[%swap3A_960, %swap3A_961] : memref<128x20800xf32, #tpu.memory_space<vmem>>, vector<128x64xf32>
    tpu.vector_store %arg2[%swap3A_960, %swap3A_961], %mul3A_959 {strides = array<i32>} : memref<128x20800xf32, #tpu.memory_space<vmem>>, vector<128x64xf32>,
    %mul3A_963 = arith.mulf %get3A_34, %get3A_43 : vector<128x64xf32>
    %swap3A_964 = arith.constant 0 : index
    %swap3A_965 = arith.constant 14208 : index
    %swap3A_966 = vector.load %arg2[%swap3A_964, %swap3A_965] : memref<128x20800xf32, #tpu.memory_space<vmem>>, vector<128x64xf32>
    tpu.vector_store %arg2[%swap3A_964, %swap3A_965], %mul3A_963 {strides = array<i32>} : memref<128x20800xf32, #tpu.memory_space<vmem>>, vector<128x64xf32>,
    %mul3A_967 = arith.mulf %get3A_34, %get3A_46 : vector<128x64xf32>
    %swap3A_968 = arith.constant 0 : index
    %swap3A_969 = arith.constant 14272 : index
    %swap3A_970 = vector.load %arg2[%swap3A_968, %swap3A_969] : memref<128x20800xf32, #tpu.memory_space<vmem>>, vector<128x64xf32>
    tpu.vector_store %arg2[%swap3A_968, %swap3A_969], %mul3A_967 {strides = array<i32>} : memref<128x20800xf32, #tpu.memory_space<vmem>>, vector<128x64xf32>,
    %mul3A_971 = arith.mulf %get3A_34, %get3A_49 : vector<128x64xf32>
    %swap3A_972 = arith.constant 0 : index
    %swap3A_973 = arith.constant 14336 : index
    %swap3A_974 = vector.load %arg2[%swap3A_972, %swap3A_973] : memref<128x20800xf32, #tpu.memory_space<vmem>>, vector<128x64xf32>
    tpu.vector_store %arg2[%swap3A_972, %swap3A_973], %mul3A_971 {strides = array<i32>} : memref<128x20800xf32, #tpu.memory_space<vmem>>, vector<128x64xf32>,
    %mul3A_975 = arith.mulf %get3A_34, %get3A_52 : vector<128x64xf32>
    %swap3A_976 = arith.constant 0 : index
    %swap3A_977 = arith.constant 14400 : index
    %swap3A_978 = vector.load %arg2[%swap3A_976, %swap3A_977] : memref<128x20800xf32, #tpu.memory_space<vmem>>, vector<128x64xf32>
    tpu.vector_store %arg2[%swap3A_976, %swap3A_977], %mul3A_975 {strides = array<i32>} : memref<128x20800xf32, #tpu.memory_space<vmem>>, vector<128x64xf32>,
    %mul3A_979 = arith.mulf %get3A_34, %get3A_55 : vector<128x64xf32>
    %swap3A_980 = arith.constant 0 : index
    %swap3A_981 = arith.constant 14464 : index
    %swap3A_982 = vector.load %arg2[%swap3A_980, %swap3A_981] : memref<128x20800xf32, #tpu.memory_space<vmem>>, vector<128x64xf32>
    tpu.vector_store %arg2[%swap3A_980, %swap3A_981], %mul3A_979 {strides = array<i32>} : memref<128x20800xf32, #tpu.memory_space<vmem>>, vector<128x64xf32>,
    %mul3A_983 = arith.mulf %get3A_34, %get3A_58 : vector<128x64xf32>
    %swap3A_984 = arith.constant 0 : index
    %swap3A_985 = arith.constant 14528 : index
    %swap3A_986 = vector.load %arg2[%swap3A_984, %swap3A_985] : memref<128x20800xf32, #tpu.memory_space<vmem>>, vector<128x64xf32>
    tpu.vector_store %arg2[%swap3A_984, %swap3A_985], %mul3A_983 {strides = array<i32>} : memref<128x20800xf32, #tpu.memory_space<vmem>>, vector<128x64xf32>,
    %mul3A_987 = arith.mulf %get3A_34, %get3A_61 : vector<128x64xf32>
    %swap3A_988 = arith.constant 0 : index
    %swap3A_989 = arith.constant 14592 : index
    %swap3A_990 = vector.load %arg2[%swap3A_988, %swap3A_989] : memref<128x20800xf32, #tpu.memory_space<vmem>>, vector<128x64xf32>
    tpu.vector_store %arg2[%swap3A_988, %swap3A_989], %mul3A_987 {strides = array<i32>} : memref<128x20800xf32, #tpu.memory_space<vmem>>, vector<128x64xf32>,
    %mul3A_991 = arith.mulf %get3A_34, %get3A_64 : vector<128x64xf32>
    %swap3A_992 = arith.constant 0 : index
    %swap3A_993 = arith.constant 14656 : index
    %swap3A_994 = vector.load %arg2[%swap3A_992, %swap3A_993] : memref<128x20800xf32, #tpu.memory_space<vmem>>, vector<128x64xf32>
    tpu.vector_store %arg2[%swap3A_992, %swap3A_993], %mul3A_991 {strides = array<i32>} : memref<128x20800xf32, #tpu.memory_space<vmem>>, vector<128x64xf32>,
    %mul3A_995 = arith.mulf %get3A_34, %get3A_67 : vector<128x64xf32>
    %swap3A_996 = arith.constant 0 : index
    %swap3A_997 = arith.constant 14720 : index
    %swap3A_998 = vector.load %arg2[%swap3A_996, %swap3A_997] : memref<128x20800xf32, #tpu.memory_space<vmem>>, vector<128x64xf32>
    tpu.vector_store %arg2[%swap3A_996, %swap3A_997], %mul3A_995 {strides = array<i32>} : memref<128x20800xf32, #tpu.memory_space<vmem>>, vector<128x64xf32>,
    %mul3A_999 = arith.mulf %get3A_34, %get3A_70 : vector<128x64xf32>
    %swap3A_1000 = arith.constant 0 : index
    %swap3A_1001 = arith.constant 14784 : index
    %swap3A_1002 = vector.load %arg2[%swap3A_1000, %swap3A_1001] : memref<128x20800xf32, #tpu.memory_space<vmem>>, vector<128x64xf32>
    tpu.vector_store %arg2[%swap3A_1000, %swap3A_1001], %mul3A_999 {strides = array<i32>} : memref<128x20800xf32, #tpu.memory_space<vmem>>, vector<128x64xf32>,
    %mul3A_1003 = arith.mulf %get3A_34, %get3A_73 : vector<128x64xf32>
    %swap3A_1004 = arith.constant 0 : index
    %swap3A_1005 = arith.constant 14848 : index
    %swap3A_1006 = vector.load %arg2[%swap3A_1004, %swap3A_1005] : memref<128x20800xf32, #tpu.memory_space<vmem>>, vector<128x64xf32>
    tpu.vector_store %arg2[%swap3A_1004, %swap3A_1005], %mul3A_1003 {strides = array<i32>} : memref<128x20800xf32, #tpu.memory_space<vmem>>, vector<128x64xf32>,
    %mul3A_1007 = arith.mulf %get3A_34, %get3A_76 : vector<128x64xf32>
    %swap3A_1008 = arith.constant 0 : index
    %swap3A_1009 = arith.constant 14912 : index
    %swap3A_1010 = vector.load %arg2[%swap3A_1008, %swap3A_1009] : memref<128x20800xf32, #tpu.memory_space<vmem>>, vector<128x64xf32>
    tpu.vector_store %arg2[%swap3A_1008, %swap3A_1009], %mul3A_1007 {strides = array<i32>} : memref<128x20800xf32, #tpu.memory_space<vmem>>, vector<128x64xf32>,
    %mul3A_1011 = arith.mulf %get3A_37, %get3A_40 : vector<128x64xf32>
    %swap3A_1012 = arith.constant 0 : index
    %swap3A_1013 = arith.constant 14976 : index
    %swap3A_1014 = vector.load %arg2[%swap3A_1012, %swap3A_1013] : memref<128x20800xf32, #tpu.memory_space<vmem>>, vector<128x64xf32>
    tpu.vector_store %arg2[%swap3A_1012, %swap3A_1013], %mul3A_1011 {strides = array<i32>} : memref<128x20800xf32, #tpu.memory_space<vmem>>, vector<128x64xf32>,
    %mul3A_1015 = arith.mulf %get3A_37, %get3A_43 : vector<128x64xf32>
    %swap3A_1016 = arith.constant 0 : index
    %swap3A_1017 = arith.constant 15040 : index
    %swap3A_1018 = vector.load %arg2[%swap3A_1016, %swap3A_1017] : memref<128x20800xf32, #tpu.memory_space<vmem>>, vector<128x64xf32>
    tpu.vector_store %arg2[%swap3A_1016, %swap3A_1017], %mul3A_1015 {strides = array<i32>} : memref<128x20800xf32, #tpu.memory_space<vmem>>, vector<128x64xf32>,
    %mul3A_1019 = arith.mulf %get3A_37, %get3A_46 : vector<128x64xf32>
    %swap3A_1020 = arith.constant 0 : index
    %swap3A_1021 = arith.constant 15104 : index
    %swap3A_1022 = vector.load %arg2[%swap3A_1020, %swap3A_1021] : memref<128x20800xf32, #tpu.memory_space<vmem>>, vector<128x64xf32>
    tpu.vector_store %arg2[%swap3A_1020, %swap3A_1021], %mul3A_1019 {strides = array<i32>} : memref<128x20800xf32, #tpu.memory_space<vmem>>, vector<128x64xf32>,
    %mul3A_1023 = arith.mulf %get3A_37, %get3A_49 : vector<128x64xf32>
    %swap3A_1024 = arith.constant 0 : index
    %swap3A_1025 = arith.constant 15168 : index
    %swap3A_1026 = vector.load %arg2[%swap3A_1024, %swap3A_1025] : memref<128x20800xf32, #tpu.memory_space<vmem>>, vector<128x64xf32>
    tpu.vector_store %arg2[%swap3A_1024, %swap3A_1025], %mul3A_1023 {strides = array<i32>} : memref<128x20800xf32, #tpu.memory_space<vmem>>, vector<128x64xf32>,
    %mul3A_1027 = arith.mulf %get3A_37, %get3A_52 : vector<128x64xf32>
    %swap3A_1028 = arith.constant 0 : index
    %swap3A_1029 = arith.constant 15232 : index
    %swap3A_1030 = vector.load %arg2[%swap3A_1028, %swap3A_1029] : memref<128x20800xf32, #tpu.memory_space<vmem>>, vector<128x64xf32>
    tpu.vector_store %arg2[%swap3A_1028, %swap3A_1029], %mul3A_1027 {strides = array<i32>} : memref<128x20800xf32, #tpu.memory_space<vmem>>, vector<128x64xf32>,
    %mul3A_1031 = arith.mulf %get3A_37, %get3A_55 : vector<128x64xf32>
    %swap3A_1032 = arith.constant 0 : index
    %swap3A_1033 = arith.constant 15296 : index
    %swap3A_1034 = vector.load %arg2[%swap3A_1032, %swap3A_1033] : memref<128x20800xf32, #tpu.memory_space<vmem>>, vector<128x64xf32>
    tpu.vector_store %arg2[%swap3A_1032, %swap3A_1033], %mul3A_1031 {strides = array<i32>} : memref<128x20800xf32, #tpu.memory_space<vmem>>, vector<128x64xf32>,
    %mul3A_1035 = arith.mulf %get3A_37, %get3A_58 : vector<128x64xf32>
    %swap3A_1036 = arith.constant 0 : index
    %swap3A_1037 = arith.constant 15360 : index
    %swap3A_1038 = vector.load %arg2[%swap3A_1036, %swap3A_1037] : memref<128x20800xf32, #tpu.memory_space<vmem>>, vector<128x64xf32>
    tpu.vector_store %arg2[%swap3A_1036, %swap3A_1037], %mul3A_1035 {strides = array<i32>} : memref<128x20800xf32, #tpu.memory_space<vmem>>, vector<128x64xf32>,
    %mul3A_1039 = arith.mulf %get3A_37, %get3A_61 : vector<128x64xf32>
    %swap3A_1040 = arith.constant 0 : index
    %swap3A_1041 = arith.constant 15424 : index
    %swap3A_1042 = vector.load %arg2[%swap3A_1040, %swap3A_1041] : memref<128x20800xf32, #tpu.memory_space<vmem>>, vector<128x64xf32>
    tpu.vector_store %arg2[%swap3A_1040, %swap3A_1041], %mul3A_1039 {strides = array<i32>} : memref<128x20800xf32, #tpu.memory_space<vmem>>, vector<128x64xf32>,
    %mul3A_1043 = arith.mulf %get3A_37, %get3A_64 : vector<128x64xf32>
    %swap3A_1044 = arith.constant 0 : index
    %swap3A_1045 = arith.constant 15488 : index
    %swap3A_1046 = vector.load %arg2[%swap3A_1044, %swap3A_1045] : memref<128x20800xf32, #tpu.memory_space<vmem>>, vector<128x64xf32>
    tpu.vector_store %arg2[%swap3A_1044, %swap3A_1045], %mul3A_1043 {strides = array<i32>} : memref<128x20800xf32, #tpu.memory_space<vmem>>, vector<128x64xf32>,
    %mul3A_1047 = arith.mulf %get3A_37, %get3A_67 : vector<128x64xf32>
    %swap3A_1048 = arith.constant 0 : index
    %swap3A_1049 = arith.constant 15552 : index
    %swap3A_1050 = vector.load %arg2[%swap3A_1048, %swap3A_1049] : memref<128x20800xf32, #tpu.memory_space<vmem>>, vector<128x64xf32>
    tpu.vector_store %arg2[%swap3A_1048, %swap3A_1049], %mul3A_1047 {strides = array<i32>} : memref<128x20800xf32, #tpu.memory_space<vmem>>, vector<128x64xf32>,
    %mul3A_1051 = arith.mulf %get3A_37, %get3A_70 : vector<128x64xf32>
    %swap3A_1052 = arith.constant 0 : index
    %swap3A_1053 = arith.constant 15616 : index
    %swap3A_1054 = vector.load %arg2[%swap3A_1052, %swap3A_1053] : memref<128x20800xf32, #tpu.memory_space<vmem>>, vector<128x64xf32>
    tpu.vector_store %arg2[%swap3A_1052, %swap3A_1053], %mul3A_1051 {strides = array<i32>} : memref<128x20800xf32, #tpu.memory_space<vmem>>, vector<128x64xf32>,
    %mul3A_1055 = arith.mulf %get3A_37, %get3A_73 : vector<128x64xf32>
    %swap3A_1056 = arith.constant 0 : index
    %swap3A_1057 = arith.constant 15680 : index
    %swap3A_1058 = vector.load %arg2[%swap3A_1056, %swap3A_1057] : memref<128x20800xf32, #tpu.memory_space<vmem>>, vector<128x64xf32>
    tpu.vector_store %arg2[%swap3A_1056, %swap3A_1057], %mul3A_1055 {strides = array<i32>} : memref<128x20800xf32, #tpu.memory_space<vmem>>, vector<128x64xf32>,
    %mul3A_1059 = arith.mulf %get3A_37, %get3A_76 : vector<128x64xf32>
    %swap3A_1060 = arith.constant 0 : index
    %swap3A_1061 = arith.constant 15744 : index
    %swap3A_1062 = vector.load %arg2[%swap3A_1060, %swap3A_1061] : memref<128x20800xf32, #tpu.memory_space<vmem>>, vector<128x64xf32>
    tpu.vector_store %arg2[%swap3A_1060, %swap3A_1061], %mul3A_1059 {strides = array<i32>} : memref<128x20800xf32, #tpu.memory_space<vmem>>, vector<128x64xf32>,
    %mul3A_1063 = arith.mulf %get3A_40, %get3A_43 : vector<128x64xf32>
    %swap3A_1064 = arith.constant 0 : index
    %swap3A_1065 = arith.constant 15808 : index
    %swap3A_1066 = vector.load %arg2[%swap3A_1064, %swap3A_1065] : memref<128x20800xf32, #tpu.memory_space<vmem>>, vector<128x64xf32>
    tpu.vector_store %arg2[%swap3A_1064, %swap3A_1065], %mul3A_1063 {strides = array<i32>} : memref<128x20800xf32, #tpu.memory_space<vmem>>, vector<128x64xf32>,
    %mul3A_1067 = arith.mulf %get3A_40, %get3A_46 : vector<128x64xf32>
    %swap3A_1068 = arith.constant 0 : index
    %swap3A_1069 = arith.constant 15872 : index
    %swap3A_1070 = vector.load %arg2[%swap3A_1068, %swap3A_1069] : memref<128x20800xf32, #tpu.memory_space<vmem>>, vector<128x64xf32>
    tpu.vector_store %arg2[%swap3A_1068, %swap3A_1069], %mul3A_1067 {strides = array<i32>} : memref<128x20800xf32, #tpu.memory_space<vmem>>, vector<128x64xf32>,
    %mul3A_1071 = arith.mulf %get3A_40, %get3A_49 : vector<128x64xf32>
    %swap3A_1072 = arith.constant 0 : index
    %swap3A_1073 = arith.constant 15936 : index
    %swap3A_1074 = vector.load %arg2[%swap3A_1072, %swap3A_1073] : memref<128x20800xf32, #tpu.memory_space<vmem>>, vector<128x64xf32>
    tpu.vector_store %arg2[%swap3A_1072, %swap3A_1073], %mul3A_1071 {strides = array<i32>} : memref<128x20800xf32, #tpu.memory_space<vmem>>, vector<128x64xf32>,
    %mul3A_1075 = arith.mulf %get3A_40, %get3A_52 : vector<128x64xf32>
    %swap3A_1076 = arith.constant 0 : index
    %swap3A_1077 = arith.constant 16000 : index
    %swap3A_1078 = vector.load %arg2[%swap3A_1076, %swap3A_1077] : memref<128x20800xf32, #tpu.memory_space<vmem>>, vector<128x64xf32>
    tpu.vector_store %arg2[%swap3A_1076, %swap3A_1077], %mul3A_1075 {strides = array<i32>} : memref<128x20800xf32, #tpu.memory_space<vmem>>, vector<128x64xf32>,
    %mul3A_1079 = arith.mulf %get3A_40, %get3A_55 : vector<128x64xf32>
    %swap3A_1080 = arith.constant 0 : index
    %swap3A_1081 = arith.constant 16064 : index
    %swap3A_1082 = vector.load %arg2[%swap3A_1080, %swap3A_1081] : memref<128x20800xf32, #tpu.memory_space<vmem>>, vector<128x64xf32>
    tpu.vector_store %arg2[%swap3A_1080, %swap3A_1081], %mul3A_1079 {strides = array<i32>} : memref<128x20800xf32, #tpu.memory_space<vmem>>, vector<128x64xf32>,
    %mul3A_1083 = arith.mulf %get3A_40, %get3A_58 : vector<128x64xf32>
    %swap3A_1084 = arith.constant 0 : index
    %swap3A_1085 = arith.constant 16128 : index
    %swap3A_1086 = vector.load %arg2[%swap3A_1084, %swap3A_1085] : memref<128x20800xf32, #tpu.memory_space<vmem>>, vector<128x64xf32>
    tpu.vector_store %arg2[%swap3A_1084, %swap3A_1085], %mul3A_1083 {strides = array<i32>} : memref<128x20800xf32, #tpu.memory_space<vmem>>, vector<128x64xf32>,
    %mul3A_1087 = arith.mulf %get3A_40, %get3A_61 : vector<128x64xf32>
    %swap3A_1088 = arith.constant 0 : index
    %swap3A_1089 = arith.constant 16192 : index
    %swap3A_1090 = vector.load %arg2[%swap3A_1088, %swap3A_1089] : memref<128x20800xf32, #tpu.memory_space<vmem>>, vector<128x64xf32>
    tpu.vector_store %arg2[%swap3A_1088, %swap3A_1089], %mul3A_1087 {strides = array<i32>} : memref<128x20800xf32, #tpu.memory_space<vmem>>, vector<128x64xf32>,
    %mul3A_1091 = arith.mulf %get3A_40, %get3A_64 : vector<128x64xf32>
    %swap3A_1092 = arith.constant 0 : index
    %swap3A_1093 = arith.constant 16256 : index
    %swap3A_1094 = vector.load %arg2[%swap3A_1092, %swap3A_1093] : memref<128x20800xf32, #tpu.memory_space<vmem>>, vector<128x64xf32>
    tpu.vector_store %arg2[%swap3A_1092, %swap3A_1093], %mul3A_1091 {strides = array<i32>} : memref<128x20800xf32, #tpu.memory_space<vmem>>, vector<128x64xf32>,
    %mul3A_1095 = arith.mulf %get3A_40, %get3A_67 : vector<128x64xf32>
    %swap3A_1096 = arith.constant 0 : index
    %swap3A_1097 = arith.constant 16320 : index
    %swap3A_1098 = vector.load %arg2[%swap3A_1096, %swap3A_1097] : memref<128x20800xf32, #tpu.memory_space<vmem>>, vector<128x64xf32>
    tpu.vector_store %arg2[%swap3A_1096, %swap3A_1097], %mul3A_1095 {strides = array<i32>} : memref<128x20800xf32, #tpu.memory_space<vmem>>, vector<128x64xf32>,
    %mul3A_1099 = arith.mulf %get3A_40, %get3A_70 : vector<128x64xf32>
    %swap3A_1100 = arith.constant 0 : index
    %swap3A_1101 = arith.constant 16384 : index
    %swap3A_1102 = vector.load %arg2[%swap3A_1100, %swap3A_1101] : memref<128x20800xf32, #tpu.memory_space<vmem>>, vector<128x64xf32>
    tpu.vector_store %arg2[%swap3A_1100, %swap3A_1101], %mul3A_1099 {strides = array<i32>} : memref<128x20800xf32, #tpu.memory_space<vmem>>, vector<128x64xf32>,
    %mul3A_1103 = arith.mulf %get3A_40, %get3A_73 : vector<128x64xf32>
    %swap3A_1104 = arith.constant 0 : index
    %swap3A_1105 = arith.constant 16448 : index
    %swap3A_1106 = vector.load %arg2[%swap3A_1104, %swap3A_1105] : memref<128x20800xf32, #tpu.memory_space<vmem>>, vector<128x64xf32>
    tpu.vector_store %arg2[%swap3A_1104, %swap3A_1105], %mul3A_1103 {strides = array<i32>} : memref<128x20800xf32, #tpu.memory_space<vmem>>, vector<128x64xf32>,
    %mul3A_1107 = arith.mulf %get3A_40, %get3A_76 : vector<128x64xf32>
    %swap3A_1108 = arith.constant 0 : index
    %swap3A_1109 = arith.constant 16512 : index
    %swap3A_1110 = vector.load %arg2[%swap3A_1108, %swap3A_1109] : memref<128x20800xf32, #tpu.memory_space<vmem>>, vector<128x64xf32>
    tpu.vector_store %arg2[%swap3A_1108, %swap3A_1109], %mul3A_1107 {strides = array<i32>} : memref<128x20800xf32, #tpu.memory_space<vmem>>, vector<128x64xf32>,
    %mul3A_1111 = arith.mulf %get3A_43, %get3A_46 : vector<128x64xf32>
    %swap3A_1112 = arith.constant 0 : index
    %swap3A_1113 = arith.constant 16576 : index
    %swap3A_1114 = vector.load %arg2[%swap3A_1112, %swap3A_1113] : memref<128x20800xf32, #tpu.memory_space<vmem>>, vector<128x64xf32>
    tpu.vector_store %arg2[%swap3A_1112, %swap3A_1113], %mul3A_1111 {strides = array<i32>} : memref<128x20800xf32, #tpu.memory_space<vmem>>, vector<128x64xf32>,
    %mul3A_1115 = arith.mulf %get3A_43, %get3A_49 : vector<128x64xf32>
    %swap3A_1116 = arith.constant 0 : index
    %swap3A_1117 = arith.constant 16640 : index
    %swap3A_1118 = vector.load %arg2[%swap3A_1116, %swap3A_1117] : memref<128x20800xf32, #tpu.memory_space<vmem>>, vector<128x64xf32>
    tpu.vector_store %arg2[%swap3A_1116, %swap3A_1117], %mul3A_1115 {strides = array<i32>} : memref<128x20800xf32, #tpu.memory_space<vmem>>, vector<128x64xf32>,
    %mul3A_1119 = arith.mulf %get3A_43, %get3A_52 : vector<128x64xf32>
    %swap3A_1120 = arith.constant 0 : index
    %swap3A_1121 = arith.constant 16704 : index
    %swap3A_1122 = vector.load %arg2[%swap3A_1120, %swap3A_1121] : memref<128x20800xf32, #tpu.memory_space<vmem>>, vector<128x64xf32>
    tpu.vector_store %arg2[%swap3A_1120, %swap3A_1121], %mul3A_1119 {strides = array<i32>} : memref<128x20800xf32, #tpu.memory_space<vmem>>, vector<128x64xf32>,
    %mul3A_1123 = arith.mulf %get3A_43, %get3A_55 : vector<128x64xf32>
    %swap3A_1124 = arith.constant 0 : index
    %swap3A_1125 = arith.constant 16768 : index
    %swap3A_1126 = vector.load %arg2[%swap3A_1124, %swap3A_1125] : memref<128x20800xf32, #tpu.memory_space<vmem>>, vector<128x64xf32>
    tpu.vector_store %arg2[%swap3A_1124, %swap3A_1125], %mul3A_1123 {strides = array<i32>} : memref<128x20800xf32, #tpu.memory_space<vmem>>, vector<128x64xf32>,
    %mul3A_1127 = arith.mulf %get3A_43, %get3A_58 : vector<128x64xf32>
    %swap3A_1128 = arith.constant 0 : index
    %swap3A_1129 = arith.constant 16832 : index
    %swap3A_1130 = vector.load %arg2[%swap3A_1128, %swap3A_1129] : memref<128x20800xf32, #tpu.memory_space<vmem>>, vector<128x64xf32>
    tpu.vector_store %arg2[%swap3A_1128, %swap3A_1129], %mul3A_1127 {strides = array<i32>} : memref<128x20800xf32, #tpu.memory_space<vmem>>, vector<128x64xf32>,
    %mul3A_1131 = arith.mulf %get3A_43, %get3A_61 : vector<128x64xf32>
    %swap3A_1132 = arith.constant 0 : index
    %swap3A_1133 = arith.constant 16896 : index
    %swap3A_1134 = vector.load %arg2[%swap3A_1132, %swap3A_1133] : memref<128x20800xf32, #tpu.memory_space<vmem>>, vector<128x64xf32>
    tpu.vector_store %arg2[%swap3A_1132, %swap3A_1133], %mul3A_1131 {strides = array<i32>} : memref<128x20800xf32, #tpu.memory_space<vmem>>, vector<128x64xf32>,
    %mul3A_1135 = arith.mulf %get3A_43, %get3A_64 : vector<128x64xf32>
    %swap3A_1136 = arith.constant 0 : index
    %swap3A_1137 = arith.constant 16960 : index
    %swap3A_1138 = vector.load %arg2[%swap3A_1136, %swap3A_1137] : memref<128x20800xf32, #tpu.memory_space<vmem>>, vector<128x64xf32>
    tpu.vector_store %arg2[%swap3A_1136, %swap3A_1137], %mul3A_1135 {strides = array<i32>} : memref<128x20800xf32, #tpu.memory_space<vmem>>, vector<128x64xf32>,
    %mul3A_1139 = arith.mulf %get3A_43, %get3A_67 : vector<128x64xf32>
    %swap3A_1140 = arith.constant 0 : index
    %swap3A_1141 = arith.constant 17024 : index
    %swap3A_1142 = vector.load %arg2[%swap3A_1140, %swap3A_1141] : memref<128x20800xf32, #tpu.memory_space<vmem>>, vector<128x64xf32>
    tpu.vector_store %arg2[%swap3A_1140, %swap3A_1141], %mul3A_1139 {strides = array<i32>} : memref<128x20800xf32, #tpu.memory_space<vmem>>, vector<128x64xf32>,
    %mul3A_1143 = arith.mulf %get3A_43, %get3A_70 : vector<128x64xf32>
    %swap3A_1144 = arith.constant 0 : index
    %swap3A_1145 = arith.constant 17088 : index
    %swap3A_1146 = vector.load %arg2[%swap3A_1144, %swap3A_1145] : memref<128x20800xf32, #tpu.memory_space<vmem>>, vector<128x64xf32>
    tpu.vector_store %arg2[%swap3A_1144, %swap3A_1145], %mul3A_1143 {strides = array<i32>} : memref<128x20800xf32, #tpu.memory_space<vmem>>, vector<128x64xf32>,
    %mul3A_1147 = arith.mulf %get3A_43, %get3A_73 : vector<128x64xf32>
    %swap3A_1148 = arith.constant 0 : index
    %swap3A_1149 = arith.constant 17152 : index
    %swap3A_1150 = vector.load %arg2[%swap3A_1148, %swap3A_1149] : memref<128x20800xf32, #tpu.memory_space<vmem>>, vector<128x64xf32>
    tpu.vector_store %arg2[%swap3A_1148, %swap3A_1149], %mul3A_1147 {strides = array<i32>} : memref<128x20800xf32, #tpu.memory_space<vmem>>, vector<128x64xf32>,
    %mul3A_1151 = arith.mulf %get3A_43, %get3A_76 : vector<128x64xf32>
    %swap3A_1152 = arith.constant 0 : index
    %swap3A_1153 = arith.constant 17216 : index
    %swap3A_1154 = vector.load %arg2[%swap3A_1152, %swap3A_1153] : memref<128x20800xf32, #tpu.memory_space<vmem>>, vector<128x64xf32>
    tpu.vector_store %arg2[%swap3A_1152, %swap3A_1153], %mul3A_1151 {strides = array<i32>} : memref<128x20800xf32, #tpu.memory_space<vmem>>, vector<128x64xf32>,
    %mul3A_1155 = arith.mulf %get3A_46, %get3A_49 : vector<128x64xf32>
    %swap3A_1156 = arith.constant 0 : index
    %swap3A_1157 = arith.constant 17280 : index
    %swap3A_1158 = vector.load %arg2[%swap3A_1156, %swap3A_1157] : memref<128x20800xf32, #tpu.memory_space<vmem>>, vector<128x64xf32>
    tpu.vector_store %arg2[%swap3A_1156, %swap3A_1157], %mul3A_1155 {strides = array<i32>} : memref<128x20800xf32, #tpu.memory_space<vmem>>, vector<128x64xf32>,
    %mul3A_1159 = arith.mulf %get3A_46, %get3A_52 : vector<128x64xf32>
    %swap3A_1160 = arith.constant 0 : index
    %swap3A_1161 = arith.constant 17344 : index
    %swap3A_1162 = vector.load %arg2[%swap3A_1160, %swap3A_1161] : memref<128x20800xf32, #tpu.memory_space<vmem>>, vector<128x64xf32>
    tpu.vector_store %arg2[%swap3A_1160, %swap3A_1161], %mul3A_1159 {strides = array<i32>} : memref<128x20800xf32, #tpu.memory_space<vmem>>, vector<128x64xf32>,
    %mul3A_1163 = arith.mulf %get3A_46, %get3A_55 : vector<128x64xf32>
    %swap3A_1164 = arith.constant 0 : index
    %swap3A_1165 = arith.constant 17408 : index
    %swap3A_1166 = vector.load %arg2[%swap3A_1164, %swap3A_1165] : memref<128x20800xf32, #tpu.memory_space<vmem>>, vector<128x64xf32>
    tpu.vector_store %arg2[%swap3A_1164, %swap3A_1165], %mul3A_1163 {strides = array<i32>} : memref<128x20800xf32, #tpu.memory_space<vmem>>, vector<128x64xf32>,
    %mul3A_1167 = arith.mulf %get3A_46, %get3A_58 : vector<128x64xf32>
    %swap3A_1168 = arith.constant 0 : index
    %swap3A_1169 = arith.constant 17472 : index
    %swap3A_1170 = vector.load %arg2[%swap3A_1168, %swap3A_1169] : memref<128x20800xf32, #tpu.memory_space<vmem>>, vector<128x64xf32>
    tpu.vector_store %arg2[%swap3A_1168, %swap3A_1169], %mul3A_1167 {strides = array<i32>} : memref<128x20800xf32, #tpu.memory_space<vmem>>, vector<128x64xf32>,
    %mul3A_1171 = arith.mulf %get3A_46, %get3A_61 : vector<128x64xf32>
    %swap3A_1172 = arith.constant 0 : index
    %swap3A_1173 = arith.constant 17536 : index
    %swap3A_1174 = vector.load %arg2[%swap3A_1172, %swap3A_1173] : memref<128x20800xf32, #tpu.memory_space<vmem>>, vector<128x64xf32>
    tpu.vector_store %arg2[%swap3A_1172, %swap3A_1173], %mul3A_1171 {strides = array<i32>} : memref<128x20800xf32, #tpu.memory_space<vmem>>, vector<128x64xf32>,
    %mul3A_1175 = arith.mulf %get3A_46, %get3A_64 : vector<128x64xf32>
    %swap3A_1176 = arith.constant 0 : index
    %swap3A_1177 = arith.constant 17600 : index
    %swap3A_1178 = vector.load %arg2[%swap3A_1176, %swap3A_1177] : memref<128x20800xf32, #tpu.memory_space<vmem>>, vector<128x64xf32>
    tpu.vector_store %arg2[%swap3A_1176, %swap3A_1177], %mul3A_1175 {strides = array<i32>} : memref<128x20800xf32, #tpu.memory_space<vmem>>, vector<128x64xf32>,
    %mul3A_1179 = arith.mulf %get3A_46, %get3A_67 : vector<128x64xf32>
    %swap3A_1180 = arith.constant 0 : index
    %swap3A_1181 = arith.constant 17664 : index
    %swap3A_1182 = vector.load %arg2[%swap3A_1180, %swap3A_1181] : memref<128x20800xf32, #tpu.memory_space<vmem>>, vector<128x64xf32>
    tpu.vector_store %arg2[%swap3A_1180, %swap3A_1181], %mul3A_1179 {strides = array<i32>} : memref<128x20800xf32, #tpu.memory_space<vmem>>, vector<128x64xf32>,
    %mul3A_1183 = arith.mulf %get3A_46, %get3A_70 : vector<128x64xf32>
    %swap3A_1184 = arith.constant 0 : index
    %swap3A_1185 = arith.constant 17728 : index
    %swap3A_1186 = vector.load %arg2[%swap3A_1184, %swap3A_1185] : memref<128x20800xf32, #tpu.memory_space<vmem>>, vector<128x64xf32>
    tpu.vector_store %arg2[%swap3A_1184, %swap3A_1185], %mul3A_1183 {strides = array<i32>} : memref<128x20800xf32, #tpu.memory_space<vmem>>, vector<128x64xf32>,
    %mul3A_1187 = arith.mulf %get3A_46, %get3A_73 : vector<128x64xf32>
    %swap3A_1188 = arith.constant 0 : index
    %swap3A_1189 = arith.constant 17792 : index
    %swap3A_1190 = vector.load %arg2[%swap3A_1188, %swap3A_1189] : memref<128x20800xf32, #tpu.memory_space<vmem>>, vector<128x64xf32>
    tpu.vector_store %arg2[%swap3A_1188, %swap3A_1189], %mul3A_1187 {strides = array<i32>} : memref<128x20800xf32, #tpu.memory_space<vmem>>, vector<128x64xf32>,
    %mul3A_1191 = arith.mulf %get3A_46, %get3A_76 : vector<128x64xf32>
    %swap3A_1192 = arith.constant 0 : index
    %swap3A_1193 = arith.constant 17856 : index
    %swap3A_1194 = vector.load %arg2[%swap3A_1192, %swap3A_1193] : memref<128x20800xf32, #tpu.memory_space<vmem>>, vector<128x64xf32>
    tpu.vector_store %arg2[%swap3A_1192, %swap3A_1193], %mul3A_1191 {strides = array<i32>} : memref<128x20800xf32, #tpu.memory_space<vmem>>, vector<128x64xf32>,
    %mul3A_1195 = arith.mulf %get3A_49, %get3A_52 : vector<128x64xf32>
    %swap3A_1196 = arith.constant 0 : index
    %swap3A_1197 = arith.constant 17920 : index
    %swap3A_1198 = vector.load %arg2[%swap3A_1196, %swap3A_1197] : memref<128x20800xf32, #tpu.memory_space<vmem>>, vector<128x64xf32>
    tpu.vector_store %arg2[%swap3A_1196, %swap3A_1197], %mul3A_1195 {strides = array<i32>} : memref<128x20800xf32, #tpu.memory_space<vmem>>, vector<128x64xf32>,
    %mul3A_1199 = arith.mulf %get3A_49, %get3A_55 : vector<128x64xf32>
    %swap3A_1200 = arith.constant 0 : index
    %swap3A_1201 = arith.constant 17984 : index
    %swap3A_1202 = vector.load %arg2[%swap3A_1200, %swap3A_1201] : memref<128x20800xf32, #tpu.memory_space<vmem>>, vector<128x64xf32>
    tpu.vector_store %arg2[%swap3A_1200, %swap3A_1201], %mul3A_1199 {strides = array<i32>} : memref<128x20800xf32, #tpu.memory_space<vmem>>, vector<128x64xf32>,
    %mul3A_1203 = arith.mulf %get3A_49, %get3A_58 : vector<128x64xf32>
    %swap3A_1204 = arith.constant 0 : index
    %swap3A_1205 = arith.constant 18048 : index
    %swap3A_1206 = vector.load %arg2[%swap3A_1204, %swap3A_1205] : memref<128x20800xf32, #tpu.memory_space<vmem>>, vector<128x64xf32>
    tpu.vector_store %arg2[%swap3A_1204, %swap3A_1205], %mul3A_1203 {strides = array<i32>} : memref<128x20800xf32, #tpu.memory_space<vmem>>, vector<128x64xf32>,
    %mul3A_1207 = arith.mulf %get3A_49, %get3A_61 : vector<128x64xf32>
    %swap3A_1208 = arith.constant 0 : index
    %swap3A_1209 = arith.constant 18112 : index
    %swap3A_1210 = vector.load %arg2[%swap3A_1208, %swap3A_1209] : memref<128x20800xf32, #tpu.memory_space<vmem>>, vector<128x64xf32>
    tpu.vector_store %arg2[%swap3A_1208, %swap3A_1209], %mul3A_1207 {strides = array<i32>} : memref<128x20800xf32, #tpu.memory_space<vmem>>, vector<128x64xf32>,
    %mul3A_1211 = arith.mulf %get3A_49, %get3A_64 : vector<128x64xf32>
    %swap3A_1212 = arith.constant 0 : index
    %swap3A_1213 = arith.constant 18176 : index
    %swap3A_1214 = vector.load %arg2[%swap3A_1212, %swap3A_1213] : memref<128x20800xf32, #tpu.memory_space<vmem>>, vector<128x64xf32>
    tpu.vector_store %arg2[%swap3A_1212, %swap3A_1213], %mul3A_1211 {strides = array<i32>} : memref<128x20800xf32, #tpu.memory_space<vmem>>, vector<128x64xf32>,
    %mul3A_1215 = arith.mulf %get3A_49, %get3A_67 : vector<128x64xf32>
    %swap3A_1216 = arith.constant 0 : index
    %swap3A_1217 = arith.constant 18240 : index
    %swap3A_1218 = vector.load %arg2[%swap3A_1216, %swap3A_1217] : memref<128x20800xf32, #tpu.memory_space<vmem>>, vector<128x64xf32>
    tpu.vector_store %arg2[%swap3A_1216, %swap3A_1217], %mul3A_1215 {strides = array<i32>} : memref<128x20800xf32, #tpu.memory_space<vmem>>, vector<128x64xf32>,
    %mul3A_1219 = arith.mulf %get3A_49, %get3A_70 : vector<128x64xf32>
    %swap3A_1220 = arith.constant 0 : index
    %swap3A_1221 = arith.constant 18304 : index
    %swap3A_1222 = vector.load %arg2[%swap3A_1220, %swap3A_1221] : memref<128x20800xf32, #tpu.memory_space<vmem>>, vector<128x64xf32>
    tpu.vector_store %arg2[%swap3A_1220, %swap3A_1221], %mul3A_1219 {strides = array<i32>} : memref<128x20800xf32, #tpu.memory_space<vmem>>, vector<128x64xf32>,
    %mul3A_1223 = arith.mulf %get3A_49, %get3A_73 : vector<128x64xf32>
    %swap3A_1224 = arith.constant 0 : index
    %swap3A_1225 = arith.constant 18368 : index
    %swap3A_1226 = vector.load %arg2[%swap3A_1224, %swap3A_1225] : memref<128x20800xf32, #tpu.memory_space<vmem>>, vector<128x64xf32>
    tpu.vector_store %arg2[%swap3A_1224, %swap3A_1225], %mul3A_1223 {strides = array<i32>} : memref<128x20800xf32, #tpu.memory_space<vmem>>, vector<128x64xf32>,
    %mul3A_1227 = arith.mulf %get3A_49, %get3A_76 : vector<128x64xf32>
    %swap3A_1228 = arith.constant 0 : index
    %swap3A_1229 = arith.constant 18432 : index
    %swap3A_1230 = vector.load %arg2[%swap3A_1228, %swap3A_1229] : memref<128x20800xf32, #tpu.memory_space<vmem>>, vector<128x64xf32>
    tpu.vector_store %arg2[%swap3A_1228, %swap3A_1229], %mul3A_1227 {strides = array<i32>} : memref<128x20800xf32, #tpu.memory_space<vmem>>, vector<128x64xf32>,
    %mul3A_1231 = arith.mulf %get3A_52, %get3A_55 : vector<128x64xf32>
    %swap3A_1232 = arith.constant 0 : index
    %swap3A_1233 = arith.constant 18496 : index
    %swap3A_1234 = vector.load %arg2[%swap3A_1232, %swap3A_1233] : memref<128x20800xf32, #tpu.memory_space<vmem>>, vector<128x64xf32>
    tpu.vector_store %arg2[%swap3A_1232, %swap3A_1233], %mul3A_1231 {strides = array<i32>} : memref<128x20800xf32, #tpu.memory_space<vmem>>, vector<128x64xf32>,
    %mul3A_1235 = arith.mulf %get3A_52, %get3A_58 : vector<128x64xf32>
    %swap3A_1236 = arith.constant 0 : index
    %swap3A_1237 = arith.constant 18560 : index
    %swap3A_1238 = vector.load %arg2[%swap3A_1236, %swap3A_1237] : memref<128x20800xf32, #tpu.memory_space<vmem>>, vector<128x64xf32>
    tpu.vector_store %arg2[%swap3A_1236, %swap3A_1237], %mul3A_1235 {strides = array<i32>} : memref<128x20800xf32, #tpu.memory_space<vmem>>, vector<128x64xf32>,
    %mul3A_1239 = arith.mulf %get3A_52, %get3A_61 : vector<128x64xf32>
    %swap3A_1240 = arith.constant 0 : index
    %swap3A_1241 = arith.constant 18624 : index
    %swap3A_1242 = vector.load %arg2[%swap3A_1240, %swap3A_1241] : memref<128x20800xf32, #tpu.memory_space<vmem>>, vector<128x64xf32>
    tpu.vector_store %arg2[%swap3A_1240, %swap3A_1241], %mul3A_1239 {strides = array<i32>} : memref<128x20800xf32, #tpu.memory_space<vmem>>, vector<128x64xf32>,
    %mul3A_1243 = arith.mulf %get3A_52, %get3A_64 : vector<128x64xf32>
    %swap3A_1244 = arith.constant 0 : index
    %swap3A_1245 = arith.constant 18688 : index
    %swap3A_1246 = vector.load %arg2[%swap3A_1244, %swap3A_1245] : memref<128x20800xf32, #tpu.memory_space<vmem>>, vector<128x64xf32>
    tpu.vector_store %arg2[%swap3A_1244, %swap3A_1245], %mul3A_1243 {strides = array<i32>} : memref<128x20800xf32, #tpu.memory_space<vmem>>, vector<128x64xf32>,
    %mul3A_1247 = arith.mulf %get3A_52, %get3A_67 : vector<128x64xf32>
    %swap3A_1248 = arith.constant 0 : index
    %swap3A_1249 = arith.constant 18752 : index
    %swap3A_1250 = vector.load %arg2[%swap3A_1248, %swap3A_1249] : memref<128x20800xf32, #tpu.memory_space<vmem>>, vector<128x64xf32>
    tpu.vector_store %arg2[%swap3A_1248, %swap3A_1249], %mul3A_1247 {strides = array<i32>} : memref<128x20800xf32, #tpu.memory_space<vmem>>, vector<128x64xf32>,
    %mul3A_1251 = arith.mulf %get3A_52, %get3A_70 : vector<128x64xf32>
    %swap3A_1252 = arith.constant 0 : index
    %swap3A_1253 = arith.constant 18816 : index
    %swap3A_1254 = vector.load %arg2[%swap3A_1252, %swap3A_1253] : memref<128x20800xf32, #tpu.memory_space<vmem>>, vector<128x64xf32>
    tpu.vector_store %arg2[%swap3A_1252, %swap3A_1253], %mul3A_1251 {strides = array<i32>} : memref<128x20800xf32, #tpu.memory_space<vmem>>, vector<128x64xf32>,
    %mul3A_1255 = arith.mulf %get3A_52, %get3A_73 : vector<128x64xf32>
    %swap3A_1256 = arith.constant 0 : index
    %swap3A_1257 = arith.constant 18880 : index
    %swap3A_1258 = vector.load %arg2[%swap3A_1256, %swap3A_1257] : memref<128x20800xf32, #tpu.memory_space<vmem>>, vector<128x64xf32>
    tpu.vector_store %arg2[%swap3A_1256, %swap3A_1257], %mul3A_1255 {strides = array<i32>} : memref<128x20800xf32, #tpu.memory_space<vmem>>, vector<128x64xf32>,
    %mul3A_1259 = arith.mulf %get3A_52, %get3A_76 : vector<128x64xf32>
    %swap3A_1260 = arith.constant 0 : index
    %swap3A_1261 = arith.constant 18944 : index
    %swap3A_1262 = vector.load %arg2[%swap3A_1260, %swap3A_1261] : memref<128x20800xf32, #tpu.memory_space<vmem>>, vector<128x64xf32>
    tpu.vector_store %arg2[%swap3A_1260, %swap3A_1261], %mul3A_1259 {strides = array<i32>} : memref<128x20800xf32, #tpu.memory_space<vmem>>, vector<128x64xf32>,
    %mul3A_1263 = arith.mulf %get3A_55, %get3A_58 : vector<128x64xf32>
    %swap3A_1264 = arith.constant 0 : index
    %swap3A_1265 = arith.constant 19008 : index
    %swap3A_1266 = vector.load %arg2[%swap3A_1264, %swap3A_1265] : memref<128x20800xf32, #tpu.memory_space<vmem>>, vector<128x64xf32>
    tpu.vector_store %arg2[%swap3A_1264, %swap3A_1265], %mul3A_1263 {strides = array<i32>} : memref<128x20800xf32, #tpu.memory_space<vmem>>, vector<128x64xf32>,
    %mul3A_1267 = arith.mulf %get3A_55, %get3A_61 : vector<128x64xf32>
    %swap3A_1268 = arith.constant 0 : index
    %swap3A_1269 = arith.constant 19072 : index
    %swap3A_1270 = vector.load %arg2[%swap3A_1268, %swap3A_1269] : memref<128x20800xf32, #tpu.memory_space<vmem>>, vector<128x64xf32>
    tpu.vector_store %arg2[%swap3A_1268, %swap3A_1269], %mul3A_1267 {strides = array<i32>} : memref<128x20800xf32, #tpu.memory_space<vmem>>, vector<128x64xf32>,
    %mul3A_1271 = arith.mulf %get3A_55, %get3A_64 : vector<128x64xf32>
    %swap3A_1272 = arith.constant 0 : index
    %swap3A_1273 = arith.constant 19136 : index
    %swap3A_1274 = vector.load %arg2[%swap3A_1272, %swap3A_1273] : memref<128x20800xf32, #tpu.memory_space<vmem>>, vector<128x64xf32>
    tpu.vector_store %arg2[%swap3A_1272, %swap3A_1273], %mul3A_1271 {strides = array<i32>} : memref<128x20800xf32, #tpu.memory_space<vmem>>, vector<128x64xf32>,
    %mul3A_1275 = arith.mulf %get3A_55, %get3A_67 : vector<128x64xf32>
    %swap3A_1276 = arith.constant 0 : index
    %swap3A_1277 = arith.constant 19200 : index
    %swap3A_1278 = vector.load %arg2[%swap3A_1276, %swap3A_1277] : memref<128x20800xf32, #tpu.memory_space<vmem>>, vector<128x64xf32>
    tpu.vector_store %arg2[%swap3A_1276, %swap3A_1277], %mul3A_1275 {strides = array<i32>} : memref<128x20800xf32, #tpu.memory_space<vmem>>, vector<128x64xf32>,
    %mul3A_1279 = arith.mulf %get3A_55, %get3A_70 : vector<128x64xf32>
    %swap3A_1280 = arith.constant 0 : index
    %swap3A_1281 = arith.constant 19264 : index
    %swap3A_1282 = vector.load %arg2[%swap3A_1280, %swap3A_1281] : memref<128x20800xf32, #tpu.memory_space<vmem>>, vector<128x64xf32>
    tpu.vector_store %arg2[%swap3A_1280, %swap3A_1281], %mul3A_1279 {strides = array<i32>} : memref<128x20800xf32, #tpu.memory_space<vmem>>, vector<128x64xf32>,
    %mul3A_1283 = arith.mulf %get3A_55, %get3A_73 : vector<128x64xf32>
    %swap3A_1284 = arith.constant 0 : index
    %swap3A_1285 = arith.constant 19328 : index
    %swap3A_1286 = vector.load %arg2[%swap3A_1284, %swap3A_1285] : memref<128x20800xf32, #tpu.memory_space<vmem>>, vector<128x64xf32>
    tpu.vector_store %arg2[%swap3A_1284, %swap3A_1285], %mul3A_1283 {strides = array<i32>} : memref<128x20800xf32, #tpu.memory_space<vmem>>, vector<128x64xf32>,
    %mul3A_1287 = arith.mulf %get3A_55, %get3A_76 : vector<128x64xf32>
    %swap3A_1288 = arith.constant 0 : index
    %swap3A_1289 = arith.constant 19392 : index
    %swap3A_1290 = vector.load %arg2[%swap3A_1288, %swap3A_1289] : memref<128x20800xf32, #tpu.memory_space<vmem>>, vector<128x64xf32>
    tpu.vector_store %arg2[%swap3A_1288, %swap3A_1289], %mul3A_1287 {strides = array<i32>} : memref<128x20800xf32, #tpu.memory_space<vmem>>, vector<128x64xf32>,
    %mul3A_1291 = arith.mulf %get3A_58, %get3A_61 : vector<128x64xf32>
    %swap3A_1292 = arith.constant 0 : index
    %swap3A_1293 = arith.constant 19456 : index
    %swap3A_1294 = vector.load %arg2[%swap3A_1292, %swap3A_1293] : memref<128x20800xf32, #tpu.memory_space<vmem>>, vector<128x64xf32>
    tpu.vector_store %arg2[%swap3A_1292, %swap3A_1293], %mul3A_1291 {strides = array<i32>} : memref<128x20800xf32, #tpu.memory_space<vmem>>, vector<128x64xf32>,
    %mul3A_1295 = arith.mulf %get3A_58, %get3A_64 : vector<128x64xf32>
    %swap3A_1296 = arith.constant 0 : index
    %swap3A_1297 = arith.constant 19520 : index
    %swap3A_1298 = vector.load %arg2[%swap3A_1296, %swap3A_1297] : memref<128x20800xf32, #tpu.memory_space<vmem>>, vector<128x64xf32>
    tpu.vector_store %arg2[%swap3A_1296, %swap3A_1297], %mul3A_1295 {strides = array<i32>} : memref<128x20800xf32, #tpu.memory_space<vmem>>, vector<128x64xf32>,
    %mul3A_1299 = arith.mulf %get3A_58, %get3A_67 : vector<128x64xf32>
    %swap3A_1300 = arith.constant 0 : index
    %swap3A_1301 = arith.constant 19584 : index
    %swap3A_1302 = vector.load %arg2[%swap3A_1300, %swap3A_1301] : memref<128x20800xf32, #tpu.memory_space<vmem>>, vector<128x64xf32>
    tpu.vector_store %arg2[%swap3A_1300, %swap3A_1301], %mul3A_1299 {strides = array<i32>} : memref<128x20800xf32, #tpu.memory_space<vmem>>, vector<128x64xf32>,
    %mul3A_1303 = arith.mulf %get3A_58, %get3A_70 : vector<128x64xf32>
    %swap3A_1304 = arith.constant 0 : index
    %swap3A_1305 = arith.constant 19648 : index
    %swap3A_1306 = vector.load %arg2[%swap3A_1304, %swap3A_1305] : memref<128x20800xf32, #tpu.memory_space<vmem>>, vector<128x64xf32>
    tpu.vector_store %arg2[%swap3A_1304, %swap3A_1305], %mul3A_1303 {strides = array<i32>} : memref<128x20800xf32, #tpu.memory_space<vmem>>, vector<128x64xf32>,
    %mul3A_1307 = arith.mulf %get3A_58, %get3A_73 : vector<128x64xf32>
    %swap3A_1308 = arith.constant 0 : index
    %swap3A_1309 = arith.constant 19712 : index
    %swap3A_1310 = vector.load %arg2[%swap3A_1308, %swap3A_1309] : memref<128x20800xf32, #tpu.memory_space<vmem>>, vector<128x64xf32>
    tpu.vector_store %arg2[%swap3A_1308, %swap3A_1309], %mul3A_1307 {strides = array<i32>} : memref<128x20800xf32, #tpu.memory_space<vmem>>, vector<128x64xf32>,
    %mul3A_1311 = arith.mulf %get3A_58, %get3A_76 : vector<128x64xf32>
    %swap3A_1312 = arith.constant 0 : index
    %swap3A_1313 = arith.constant 19776 : index
    %swap3A_1314 = vector.load %arg2[%swap3A_1312, %swap3A_1313] : memref<128x20800xf32, #tpu.memory_space<vmem>>, vector<128x64xf32>
    tpu.vector_store %arg2[%swap3A_1312, %swap3A_1313], %mul3A_1311 {strides = array<i32>} : memref<128x20800xf32, #tpu.memory_space<vmem>>, vector<128x64xf32>,
    %mul3A_1315 = arith.mulf %get3A_61, %get3A_64 : vector<128x64xf32>
    %swap3A_1316 = arith.constant 0 : index
    %swap3A_1317 = arith.constant 19840 : index
    %swap3A_1318 = vector.load %arg2[%swap3A_1316, %swap3A_1317] : memref<128x20800xf32, #tpu.memory_space<vmem>>, vector<128x64xf32>
    tpu.vector_store %arg2[%swap3A_1316, %swap3A_1317], %mul3A_1315 {strides = array<i32>} : memref<128x20800xf32, #tpu.memory_space<vmem>>, vector<128x64xf32>,
    %mul3A_1319 = arith.mulf %get3A_61, %get3A_67 : vector<128x64xf32>
    %swap3A_1320 = arith.constant 0 : index
    %swap3A_1321 = arith.constant 19904 : index
    %swap3A_1322 = vector.load %arg2[%swap3A_1320, %swap3A_1321] : memref<128x20800xf32, #tpu.memory_space<vmem>>, vector<128x64xf32>
    tpu.vector_store %arg2[%swap3A_1320, %swap3A_1321], %mul3A_1319 {strides = array<i32>} : memref<128x20800xf32, #tpu.memory_space<vmem>>, vector<128x64xf32>,
    %mul3A_1323 = arith.mulf %get3A_61, %get3A_70 : vector<128x64xf32>
    %swap3A_1324 = arith.constant 0 : index
    %swap3A_1325 = arith.constant 19968 : index
    %swap3A_1326 = vector.load %arg2[%swap3A_1324, %swap3A_1325] : memref<128x20800xf32, #tpu.memory_space<vmem>>, vector<128x64xf32>
    tpu.vector_store %arg2[%swap3A_1324, %swap3A_1325], %mul3A_1323 {strides = array<i32>} : memref<128x20800xf32, #tpu.memory_space<vmem>>, vector<128x64xf32>,
    %mul3A_1327 = arith.mulf %get3A_61, %get3A_73 : vector<128x64xf32>
    %swap3A_1328 = arith.constant 0 : index
    %swap3A_1329 = arith.constant 20032 : index
    %swap3A_1330 = vector.load %arg2[%swap3A_1328, %swap3A_1329] : memref<128x20800xf32, #tpu.memory_space<vmem>>, vector<128x64xf32>
    tpu.vector_store %arg2[%swap3A_1328, %swap3A_1329], %mul3A_1327 {strides = array<i32>} : memref<128x20800xf32, #tpu.memory_space<vmem>>, vector<128x64xf32>,
    %mul3A_1331 = arith.mulf %get3A_61, %get3A_76 : vector<128x64xf32>
    %swap3A_1332 = arith.constant 0 : index
    %swap3A_1333 = arith.constant 20096 : index
    %swap3A_1334 = vector.load %arg2[%swap3A_1332, %swap3A_1333] : memref<128x20800xf32, #tpu.memory_space<vmem>>, vector<128x64xf32>
    tpu.vector_store %arg2[%swap3A_1332, %swap3A_1333], %mul3A_1331 {strides = array<i32>} : memref<128x20800xf32, #tpu.memory_space<vmem>>, vector<128x64xf32>,
    %mul3A_1335 = arith.mulf %get3A_64, %get3A_67 : vector<128x64xf32>
    %swap3A_1336 = arith.constant 0 : index
    %swap3A_1337 = arith.constant 20160 : index
    %swap3A_1338 = vector.load %arg2[%swap3A_1336, %swap3A_1337] : memref<128x20800xf32, #tpu.memory_space<vmem>>, vector<128x64xf32>
    tpu.vector_store %arg2[%swap3A_1336, %swap3A_1337], %mul3A_1335 {strides = array<i32>} : memref<128x20800xf32, #tpu.memory_space<vmem>>, vector<128x64xf32>,
    %mul3A_1339 = arith.mulf %get3A_64, %get3A_70 : vector<128x64xf32>
    %swap3A_1340 = arith.constant 0 : index
    %swap3A_1341 = arith.constant 20224 : index
    %swap3A_1342 = vector.load %arg2[%swap3A_1340, %swap3A_1341] : memref<128x20800xf32, #tpu.memory_space<vmem>>, vector<128x64xf32>
    tpu.vector_store %arg2[%swap3A_1340, %swap3A_1341], %mul3A_1339 {strides = array<i32>} : memref<128x20800xf32, #tpu.memory_space<vmem>>, vector<128x64xf32>,
    %mul3A_1343 = arith.mulf %get3A_64, %get3A_73 : vector<128x64xf32>
    %swap3A_1344 = arith.constant 0 : index
    %swap3A_1345 = arith.constant 20288 : index
    %swap3A_1346 = vector.load %arg2[%swap3A_1344, %swap3A_1345] : memref<128x20800xf32, #tpu.memory_space<vmem>>, vector<128x64xf32>
    tpu.vector_store %arg2[%swap3A_1344, %swap3A_1345], %mul3A_1343 {strides = array<i32>} : memref<128x20800xf32, #tpu.memory_space<vmem>>, vector<128x64xf32>,
    %mul3A_1347 = arith.mulf %get3A_64, %get3A_76 : vector<128x64xf32>
    %swap3A_1348 = arith.constant 0 : index
    %swap3A_1349 = arith.constant 20352 : index
    %swap3A_1350 = vector.load %arg2[%swap3A_1348, %swap3A_1349] : memref<128x20800xf32, #tpu.memory_space<vmem>>, vector<128x64xf32>
    tpu.vector_store %arg2[%swap3A_1348, %swap3A_1349], %mul3A_1347 {strides = array<i32>} : memref<128x20800xf32, #tpu.memory_space<vmem>>, vector<128x64xf32>,
    %mul3A_1351 = arith.mulf %get3A_67, %get3A_70 : vector<128x64xf32>
    %swap3A_1352 = arith.constant 0 : index
    %swap3A_1353 = arith.constant 20416 : index
    %swap3A_1354 = vector.load %arg2[%swap3A_1352, %swap3A_1353] : memref<128x20800xf32, #tpu.memory_space<vmem>>, vector<128x64xf32>
    tpu.vector_store %arg2[%swap3A_1352, %swap3A_1353], %mul3A_1351 {strides = array<i32>} : memref<128x20800xf32, #tpu.memory_space<vmem>>, vector<128x64xf32>,
    %mul3A_1355 = arith.mulf %get3A_67, %get3A_73 : vector<128x64xf32>
    %swap3A_1356 = arith.constant 0 : index
    %swap3A_1357 = arith.constant 20480 : index
    %swap3A_1358 = vector.load %arg2[%swap3A_1356, %swap3A_1357] : memref<128x20800xf32, #tpu.memory_space<vmem>>, vector<128x64xf32>
    tpu.vector_store %arg2[%swap3A_1356, %swap3A_1357], %mul3A_1355 {strides = array<i32>} : memref<128x20800xf32, #tpu.memory_space<vmem>>, vector<128x64xf32>,
    %mul3A_1359 = arith.mulf %get3A_67, %get3A_76 : vector<128x64xf32>
    %swap3A_1360 = arith.constant 0 : index
    %swap3A_1361 = arith.constant 20544 : index
    %swap3A_1362 = vector.load %arg2[%swap3A_1360, %swap3A_1361] : memref<128x20800xf32, #tpu.memory_space<vmem>>, vector<128x64xf32>
    tpu.vector_store %arg2[%swap3A_1360, %swap3A_1361], %mul3A_1359 {strides = array<i32>} : memref<128x20800xf32, #tpu.memory_space<vmem>>, vector<128x64xf32>,
    %mul3A_1363 = arith.mulf %get3A_70, %get3A_73 : vector<128x64xf32>
    %swap3A_1364 = arith.constant 0 : index
    %swap3A_1365 = arith.constant 20608 : index
    %swap3A_1366 = vector.load %arg2[%swap3A_1364, %swap3A_1365] : memref<128x20800xf32, #tpu.memory_space<vmem>>, vector<128x64xf32>
    tpu.vector_store %arg2[%swap3A_1364, %swap3A_1365], %mul3A_1363 {strides = array<i32>} : memref<128x20800xf32, #tpu.memory_space<vmem>>, vector<128x64xf32>,
    %mul3A_1367 = arith.mulf %get3A_70, %get3A_76 : vector<128x64xf32>
    %swap3A_1368 = arith.constant 0 : index
    %swap3A_1369 = arith.constant 20672 : index
    %swap3A_1370 = vector.load %arg2[%swap3A_1368, %swap3A_1369] : memref<128x20800xf32, #tpu.memory_space<vmem>>, vector<128x64xf32>
    tpu.vector_store %arg2[%swap3A_1368, %swap3A_1369], %mul3A_1367 {strides = array<i32>} : memref<128x20800xf32, #tpu.memory_space<vmem>>, vector<128x64xf32>,
    %mul3A_1371 = arith.mulf %get3A_73, %get3A_76 : vector<128x64xf32>
    %swap3A_1372 = arith.constant 0 : index
    %swap3A_1373 = arith.constant 20736 : index
    %swap3A_1374 = vector.load %arg2[%swap3A_1372, %swap3A_1373] : memref<128x20800xf32, #tpu.memory_space<vmem>>, vector<128x64xf32>
    tpu.vector_store %arg2[%swap3A_1372, %swap3A_1373], %mul3A_1371 {strides = array<i32>} : memref<128x20800xf32, #tpu.memory_space<vmem>>, vector<128x64xf32>,
    return
  }
  func.func @transform_0(%arg0: i32) -> (i32, i32) {
    %c0_i32 = arith.constant 0 : i32
    %c0_i32_0 = arith.constant 0 : i32
    return %arg0, %c0_i32 : i32, i32
  }
  func.func @transform_1(%arg0: i32) -> (i32, i32) {
    %c0_i32 = arith.constant 0 : i32
    %c0_i32_0 = arith.constant 0 : i32
    return %arg0, %c0_i32 : i32, i32
  }
}

</mosaic_0001>

<sc_bundles>
// kernel: kernel.4.cloned.1.call-start
scs
__scs_entry_jumppad:
0x0: {  	(pc) =	sbr.rel $0x88, $3  }
0x1: {  	(tag) =	ssettag $0x0;
	lr =	simm.s32 $0x1  }
0x2: {  	[smem:$0x3F9E] =	sst lr;
	_ =	strace $0xD0000000  }
0x3: {  	_ = 	snop  }
0x4: {  	_ = 	snop  }
0x5: {  	_ = 	snop  }
0x6: {  	_ = 	snop  }
0x7: {  	_ = 	snop  }
__scs_overlays_trampoline_lowered:
0x8: {  	[smem:$0x3FAD] =	sst s0  }
0x9: {  	[smem:$0x3FAE] =	sst s1  }
0xa: {  	[smem:$0x3FAF] =	sst s2  }
0xb: {  	[smem:$0x3FB0] =	sst s3  }
0xc: {  	[smem:$0x3FB1] =	sst s4  }
0xd: {  	[smem:$0x3FB2] =	sst s5  }
0xe: {  	[smem:$0x3FB3] =	sst s6  }
0xf: {  	[smem:$0x3FB4] =	sst s7  }
0x10: {  	[smem:$0x3FB5] =	sst s8  }
0x11: {  	[smem:$0x3FB6] =	sst s9;
	s0 =	simm.s32 @!p0 $0x0  }
0x12: {  	s1 =	sld [smem:$0x3F9C];
	s0 =	simm.s32 @p0 $0x1  }
0x13: {  	[smem:$0x3FB7] =	sst s0;
	s0 =	simm.s32 @!p1 $0x0  }
0x14: {  	s2 =	sld [smem:$0x3F9B];
	s0 =	simm.s32 @p1 $0x1  }
0x15: {  	[smem:$0x3FB8] =	sst s0;
	s0 =	simm.s32 @!p2 $0x0  }
0x16: {  	s3 =	sld [smem:$0x3FDB];
	s0 =	simm.s32 @p2 $0x1  }
0x17: {  	s4 =	simm.s32 $0x1BF5;
	[smem:$0x3FBA] =	sst s0  }
0x18: {  	s0 =	sld [smem:$0x3F9D];
	_ =	swait.ge [sflag:s4], $0x0  }
0x19: {  	s7 =	sld [smem:$0x3F9E]  }
0x1a: {  	s8 =	sadd.s32 $0xFFFFE003, lr  }
0x1b: {  	s9 =	sadd.s32 $0xFFFFFEF7, lr;
	s5 =	simm.s32 $0xFFFFFFFF;
	p2 =	slt.u32 s8, $0xFFFFF086  }
0x1c: {  	p1 =	slt.u32 s9, $0xF7A;
	s5 =	simm.s32 @!p2 $0x0  }
0x1d: {  	s5 =	simm.s32 @p1 $0x1;
	p0 =	seq.s32 s7, s2  }
0x1e: {  	s7 =	smul.u32 @!p0 $0xF7A, s2;
	p2 =	seq.s32 @!p0 s5, $0x0  }
0x1f: {  	s9 =	smul.u32 $0xF7A, s1;
	s8 =	simm.s32 @!p0 $0x1BF5;
	p2 =	por !p2, p0  }
0x20: {  	[sflag:s8] =	ssyncset.s32 @!p0 $0xFFFFF086;
	s6 =	sadd.s32 @!p0 s3, s7;
	s7 =	simm.s32 @!p0 $0x108  }
0x21: {  	s3 =	sadd.s32 s3, s9;
	s6 =	sadd.s32 @!p0 $0x88, s6;
	s7 =	simm.s32 @p2 $0x1082  }
0x22: {  	[simem:s7], [sflag:s8] =	dma.local @!p0 [hbm:s6], $0xF7A  }
0x23: {  	s9 =	sor.u32 $0xD0000000, s2;
	s6 =	simm.s32 $0x108;
	_ =	swait.ge @!p0 [sflag:s8], $0x0  }
0x24: {  	s3 =	sadd.s32 $0x88, s3;
	s6 =	simm.s32 @!p1 $0x1082;
	[sflag:s4] =	ssyncset.s32 $0xFFFFF086  }
0x25: {  	[simem:s6], [sflag:s4] =	dma.local [hbm:s3], $0xF7A  }
0x26: {  	[smem:$0x3F9E] =	sst s1;
	(tag) =	ssettag s2;
	_ =	strace s9  }
0x27: {  	s1 =	sld [smem:$0x3FAE]  }
0x28: {  	s2 =	sld [smem:$0x3FAF]  }
0x29: {  	s4 =	sld [smem:$0x3FB1]  }
0x2a: {  	p0 =	seq.s32 s5, $0x0;
	s5 =	sld [smem:$0x3FB2]  }
0x2b: {  	s6 =	sld [smem:$0x3FB3]  }
0x2c: {  	s7 =	sld [smem:$0x3FB4]  }
0x2d: {  	s3 =	simm.s32 $0x108;
	s8 =	sld [smem:$0x3FB5]  }
0x2e: {  	s3 =	simm.s32 @!p0 $0x1082;
	s9 =	sld [smem:$0x3FB6]  }
0x2f: {  	lr =	sadd.s32 s0, s3;
	s0 =	sld [smem:$0x3FAD]  }
0x30: {  	s3 =	sld [smem:$0x3FB0]  }
0x31: {  	[smem:$0x3FB9] =	sst s10  }
0x32: {  	s10 =	sld [smem:$0x3FB7];
	_ =	sdelay $0x3  }
0x33: {  	p0 =	seq.s32 s10, $0x1;
	s10 =	sld [smem:$0x3FB9];
	_ =	sdelay $0x3  }
0x34: {  	[smem:$0x3FB9] =	sst s10  }
0x35: {  	s10 =	sld [smem:$0x3FB8];
	_ =	sdelay $0x3  }
0x36: {  	p1 =	seq.s32 s10, $0x1;
	s10 =	sld [smem:$0x3FB9];
	_ =	sdelay $0x3  }
0x37: {  	[smem:$0x3FB9] =	sst s10  }
0x38: {  	s10 =	sld [smem:$0x3FBA]  }
0x39: {  	_ = 	snop;
	(pc) =	sbr.ind lr, $3  }
0x3a: {  	_ = 	snop  }
0x3b: {  	_ = 	snop  }
0x3c: {  	p2 =	seq.s32 s10, $0x1;
	s10 =	sld [smem:$0x3FB9]  }
0x3d: {  	_ =	shalt  }
0x3e: {  	_ =	shalt  }
0x3f: {  	_ =	shalt  }
0x40: {  	_ =	shalt  }
0x41: {  	_ =	shalt  }
0x42: {  	_ =	shalt  }
0x43: {  	_ =	shalt  }
0x44: {  	_ =	shalt  }
0x45: {  	_ =	shalt  }
0x46: {  	_ =	shalt  }
0x47: {  	_ =	shalt  }
0x48: {  	_ =	shalt  }
0x49: {  	_ =	shalt  }
0x4a: {  	_ =	shalt  }
0x4b: {  	_ =	shalt  }
0x4c: {  	_ =	shalt  }
0x4d: {  	_ =	shalt  }
0x4e: {  	_ =	shalt  }
0x4f: {  	_ =	shalt  }
0x50: {  	_ =	shalt  }
0x51: {  	_ =	shalt  }
0x52: {  	_ =	shalt  }
0x53: {  	_ =	shalt  }
0x54: {  	_ =	shalt  }
0x55: {  	_ =	shalt  }
0x56: {  	_ =	shalt  }
0x57: {  	_ =	shalt  }
0x58: {  	_ =	shalt  }
0x59: {  	_ =	shalt  }
0x5a: {  	_ =	shalt  }
0x5b: {  	_ =	shalt  }
0x5c: {  	_ =	shalt  }
0x5d: {  	_ =	shalt  }
0x5e: {  	_ =	shalt  }
0x5f: {  	_ =	shalt  }
0x60: {  	_ =	shalt  }
0x61: {  	_ =	shalt  }
0x62: {  	_ =	shalt  }
0x63: {  	_ =	shalt  }
0x64: {  	_ =	shalt  }
0x65: {  	_ =	shalt  }
0x66: {  	_ =	shalt  }
0x67: {  	_ =	shalt  }
0x68: {  	_ =	shalt  }
0x69: {  	_ =	shalt  }
0x6a: {  	_ =	shalt  }
0x6b: {  	_ =	shalt  }
0x6c: {  	_ =	shalt  }
0x6d: {  	_ =	shalt  }
0x6e: {  	_ =	shalt  }
0x6f: {  	_ =	shalt  }
0x70: {  	_ =	shalt  }
0x71: {  	_ =	shalt  }
0x72: {  	_ =	shalt  }
0x73: {  	_ =	shalt  }
0x74: {  	_ =	shalt  }
0x75: {  	_ =	shalt  }
0x76: {  	_ =	shalt  }
0x77: {  	_ =	shalt  }
0x78: {  	_ =	shalt  }
0x79: {  	_ =	shalt  }
0x7a: {  	_ =	shalt  }
0x7b: {  	_ =	shalt  }
0x7c: {  	_ =	shalt  }
0x7d: {  	_ =	shalt  }
0x7e: {  	_ =	shalt  }
0x7f: {  	_ =	shalt  }
0x80: {  	_ =	shalt  }
0x81: {  	_ =	shalt  }
0x82: {  	_ =	shalt  }
0x83: {  	_ =	shalt  }
0x84: {  	_ =	shalt  }
0x85: {  	_ =	shalt  }
0x86: {  	_ =	shalt  }
0x87: {  	_ =	shalt  }
.Lfunc_end0:
.L_simem_size_0:
called_computation_lowered:
.L_overlay_start_0:
0x88: {  	s2 =	sld [smem:$0x3FD9]  }
0x89: {  	s3 =	sld [smem:$0x3FFE];
	_ =	sdelay $0x1  }
0x8a: {  	s1 =	srdreg.scid  }
0x8b: {  	s0 =	sand.u32 $0x1, s1  }
0x8c: {  	s14 =	sshll.u32 s0, $0xA;
	s2 =	sadd.s32 s3, s2  }
0x8d: {  	s2 =	sadd.s32 s2, s14  }
0x8e: {  	[smem:$0x3FC5] =	sst s2  }
0x8f: {  	_ = 	snop  }
0x90: {  	s2 =	sld [smem:$0x3FD0];
	_ =	sdelay $0x2  }
0x91: {  	s4 =	simm.s32 $0xA;
	s5 =	simm.s32 $0x10;
	s15 =	sld [smem:$0x3FC8]  }
0x92: {  	[smem:s5], [sflag:s4] =	dma.local [hbm:s2], $0x1  }
0x93: {  	_ =	swait.eq [sflag:s4], $0x1  }
0x94: {  	[sflag:s4] =	ssyncset.done $0x0  }
0x95: {  	[sflag:s4] =	ssyncadd.s32 $0xFFFFFFFF  }
0x96: {  	s16 =	sld [smem:$0x10];
	(tm) =	ssettm $0x1  }
0x97: {  	s17 =	sld [smem:$0x3FFB];
	_ =	sdelay $0x3  }
0x98: {  	_ =	strace s17  }
0x99: {  	s4 =	sld [smem:$0x3FFC];
	_ =	sdelay $0x3  }
0x9a: {  	_ =	strace s4  }
0x9b: {  	s4 =	sld [smem:$0x3FFD];
	_ =	sdelay $0x3  }
0x9c: {  	_ =	strace s4  }
0x9d: {  	_ =	strace $0x8FFFFFFF  }
0x9e: {  	s18 =	sld [smem:$0x3FDB];
	_ =	sdelay $0x1  }
0x9f: {  	s19 =	simm.s32 $_scs_section_size  }
0xa0: {  	s6 =	simm.s32 $_size__tile_overlayer_lowered;
	s7 =	simm.s32 $_tile_overlayer_lowered  }
0xa1: {  	s22 =	simm.s32 $0x1BFF;
	s21 =	sshll.u32 s7, $0x1;
	s4 =	sadd.s32 s19, s18  }
0xa2: {  	s8 =	simm.s32 $0x0;
	s20 =	sshll.u32 s6, $0x1;
	s6 =	sadd.s32 s21, s4  }
0xa3: {  	[timem:s8], [sflag:s22] =	dma.local [hbm:s6], s20  }
0xa4: {  	_ =	swait.ge [sflag:s22], s20  }
0xa5: {  	s5 =	ssub.s32 $0x0, s20;
	[sflag:s22] =	ssyncset.done $0x0  }
0xa6: {  	[sflag:s22] =	ssyncadd.s32 s5;
	_ =	sdelay $0x1  }
0xa7: {  	s23 =	simm.s32 $0x1B8B  }
0xa8: {  	_ =	swait.ge [sflag:s23], $0x1  }
0xa9: {  	[sflag:s23] =	ssyncset.done $0x0  }
0xaa: {  	s25 =	simm.s32 $0x1B8E;
	s24 =	sld [smem:$0x3FFE];
	[sflag:s23] =	ssyncadd.s32 $0xFFFFFFFF  }
0xab: {  	s26 =	simm.s32 $execute0_lowered;
	[smem:$0x3FD2] =	sst s25  }
0xac: {  	s6 =	sshll.u32 s26, $0x1;
	_ =	strace $0x80000046;
	[dreg:$0x1] =	wrdreg $0xFFFFFFFF  }
0xad: {  	s28 =	simm.s32 $_size_execute0_lowered;
	s4 =	sadd.s32 s4, s6;
	[dreg:$0x0] =	wrdreg $0x0  }
0xae: {  	s6 =	sshll.u32 s28, $0x1;
	[dreg:$0x2] =	wrdreg s4  }
0xaf: {  	[dreg:$0x3] =	wrdreg s6  }
0xb0: {  	[dreg:$0x4] =	wrdreg $0xC0  }
0xb1: {  	_ =	task [dreg:s8], $0x5FFFF  }
0xb2: {  	[dreg:$0x1] =	wrdreg $0xFFFFFFFF  }
0xb3: {  	[dreg:$0x0] =	wrdreg $0x60  }
0xb4: {  	[dreg:$0x2] =	wrdreg s15  }
0xb5: {  	[dreg:$0x3] =	wrdreg s24  }
0xb6: {  	[dreg:$0x4] =	wrdreg s16  }
0xb7: {  	[dreg:$0x5] =	wrdreg $0x9  }
0xb8: {  	_ =	task.clear_ibuf [dreg:s8], $0x6FFFF;
	_ =	strace $0x90000046  }
0xb9: {  	s29 =	simm.s32 $0x9;
	_ =	strace $0x80000048  }
0xba: {  	_ =	swait.ge [sflag:s29], $0x1  }
0xbb: {  	[sflag:s29] =	ssyncadd.s32 $0xFFFFFFFF  }
0xbc: {  	_ =	strace $0x90000048  }
0xbd: {  	_ =	sfence  }
0xbe: {  	s30 =	sld [smem:$0x0];
	_ =	sdelay $0x2  }
0xbf: {  	s31 =	sshll.u32 s1, $0xD;
	s1 =	sshrl.u32 s1, $0x2  }
0xc0: {  	s3 =	sand.u32 $0x4000, s31;
	s1 =	sadd.s32 s1, s30  }
0xc1: {  	s0 =	sor.u32 s3, s0;
	s1 =	sshll.u32 s1, $0x11  }
0xc2: {  	s0 =	sor.u32 s1, s0  }
0xc3: {  	s0 =	sadd.s32 $0x8F2B, s0  }
0xc4: {  	[sflag:s0] =	ssyncadd.remote.s32 $0x1  }
0xc5: {  	_ =	sfence.sel $0xFFFF  }
0xc6: {  	[dreg:$0x0] =	wrdreg $0xFFFFFFFF;
	(pc) =	sbr.abs _section_cstart, $3  }
0xc7: {  	[dreg:$0x1] =	wrdreg $0xFFFFFFFF  }
0xc8: {  	_ =	task.clear_ibuf [dreg:s8], $0x2FFFF;
	_ =	strace $0x9FFFFFFF  }
0xc9: {  	(tm) =	ssettm $0x7FFFFFFF  }
tec
execute0_lowered:
.L_overlay_start_1:
0x0: {  	(tag) =	ssettag $0x1  }
0x1: {  	s1 =	rddreg [dreg:$0x0]  }
0x2: {  	s3 =	srdreg.scid;
	s2 =	rddreg [dreg:$0x1]  }
0x3: {  	s6 =	rddreg [dreg:$0x2];
	s5 =	sand.u32 $0x1, s3;
	s3 =	simm.s32 $0x0  }
0x4: {  	s19 =	simm.s32 $0x8000;
	[smem:$0x7FF] =	sst s3  }
0x5: {  	s20 =	simm.s32 $0x1000;
	_ =	strace $0x80000047;
	[dreg:$0x6] =	wrdreg s19  }
0x6: {  	s21 =	simm.s32 $0x1080;
	[dreg:$0x7] =	wrdreg s20  }
0x7: {  	s22 =	simm.s32 $0x100;
	[dreg:$0x8] =	wrdreg s21  }
0x8: {  	s23 =	simm.s32 $0x1100;
	[dreg:$0x9] =	wrdreg s22  }
0x9: {  	s24 =	simm.s32 $0x180;
	[dreg:$0xa] =	wrdreg s23  }
0xa: {  	s25 =	simm.s32 $0x1180;
	[dreg:$0xb] =	wrdreg s24  }
0xb: {  	s0 =	stileid.u32;
	s26 =	simm.s32 $0x200;
	[dreg:$0xc] =	wrdreg s25  }
0xc: {  	s17 =	sshll.u32 s0, $0x1;
	s0 =	simm.s32 $0x1200;
	[dreg:$0xd] =	wrdreg s26  }
0xd: {  	s8 =	simm.s32 $0x300;
	[dreg:$0xe] =	wrdreg s0  }
0xe: {  	s9 =	simm.s32 $0x1300;
	[dreg:$0x11] =	wrdreg s8  }
0xf: {  	s10 =	simm.s32 $0x380;
	s11 =	simm.s32 $0x1380;
	[dreg:$0x12] =	wrdreg s9  }
0x10: {  	s12 =	simm.s32 $0x1400;
	s13 =	simm.s32 $0x480;
	[dreg:$0x13] =	wrdreg s10  }
0x11: {  	s14 =	simm.s32 $0x1480;
	s15 =	simm.s32 $0x500;
	[dreg:$0x14] =	wrdreg s11  }
0x12: {  	s16 =	simm.s32 $0x1500;
	s28 =	simm.s32 $0x1C00;
	[dreg:$0x15] =	wrdreg s12  }
0x13: {  	s29 =	simm.s32 $0xC80;
	s30 =	simm.s32 $0x1C80;
	[dreg:$0x16] =	wrdreg s13  }
0x14: {  	s31 =	simm.s32 $0x1;
	s7 =	sor.u32 s5, s17;
	[dreg:$0x17] =	wrdreg s14  }
0x15: {  	s17 =	simm.s32 $0x580;
	s5 =	ssub.s32 $0x2, s5;
	[dreg:$0x18] =	wrdreg s15  }
0x16: {  	s4 =	sshll.u32 s7, $0x7;
	s7 =	sshll.u32 s7, $0x4;
	[dreg:$0x19] =	wrdreg s16  }
0x17: {  	[dreg:$0x1a] =	wrdreg s17;
	s19 =	simm.s32 $0x600;
	s20 =	sshrl.u32 s5, $0x1  }
0x18: {  	s21 =	simm.s32 $0x1600;
	s22 =	simm.s32 $0x680;
	s23 =	simm.s32 $0x1680  }
0x19: {  	s24 =	simm.s32 $0x700;
	s25 =	simm.s32 $0x1700;
	s8 =	simm.s32 $0x2  }
0x1a: {  	s26 =	simm.s32 $0x780;
	s9 =	simm.s32 $0x80;
	[dreg:$0x1c] =	wrdreg s19  }
0x1b: {  	s13 =	simm.s32 $0x880;
	s14 =	simm.s32 $0x1880;
	[dreg:$0x1d] =	wrdreg s21  }
0x1c: {  	s15 =	simm.s32 $0x900;
	s16 =	simm.s32 $0x1900;
	[dreg:$0x1e] =	wrdreg s22  }
0x1d: {  	s17 =	simm.s32 $0x980;
	s4 =	sadd.s32 s1, s4;
	[dreg:$0x1f] =	wrdreg s23  }
0x1e: {  	s18 =	sadd.s32 s6, s7;
	s6 =	simm.s32 $0x280;
	[smem:$0x7FB] =	sst s24  }
0x1f: {  	s7 =	simm.s32 $0x1280;
	s5 =	ssub.s32 s5, s20;
	[smem:$0x7FC] =	sst s25  }
0x20: {  	[smem:$0x7FD] =	sst s26;
	s19 =	simm.s32 $0xA00;
	s20 =	simm.s32 $0x1A00  }
0x21: {  	s21 =	simm.s32 $0xA80;
	s22 =	simm.s32 $0x1A80;
	s23 =	simm.s32 $0xB00  }
0x22: {  	s24 =	simm.s32 $0x1B00;
	s25 =	simm.s32 $0xB80;
	[dreg:$0x5] =	wrdreg s18  }
0x23: {  	s26 =	simm.s32 $0x1B80;
	s1 =	sadd.s32 $0x3000, s4;
	[dreg:$0xf] =	wrdreg s6  }
0x24: {  	[dreg:$0x10] =	wrdreg s7;
	s18 =	simm.s32 $0x1580;
	s5 =	smax.u32 s5, $0x1  }
0x25: {  	s6 =	simm.s32 $0x400;
	s7 =	simm.s32 $0xC00;
	[dreg:$0x4] =	wrdreg s1  }
0x26: {  	[dreg:$0x1b] =	wrdreg s18;
	s18 =	simm.s32 $0x1980;
	s1 =	simm.s32 $0x2000  }
.LBB2_1:
0x27: {  	s0 =	rddreg [dreg:$0x6]  }
0x28: {  	[tilespmem:s3], [sflag:$0x2] =	stream.strided.gather [hbm4b:s4+s6], $0xC00, s0, s6, $0x38;
	[tilespmem:$0x2080] =	vst v63  }
0x29: {  	s10 =	rddreg [dreg:$0x4]  }
0x2a: {  	[tilespmem:s7], [sflag:$0x2] =	stream.linear.gather [hbm4b:s10+s3], $0x100, $0x38;
	[tilespmem:$0x2080] =	vst v63  }
0x2b: {  	_ =	swait.ge [sflag:s8], $0xD00  }
0x2c: {  	s11 =	rddreg [dreg:$0x7]  }
0x2d: {  	s12 =	rddreg [dreg:$0x8]  }
0x2e: {  	[sflag:s8] =	ssyncset.done $0x0;
	s0 =	rddreg [dreg:$0x9]  }
0x2f: {  	s10 =	rddreg [dreg:$0xa];
	[sflag:s8] =	ssyncadd.s32 $0xFFFFF300  }
0x30: {  	[tilespmem:s11], [sflag:$0x1] =	stream.indirect.gather [hbm4b:s2+s9], $0x1, s3, s9, $0xb8;
	[tilespmem:$0x2080] =	vst v63  }
0x31: {  	s11 =	rddreg [dreg:$0xb]  }
0x32: {  	[tilespmem:s12], [sflag:$0x1] =	stream.indirect.gather [hbm4b:s2+s9], $0x1, s9, s9, $0xb8;
	[tilespmem:$0x2080] =	vst v63  }
0x33: {  	s12 =	rddreg [dreg:$0xc]  }
0x34: {  	[tilespmem:s10], [sflag:$0x1] =	stream.indirect.gather [hbm4b:s2+s9], $0x1, s0, s9, $0xb8;
	[tilespmem:$0x2080] =	vst v63  }
0x35: {  	s0 =	rddreg [dreg:$0xd]  }
0x36: {  	s10 =	rddreg [dreg:$0xe]  }
0x37: {  	[tilespmem:s12], [sflag:$0x1] =	stream.indirect.gather [hbm4b:s2+s9], $0x1, s11, s9, $0xb8;
	[tilespmem:$0x2080] =	vst v63  }
0x38: {  	s11 =	rddreg [dreg:$0xf]  }
0x39: {  	s12 =	rddreg [dreg:$0x10]  }
0x3a: {  	[tilespmem:s10], [sflag:$0x1] =	stream.indirect.gather [hbm4b:s2+s9], $0x1, s0, s9, $0xb8;
	[tilespmem:$0x2080] =	vst v63  }
0x3b: {  	s0 =	rddreg [dreg:$0x11]  }
0x3c: {  	s10 =	rddreg [dreg:$0x12]  }
0x3d: {  	[tilespmem:s12], [sflag:$0x1] =	stream.indirect.gather [hbm4b:s2+s9], $0x1, s11, s9, $0xb8;
	[tilespmem:$0x2080] =	vst v63  }
0x3e: {  	s11 =	rddreg [dreg:$0x13]  }
0x3f: {  	s12 =	rddreg [dreg:$0x14]  }
0x40: {  	[tilespmem:s10], [sflag:$0x1] =	stream.indirect.gather [hbm4b:s2+s9], $0x1, s0, s9, $0xb8;
	[tilespmem:$0x2080] =	vst v63  }
0x41: {  	s10 =	rddreg [dreg:$0x15]  }
0x42: {  	s0 =	rddreg [dreg:$0x16]  }
0x43: {  	[tilespmem:s12], [sflag:$0x1] =	stream.indirect.gather [hbm4b:s2+s9], $0x1, s11, s9, $0xb8;
	[tilespmem:$0x2080] =	vst v63  }
0x44: {  	s11 =	rddreg [dreg:$0x18]  }
0x45: {  	s12 =	rddreg [dreg:$0x19]  }
0x46: {  	[tilespmem:s10], [sflag:$0x1] =	stream.indirect.gather [hbm4b:s2+s9], $0x1, s6, s9, $0xb8;
	[tilespmem:$0x2080] =	vst v63  }
0x47: {  	s10 =	rddreg [dreg:$0x17]  }
0x48: {  	[tilespmem:s10], [sflag:$0x1] =	stream.indirect.gather [hbm4b:s2+s9], $0x1, s0, s9, $0xb8;
	[tilespmem:$0x2080] =	vst v63  }
0x49: {  	s0 =	rddreg [dreg:$0x1a]  }
0x4a: {  	s10 =	rddreg [dreg:$0x1b]  }
0x4b: {  	[tilespmem:s12], [sflag:$0x1] =	stream.indirect.gather [hbm4b:s2+s9], $0x1, s11, s9, $0xb8;
	[tilespmem:$0x2080] =	vst v63  }
0x4c: {  	s11 =	rddreg [dreg:$0x1c]  }
0x4d: {  	s12 =	rddreg [dreg:$0x1d]  }
0x4e: {  	[tilespmem:s10], [sflag:$0x1] =	stream.indirect.gather [hbm4b:s2+s9], $0x1, s0, s9, $0xb8;
	[tilespmem:$0x2080] =	vst v63  }
0x4f: {  	s0 =	rddreg [dreg:$0x1e]  }
0x50: {  	s10 =	rddreg [dreg:$0x1f]  }
0x51: {  	[tilespmem:s12], [sflag:$0x1] =	stream.indirect.gather [hbm4b:s2+s9], $0x1, s11, s9, $0xb8;
	[tilespmem:$0x2080] =	vst v63  }
0x52: {  	s11 =	sld [smem:$0x7FB]  }
0x53: {  	s12 =	sld [smem:$0x7FC]  }
0x54: {  	[tilespmem:s10], [sflag:$0x1] =	stream.indirect.gather [hbm4b:s2+s9], $0x1, s0, s9, $0xb8;
	[tilespmem:$0x2080] =	vst v63  }
0x55: {  	s10 =	sld [smem:$0x7FD]  }
0x56: {  	[tilespmem:s12], [sflag:$0x1] =	stream.indirect.gather [hbm4b:s2+s9], $0x1, s11, s9, $0xb8;
	[tilespmem:$0x2080] =	vst v63  }
0x57: {  	s12 =	simm.s32 $0x1780  }
0x58: {  	[tilespmem:s12], [sflag:$0x1] =	stream.indirect.gather [hbm4b:s2+s9], $0x1, s10, s9, $0xb8;
	[tilespmem:$0x2080] =	vst v63  }
0x59: {  	s11 =	simm.s32 $0x1800;
	s10 =	simm.s32 $0x800  }
0x5a: {  	[tilespmem:s11], [sflag:$0x1] =	stream.indirect.gather [hbm4b:s2+s9], $0x1, s10, s9, $0xb8;
	[tilespmem:$0x2080] =	vst v63  }
0x5b: {  	_ = 	snop  }
0x5c: {  	[tilespmem:s14], [sflag:$0x1] =	stream.indirect.gather [hbm4b:s2+s9], $0x1, s13, s9, $0xb8;
	[tilespmem:$0x2080] =	vst v63  }
0x5d: {  	_ = 	snop  }
0x5e: {  	[tilespmem:s16], [sflag:$0x1] =	stream.indirect.gather [hbm4b:s2+s9], $0x1, s15, s9, $0xb8;
	[tilespmem:$0x2080] =	vst v63  }
0x5f: {  	_ = 	snop  }
0x60: {  	[tilespmem:s18], [sflag:$0x1] =	stream.indirect.gather [hbm4b:s2+s9], $0x1, s17, s9, $0xb8;
	[tilespmem:$0x2080] =	vst v63  }
0x61: {  	_ = 	snop  }
0x62: {  	[tilespmem:s20], [sflag:$0x1] =	stream.indirect.gather [hbm4b:s2+s9], $0x1, s19, s9, $0xb8;
	[tilespmem:$0x2080] =	vst v63  }
0x63: {  	_ = 	snop  }
0x64: {  	[tilespmem:s22], [sflag:$0x1] =	stream.indirect.gather [hbm4b:s2+s9], $0x1, s21, s9, $0xb8;
	[tilespmem:$0x2080] =	vst v63  }
0x65: {  	_ = 	snop  }
0x66: {  	[tilespmem:s24], [sflag:$0x1] =	stream.indirect.gather [hbm4b:s2+s9], $0x1, s23, s9, $0xb8;
	[tilespmem:$0x2080] =	vst v63  }
0x67: {  	_ = 	snop  }
0x68: {  	[tilespmem:s26], [sflag:$0x1] =	stream.indirect.gather [hbm4b:s2+s9], $0x1, s25, s9, $0xb8;
	[tilespmem:$0x2080] =	vst v63  }
0x69: {  	_ = 	snop  }
0x6a: {  	[tilespmem:s28], [sflag:$0x1] =	stream.indirect.gather [hbm4b:s2+s9], $0x1, s7, s9, $0xb8;
	[tilespmem:$0x2080] =	vst v63  }
0x6b: {  	_ = 	snop  }
0x6c: {  	[tilespmem:s30], [sflag:$0x1] =	stream.indirect.gather [hbm4b:s2+s9], $0x1, s29, s9, $0xb8;
	[tilespmem:$0x2080] =	vst v63  }
0x6d: {  	_ =	swait.ge [sflag:s31], $0x80  }
0x6e: {  	[sflag:s31] =	ssyncset.done $0x0  }
0x6f: {  	[sflag:s31] =	ssyncadd.s32 $0xFFFFFF80  }
0x70: {  	_ =	swait.ge [sflag:s31], $0x80  }
0x71: {  	[sflag:s31] =	ssyncset.done $0x0  }
0x72: {  	[sflag:s31] =	ssyncadd.s32 $0xFFFFFF80  }
0x73: {  	_ =	swait.ge [sflag:s31], $0x80  }
0x74: {  	[sflag:s31] =	ssyncset.done $0x0  }
0x75: {  	[sflag:s31] =	ssyncadd.s32 $0xFFFFFF80  }
0x76: {  	_ =	swait.ge [sflag:s31], $0x80  }
0x77: {  	[sflag:s31] =	ssyncset.done $0x0  }
0x78: {  	[sflag:s31] =	ssyncadd.s32 $0xFFFFFF80  }
0x79: {  	_ =	swait.ge [sflag:s31], $0x80  }
0x7a: {  	[sflag:s31] =	ssyncset.done $0x0  }
0x7b: {  	[sflag:s31] =	ssyncadd.s32 $0xFFFFFF80  }
0x7c: {  	_ =	swait.ge [sflag:s31], $0x80  }
0x7d: {  	[sflag:s31] =	ssyncset.done $0x0  }
0x7e: {  	[sflag:s31] =	ssyncadd.s32 $0xFFFFFF80  }
0x7f: {  	_ =	swait.ge [sflag:s31], $0x80  }
0x80: {  	[sflag:s31] =	ssyncset.done $0x0  }
0x81: {  	[sflag:s31] =	ssyncadd.s32 $0xFFFFFF80  }
0x82: {  	_ =	swait.ge [sflag:s31], $0x80  }
0x83: {  	[sflag:s31] =	ssyncset.done $0x0  }
0x84: {  	[sflag:s31] =	ssyncadd.s32 $0xFFFFFF80  }
0x85: {  	_ =	swait.ge [sflag:s31], $0x80  }
0x86: {  	[sflag:s31] =	ssyncset.done $0x0  }
0x87: {  	[sflag:s31] =	ssyncadd.s32 $0xFFFFFF80  }
0x88: {  	_ =	swait.ge [sflag:s31], $0x80  }
0x89: {  	[sflag:s31] =	ssyncset.done $0x0  }
0x8a: {  	[sflag:s31] =	ssyncadd.s32 $0xFFFFFF80  }
0x8b: {  	_ =	swait.ge [sflag:s31], $0x80  }
0x8c: {  	[sflag:s31] =	ssyncset.done $0x0  }
0x8d: {  	[sflag:s31] =	ssyncadd.s32 $0xFFFFFF80  }
0x8e: {  	_ =	swait.ge [sflag:s31], $0x80  }
0x8f: {  	[sflag:s31] =	ssyncset.done $0x0  }
0x90: {  	[sflag:s31] =	ssyncadd.s32 $0xFFFFFF80  }
0x91: {  	_ =	swait.ge [sflag:s31], $0x80  }
0x92: {  	[sflag:s31] =	ssyncset.done $0x0  }
0x93: {  	[sflag:s31] =	ssyncadd.s32 $0xFFFFFF80  }
0x94: {  	_ =	swait.ge [sflag:s31], $0x80  }
0x95: {  	[sflag:s31] =	ssyncset.done $0x0  }
0x96: {  	[sflag:s31] =	ssyncadd.s32 $0xFFFFFF80  }
0x97: {  	_ =	swait.ge [sflag:s31], $0x80  }
0x98: {  	[sflag:s31] =	ssyncset.done $0x0  }
0x99: {  	[sflag:s31] =	ssyncadd.s32 $0xFFFFFF80  }
0x9a: {  	_ =	swait.ge [sflag:s31], $0x80  }
0x9b: {  	[sflag:s31] =	ssyncset.done $0x0  }
0x9c: {  	[sflag:s31] =	ssyncadd.s32 $0xFFFFFF80  }
0x9d: {  	_ =	swait.ge [sflag:s31], $0x80  }
0x9e: {  	[sflag:s31] =	ssyncset.done $0x0  }
0x9f: {  	[sflag:s31] =	ssyncadd.s32 $0xFFFFFF80  }
0xa0: {  	_ =	swait.ge [sflag:s31], $0x80  }
0xa1: {  	[sflag:s31] =	ssyncset.done $0x0  }
0xa2: {  	[sflag:s31] =	ssyncadd.s32 $0xFFFFFF80  }
0xa3: {  	_ =	swait.ge [sflag:s31], $0x80  }
0xa4: {  	[sflag:s31] =	ssyncset.done $0x0  }
0xa5: {  	[sflag:s31] =	ssyncadd.s32 $0xFFFFFF80  }
0xa6: {  	_ =	swait.ge [sflag:s31], $0x80  }
0xa7: {  	[sflag:s31] =	ssyncset.done $0x0  }
0xa8: {  	[sflag:s31] =	ssyncadd.s32 $0xFFFFFF80  }
0xa9: {  	_ =	swait.ge [sflag:s31], $0x80  }
0xaa: {  	[sflag:s31] =	ssyncset.done $0x0  }
0xab: {  	[sflag:s31] =	ssyncadd.s32 $0xFFFFFF80  }
0xac: {  	_ =	swait.ge [sflag:s31], $0x80  }
0xad: {  	[sflag:s31] =	ssyncset.done $0x0  }
0xae: {  	[sflag:s31] =	ssyncadd.s32 $0xFFFFFF80  }
0xaf: {  	_ =	swait.ge [sflag:s31], $0x80  }
0xb0: {  	[sflag:s31] =	ssyncset.done $0x0  }
0xb1: {  	[sflag:s31] =	ssyncadd.s32 $0xFFFFFF80  }
0xb2: {  	_ =	swait.ge [sflag:s31], $0x80  }
0xb3: {  	[sflag:s31] =	ssyncset.done $0x0  }
0xb4: {  	[sflag:s31] =	ssyncadd.s32 $0xFFFFFF80  }
0xb5: {  	_ =	swait.ge [sflag:s31], $0x80  }
0xb6: {  	[sflag:s31] =	ssyncset.done $0x0  }
0xb7: {  	[sflag:s31] =	ssyncadd.s32 $0xFFFFFF80  }
0xb8: {  	_ =	swait.ge [sflag:s31], $0x80  }
0xb9: {  	[sflag:s31] =	ssyncset.done $0x0  }
0xba: {  	[sflag:s31] =	ssyncadd.s32 $0xFFFFFF80  }
0xbb: {  	v35 =	vld [tilespmem:$0x1000]  }
0xbc: {  	v33 =	vld [tilespmem:$0x1080]  }
0xbd: {  	v36 =	vld [tilespmem:$0x1100]  }
0xbe: {  	v40 =	vld [tilespmem:$0x1180]  }
0xbf: {  	v45 =	vld [tilespmem:$0x1200]  }
0xc0: {  	v49 =	vld [tilespmem:$0x1280]  }
0xc1: {  	v52 =	vld [tilespmem:$0x1300]  }
0xc2: {  	v56 =	vld [tilespmem:$0x1380]  }
0xc3: {  	v60 =	vld [tilespmem:$0x1400]  }
0xc4: {  	v0 =	vld [tilespmem:$0x1480]  }
0xc5: {  	v32 =	vld [tilespmem:$0x1500]  }
0xc6: {  	v34 =	vld [tilespmem:$0x1580]  }
0xc7: {  	v37 =	vld [tilespmem:$0x1600]  }
0xc8: {  	v38 =	vld [tilespmem:$0x1680]  }
0xc9: {  	v39 =	vld [tilespmem:$0x1700]  }
0xca: {  	v41 =	vld [tilespmem:$0x1780]  }
0xcb: {  	v42 =	vld [tilespmem:$0x1800]  }
0xcc: {  	v43 =	vld [tilespmem:$0x1880]  }
0xcd: {  	v44 =	vld [tilespmem:$0x1900]  }
0xce: {  	v46 =	vld [tilespmem:$0x1980]  }
0xcf: {  	v47 =	vld [tilespmem:$0x1A00]  }
0xd0: {  	v48 =	vld [tilespmem:$0x1A80]  }
0xd1: {  	v50 =	vld [tilespmem:$0x1B00]  }
0xd2: {  	v51 =	vld [tilespmem:$0x1B80]  }
0xd3: {  	v53 =	vld [tilespmem:$0x1C00]  }
0xd4: {  	v54 =	vld [tilespmem:$0x1C80]  }
0xd5: {  	v26 =	vld [tilespmem:$0x1010]  }
0xd6: {  	v28 =	vld [tilespmem:$0x1090]  }
0xd7: {  	v17 =	vld [tilespmem:$0x1110]  }
0xd8: {  	v21 =	vld [tilespmem:$0x1190]  }
0xd9: {  	v24 =	vld [tilespmem:$0x1210]  }
0xda: {  	v29 =	vld [tilespmem:$0x1290]  }
0xdb: {  	v58 =	vld [tilespmem:$0x1610]  }
0xdc: {  	v63 =	vld [tilespmem:$0x1690]  }
0xdd: {  	v55 =	vld [tilespmem:$0x1710]  }
0xde: {  	v57 =	vld [tilespmem:$0x1790]  }
0xdf: {  	v59 =	vld [tilespmem:$0x1810]  }
0xe0: {  	v61 =	vld [tilespmem:$0x1890]  }
0xe1: {  	v62 =	vld [tilespmem:$0x1910]  }
0xe2: {  	v4 =	vld [tilespmem:$0x1990]  }
0xe3: {  	v5 =	vld [tilespmem:$0x1A10]  }
0xe4: {  	v6 =	vld [tilespmem:$0x1A90]  }
0xe5: {  	v7 =	vld [tilespmem:$0x1B10]  }
0xe6: {  	v8 =	vld [tilespmem:$0x1B90]  }
0xe7: {  	v9 =	vld [tilespmem:$0x1C10]  }
0xe8: {  	v10 =	vld [tilespmem:$0x1C90]  }
0xe9: {  	v19 =	vld [tilespmem:$0x1020]  }
0xea: {  	v12 =	vld [tilespmem:$0x1220]  }
0xeb: {  	v14 =	vld [tilespmem:$0x12A0]  }
0xec: {  	v16 =	vld [tilespmem:$0x1320]  }
0xed: {  	v20 =	vld [tilespmem:$0x13A0]  }
0xee: {  	v23 =	vld [tilespmem:$0x1420]  }
0xef: {  	v27 =	vld [tilespmem:$0x14A0]  }
0xf0: {  	v31 =	vld [tilespmem:$0x1520]  }
0xf1: {  	v11 =	vld [tilespmem:$0x1920]  }
0xf2: {  	v13 =	vld [tilespmem:$0x19A0]  }
0xf3: {  	v15 =	vld [tilespmem:$0x1A20]  }
0xf4: {  	v18 =	vld [tilespmem:$0x1AA0]  }
0xf5: {  	v22 =	vld [tilespmem:$0x1B20]  }
0xf6: {  	v25 =	vld [tilespmem:$0x1BA0]  }
0xf7: {  	v30 =	vld [tilespmem:$0x1C20]  }
0xf8: {  	v1 =	vld [tilespmem:$0x1030]  }
0xf9: {  	v2 =	vld [tilespmem:$0x1130]  }
0xfa: {  	v3 =	vld [tilespmem:$0x11B0]  }
0xfb: {  	[tilespmem:$0x1FC80] =	vst v32;
	v32 =	vld [tilespmem:$0x1310]  }
0xfc: {  	[tilespmem:$0x1FCB0] =	vst v38;
	v38 =	vld [tilespmem:$0x1390]  }
0xfd: {  	[tilespmem:$0x1FD00] =	vst v42;
	v42 =	vld [tilespmem:$0x1410]  }
0xfe: {  	[tilespmem:$0x1FD60] =	vst v46;
	v46 =	vld [tilespmem:$0x1490]  }
0xff: {  	[tilespmem:$0x1FDF0] =	vst v50;
	v50 =	vld [tilespmem:$0x1510]  }
0x100: {  	[tilespmem:$0x1FEA0] =	vst v54;
	v54 =	vld [tilespmem:$0x1590]  }
0x101: {  	[tilespmem:$0x1FDE0] =	vst v6;
	v6 =	vld [tilespmem:$0x10A0]  }
0x102: {  	[tilespmem:$0x1FE40] =	vst v8;
	v8 =	vld [tilespmem:$0x1120]  }
0x103: {  	[tilespmem:$0x1FEC0] =	vst v10;
	v10 =	vld [tilespmem:$0x11A0]  }
0x104: {  	[tilespmem:$0x1FCA0] =	vst v37;
	v37 =	vld [tilespmem:$0x15A0]  }
0x105: {  	[tilespmem:$0x1FCE0] =	vst v41;
	v41 =	vld [tilespmem:$0x1620]  }
0x106: {  	[tilespmem:$0x1FD40] =	vst v44;
	v44 =	vld [tilespmem:$0x16A0]  }
0x107: {  	[tilespmem:$0x1FDC0] =	vst v48;
	v48 =	vld [tilespmem:$0x1720]  }
0x108: {  	[tilespmem:$0x1FE60] =	vst v53;
	v53 =	vld [tilespmem:$0x17A0]  }
0x109: {  	[tilespmem:$0x1FCF0] =	vst v57;
	v57 =	vld [tilespmem:$0x1820]  }
0x10a: {  	[tilespmem:$0x1FD30] =	vst v61;
	v61 =	vld [tilespmem:$0x18A0]  }
0x10b: {  	[tilespmem:$0x1FC90] =	vst v34;
	v34 =	vld [tilespmem:$0x1CA0]  }
0x10c: {  	[tilespmem:$0x1FC70] =	vst v0;
	v0 =	vld [tilespmem:$0x10B0]  }
0x10d: {  	[tilespmem:$0x1FD80] =	vst v4;
	v4 =	vld [tilespmem:$0x1230]  }
0x10e: {  	[tilespmem:$0x1FDB0] =	vst v5;
	v5 =	vld [tilespmem:$0x12B0]  }
0x10f: {  	[tilespmem:$0x1FE10] =	vst v7;
	v7 =	vld [tilespmem:$0x1330]  }
0x110: {  	[tilespmem:$0x1FE80] =	vst v9;
	v9 =	vld [tilespmem:$0x13B0]  }
0x111: {  	[tilespmem:$0x1FD70] =	vst v11;
	v11 =	vld [tilespmem:$0x1430]  }
0x112: {  	[tilespmem:$0x1FDA0] =	vst v13;
	v13 =	vld [tilespmem:$0x14B0]  }
0x113: {  	[tilespmem:$0x1FDD0] =	vst v15;
	v15 =	vld [tilespmem:$0x1530]  }
0x114: {  	[tilespmem:$0x1FE00] =	vst v18;
	v18 =	vld [tilespmem:$0x15B0]  }
0x115: {  	[tilespmem:$0x1FE30] =	vst v22;
	v22 =	vld [tilespmem:$0x1630]  }
0x116: {  	[tilespmem:$0x1FE70] =	vst v25;
	v25 =	vld [tilespmem:$0x16B0]  }
0x117: {  	[tilespmem:$0x1FEB0] =	vst v30;
	v30 =	vld [tilespmem:$0x1730]  }
0x118: {  	[tilespmem:$0x1FCC0] =	vst v39;
	v39 =	vld [tilespmem:$0x1830]  }
0x119: {  	[tilespmem:$0x1FD20] =	vst v43;
	v43 =	vld [tilespmem:$0x18B0]  }
0x11a: {  	[tilespmem:$0x1FD90] =	vst v47;
	v47 =	vld [tilespmem:$0x1930]  }
0x11b: {  	[tilespmem:$0x1FE20] =	vst v51;
	v51 =	vld [tilespmem:$0x19B0]  }
0x11c: {  	[tilespmem:$0x1FCD0] =	vst v55;
	v55 =	vld [tilespmem:$0x1A30]  }
0x11d: {  	[tilespmem:$0x1FD10] =	vst v59;
	v59 =	vld [tilespmem:$0x1AB0]  }
0x11e: {  	[tilespmem:$0x1FD50] =	vst v62;
	v62 =	vld [tilespmem:$0x1B30];
	v35 =	vadd.f32 v33, v35  }
0x11f: {  	v33 =	vld [tilespmem:$0x13C0]  }
0x120: {  	v28 =	vadd.f32 v28, v26;
	v26 =	vld [tilespmem:$0x1440];
	v36 =	vadd.f32 v36, v35  }
0x121: {  	v35 =	vld [tilespmem:$0x14C0]  }
0x122: {  	v36 =	vadd.f32 v40, v36;
	v40 =	vld [tilespmem:$0x15C0]  }
0x123: {  	[tilespmem:$0x1FEE0] =	vst v34;
	v34 =	vld [tilespmem:$0x17B0]  }
0x124: {  	[tilespmem:$0x1FE50] =	vst v62;
	v62 =	vld [tilespmem:$0x1BB0]  }
0x125: {  	v6 =	vadd.f32 v6, v19;
	v19 =	vld [tilespmem:$0x1540]  }
0x126: {  	v0 =	vadd.f32 v0, v1;
	v1 =	vadd.f32 v45, v36;
	v36 =	vld [tilespmem:$0x1740]  }
0x127: {  	v6 =	vadd.f32 v8, v6;
	v8 =	vld [tilespmem:$0x1940]  }
0x128: {  	v1 =	vadd.f32 v49, v1;
	v49 =	vld [tilespmem:$0x1840]  }
0x129: {  	[tilespmem:$0x1FF70] =	vst v40;
	v40 =	vld [tilespmem:$0x17C0]  }
0x12a: {  	v10 =	vadd.f32 v10, v6;
	v6 =	vld [tilespmem:$0x18D0]  }
0x12b: {  	[tilespmem:$0x1FE90] =	vst v62;
	v62 =	vld [tilespmem:$0x1C30]  }
0x12c: {  	v1 =	vadd.f32 v52, v1;
	v52 =	vld [tilespmem:$0x1B40]  }
0x12d: {  	v0 =	vadd.f32 v2, v0;
	v2 =	vadd.f32 v12, v10;
	v10 =	vld [tilespmem:$0x19C0]  }
0x12e: {  	v12 =	vld [tilespmem:$0x1A40]  }
0x12f: {  	[tilespmem:$0x1FF90] =	vst v36;
	v36 =	vld [tilespmem:$0x1FD40]  }
0x130: {  	v0 =	vadd.f32 v3, v0;
	v1 =	vadd.f32 v56, v1;
	v56 =	vld [tilespmem:$0x1AC0]  }
0x131: {  	[tilespmem:$0x1FFD0] =	vst v8;
	v8 =	vld [tilespmem:$0x1850]  }
0x132: {  	v0 =	vadd.f32 v4, v0;
	v2 =	vadd.f32 v14, v2;
	v14 =	vld [tilespmem:$0x1FC70]  }
0x133: {  	[tilespmem:$0x1FFB0] =	vst v49;
	v49 =	vld [tilespmem:$0x1BC0]  }
0x134: {  	v0 =	vadd.f32 v5, v0;
	v5 =	vld [tilespmem:$0x1B50]  }
0x135: {  	[tilespmem:$0x1FFA0] =	vst v40;
	v40 =	vld [tilespmem:$0x1FD80]  }
0x136: {  	v1 =	vadd.f32 v60, v1;
	v60 =	vld [tilespmem:$0x1FE70]  }
0x137: {  	[tilespmem:$0x1FED0] =	vst v62;
	v62 =	vld [tilespmem:$0x1CB0]  }
0x138: {  	v2 =	vadd.f32 v16, v2;
	v16 =	vld [tilespmem:$0x1FC80]  }
0x139: {  	v0 =	vadd.f32 v7, v0;
	v7 =	vld [tilespmem:$0x1BD0]  }
0x13a: {  	[tilespmem:$0x1FFE0] =	vst v10;
	v10 =	vld [tilespmem:$0x17D0]  }
0x13b: {  	[tilespmem:$0x1FFF0] =	vst v12;
	v12 =	vld [tilespmem:$0x1C50]  }
0x13c: {  	v2 =	vadd.f32 v20, v2;
	v20 =	vld [tilespmem:$0x1FC90]  }
0x13d: {  	v0 =	vadd.f32 v9, v0;
	v9 =	vld [tilespmem:$0x1A50]  }
0x13e: {  	[tilespmem:$0x1FF10] =	vst v62;
	v62 =	vld [tilespmem:$0x1040]  }
0x13f: {  	v1 =	vadd.f32 v14, v1;
	v14 =	vld [tilespmem:$0x19D0]  }
0x140: {  	v2 =	vadd.f32 v23, v2;
	v23 =	vld [tilespmem:$0x1FCB0]  }
0x141: {  	v0 =	vadd.f32 v11, v0;
	v11 =	vld [tilespmem:$0x1750]  }
0x142: {  	v1 =	vadd.f32 v16, v1;
	v16 =	vld [tilespmem:$0x1050]  }
0x143: {  	[tilespmem:$0x1FEF0] =	vst v62;
	v62 =	vld [tilespmem:$0x10C0]  }
0x144: {  	v2 =	vadd.f32 v27, v2;
	v27 =	vld [tilespmem:$0x1FCD0]  }
0x145: {  	v0 =	vadd.f32 v13, v0;
	v13 =	vld [tilespmem:$0x1AD0]  }
0x146: {  	v1 =	vadd.f32 v20, v1;
	v20 =	vld [tilespmem:$0x10D0]  }
0x147: {  	v0 =	vadd.f32 v15, v0;
	v15 =	vld [tilespmem:$0x1150]  }
0x148: {  	[tilespmem:$0x1FF00] =	vst v62;
	v62 =	vld [tilespmem:$0x1140]  }
0x149: {  	v2 =	vadd.f32 v31, v2;
	v31 =	vld [tilespmem:$0x1FD10]  }
0x14a: {  	v0 =	vadd.f32 v18, v0;
	v18 =	vld [tilespmem:$0x1250]  }
0x14b: {  	v2 =	vadd.f32 v37, v2;
	v37 =	vld [tilespmem:$0x1FD50]  }
0x14c: {  	v0 =	vadd.f32 v22, v0;
	v22 =	vld [tilespmem:$0x1350]  }
0x14d: {  	[tilespmem:$0x1FF20] =	vst v62;
	v62 =	vld [tilespmem:$0x11C0]  }
0x14e: {  	v2 =	vadd.f32 v41, v2;
	v41 =	vld [tilespmem:$0x1FD90]  }
0x14f: {  	v0 =	vadd.f32 v25, v0;
	v25 =	vld [tilespmem:$0x1450]  }
0x150: {  	v2 =	vadd.f32 v44, v2;
	v44 =	vld [tilespmem:$0x1FDC0]  }
0x151: {  	v0 =	vadd.f32 v30, v0;
	v30 =	vld [tilespmem:$0x1FD00]  }
0x152: {  	[tilespmem:$0x1FF30] =	vst v62;
	v62 =	vld [tilespmem:$0x1240]  }
0x153: {  	v2 =	vadd.f32 v48, v2;
	v48 =	vld [tilespmem:$0x1FDE0]  }
0x154: {  	v0 =	vadd.f32 v34, v0;
	v34 =	vld [tilespmem:$0x1FD30]  }
0x155: {  	v2 =	vadd.f32 v53, v2;
	v53 =	vld [tilespmem:$0x1FE10]  }
0x156: {  	v0 =	vadd.f32 v39, v0;
	v39 =	vld [tilespmem:$0x1FD70]  }
0x157: {  	[tilespmem:$0x1FF40] =	vst v62;
	v62 =	vld [tilespmem:$0x12C0]  }
0x158: {  	v2 =	vadd.f32 v57, v2;
	v57 =	vld [tilespmem:$0x1FE40];
	v0 =	vadd.f32 v43, v0  }
0x159: {  	v43 =	vld [tilespmem:$0x1FDB0]  }
0x15a: {  	v2 =	vadd.f32 v61, v2;
	v61 =	vld [tilespmem:$0x1FE80];
	v0 =	vadd.f32 v47, v0  }
0x15b: {  	v47 =	vld [tilespmem:$0x1FDD0]  }
0x15c: {  	v0 =	vadd.f32 v51, v0;
	[tilespmem:$0x1FF50] =	vst v62;
	v62 =	vld [tilespmem:$0x1340]  }
0x15d: {  	v2 =	vadd.f32 v39, v2;
	v39 =	vld [tilespmem:$0x1070]  }
0x15e: {  	v51 =	vld [tilespmem:$0x1FE00];
	v0 =	vadd.f32 v55, v0  }
0x15f: {  	v17 =	vadd.f32 v17, v28;
	v55 =	vld [tilespmem:$0x1FE30]  }
0x160: {  	v0 =	vadd.f32 v59, v0;
	v59 =	vld [tilespmem:$0x1FE60]  }
0x161: {  	[tilespmem:$0x1FF60] =	vst v62;
	v62 =	vadd.f32 v21, v17;
	v21 =	vld [tilespmem:$0x16C0]  }
0x162: {  	v17 =	vld [tilespmem:$0x1640]  }
0x163: {  	v28 =	vadd.f32 v24, v62;
	v62 =	vld [tilespmem:$0x18C0]  }
0x164: {  	v24 =	vld [tilespmem:$0x1FCC0]  }
0x165: {  	v45 =	vadd.f32 v29, v28;
	v28 =	vld [tilespmem:$0x1FCE0]  }
0x166: {  	[tilespmem:$0x1FF80] =	vst v21;
	v21 =	vld [tilespmem:$0x1FCA0]  }
0x167: {  	v29 =	vld [tilespmem:$0x1FCF0];
	v3 =	vadd.f32 v32, v45  }
0x168: {  	v32 =	vld [tilespmem:$0x1FD20]  }
0x169: {  	[tilespmem:$0x1FFC0] =	vst v62;
	v62 =	vld [tilespmem:$0x1FE90];
	v3 =	vadd.f32 v38, v3  }
0x16a: {  	v38 =	vld [tilespmem:$0x1FD60]  }
0x16b: {  	v3 =	vadd.f32 v42, v3;
	v1 =	vadd.f32 v21, v1;
	v21 =	vld [tilespmem:$0x11D0]  }
0x16c: {  	v42 =	vld [tilespmem:$0x1FDA0]  }
0x16d: {  	v3 =	vadd.f32 v46, v3;
	v46 =	vld [tilespmem:$0x1C40];
	v1 =	vadd.f32 v23, v1  }
0x16e: {  	v23 =	vld [tilespmem:$0x12D0]  }
0x16f: {  	v16 =	vadd.f32 v20, v16;
	v1 =	vadd.f32 v24, v1;
	v24 =	vld [tilespmem:$0x13D0]  }
0x170: {  	v3 =	vadd.f32 v50, v3;
	v50 =	vld [tilespmem:$0x1FDF0]  }
0x171: {  	v15 =	vadd.f32 v15, v16;
	v2 =	vadd.f32 v42, v2;
	v42 =	vld [tilespmem:$0x1660]  }
0x172: {  	v1 =	vadd.f32 v28, v1;
	v28 =	vld [tilespmem:$0x1550]  }
0x173: {  	v15 =	vadd.f32 v21, v15;
	v3 =	vadd.f32 v54, v3;
	v54 =	vld [tilespmem:$0x1FE20]  }
0x174: {  	v2 =	vadd.f32 v47, v2;
	v1 =	vadd.f32 v30, v1;
	v30 =	vld [tilespmem:$0x15D0]  }
0x175: {  	v3 =	vadd.f32 v58, v3;
	v58 =	vld [tilespmem:$0x1FE50]  }
0x176: {  	v15 =	vadd.f32 v18, v15;
	v2 =	vadd.f32 v51, v2;
	v51 =	vld [tilespmem:$0x1FED0]  }
0x177: {  	v3 =	vadd.f32 v63, v3;
	v1 =	vadd.f32 v32, v1;
	v32 =	vld [tilespmem:$0x16D0]  }
0x178: {  	v2 =	vadd.f32 v55, v2;
	v55 =	vld [tilespmem:$0x1FEE0]  }
0x179: {  	v15 =	vadd.f32 v23, v15;
	v3 =	vadd.f32 v27, v3;
	v27 =	vld [tilespmem:$0x14D0]  }
0x17a: {  	v1 =	vadd.f32 v36, v1;
	v36 =	vld [tilespmem:$0x10E0]  }
0x17b: {  	v15 =	vadd.f32 v22, v15;
	v0 =	vadd.f32 v58, v0;
	v58 =	vld [tilespmem:$0x1FF00]  }
0x17c: {  	v2 =	vadd.f32 v60, v2;
	v60 =	vld [tilespmem:$0x1FF10]  }
0x17d: {  	v15 =	vadd.f32 v24, v15;
	v24 =	vld [tilespmem:$0x1FFB0]  }
0x17e: {  	v3 =	vadd.f32 v29, v3;
	v29 =	vld [tilespmem:$0x1950]  }
0x17f: {  	v63 =	vadd.f32 v62, v0;
	v62 =	vld [tilespmem:$0x1FF20]  }
0x180: {  	v1 =	vadd.f32 v38, v1;
	v15 =	vadd.f32 v25, v15;
	v25 =	vld [tilespmem:$0x18F0]  }
0x181: {  	v3 =	vadd.f32 v31, v3;
	v31 =	vld [tilespmem:$0x1650]  }
0x182: {  	v1 =	vadd.f32 v41, v1;
	v15 =	vadd.f32 v27, v15;
	v27 =	vld [tilespmem:$0x1960]  }
0x183: {  	v3 =	vadd.f32 v34, v3;
	v34 =	vld [tilespmem:$0x1060]  }
0x184: {  	v1 =	vadd.f32 v44, v1;
	v44 =	vld [tilespmem:$0x1FEB0]  }
0x185: {  	v15 =	vadd.f32 v28, v15;
	v28 =	vld [tilespmem:$0x1FFC0]  }
0x186: {  	v3 =	vadd.f32 v37, v3;
	v1 =	vadd.f32 v50, v1;
	v50 =	vld [tilespmem:$0x1FEC0]  }
0x187: {  	v15 =	vadd.f32 v30, v15;
	v30 =	vld [tilespmem:$0x1970]  }
0x188: {  	v3 =	vadd.f32 v40, v3;
	v1 =	vadd.f32 v54, v1;
	v54 =	vld [tilespmem:$0x1160]  }
0x189: {  	v40 =	vld [tilespmem:$0x15E0]  }
0x18a: {  	v47 =	vadd.f32 v44, v2;
	v3 =	vadd.f32 v43, v3;
	v43 =	vld [tilespmem:$0x1FEA0]  }
0x18b: {  	v1 =	vadd.f32 v59, v1;
	v59 =	vld [tilespmem:$0x1170]  }
0x18c: {  	v15 =	vadd.f32 v31, v15;
	v2 =	vadd.f32 v55, v47;
	v47 =	vld [tilespmem:$0x1260]  }
0x18d: {  	v34 =	vadd.f32 v36, v34;
	v55 =	vld [tilespmem:$0x1360]  }
0x18e: {  	v15 =	vadd.f32 v32, v15;
	v32 =	vld [tilespmem:$0x19E0];
	v3 =	vadd.f32 v48, v3  }
0x18f: {  	v48 =	vld [tilespmem:$0x10F0]  }
0x190: {  	v34 =	vadd.f32 v54, v34;
	v54 =	vld [tilespmem:$0x12F0];
	v4 =	vadd.f32 v53, v3  }
0x191: {  	v53 =	vadd.f32 v51, v63;
	v63 =	vld [tilespmem:$0x11F0]  }
0x192: {  	v4 =	vadd.f32 v57, v4;
	v57 =	vld [tilespmem:$0x1FEF0]  }
0x193: {  	v51 =	vld [tilespmem:$0x12E0]  }
0x194: {  	v44 =	vadd.f32 v48, v39;
	v48 =	vld [tilespmem:$0x1FF30]  }
0x195: {  	v37 =	vadd.f32 v61, v4;
	v61 =	vld [tilespmem:$0x11E0]  }
0x196: {  	v39 =	vld [tilespmem:$0x1570];
	v4 =	vadd.f32 v43, v1  }
0x197: {  	v1 =	vadd.f32 v60, v53;
	v53 =	vld [tilespmem:$0x1FF40];
	v41 =	vadd.f32 v58, v57  }
0x198: {  	v60 =	vld [tilespmem:$0x1FF60]  }
0x199: {  	v0 =	vadd.f32 v50, v37;
	v50 =	vld [tilespmem:$0x1270];
	v37 =	vadd.f32 v62, v41  }
0x19a: {  	v16 =	vadd.f32 v59, v44;
	v57 =	vld [tilespmem:$0x1FF50];
	v20 =	vadd.f32 v61, v34  }
0x19b: {  	v43 =	vld [tilespmem:$0x1FF70];
	v37 =	vadd.f32 v48, v37  }
0x19c: {  	v59 =	vld [tilespmem:$0x13E0];
	v16 =	vadd.f32 v63, v16;
	v20 =	vadd.f32 v47, v20  }
0x19d: {  	v58 =	vld [tilespmem:$0x1370];
	v37 =	vadd.f32 v53, v37  }
0x19e: {  	v61 =	vld [tilespmem:$0x13F0];
	v16 =	vadd.f32 v50, v16;
	v20 =	vadd.f32 v51, v20  }
0x19f: {  	v62 =	vld [tilespmem:$0x1460];
	v36 =	vadd.f32 v57, v37  }
0x1a0: {  	v63 =	vld [tilespmem:$0x1470];
	v16 =	vadd.f32 v54, v16;
	v18 =	vadd.f32 v55, v20  }
0x1a1: {  	v34 =	vld [tilespmem:$0x14E0];
	v36 =	vadd.f32 v60, v36  }
0x1a2: {  	v16 =	vadd.f32 v58, v16;
	v37 =	vld [tilespmem:$0x1560];
	v18 =	vadd.f32 v59, v18  }
0x1a3: {  	v33 =	vadd.f32 v33, v36;
	v36 =	vld [tilespmem:$0x14F0]  }
0x1a4: {  	v44 =	vld [tilespmem:$0x1670];
	v16 =	vadd.f32 v61, v16;
	v18 =	vadd.f32 v62, v18  }
0x1a5: {  	v41 =	vld [tilespmem:$0x15F0];
	v26 =	vadd.f32 v26, v33  }
0x1a6: {  	v47 =	vld [tilespmem:$0x16E0];
	v16 =	vadd.f32 v63, v16;
	v18 =	vadd.f32 v34, v18  }
0x1a7: {  	v48 =	vld [tilespmem:$0x16F0];
	v38 =	vadd.f32 v35, v26  }
0x1a8: {  	v50 =	vld [tilespmem:$0x1760];
	v18 =	vadd.f32 v37, v18;
	v16 =	vadd.f32 v36, v16  }
0x1a9: {  	v51 =	vld [tilespmem:$0x1FF80];
	v19 =	vadd.f32 v19, v38  }
0x1aa: {  	v53 =	vld [tilespmem:$0x1770];
	v18 =	vadd.f32 v40, v18;
	v16 =	vadd.f32 v39, v16  }
0x1ab: {  	v54 =	vld [tilespmem:$0x17E0];
	v19 =	vadd.f32 v43, v19  }
0x1ac: {  	v55 =	vld [tilespmem:$0x1FF90];
	v18 =	vadd.f32 v42, v18;
	v16 =	vadd.f32 v41, v16  }
0x1ad: {  	v57 =	vld [tilespmem:$0x17F0];
	v17 =	vadd.f32 v17, v19  }
0x1ae: {  	v60 =	vld [tilespmem:$0x1FFA0];
	v18 =	vadd.f32 v47, v18;
	v16 =	vadd.f32 v44, v16  }
0x1af: {  	v11 =	vadd.f32 v11, v15;
	v59 =	vld [tilespmem:$0x1860];
	v17 =	vadd.f32 v51, v17  }
0x1b0: {  	v61 =	vld [tilespmem:$0x1870];
	v18 =	vadd.f32 v50, v18;
	v58 =	vadd.f32 v48, v16  }
0x1b1: {  	v10 =	vadd.f32 v10, v11;
	v63 =	vld [tilespmem:$0x18E0];
	v17 =	vadd.f32 v55, v17  }
0x1b2: {  	v3 =	vld [tilespmem:$0x1CD0];
	v18 =	vadd.f32 v54, v18;
	v62 =	vadd.f32 v53, v58  }
0x1b3: {  	v8 =	vadd.f32 v8, v10;
	v33 =	vld [tilespmem:$0x1FFD0];
	v17 =	vadd.f32 v60, v17  }
0x1b4: {  	v34 =	vld [tilespmem:$0x19F0];
	v16 =	vadd.f32 v59, v18;
	v26 =	vadd.f32 v57, v62  }
0x1b5: {  	v6 =	vadd.f32 v6, v8;
	v35 =	vld [tilespmem:$0x1A60];
	v17 =	vadd.f32 v24, v17  }
0x1b6: {  	v36 =	vld [tilespmem:$0x1FFE0];
	v15 =	vadd.f32 v63, v16;
	v31 =	vadd.f32 v61, v26  }
0x1b7: {  	v6 =	vadd.f32 v29, v6;
	v37 =	vld [tilespmem:$0x1A70];
	v17 =	vadd.f32 v28, v17  }
0x1b8: {  	v39 =	vld [tilespmem:$0x1FFF0];
	v11 =	vadd.f32 v27, v15;
	v8 =	vadd.f32 v25, v31  }
0x1b9: {  	v6 =	vadd.f32 v14, v6;
	v38 =	vld [tilespmem:$0x1AE0];
	v17 =	vadd.f32 v33, v17  }
0x1ba: {  	v40 =	vld [tilespmem:$0x1AF0];
	v10 =	vadd.f32 v32, v11;
	v8 =	vadd.f32 v30, v8  }
0x1bb: {  	v6 =	vadd.f32 v9, v6;
	v41 =	vld [tilespmem:$0x1B60];
	v17 =	vadd.f32 v36, v17  }
0x1bc: {  	v43 =	vld [tilespmem:$0x1B70];
	v10 =	vadd.f32 v35, v10;
	v8 =	vadd.f32 v34, v8  }
0x1bd: {  	v6 =	vadd.f32 v13, v6;
	v44 =	vld [tilespmem:$0x1BE0];
	v17 =	vadd.f32 v39, v17  }
0x1be: {  	v51 =	vld [tilespmem:$0x1C60];
	v10 =	vadd.f32 v38, v10;
	v8 =	vadd.f32 v37, v8  }
0x1bf: {  	v5 =	vadd.f32 v5, v6;
	v48 =	vld [tilespmem:$0x1BF0];
	v42 =	vadd.f32 v56, v17  }
0x1c0: {  	v54 =	vld [tilespmem:$0x1CE0];
	v9 =	vadd.f32 v41, v10;
	v50 =	vadd.f32 v40, v8  }
0x1c1: {  	v5 =	vadd.f32 v7, v5;
	v53 =	vld [tilespmem:$0x1C70];
	v47 =	vadd.f32 v52, v42  }
0x1c2: {  	v45 =	vld [tilespmem:$0x1CC0];
	v9 =	vadd.f32 v44, v9;
	v6 =	vadd.f32 v43, v50  }
0x1c3: {  	[tilespmem:$0x2020] =	vst v2;
	v57 =	vadd.f32 v12, v5;
	v56 =	vld [tilespmem:$0x1CF0];
	v52 =	vadd.f32 v49, v47  }
0x1c4: {  	[tilespmem:$0x2000] =	vst v4;
	v60 =	vadd.f32 v51, v9;
	v58 =	vadd.f32 v48, v6  }
0x1c5: {  	[tilespmem:$0x2010] =	vst v0;
	v0 =	vadd.f32 v3, v57;
	v55 =	vadd.f32 v46, v52  }
0x1c6: {  	[tilespmem:$0x2030] =	vst v1;
	v62 =	vadd.f32 v54, v60;
	v61 =	vadd.f32 v53, v58  }
0x1c7: {  	[tilespmem:$0x2050] =	vst v0;
	v59 =	vadd.f32 v45, v55  }
0x1c8: {  	[tilespmem:$0x2060] =	vst v62;
	v63 =	vadd.f32 v56, v61  }
0x1c9: {  	p0 =	sne.s32 s5, $0x1;
	[tilespmem:$0x2040] =	vst v59  }
.Ltmp0:
0x1ca: {  	s12 =	rddreg [dreg:$0x5];
	[tilespmem:$0x2070] =	vst v63;
	(pc) =	sbr.rel @p0 .LBB2_1-.Ltmp0, $4  }
0x1cb: {  	[hbm4b:s12+s3] =	stream.linear.scatter [tilespmem:s1], [sflag:$0x2], $0x80, $0x38;
	[tilespmem:$0x2080] =	vst v63  }
0x1cc: {  	_ =	swait.ge [sflag:s8], $0x80  }
0x1cd: {  	[sflag:s8] =	ssyncset.done $0x0  }
0x1ce: {  	s5 =	sadd.s32 $0xFFFFFFFF, s5;
	[sflag:s8] =	ssyncadd.s32 $0xFFFFFF80  }
0x1cf: {  	_ =	sfence.sel $0x180000  }
0x1d0: {  	[bflag:$0x0] =	sbarrier.arrive $0xFFFF  }
0x1d1: {  	_ =	strace $0x90000047  }
0x1d2: {  	s0 =	stileid.u32;
	[bflag:$0x2] =	sbarrier.arrive $0xFFFF  }
0x1d3: {  	p0 =	sne.s32 s0, $0x0;
	s0 =	rddreg [dreg:$0x3]  }
0x1d4: {  	s0 =	sadd.s32 @!p0 $0x100000, s0  }
0x1d5: {  	[sflag:s0] =	ssyncadd.tile.s32 @!p0 $0x1;
	_ =	shalt  }
.Lfunc_end2:
_tile_overlayer_lowered:
.L_overlay_start_2:
0x1d6: {  	(tag) =	ssettag $0x2  }
0x1d7: {  	s0 =	rddreg [dreg:$0x0];
	s2 =	stileid.u32  }
0x1d8: {  	s1 =	rddreg [dreg:$0x1];
	p0 =	sne.s32 s2, $0x0  }
0x1d9: {  	s3 =	rddreg [dreg:$0x2];
	[bflag:$0x3] =	sbarrier.arrive $0xFFFF;
	s2 =	simm.s32 @!p0 $0x1C02  }
0x1da: {  	[timem:s3], [sflag:s2] =	dma.local @!p0 [hbm:s0], s1  }
0x1db: {  	s0 =	simm.s32 @!p0 $0x2  }
0x1dc: {  	_ =	swait.ge @!p0 [sflag:s0], s1  }
0x1dd: {  	s1 =	ssub.s32 @!p0 $0x0, s1;
	[sflag:s0] =	ssyncset.done @!p0 $0x0  }
0x1de: {  	[sflag:s0] =	ssyncadd.s32 @!p0 s1  }
0x1df: {  	[bflag:$0x3] =	sbarrier.arrive $0xFFFF  }
0x1e0: {  	_ =	shalt  }

</sc_bundles>
